<compile_context>
chip_gen: v7x
topology: tpu7x:2x2x1
jax: 0.10.2.dev20260603
libtpu: 0.0.44.dev20260713+nightly
codegen_flags: <defaults>
</compile_context>

<pallas_src>
import functools

import jax
import jax.numpy as jnp
from jax import lax
from jax.experimental import pallas as pl
from jax.experimental.pallas import tpu as pltpu
from jax.experimental.pallas import tpu_sc as plsc

B = 1024
J = 2600
V = 2600
VP = 2601
F = 16
L = 16
NW = 32
ROWS_PER_TILE = B // NW
CHUNK_ROWS = 8
NCHUNK = ROWS_PER_TILE // CHUNK_ROWS
NGROUP = J // L
TAIL = J - L
GUNROLL = 2


def _sc_stage1(x, embT, wp, xbf):
    mesh = plsc.VectorSubcoreMesh(core_axis_name="c", subcore_axis_name="s")

    @functools.partial(
        pl.kernel,
        out_type=(
            jax.ShapeDtypeStruct((B, F * L), jnp.float32),
            jax.ShapeDtypeStruct((B, F * L), jnp.float32),
            jax.ShapeDtypeStruct((B, L), jnp.float32),
        ),
        mesh=mesh,
        compiler_params=pltpu.CompilerParams(needs_layout_passes=False),
        scratch_types=[
            pltpu.VMEM((F * VP,), jnp.float32),
            pltpu.VMEM((J,), jnp.float32),
            pltpu.VMEM((VP + 7,), jnp.float32),
            pltpu.VMEM((CHUNK_ROWS, J), jnp.int32),
            pltpu.VMEM((CHUNK_ROWS, J), jnp.int32),
            pltpu.VMEM((ROWS_PER_TILE, F * L), jnp.float32),
            pltpu.VMEM((ROWS_PER_TILE, F * L), jnp.float32),
            pltpu.VMEM((ROWS_PER_TILE, L), jnp.float32),
            pltpu.SemaphoreType.DMA,
            pltpu.SemaphoreType.DMA,
            pltpu.SemaphoreType.DMA,
        ],
    )
    def k(x_hbm, embT_hbm, w_hbm, xbf_hbm, s_hbm, q_hbm, lin_hbm,
          embT_v, w_v, xbf_v, xbuf0, xbuf1, sbuf, qbuf, linbuf,
          sem_t, sem_a, sem_b):
        xbufs = (xbuf0, xbuf1)
        wid = lax.axis_index("s") * 2 + lax.axis_index("c")
        base = wid * ROWS_PER_TILE

        cp_t = pltpu.async_copy(embT_hbm, embT_v, sem_t)
        cp_w = pltpu.async_copy(w_hbm, w_v, sem_t)
        cp_x = pltpu.async_copy(xbf_hbm, xbf_v, sem_t)
        sems = (sem_a, sem_b)
        cps = [None, None]
        cps[0] = pltpu.async_copy(
            x_hbm.at[pl.ds(base, CHUNK_ROWS), :], xbufs[0], sems[0])
        cp_t.wait()
        cp_w.wait()
        cp_x.wait()

        lane = lax.iota(jnp.int32, L)
        tailm = lane >= (L - (J - NGROUP * L))
        padv = jnp.full((L,), V, jnp.int32)
        zerov = jnp.zeros((L,), jnp.float32)

        def body_at(idx, w, carry):
            xf = plsc.load_gather(xbf_v, [idx])
            lin = carry[2 * F] + xf * w
            addr = idx
            acc = list(carry)
            for f in range(F):
                vals = plsc.load_gather(embT_v, [addr])
                acc[f] = acc[f] + vals
                acc[F + f] = acc[F + f] + vals * vals
                if f + 1 < F:
                    addr = addr + VP
            acc[2 * F] = lin
            return tuple(acc)

        def do_row(rr, chunk_buf, r_in_chunk):
            init = tuple(zerov for _ in range(2 * F + 1))

            def g_body(i, carry):
                for u in range(GUNROLL):
                    off = pl.multiple_of((i * GUNROLL + u) * L, 8)
                    idx = chunk_buf[r_in_chunk, pl.ds(off, L)]
                    w = w_v[pl.ds(off, L)]
                    carry = body_at(idx, w, carry)
                return carry

            mid = lax.fori_loop(0, NGROUP // GUNROLL, g_body, init)
            idx_t = chunk_buf[r_in_chunk, pl.ds(TAIL, L)]
            idx_t = jnp.where(tailm, idx_t, padv)
            w_t = jnp.where(tailm, w_v[pl.ds(TAIL, L)], zerov)
            fin = body_at(idx_t, w_t, mid)

            for f in range(F):
                sbuf[rr, pl.ds(f * L, L)] = fin[f]
                qbuf[rr, pl.ds(f * L, L)] = fin[F + f]
            linbuf[rr, :] = fin[2 * F]

        for c in range(NCHUNK):
            if c + 1 < NCHUNK:
                cps[(c + 1) % 2] = pltpu.async_copy(
                    x_hbm.at[pl.ds(base + (c + 1) * CHUNK_ROWS, CHUNK_ROWS), :],
                    xbufs[(c + 1) % 2], sems[(c + 1) % 2])
            cps[c % 2].wait()

            def row_body(r, _, c=c):
                do_row(c * CHUNK_ROWS + r, xbufs[c % 2], r)
                return 0

            lax.fori_loop(0, CHUNK_ROWS, row_body, 0)

        pltpu.sync_copy(sbuf, s_hbm.at[pl.ds(base, ROWS_PER_TILE), :])
        pltpu.sync_copy(qbuf, q_hbm.at[pl.ds(base, ROWS_PER_TILE), :])
        pltpu.sync_copy(linbuf, lin_hbm.at[pl.ds(base, ROWS_PER_TILE), :])

    return k(x, embT, wp, xbf)


def _tc_stage2_body(s_ref, q_ref, lin_ref, b_ref, o_ref):
    sel_r = lax.broadcasted_iota(jnp.int32, (F * L, F), 0) // L
    sel_c = lax.broadcasted_iota(jnp.int32, (F * L, F), 1)
    sel = (sel_r == sel_c).astype(jnp.float32)
    s = jnp.dot(s_ref[...], sel, preferred_element_type=jnp.float32,
                precision=lax.Precision.HIGHEST)
    q = jnp.dot(q_ref[...], sel, preferred_element_type=jnp.float32,
                precision=lax.Precision.HIGHEST)
    s2 = s * s
    m1 = jnp.max(s2)
    m2 = jnp.max(q)
    inter = 0.5 * (jnp.sum(s2, axis=1, keepdims=True) / m1
                   - jnp.sum(q, axis=1, keepdims=True) / m2)
    lin = jnp.sum(lin_ref[...], axis=1, keepdims=True) + b_ref[0, 0]
    o_ref[...] = jax.nn.sigmoid(lin + inter)


def _tc_stage2(s_part, q_part, lin_part, b_lin):
    return pl.pallas_call(
        _tc_stage2_body,
        out_shape=jax.ShapeDtypeStruct((B, 1), jnp.float32),
    )(s_part, q_part, lin_part, b_lin.reshape(1, 1))


def _round_bf16(v):
    u = lax.bitcast_convert_type(v, jnp.uint32)
    r = ((u + jnp.uint32(0x7FFF) + ((u >> 16) & jnp.uint32(1)))
         & jnp.uint32(0xFFFF0000))
    return lax.bitcast_convert_type(r, jnp.float32)


def kernel(x, emb, W_lin, b_lin):
    x32 = x.astype(jnp.int32)
    emb_pad = jnp.concatenate(
        [emb, jnp.zeros((1, F), jnp.float32)], axis=0)
    embT = emb_pad.T.reshape(-1)
    wp = _round_bf16(W_lin.reshape(-1))
    xbf = jnp.pad(
        _round_bf16(jnp.arange(VP, dtype=jnp.float32)), (0, 7))
    s_part, q_part, lin_part = _sc_stage1(x32, embT, wp, xbf)
    out = _tc_stage2(s_part, q_part, lin_part, b_lin)
    return jnp.squeeze(out, axis=1)

# --- scband reference (transcript-rebuilt; emitter-appended) ---
"""Pipeline reference for scband-factorization-machine-26809185862304 (READ-ONLY COPY).

The authoritative reference and input builder live on the scoring server;
editing this copy changes nothing except your own understanding.
"""

import jax, jax.numpy as jnp
import numpy as np

B = 1024
NUM_INPUTS = 2600
FACT = 16

def setup_inputs(seed: int = 0) -> dict:
    key = jax.random.key(seed)
    k1, k2, k3, k4 = jax.random.split(key, 4)
    x = jax.random.randint(k1, (B, NUM_INPUTS), 0, NUM_INPUTS, dtype=jnp.int64 if jax.config.jax_enable_x64 else jnp.int32)
    emb = jax.random.normal(k2, (NUM_INPUTS, FACT), dtype=jnp.float32) * 0.01
    W_lin = jax.random.normal(k3, (1, NUM_INPUTS), dtype=jnp.float32) * 0.01
    b_lin = jnp.zeros((1,), dtype=jnp.float32)
    return {"x": x, "emb": emb, "W_lin": W_lin, "b_lin": b_lin}

def reference(x, emb, W_lin, b_lin):
    # gen_out = self.embedding(x.long())  -> gather rows of the embedding table
    gen_out = jnp.take(emb, x, axis=0)                      # [B, NUM_INPUTS, FACT]
    square_of_sum = jnp.sum(gen_out, axis=1) ** 2           # [B, FACT]
    sum_of_square = jnp.sum(gen_out ** 2, axis=1)           # [B, FACT]
    inter = 0.5 * (square_of_sum / jnp.max(square_of_sum)
                   - sum_of_square / jnp.max(sum_of_square))
    inter = jnp.sum(inter, axis=1, keepdims=True)           # [B, 1]
    lin = x.astype(jnp.float32) @ W_lin.T + b_lin           # [B, 1]
    out = jax.nn.sigmoid(lin + inter)                       # [B, 1]
    return jnp.squeeze(out, axis=1)                         # [B]

if False:  # reference __main__ guard neutralized (emitter)
    inp = setup_inputs()
    out = reference(**inp)
    print(out.shape, out.dtype)

if __name__ == "__main__":
    import jax
    _d = setup_inputs()
    print(jax.jit(kernel)(*tuple(_d.values())))

</pallas_src>

<mosaic_0001>
#map = affine_map<(d0, d1) -> (0, 0)>
#map1 = affine_map<(d0, d1) -> (0)>
module attributes {stable_mosaic.version = 14 : i64} {
  func.func @k(%arg0: i32, %arg1: i32, %arg2: memref<1024x2600xi32, #tpu.memory_space<hbm>>, %arg3: memref<41616xf32, #tpu.memory_space<hbm>>, %arg4: memref<2600xf32, #tpu.memory_space<hbm>>, %arg5: memref<2608xf32, #tpu.memory_space<hbm>>, %arg6: memref<1024x256xf32, #tpu.memory_space<hbm>>, %arg7: memref<1024x256xf32, #tpu.memory_space<hbm>>, %arg8: memref<1024x16xf32, #tpu.memory_space<hbm>>, %arg9: memref<41616xf32, #tpu.memory_space<vmem>>, %arg10: memref<2600xf32, #tpu.memory_space<vmem>>, %arg11: memref<2608xf32, #tpu.memory_space<vmem>>, %arg12: memref<8x2600xi32, #tpu.memory_space<vmem>>, %arg13: memref<8x2600xi32, #tpu.memory_space<vmem>>, %arg14: memref<32x256xf32, #tpu.memory_space<vmem>>, %arg15: memref<32x256xf32, #tpu.memory_space<vmem>>, %arg16: memref<32x16xf32, #tpu.memory_space<vmem>>, %arg17: memref<!tpu.dma_semaphore, #tpu.memory_space<semaphore_mem>>, %arg18: memref<!tpu.dma_semaphore, #tpu.memory_space<semaphore_mem>>, %arg19: memref<!tpu.dma_semaphore, #tpu.memory_space<semaphore_mem>>) attributes {dimension_semantics = [#tpu.dimension_semantics<core_parallel>, #tpu.dimension_semantics<subcore_parallel>], iteration_bounds = array<i64: 2, 16>, scalar_prefetch = 0 : i64, scratch_operands = 11 : i64, tpu.core_type = #tpu.core_type<sc_vector_subcore>, window_params = [{transform_indices = #map}, {transform_indices = #map1}, {transform_indices = #map1}, {transform_indices = #map1}, {transform_indices = #map}, {transform_indices = #map}, {transform_indices = #map}]} {
    %mul3A = arith.constant 2 : i32
    %mul3A_0 = arith.muli %arg1, %mul3A : i32
    %add3A = arith.addi %mul3A_0, %arg0 : i32
    %mul3A_1 = arith.constant 32 : i32
    %mul3A_2 = arith.muli %add3A, %mul3A_1 : i32
    tpu.enqueue_dma source(%arg3 : memref<41616xf32, #tpu.memory_space<hbm>>) target(%arg9 : memref<41616xf32, #tpu.memory_space<vmem>>) target_semaphore(%arg17 : memref<!tpu.dma_semaphore, #tpu.memory_space<semaphore_mem>>)
    tpu.enqueue_dma source(%arg4 : memref<2600xf32, #tpu.memory_space<hbm>>) target(%arg10 : memref<2600xf32, #tpu.memory_space<vmem>>) target_semaphore(%arg17 : memref<!tpu.dma_semaphore, #tpu.memory_space<semaphore_mem>>)
    tpu.enqueue_dma source(%arg5 : memref<2608xf32, #tpu.memory_space<hbm>>) target(%arg11 : memref<2608xf32, #tpu.memory_space<vmem>>) target_semaphore(%arg17 : memref<!tpu.dma_semaphore, #tpu.memory_space<semaphore_mem>>)
    %dma_start3A = arith.constant 0 : i32
    %dma_start3A_3 = tpu.memref_slice %arg2[%mul3A_2, %dma_start3A] : memref<1024x2600xi32, #tpu.memory_space<hbm>> -> memref<8x2600xi32, #tpu.memory_space<hbm>>
    %dma_start3A_4 = arith.constant 0 : i32
    %dma_start3A_5 = tpu.memref_slice %arg2[%mul3A_2, %dma_start3A_4] : memref<1024x2600xi32, #tpu.memory_space<hbm>> -> memref<8x2600xi32, #tpu.memory_space<hbm>>
    tpu.enqueue_dma source(%dma_start3A_5 : memref<8x2600xi32, #tpu.memory_space<hbm>>) target(%arg12 : memref<8x2600xi32, #tpu.memory_space<vmem>>) target_semaphore(%arg18 : memref<!tpu.dma_semaphore, #tpu.memory_space<semaphore_mem>>)
    tpu.wait_dma2 semaphore(%arg17 : memref<!tpu.dma_semaphore, #tpu.memory_space<semaphore_mem>>) src(%arg3 : memref<41616xf32, #tpu.memory_space<hbm>>) dst(%arg9 : memref<41616xf32, #tpu.memory_space<vmem>>)
    tpu.wait_dma2 semaphore(%arg17 : memref<!tpu.dma_semaphore, #tpu.memory_space<semaphore_mem>>) src(%arg4 : memref<2600xf32, #tpu.memory_space<hbm>>) dst(%arg10 : memref<2600xf32, #tpu.memory_space<vmem>>)
    tpu.wait_dma2 semaphore(%arg17 : memref<!tpu.dma_semaphore, #tpu.memory_space<semaphore_mem>>) src(%arg5 : memref<2608xf32, #tpu.memory_space<hbm>>) dst(%arg11 : memref<2608xf32, #tpu.memory_space<vmem>>)
    %iota3A = tpu.iota {dimensions = array<i32: 0>} : vector<16xi32>
    %ge3A = arith.constant 8 : i32
    %ge3A_6 = vector.broadcast %ge3A : i32 to vector<16xi32>
    %ge3A_7 = arith.cmpi sge, %iota3A, %ge3A_6 : vector<16xi32>
    %broadcast_in_dim3A = arith.constant 2600 : i32
    %broadcast_in_dim3A_8 = vector.broadcast %broadcast_in_dim3A : i32 to vector<16xi32>
    %broadcast_in_dim3A_9 = arith.constant 0.000000e+00 : f32
    %broadcast_in_dim3A_10 = vector.broadcast %broadcast_in_dim3A_9 : f32 to vector<16xf32>
    %add3A_11 = arith.constant 8 : i32
    %add3A_12 = arith.addi %mul3A_2, %add3A_11 : i32
    %dma_start3A_13 = arith.constant 0 : i32
    %dma_start3A_14 = tpu.memref_slice %arg2[%add3A_12, %dma_start3A_13] : memref<1024x2600xi32, #tpu.memory_space<hbm>> -> memref<8x2600xi32, #tpu.memory_space<hbm>>
    %dma_start3A_15 = arith.constant 0 : i32
    %dma_start3A_16 = tpu.memref_slice %arg2[%add3A_12, %dma_start3A_15] : memref<1024x2600xi32, #tpu.memory_space<hbm>> -> memref<8x2600xi32, #tpu.memory_space<hbm>>
    tpu.enqueue_dma source(%dma_start3A_16 : memref<8x2600xi32, #tpu.memory_space<hbm>>) target(%arg13 : memref<8x2600xi32, #tpu.memory_space<vmem>>) target_semaphore(%arg19 : memref<!tpu.dma_semaphore, #tpu.memory_space<semaphore_mem>>)
    %dma_wait3A = arith.constant 0 : i32
    %dma_wait3A_17 = tpu.memref_slice %arg2[%mul3A_2, %dma_wait3A] : memref<1024x2600xi32, #tpu.memory_space<hbm>> -> memref<8x2600xi32, #tpu.memory_space<hbm>>
    %dma_wait3A_18 = arith.constant 0 : i32
    %dma_wait3A_19 = tpu.memref_slice %arg2[%mul3A_2, %dma_wait3A_18] : memref<1024x2600xi32, #tpu.memory_space<hbm>> -> memref<8x2600xi32, #tpu.memory_space<hbm>>
    tpu.wait_dma2 semaphore(%arg18 : memref<!tpu.dma_semaphore, #tpu.memory_space<semaphore_mem>>) src(%dma_wait3A_19 : memref<8x2600xi32, #tpu.memory_space<hbm>>) dst(%arg12 : memref<8x2600xi32, #tpu.memory_space<vmem>>)
    %scan3A = arith.constant 0 : i32
    %scan3A_20 = arith.constant 0 : i32
    %scan3A_21 = arith.constant 8 : i32
    %scan3A_22 = arith.addi %scan3A_20, %scan3A_21 : i32
    %scan3A_23 = arith.constant 1 : i32
    %scan3A_24 = scf.for %scan3A_71 = %scan3A_20 to %scan3A_22 step %scan3A_23 iter_args(%scan3A_72 = %scan3A) -> (i32)  : i32 {
      %add3A_73 = arith.constant 0 : i32
      %add3A_74 = arith.addi %add3A_73, %scan3A_71 : i32
      %scan3A_75 = arith.constant 0 : i32
      %scan3A_76 = arith.constant 81 : i32
      %scan3A_77 = arith.addi %scan3A_75, %scan3A_76 : i32
      %scan3A_78 = arith.constant 1 : i32
      %scan3A_79:33 = scf.for %scan3A_296 = %scan3A_75 to %scan3A_77 step %scan3A_78 iter_args(%scan3A_297 = %broadcast_in_dim3A_10, %scan3A_298 = %broadcast_in_dim3A_10, %scan3A_299 = %broadcast_in_dim3A_10, %scan3A_300 = %broadcast_in_dim3A_10, %scan3A_301 = %broadcast_in_dim3A_10, %scan3A_302 = %broadcast_in_dim3A_10, %scan3A_303 = %broadcast_in_dim3A_10, %scan3A_304 = %broadcast_in_dim3A_10, %scan3A_305 = %broadcast_in_dim3A_10, %scan3A_306 = %broadcast_in_dim3A_10, %scan3A_307 = %broadcast_in_dim3A_10, %scan3A_308 = %broadcast_in_dim3A_10, %scan3A_309 = %broadcast_in_dim3A_10, %scan3A_310 = %broadcast_in_dim3A_10, %scan3A_311 = %broadcast_in_dim3A_10, %scan3A_312 = %broadcast_in_dim3A_10, %scan3A_313 = %broadcast_in_dim3A_10, %scan3A_314 = %broadcast_in_dim3A_10, %scan3A_315 = %broadcast_in_dim3A_10, %scan3A_316 = %broadcast_in_dim3A_10, %scan3A_317 = %broadcast_in_dim3A_10, %scan3A_318 = %broadcast_in_dim3A_10, %scan3A_319 = %broadcast_in_dim3A_10, %scan3A_320 = %broadcast_in_dim3A_10, %scan3A_321 = %broadcast_in_dim3A_10, %scan3A_322 = %broadcast_in_dim3A_10, %scan3A_323 = %broadcast_in_dim3A_10, %scan3A_324 = %broadcast_in_dim3A_10, %scan3A_325 = %broadcast_in_dim3A_10, %scan3A_326 = %broadcast_in_dim3A_10, %scan3A_327 = %broadcast_in_dim3A_10, %scan3A_328 = %broadcast_in_dim3A_10, %scan3A_329 = %broadcast_in_dim3A_10) -> (vector<16xf32>, vector<16xf32>, vector<16xf32>, vector<16xf32>, vector<16xf32>, vector<16xf32>, vector<16xf32>, vector<16xf32>, vector<16xf32>, vector<16xf32>, vector<16xf32>, vector<16xf32>, vector<16xf32>, vector<16xf32>, vector<16xf32>, vector<16xf32>, vector<16xf32>, vector<16xf32>, vector<16xf32>, vector<16xf32>, vector<16xf32>, vector<16xf32>, vector<16xf32>, vector<16xf32>, vector<16xf32>, vector<16xf32>, vector<16xf32>, vector<16xf32>, vector<16xf32>, vector<16xf32>, vector<16xf32>, vector<16xf32>, vector<16xf32>)  : i32 {
        %mul3A_330 = arith.constant 2 : i32
        %mul3A_331 = arith.muli %scan3A_296, %mul3A_330 : i32
        %add3A_332 = arith.constant 0 : i32
        %add3A_333 = arith.addi %mul3A_331, %add3A_332 : i32
        %mul3A_334 = arith.constant 16 : i32
        %mul3A_335 = arith.muli %add3A_333, %mul3A_334 : i32
        %multiple_of3A = tpu.assume_multiple %mul3A_335, 8 : i32
        %get3A_336 = arith.index_cast %scan3A_71 : i32 to index
        %get3A_337 = arith.index_cast %multiple_of3A : i32 to index
        %get3A_338 = tpu.vector_load %arg12[%get3A_336, %get3A_337] {strides = array<i32>} : memref<8x2600xi32, #tpu.memory_space<vmem>>, vector<16xi32>,
        %get3A_339 = arith.index_cast %multiple_of3A : i32 to index
        %get3A_340 = tpu.vector_load %arg10[%get3A_339] {strides = array<i32>} : memref<2600xf32, #tpu.memory_space<vmem>>, vector<16xf32>,
        %gather3A_341 = tpu.vector_load_idx %arg11[%get3A_338] : memref<2608xf32, #tpu.memory_space<vmem>>[vector<16xi32>], vector<16xf32>,
        %mul3A_342 = arith.mulf %gather3A_341, %get3A_340 : vector<16xf32>
        %add3A_343 = arith.addf %scan3A_329, %mul3A_342 : vector<16xf32>
        %gather3A_344 = tpu.vector_load_idx %arg9[%get3A_338] : memref<41616xf32, #tpu.memory_space<vmem>>[vector<16xi32>], vector<16xf32>,
        %add3A_345 = arith.addf %scan3A_297, %gather3A_344 : vector<16xf32>
        %mul3A_346 = arith.mulf %gather3A_344, %gather3A_344 : vector<16xf32>
        %add3A_347 = arith.addf %scan3A_313, %mul3A_346 : vector<16xf32>
        %add3A_348 = arith.constant 2601 : i32
        %add3A_349 = vector.broadcast %add3A_348 : i32 to vector<16xi32>
        %add3A_350 = arith.addi %get3A_338, %add3A_349 : vector<16xi32>
        %gather3A_351 = tpu.vector_load_idx %arg9[%add3A_350] : memref<41616xf32, #tpu.memory_space<vmem>>[vector<16xi32>], vector<16xf32>,
        %add3A_352 = arith.addf %scan3A_298, %gather3A_351 : vector<16xf32>
        %mul3A_353 = arith.mulf %gather3A_351, %gather3A_351 : vector<16xf32>
        %add3A_354 = arith.addf %scan3A_314, %mul3A_353 : vector<16xf32>
        %add3A_355 = arith.constant 2601 : i32
        %add3A_356 = vector.broadcast %add3A_355 : i32 to vector<16xi32>
        %add3A_357 = arith.addi %add3A_350, %add3A_356 : vector<16xi32>
        %gather3A_358 = tpu.vector_load_idx %arg9[%add3A_357] : memref<41616xf32, #tpu.memory_space<vmem>>[vector<16xi32>], vector<16xf32>,
        %add3A_359 = arith.addf %scan3A_299, %gather3A_358 : vector<16xf32>
        %mul3A_360 = arith.mulf %gather3A_358, %gather3A_358 : vector<16xf32>
        %add3A_361 = arith.addf %scan3A_315, %mul3A_360 : vector<16xf32>
        %add3A_362 = arith.constant 2601 : i32
        %add3A_363 = vector.broadcast %add3A_362 : i32 to vector<16xi32>
        %add3A_364 = arith.addi %add3A_357, %add3A_363 : vector<16xi32>
        %gather3A_365 = tpu.vector_load_idx %arg9[%add3A_364] : memref<41616xf32, #tpu.memory_space<vmem>>[vector<16xi32>], vector<16xf32>,
        %add3A_366 = arith.addf %scan3A_300, %gather3A_365 : vector<16xf32>
        %mul3A_367 = arith.mulf %gather3A_365, %gather3A_365 : vector<16xf32>
        %add3A_368 = arith.addf %scan3A_316, %mul3A_367 : vector<16xf32>
        %add3A_369 = arith.constant 2601 : i32
        %add3A_370 = vector.broadcast %add3A_369 : i32 to vector<16xi32>
        %add3A_371 = arith.addi %add3A_364, %add3A_370 : vector<16xi32>
        %gather3A_372 = tpu.vector_load_idx %arg9[%add3A_371] : memref<41616xf32, #tpu.memory_space<vmem>>[vector<16xi32>], vector<16xf32>,
        %add3A_373 = arith.addf %scan3A_301, %gather3A_372 : vector<16xf32>
        %mul3A_374 = arith.mulf %gather3A_372, %gather3A_372 : vector<16xf32>
        %add3A_375 = arith.addf %scan3A_317, %mul3A_374 : vector<16xf32>
        %add3A_376 = arith.constant 2601 : i32
        %add3A_377 = vector.broadcast %add3A_376 : i32 to vector<16xi32>
        %add3A_378 = arith.addi %add3A_371, %add3A_377 : vector<16xi32>
        %gather3A_379 = tpu.vector_load_idx %arg9[%add3A_378] : memref<41616xf32, #tpu.memory_space<vmem>>[vector<16xi32>], vector<16xf32>,
        %add3A_380 = arith.addf %scan3A_302, %gather3A_379 : vector<16xf32>
        %mul3A_381 = arith.mulf %gather3A_379, %gather3A_379 : vector<16xf32>
        %add3A_382 = arith.addf %scan3A_318, %mul3A_381 : vector<16xf32>
        %add3A_383 = arith.constant 2601 : i32
        %add3A_384 = vector.broadcast %add3A_383 : i32 to vector<16xi32>
        %add3A_385 = arith.addi %add3A_378, %add3A_384 : vector<16xi32>
        %gather3A_386 = tpu.vector_load_idx %arg9[%add3A_385] : memref<41616xf32, #tpu.memory_space<vmem>>[vector<16xi32>], vector<16xf32>,
        %add3A_387 = arith.addf %scan3A_303, %gather3A_386 : vector<16xf32>
        %mul3A_388 = arith.mulf %gather3A_386, %gather3A_386 : vector<16xf32>
        %add3A_389 = arith.addf %scan3A_319, %mul3A_388 : vector<16xf32>
        %add3A_390 = arith.constant 2601 : i32
        %add3A_391 = vector.broadcast %add3A_390 : i32 to vector<16xi32>
        %add3A_392 = arith.addi %add3A_385, %add3A_391 : vector<16xi32>
        %gather3A_393 = tpu.vector_load_idx %arg9[%add3A_392] : memref<41616xf32, #tpu.memory_space<vmem>>[vector<16xi32>], vector<16xf32>,
        %add3A_394 = arith.addf %scan3A_304, %gather3A_393 : vector<16xf32>
        %mul3A_395 = arith.mulf %gather3A_393, %gather3A_393 : vector<16xf32>
        %add3A_396 = arith.addf %scan3A_320, %mul3A_395 : vector<16xf32>
        %add3A_397 = arith.constant 2601 : i32
        %add3A_398 = vector.broadcast %add3A_397 : i32 to vector<16xi32>
        %add3A_399 = arith.addi %add3A_392, %add3A_398 : vector<16xi32>
        %gather3A_400 = tpu.vector_load_idx %arg9[%add3A_399] : memref<41616xf32, #tpu.memory_space<vmem>>[vector<16xi32>], vector<16xf32>,
        %add3A_401 = arith.addf %scan3A_305, %gather3A_400 : vector<16xf32>
        %mul3A_402 = arith.mulf %gather3A_400, %gather3A_400 : vector<16xf32>
        %add3A_403 = arith.addf %scan3A_321, %mul3A_402 : vector<16xf32>
        %add3A_404 = arith.constant 2601 : i32
        %add3A_405 = vector.broadcast %add3A_404 : i32 to vector<16xi32>
        %add3A_406 = arith.addi %add3A_399, %add3A_405 : vector<16xi32>
        %gather3A_407 = tpu.vector_load_idx %arg9[%add3A_406] : memref<41616xf32, #tpu.memory_space<vmem>>[vector<16xi32>], vector<16xf32>,
        %add3A_408 = arith.addf %scan3A_306, %gather3A_407 : vector<16xf32>
        %mul3A_409 = arith.mulf %gather3A_407, %gather3A_407 : vector<16xf32>
        %add3A_410 = arith.addf %scan3A_322, %mul3A_409 : vector<16xf32>
        %add3A_411 = arith.constant 2601 : i32
        %add3A_412 = vector.broadcast %add3A_411 : i32 to vector<16xi32>
        %add3A_413 = arith.addi %add3A_406, %add3A_412 : vector<16xi32>
        %gather3A_414 = tpu.vector_load_idx %arg9[%add3A_413] : memref<41616xf32, #tpu.memory_space<vmem>>[vector<16xi32>], vector<16xf32>,
        %add3A_415 = arith.addf %scan3A_307, %gather3A_414 : vector<16xf32>
        %mul3A_416 = arith.mulf %gather3A_414, %gather3A_414 : vector<16xf32>
        %add3A_417 = arith.addf %scan3A_323, %mul3A_416 : vector<16xf32>
        %add3A_418 = arith.constant 2601 : i32
        %add3A_419 = vector.broadcast %add3A_418 : i32 to vector<16xi32>
        %add3A_420 = arith.addi %add3A_413, %add3A_419 : vector<16xi32>
        %gather3A_421 = tpu.vector_load_idx %arg9[%add3A_420] : memref<41616xf32, #tpu.memory_space<vmem>>[vector<16xi32>], vector<16xf32>,
        %add3A_422 = arith.addf %scan3A_308, %gather3A_421 : vector<16xf32>
        %mul3A_423 = arith.mulf %gather3A_421, %gather3A_421 : vector<16xf32>
        %add3A_424 = arith.addf %scan3A_324, %mul3A_423 : vector<16xf32>
        %add3A_425 = arith.constant 2601 : i32
        %add3A_426 = vector.broadcast %add3A_425 : i32 to vector<16xi32>
        %add3A_427 = arith.addi %add3A_420, %add3A_426 : vector<16xi32>
        %gather3A_428 = tpu.vector_load_idx %arg9[%add3A_427] : memref<41616xf32, #tpu.memory_space<vmem>>[vector<16xi32>], vector<16xf32>,
        %add3A_429 = arith.addf %scan3A_309, %gather3A_428 : vector<16xf32>
        %mul3A_430 = arith.mulf %gather3A_428, %gather3A_428 : vector<16xf32>
        %add3A_431 = arith.addf %scan3A_325, %mul3A_430 : vector<16xf32>
        %add3A_432 = arith.constant 2601 : i32
        %add3A_433 = vector.broadcast %add3A_432 : i32 to vector<16xi32>
        %add3A_434 = arith.addi %add3A_427, %add3A_433 : vector<16xi32>
        %gather3A_435 = tpu.vector_load_idx %arg9[%add3A_434] : memref<41616xf32, #tpu.memory_space<vmem>>[vector<16xi32>], vector<16xf32>,
        %add3A_436 = arith.addf %scan3A_310, %gather3A_435 : vector<16xf32>
        %mul3A_437 = arith.mulf %gather3A_435, %gather3A_435 : vector<16xf32>
        %add3A_438 = arith.addf %scan3A_326, %mul3A_437 : vector<16xf32>
        %add3A_439 = arith.constant 2601 : i32
        %add3A_440 = vector.broadcast %add3A_439 : i32 to vector<16xi32>
        %add3A_441 = arith.addi %add3A_434, %add3A_440 : vector<16xi32>
        %gather3A_442 = tpu.vector_load_idx %arg9[%add3A_441] : memref<41616xf32, #tpu.memory_space<vmem>>[vector<16xi32>], vector<16xf32>,
        %add3A_443 = arith.addf %scan3A_311, %gather3A_442 : vector<16xf32>
        %mul3A_444 = arith.mulf %gather3A_442, %gather3A_442 : vector<16xf32>
        %add3A_445 = arith.addf %scan3A_327, %mul3A_444 : vector<16xf32>
        %add3A_446 = arith.constant 2601 : i32
        %add3A_447 = vector.broadcast %add3A_446 : i32 to vector<16xi32>
        %add3A_448 = arith.addi %add3A_441, %add3A_447 : vector<16xi32>
        %gather3A_449 = tpu.vector_load_idx %arg9[%add3A_448] : memref<41616xf32, #tpu.memory_space<vmem>>[vector<16xi32>], vector<16xf32>,
        %add3A_450 = arith.addf %scan3A_312, %gather3A_449 : vector<16xf32>
        %mul3A_451 = arith.mulf %gather3A_449, %gather3A_449 : vector<16xf32>
        %add3A_452 = arith.addf %scan3A_328, %mul3A_451 : vector<16xf32>
        %mul3A_453 = arith.constant 2 : i32
        %mul3A_454 = arith.muli %scan3A_296, %mul3A_453 : i32
        %add3A_455 = arith.constant 1 : i32
        %add3A_456 = arith.addi %mul3A_454, %add3A_455 : i32
        %mul3A_457 = arith.constant 16 : i32
        %mul3A_458 = arith.muli %add3A_456, %mul3A_457 : i32
        %multiple_of3A_459 = tpu.assume_multiple %mul3A_458, 8 : i32
        %get3A_460 = arith.index_cast %scan3A_71 : i32 to index
        %get3A_461 = arith.index_cast %multiple_of3A_459 : i32 to index
        %get3A_462 = tpu.vector_load %arg12[%get3A_460, %get3A_461] {strides = array<i32>} : memref<8x2600xi32, #tpu.memory_space<vmem>>, vector<16xi32>,
        %get3A_463 = arith.index_cast %multiple_of3A_459 : i32 to index
        %get3A_464 = tpu.vector_load %arg10[%get3A_463] {strides = array<i32>} : memref<2600xf32, #tpu.memory_space<vmem>>, vector<16xf32>,
        %gather3A_465 = tpu.vector_load_idx %arg11[%get3A_462] : memref<2608xf32, #tpu.memory_space<vmem>>[vector<16xi32>], vector<16xf32>,
        %mul3A_466 = arith.mulf %gather3A_465, %get3A_464 : vector<16xf32>
        %add3A_467 = arith.addf %add3A_343, %mul3A_466 : vector<16xf32>
        %gather3A_468 = tpu.vector_load_idx %arg9[%get3A_462] : memref<41616xf32, #tpu.memory_space<vmem>>[vector<16xi32>], vector<16xf32>,
        %add3A_469 = arith.addf %add3A_345, %gather3A_468 : vector<16xf32>
        %mul3A_470 = arith.mulf %gather3A_468, %gather3A_468 : vector<16xf32>
        %add3A_471 = arith.addf %add3A_347, %mul3A_470 : vector<16xf32>
        %add3A_472 = arith.constant 2601 : i32
        %add3A_473 = vector.broadcast %add3A_472 : i32 to vector<16xi32>
        %add3A_474 = arith.addi %get3A_462, %add3A_473 : vector<16xi32>
        %gather3A_475 = tpu.vector_load_idx %arg9[%add3A_474] : memref<41616xf32, #tpu.memory_space<vmem>>[vector<16xi32>], vector<16xf32>,
        %add3A_476 = arith.addf %add3A_352, %gather3A_475 : vector<16xf32>
        %mul3A_477 = arith.mulf %gather3A_475, %gather3A_475 : vector<16xf32>
        %add3A_478 = arith.addf %add3A_354, %mul3A_477 : vector<16xf32>
        %add3A_479 = arith.constant 2601 : i32
        %add3A_480 = vector.broadcast %add3A_479 : i32 to vector<16xi32>
        %add3A_481 = arith.addi %add3A_474, %add3A_480 : vector<16xi32>
        %gather3A_482 = tpu.vector_load_idx %arg9[%add3A_481] : memref<41616xf32, #tpu.memory_space<vmem>>[vector<16xi32>], vector<16xf32>,
        %add3A_483 = arith.addf %add3A_359, %gather3A_482 : vector<16xf32>
        %mul3A_484 = arith.mulf %gather3A_482, %gather3A_482 : vector<16xf32>
        %add3A_485 = arith.addf %add3A_361, %mul3A_484 : vector<16xf32>
        %add3A_486 = arith.constant 2601 : i32
        %add3A_487 = vector.broadcast %add3A_486 : i32 to vector<16xi32>
        %add3A_488 = arith.addi %add3A_481, %add3A_487 : vector<16xi32>
        %gather3A_489 = tpu.vector_load_idx %arg9[%add3A_488] : memref<41616xf32, #tpu.memory_space<vmem>>[vector<16xi32>], vector<16xf32>,
        %add3A_490 = arith.addf %add3A_366, %gather3A_489 : vector<16xf32>
        %mul3A_491 = arith.mulf %gather3A_489, %gather3A_489 : vector<16xf32>
        %add3A_492 = arith.addf %add3A_368, %mul3A_491 : vector<16xf32>
        %add3A_493 = arith.constant 2601 : i32
        %add3A_494 = vector.broadcast %add3A_493 : i32 to vector<16xi32>
        %add3A_495 = arith.addi %add3A_488, %add3A_494 : vector<16xi32>
        %gather3A_496 = tpu.vector_load_idx %arg9[%add3A_495] : memref<41616xf32, #tpu.memory_space<vmem>>[vector<16xi32>], vector<16xf32>,
        %add3A_497 = arith.addf %add3A_373, %gather3A_496 : vector<16xf32>
        %mul3A_498 = arith.mulf %gather3A_496, %gather3A_496 : vector<16xf32>
        %add3A_499 = arith.addf %add3A_375, %mul3A_498 : vector<16xf32>
        %add3A_500 = arith.constant 2601 : i32
        %add3A_501 = vector.broadcast %add3A_500 : i32 to vector<16xi32>
        %add3A_502 = arith.addi %add3A_495, %add3A_501 : vector<16xi32>
        %gather3A_503 = tpu.vector_load_idx %arg9[%add3A_502] : memref<41616xf32, #tpu.memory_space<vmem>>[vector<16xi32>], vector<16xf32>,
        %add3A_504 = arith.addf %add3A_380, %gather3A_503 : vector<16xf32>
        %mul3A_505 = arith.mulf %gather3A_503, %gather3A_503 : vector<16xf32>
        %add3A_506 = arith.addf %add3A_382, %mul3A_505 : vector<16xf32>
        %add3A_507 = arith.constant 2601 : i32
        %add3A_508 = vector.broadcast %add3A_507 : i32 to vector<16xi32>
        %add3A_509 = arith.addi %add3A_502, %add3A_508 : vector<16xi32>
        %gather3A_510 = tpu.vector_load_idx %arg9[%add3A_509] : memref<41616xf32, #tpu.memory_space<vmem>>[vector<16xi32>], vector<16xf32>,
        %add3A_511 = arith.addf %add3A_387, %gather3A_510 : vector<16xf32>
        %mul3A_512 = arith.mulf %gather3A_510, %gather3A_510 : vector<16xf32>
        %add3A_513 = arith.addf %add3A_389, %mul3A_512 : vector<16xf32>
        %add3A_514 = arith.constant 2601 : i32
        %add3A_515 = vector.broadcast %add3A_514 : i32 to vector<16xi32>
        %add3A_516 = arith.addi %add3A_509, %add3A_515 : vector<16xi32>
        %gather3A_517 = tpu.vector_load_idx %arg9[%add3A_516] : memref<41616xf32, #tpu.memory_space<vmem>>[vector<16xi32>], vector<16xf32>,
        %add3A_518 = arith.addf %add3A_394, %gather3A_517 : vector<16xf32>
        %mul3A_519 = arith.mulf %gather3A_517, %gather3A_517 : vector<16xf32>
        %add3A_520 = arith.addf %add3A_396, %mul3A_519 : vector<16xf32>
        %add3A_521 = arith.constant 2601 : i32
        %add3A_522 = vector.broadcast %add3A_521 : i32 to vector<16xi32>
        %add3A_523 = arith.addi %add3A_516, %add3A_522 : vector<16xi32>
        %gather3A_524 = tpu.vector_load_idx %arg9[%add3A_523] : memref<41616xf32, #tpu.memory_space<vmem>>[vector<16xi32>], vector<16xf32>,
        %add3A_525 = arith.addf %add3A_401, %gather3A_524 : vector<16xf32>
        %mul3A_526 = arith.mulf %gather3A_524, %gather3A_524 : vector<16xf32>
        %add3A_527 = arith.addf %add3A_403, %mul3A_526 : vector<16xf32>
        %add3A_528 = arith.constant 2601 : i32
        %add3A_529 = vector.broadcast %add3A_528 : i32 to vector<16xi32>
        %add3A_530 = arith.addi %add3A_523, %add3A_529 : vector<16xi32>
        %gather3A_531 = tpu.vector_load_idx %arg9[%add3A_530] : memref<41616xf32, #tpu.memory_space<vmem>>[vector<16xi32>], vector<16xf32>,
        %add3A_532 = arith.addf %add3A_408, %gather3A_531 : vector<16xf32>
        %mul3A_533 = arith.mulf %gather3A_531, %gather3A_531 : vector<16xf32>
        %add3A_534 = arith.addf %add3A_410, %mul3A_533 : vector<16xf32>
        %add3A_535 = arith.constant 2601 : i32
        %add3A_536 = vector.broadcast %add3A_535 : i32 to vector<16xi32>
        %add3A_537 = arith.addi %add3A_530, %add3A_536 : vector<16xi32>
        %gather3A_538 = tpu.vector_load_idx %arg9[%add3A_537] : memref<41616xf32, #tpu.memory_space<vmem>>[vector<16xi32>], vector<16xf32>,
        %add3A_539 = arith.addf %add3A_415, %gather3A_538 : vector<16xf32>
        %mul3A_540 = arith.mulf %gather3A_538, %gather3A_538 : vector<16xf32>
        %add3A_541 = arith.addf %add3A_417, %mul3A_540 : vector<16xf32>
        %add3A_542 = arith.constant 2601 : i32
        %add3A_543 = vector.broadcast %add3A_542 : i32 to vector<16xi32>
        %add3A_544 = arith.addi %add3A_537, %add3A_543 : vector<16xi32>
        %gather3A_545 = tpu.vector_load_idx %arg9[%add3A_544] : memref<41616xf32, #tpu.memory_space<vmem>>[vector<16xi32>], vector<16xf32>,
        %add3A_546 = arith.addf %add3A_422, %gather3A_545 : vector<16xf32>
        %mul3A_547 = arith.mulf %gather3A_545, %gather3A_545 : vector<16xf32>
        %add3A_548 = arith.addf %add3A_424, %mul3A_547 : vector<16xf32>
        %add3A_549 = arith.constant 2601 : i32
        %add3A_550 = vector.broadcast %add3A_549 : i32 to vector<16xi32>
        %add3A_551 = arith.addi %add3A_544, %add3A_550 : vector<16xi32>
        %gather3A_552 = tpu.vector_load_idx %arg9[%add3A_551] : memref<41616xf32, #tpu.memory_space<vmem>>[vector<16xi32>], vector<16xf32>,
        %add3A_553 = arith.addf %add3A_429, %gather3A_552 : vector<16xf32>
        %mul3A_554 = arith.mulf %gather3A_552, %gather3A_552 : vector<16xf32>
        %add3A_555 = arith.addf %add3A_431, %mul3A_554 : vector<16xf32>
        %add3A_556 = arith.constant 2601 : i32
        %add3A_557 = vector.broadcast %add3A_556 : i32 to vector<16xi32>
        %add3A_558 = arith.addi %add3A_551, %add3A_557 : vector<16xi32>
        %gather3A_559 = tpu.vector_load_idx %arg9[%add3A_558] : memref<41616xf32, #tpu.memory_space<vmem>>[vector<16xi32>], vector<16xf32>,
        %add3A_560 = arith.addf %add3A_436, %gather3A_559 : vector<16xf32>
        %mul3A_561 = arith.mulf %gather3A_559, %gather3A_559 : vector<16xf32>
        %add3A_562 = arith.addf %add3A_438, %mul3A_561 : vector<16xf32>
        %add3A_563 = arith.constant 2601 : i32
        %add3A_564 = vector.broadcast %add3A_563 : i32 to vector<16xi32>
        %add3A_565 = arith.addi %add3A_558, %add3A_564 : vector<16xi32>
        %gather3A_566 = tpu.vector_load_idx %arg9[%add3A_565] : memref<41616xf32, #tpu.memory_space<vmem>>[vector<16xi32>], vector<16xf32>,
        %add3A_567 = arith.addf %add3A_443, %gather3A_566 : vector<16xf32>
        %mul3A_568 = arith.mulf %gather3A_566, %gather3A_566 : vector<16xf32>
        %add3A_569 = arith.addf %add3A_445, %mul3A_568 : vector<16xf32>
        %add3A_570 = arith.constant 2601 : i32
        %add3A_571 = vector.broadcast %add3A_570 : i32 to vector<16xi32>
        %add3A_572 = arith.addi %add3A_565, %add3A_571 : vector<16xi32>
        %gather3A_573 = tpu.vector_load_idx %arg9[%add3A_572] : memref<41616xf32, #tpu.memory_space<vmem>>[vector<16xi32>], vector<16xf32>,
        %add3A_574 = arith.addf %add3A_450, %gather3A_573 : vector<16xf32>
        %mul3A_575 = arith.mulf %gather3A_573, %gather3A_573 : vector<16xf32>
        %add3A_576 = arith.addf %add3A_452, %mul3A_575 : vector<16xf32>
        scf.yield %add3A_469, %add3A_476, %add3A_483, %add3A_490, %add3A_497, %add3A_504, %add3A_511, %add3A_518, %add3A_525, %add3A_532, %add3A_539, %add3A_546, %add3A_553, %add3A_560, %add3A_567, %add3A_574, %add3A_471, %add3A_478, %add3A_485, %add3A_492, %add3A_499, %add3A_506, %add3A_513, %add3A_520, %add3A_527, %add3A_534, %add3A_541, %add3A_548, %add3A_555, %add3A_562, %add3A_569, %add3A_576, %add3A_467 : vector<16xf32>, vector<16xf32>, vector<16xf32>, vector<16xf32>, vector<16xf32>, vector<16xf32>, vector<16xf32>, vector<16xf32>, vector<16xf32>, vector<16xf32>, vector<16xf32>, vector<16xf32>, vector<16xf32>, vector<16xf32>, vector<16xf32>, vector<16xf32>, vector<16xf32>, vector<16xf32>, vector<16xf32>, vector<16xf32>, vector<16xf32>, vector<16xf32>, vector<16xf32>, vector<16xf32>, vector<16xf32>, vector<16xf32>, vector<16xf32>, vector<16xf32>, vector<16xf32>, vector<16xf32>, vector<16xf32>, vector<16xf32>, vector<16xf32>
      }
      %scan3A_80 = arith.constant 81 : i32
      %get3A = arith.index_cast %scan3A_71 : i32 to index
      %get3A_81 = arith.constant 2584 : index
      %get3A_82 = tpu.vector_load %arg12[%get3A, %get3A_81] {strides = array<i32>} : memref<8x2600xi32, #tpu.memory_space<vmem>>, vector<16xi32>,
      %select_n3A = arith.select %ge3A_7, %get3A_82, %broadcast_in_dim3A_8 : vector<16xi1>, vector<16xi32>
      %get3A_83 = arith.constant 2584 : index
      %get3A_84 = tpu.vector_load %arg10[%get3A_83] {strides = array<i32>} : memref<2600xf32, #tpu.memory_space<vmem>>, vector<16xf32>,
      %select_n3A_85 = arith.select %ge3A_7, %get3A_84, %broadcast_in_dim3A_10 : vector<16xi1>, vector<16xf32>
      %gather3A = tpu.vector_load_idx %arg11[%select_n3A] : memref<2608xf32, #tpu.memory_space<vmem>>[vector<16xi32>], vector<16xf32>,
      %mul3A_86 = arith.mulf %gather3A, %select_n3A_85 : vector<16xf32>
      %add3A_87 = arith.addf %scan3A_79#32, %mul3A_86 : vector<16xf32>
      %gather3A_88 = tpu.vector_load_idx %arg9[%select_n3A] : memref<41616xf32, #tpu.memory_space<vmem>>[vector<16xi32>], vector<16xf32>,
      %add3A_89 = arith.addf %scan3A_79#0, %gather3A_88 : vector<16xf32>
      %mul3A_90 = arith.mulf %gather3A_88, %gather3A_88 : vector<16xf32>
      %add3A_91 = arith.addf %scan3A_79#16, %mul3A_90 : vector<16xf32>
      %add3A_92 = arith.constant 2601 : i32
      %add3A_93 = vector.broadcast %add3A_92 : i32 to vector<16xi32>
      %add3A_94 = arith.addi %select_n3A, %add3A_93 : vector<16xi32>
      %gather3A_95 = tpu.vector_load_idx %arg9[%add3A_94] : memref<41616xf32, #tpu.memory_space<vmem>>[vector<16xi32>], vector<16xf32>,
      %add3A_96 = arith.addf %scan3A_79#1, %gather3A_95 : vector<16xf32>
      %mul3A_97 = arith.mulf %gather3A_95, %gather3A_95 : vector<16xf32>
      %add3A_98 = arith.addf %scan3A_79#17, %mul3A_97 : vector<16xf32>
      %add3A_99 = arith.constant 2601 : i32
      %add3A_100 = vector.broadcast %add3A_99 : i32 to vector<16xi32>
      %add3A_101 = arith.addi %add3A_94, %add3A_100 : vector<16xi32>
      %gather3A_102 = tpu.vector_load_idx %arg9[%add3A_101] : memref<41616xf32, #tpu.memory_space<vmem>>[vector<16xi32>], vector<16xf32>,
      %add3A_103 = arith.addf %scan3A_79#2, %gather3A_102 : vector<16xf32>
      %mul3A_104 = arith.mulf %gather3A_102, %gather3A_102 : vector<16xf32>
      %add3A_105 = arith.addf %scan3A_79#18, %mul3A_104 : vector<16xf32>
      %add3A_106 = arith.constant 2601 : i32
      %add3A_107 = vector.broadcast %add3A_106 : i32 to vector<16xi32>
      %add3A_108 = arith.addi %add3A_101, %add3A_107 : vector<16xi32>
      %gather3A_109 = tpu.vector_load_idx %arg9[%add3A_108] : memref<41616xf32, #tpu.memory_space<vmem>>[vector<16xi32>], vector<16xf32>,
      %add3A_110 = arith.addf %scan3A_79#3, %gather3A_109 : vector<16xf32>
      %mul3A_111 = arith.mulf %gather3A_109, %gather3A_109 : vector<16xf32>
      %add3A_112 = arith.addf %scan3A_79#19, %mul3A_111 : vector<16xf32>
      %add3A_113 = arith.constant 2601 : i32
      %add3A_114 = vector.broadcast %add3A_113 : i32 to vector<16xi32>
      %add3A_115 = arith.addi %add3A_108, %add3A_114 : vector<16xi32>
      %gather3A_116 = tpu.vector_load_idx %arg9[%add3A_115] : memref<41616xf32, #tpu.memory_space<vmem>>[vector<16xi32>], vector<16xf32>,
      %add3A_117 = arith.addf %scan3A_79#4, %gather3A_116 : vector<16xf32>
      %mul3A_118 = arith.mulf %gather3A_116, %gather3A_116 : vector<16xf32>
      %add3A_119 = arith.addf %scan3A_79#20, %mul3A_118 : vector<16xf32>
      %add3A_120 = arith.constant 2601 : i32
      %add3A_121 = vector.broadcast %add3A_120 : i32 to vector<16xi32>
      %add3A_122 = arith.addi %add3A_115, %add3A_121 : vector<16xi32>
      %gather3A_123 = tpu.vector_load_idx %arg9[%add3A_122] : memref<41616xf32, #tpu.memory_space<vmem>>[vector<16xi32>], vector<16xf32>,
      %add3A_124 = arith.addf %scan3A_79#5, %gather3A_123 : vector<16xf32>
      %mul3A_125 = arith.mulf %gather3A_123, %gather3A_123 : vector<16xf32>
      %add3A_126 = arith.addf %scan3A_79#21, %mul3A_125 : vector<16xf32>
      %add3A_127 = arith.constant 2601 : i32
      %add3A_128 = vector.broadcast %add3A_127 : i32 to vector<16xi32>
      %add3A_129 = arith.addi %add3A_122, %add3A_128 : vector<16xi32>
      %gather3A_130 = tpu.vector_load_idx %arg9[%add3A_129] : memref<41616xf32, #tpu.memory_space<vmem>>[vector<16xi32>], vector<16xf32>,
      %add3A_131 = arith.addf %scan3A_79#6, %gather3A_130 : vector<16xf32>
      %mul3A_132 = arith.mulf %gather3A_130, %gather3A_130 : vector<16xf32>
      %add3A_133 = arith.addf %scan3A_79#22, %mul3A_132 : vector<16xf32>
      %add3A_134 = arith.constant 2601 : i32
      %add3A_135 = vector.broadcast %add3A_134 : i32 to vector<16xi32>
      %add3A_136 = arith.addi %add3A_129, %add3A_135 : vector<16xi32>
      %gather3A_137 = tpu.vector_load_idx %arg9[%add3A_136] : memref<41616xf32, #tpu.memory_space<vmem>>[vector<16xi32>], vector<16xf32>,
      %add3A_138 = arith.addf %scan3A_79#7, %gather3A_137 : vector<16xf32>
      %mul3A_139 = arith.mulf %gather3A_137, %gather3A_137 : vector<16xf32>
      %add3A_140 = arith.addf %scan3A_79#23, %mul3A_139 : vector<16xf32>
      %add3A_141 = arith.constant 2601 : i32
      %add3A_142 = vector.broadcast %add3A_141 : i32 to vector<16xi32>
      %add3A_143 = arith.addi %add3A_136, %add3A_142 : vector<16xi32>
      %gather3A_144 = tpu.vector_load_idx %arg9[%add3A_143] : memref<41616xf32, #tpu.memory_space<vmem>>[vector<16xi32>], vector<16xf32>,
      %add3A_145 = arith.addf %scan3A_79#8, %gather3A_144 : vector<16xf32>
      %mul3A_146 = arith.mulf %gather3A_144, %gather3A_144 : vector<16xf32>
      %add3A_147 = arith.addf %scan3A_79#24, %mul3A_146 : vector<16xf32>
      %add3A_148 = arith.constant 2601 : i32
      %add3A_149 = vector.broadcast %add3A_148 : i32 to vector<16xi32>
      %add3A_150 = arith.addi %add3A_143, %add3A_149 : vector<16xi32>
      %gather3A_151 = tpu.vector_load_idx %arg9[%add3A_150] : memref<41616xf32, #tpu.memory_space<vmem>>[vector<16xi32>], vector<16xf32>,
      %add3A_152 = arith.addf %scan3A_79#9, %gather3A_151 : vector<16xf32>
      %mul3A_153 = arith.mulf %gather3A_151, %gather3A_151 : vector<16xf32>
      %add3A_154 = arith.addf %scan3A_79#25, %mul3A_153 : vector<16xf32>
      %add3A_155 = arith.constant 2601 : i32
      %add3A_156 = vector.broadcast %add3A_155 : i32 to vector<16xi32>
      %add3A_157 = arith.addi %add3A_150, %add3A_156 : vector<16xi32>
      %gather3A_158 = tpu.vector_load_idx %arg9[%add3A_157] : memref<41616xf32, #tpu.memory_space<vmem>>[vector<16xi32>], vector<16xf32>,
      %add3A_159 = arith.addf %scan3A_79#10, %gather3A_158 : vector<16xf32>
      %mul3A_160 = arith.mulf %gather3A_158, %gather3A_158 : vector<16xf32>
      %add3A_161 = arith.addf %scan3A_79#26, %mul3A_160 : vector<16xf32>
      %add3A_162 = arith.constant 2601 : i32
      %add3A_163 = vector.broadcast %add3A_162 : i32 to vector<16xi32>
      %add3A_164 = arith.addi %add3A_157, %add3A_163 : vector<16xi32>
      %gather3A_165 = tpu.vector_load_idx %arg9[%add3A_164] : memref<41616xf32, #tpu.memory_space<vmem>>[vector<16xi32>], vector<16xf32>,
      %add3A_166 = arith.addf %scan3A_79#11, %gather3A_165 : vector<16xf32>
      %mul3A_167 = arith.mulf %gather3A_165, %gather3A_165 : vector<16xf32>
      %add3A_168 = arith.addf %scan3A_79#27, %mul3A_167 : vector<16xf32>
      %add3A_169 = arith.constant 2601 : i32
      %add3A_170 = vector.broadcast %add3A_169 : i32 to vector<16xi32>
      %add3A_171 = arith.addi %add3A_164, %add3A_170 : vector<16xi32>
      %gather3A_172 = tpu.vector_load_idx %arg9[%add3A_171] : memref<41616xf32, #tpu.memory_space<vmem>>[vector<16xi32>], vector<16xf32>,
      %add3A_173 = arith.addf %scan3A_79#12, %gather3A_172 : vector<16xf32>
      %mul3A_174 = arith.mulf %gather3A_172, %gather3A_172 : vector<16xf32>
      %add3A_175 = arith.addf %scan3A_79#28, %mul3A_174 : vector<16xf32>
      %add3A_176 = arith.constant 2601 : i32
      %add3A_177 = vector.broadcast %add3A_176 : i32 to vector<16xi32>
      %add3A_178 = arith.addi %add3A_171, %add3A_177 : vector<16xi32>
      %gather3A_179 = tpu.vector_load_idx %arg9[%add3A_178] : memref<41616xf32, #tpu.memory_space<vmem>>[vector<16xi32>], vector<16xf32>,
      %add3A_180 = arith.addf %scan3A_79#13, %gather3A_179 : vector<16xf32>
      %mul3A_181 = arith.mulf %gather3A_179, %gather3A_179 : vector<16xf32>
      %add3A_182 = arith.addf %scan3A_79#29, %mul3A_181 : vector<16xf32>
      %add3A_183 = arith.constant 2601 : i32
      %add3A_184 = vector.broadcast %add3A_183 : i32 to vector<16xi32>
      %add3A_185 = arith.addi %add3A_178, %add3A_184 : vector<16xi32>
      %gather3A_186 = tpu.vector_load_idx %arg9[%add3A_185] : memref<41616xf32, #tpu.memory_space<vmem>>[vector<16xi32>], vector<16xf32>,
      %add3A_187 = arith.addf %scan3A_79#14, %gather3A_186 : vector<16xf32>
      %mul3A_188 = arith.mulf %gather3A_186, %gather3A_186 : vector<16xf32>
      %add3A_189 = arith.addf %scan3A_79#30, %mul3A_188 : vector<16xf32>
      %add3A_190 = arith.constant 2601 : i32
      %add3A_191 = vector.broadcast %add3A_190 : i32 to vector<16xi32>
      %add3A_192 = arith.addi %add3A_185, %add3A_191 : vector<16xi32>
      %gather3A_193 = tpu.vector_load_idx %arg9[%add3A_192] : memref<41616xf32, #tpu.memory_space<vmem>>[vector<16xi32>], vector<16xf32>,
      %add3A_194 = arith.addf %scan3A_79#15, %gather3A_193 : vector<16xf32>
      %mul3A_195 = arith.mulf %gather3A_193, %gather3A_193 : vector<16xf32>
      %add3A_196 = arith.addf %scan3A_79#31, %mul3A_195 : vector<16xf32>
      %swap3A = arith.index_cast %add3A_74 : i32 to index
      %swap3A_197 = arith.constant 0 : index
      %swap3A_198 = tpu.vector_load %arg14[%swap3A, %swap3A_197] {strides = array<i32>} : memref<32x256xf32, #tpu.memory_space<vmem>>, vector<16xf32>,
      tpu.vector_store %arg14[%swap3A, %swap3A_197], %add3A_89 {strides = array<i32>} : memref<32x256xf32, #tpu.memory_space<vmem>>, vector<16xf32>,
      %swap3A_199 = arith.index_cast %add3A_74 : i32 to index
      %swap3A_200 = arith.constant 0 : index
      %swap3A_201 = tpu.vector_load %arg15[%swap3A_199, %swap3A_200] {strides = array<i32>} : memref<32x256xf32, #tpu.memory_space<vmem>>, vector<16xf32>,
      tpu.vector_store %arg15[%swap3A_199, %swap3A_200], %add3A_91 {strides = array<i32>} : memref<32x256xf32, #tpu.memory_space<vmem>>, vector<16xf32>,
      %swap3A_202 = arith.index_cast %add3A_74 : i32 to index
      %swap3A_203 = arith.constant 16 : index
      %swap3A_204 = tpu.vector_load %arg14[%swap3A_202, %swap3A_203] {strides = array<i32>} : memref<32x256xf32, #tpu.memory_space<vmem>>, vector<16xf32>,
      tpu.vector_store %arg14[%swap3A_202, %swap3A_203], %add3A_96 {strides = array<i32>} : memref<32x256xf32, #tpu.memory_space<vmem>>, vector<16xf32>,
      %swap3A_205 = arith.index_cast %add3A_74 : i32 to index
      %swap3A_206 = arith.constant 16 : index
      %swap3A_207 = tpu.vector_load %arg15[%swap3A_205, %swap3A_206] {strides = array<i32>} : memref<32x256xf32, #tpu.memory_space<vmem>>, vector<16xf32>,
      tpu.vector_store %arg15[%swap3A_205, %swap3A_206], %add3A_98 {strides = array<i32>} : memref<32x256xf32, #tpu.memory_space<vmem>>, vector<16xf32>,
      %swap3A_208 = arith.index_cast %add3A_74 : i32 to index
      %swap3A_209 = arith.constant 32 : index
      %swap3A_210 = tpu.vector_load %arg14[%swap3A_208, %swap3A_209] {strides = array<i32>} : memref<32x256xf32, #tpu.memory_space<vmem>>, vector<16xf32>,
      tpu.vector_store %arg14[%swap3A_208, %swap3A_209], %add3A_103 {strides = array<i32>} : memref<32x256xf32, #tpu.memory_space<vmem>>, vector<16xf32>,
      %swap3A_211 = arith.index_cast %add3A_74 : i32 to index
      %swap3A_212 = arith.constant 32 : index
      %swap3A_213 = tpu.vector_load %arg15[%swap3A_211, %swap3A_212] {strides = array<i32>} : memref<32x256xf32, #tpu.memory_space<vmem>>, vector<16xf32>,
      tpu.vector_store %arg15[%swap3A_211, %swap3A_212], %add3A_105 {strides = array<i32>} : memref<32x256xf32, #tpu.memory_space<vmem>>, vector<16xf32>,
      %swap3A_214 = arith.index_cast %add3A_74 : i32 to index
      %swap3A_215 = arith.constant 48 : index
      %swap3A_216 = tpu.vector_load %arg14[%swap3A_214, %swap3A_215] {strides = array<i32>} : memref<32x256xf32, #tpu.memory_space<vmem>>, vector<16xf32>,
      tpu.vector_store %arg14[%swap3A_214, %swap3A_215], %add3A_110 {strides = array<i32>} : memref<32x256xf32, #tpu.memory_space<vmem>>, vector<16xf32>,
      %swap3A_217 = arith.index_cast %add3A_74 : i32 to index
      %swap3A_218 = arith.constant 48 : index
      %swap3A_219 = tpu.vector_load %arg15[%swap3A_217, %swap3A_218] {strides = array<i32>} : memref<32x256xf32, #tpu.memory_space<vmem>>, vector<16xf32>,
      tpu.vector_store %arg15[%swap3A_217, %swap3A_218], %add3A_112 {strides = array<i32>} : memref<32x256xf32, #tpu.memory_space<vmem>>, vector<16xf32>,
      %swap3A_220 = arith.index_cast %add3A_74 : i32 to index
      %swap3A_221 = arith.constant 64 : index
      %swap3A_222 = tpu.vector_load %arg14[%swap3A_220, %swap3A_221] {strides = array<i32>} : memref<32x256xf32, #tpu.memory_space<vmem>>, vector<16xf32>,
      tpu.vector_store %arg14[%swap3A_220, %swap3A_221], %add3A_117 {strides = array<i32>} : memref<32x256xf32, #tpu.memory_space<vmem>>, vector<16xf32>,
      %swap3A_223 = arith.index_cast %add3A_74 : i32 to index
      %swap3A_224 = arith.constant 64 : index
      %swap3A_225 = tpu.vector_load %arg15[%swap3A_223, %swap3A_224] {strides = array<i32>} : memref<32x256xf32, #tpu.memory_space<vmem>>, vector<16xf32>,
      tpu.vector_store %arg15[%swap3A_223, %swap3A_224], %add3A_119 {strides = array<i32>} : memref<32x256xf32, #tpu.memory_space<vmem>>, vector<16xf32>,
      %swap3A_226 = arith.index_cast %add3A_74 : i32 to index
      %swap3A_227 = arith.constant 80 : index
      %swap3A_228 = tpu.vector_load %arg14[%swap3A_226, %swap3A_227] {strides = array<i32>} : memref<32x256xf32, #tpu.memory_space<vmem>>, vector<16xf32>,
      tpu.vector_store %arg14[%swap3A_226, %swap3A_227], %add3A_124 {strides = array<i32>} : memref<32x256xf32, #tpu.memory_space<vmem>>, vector<16xf32>,
      %swap3A_229 = arith.index_cast %add3A_74 : i32 to index
      %swap3A_230 = arith.constant 80 : index
      %swap3A_231 = tpu.vector_load %arg15[%swap3A_229, %swap3A_230] {strides = array<i32>} : memref<32x256xf32, #tpu.memory_space<vmem>>, vector<16xf32>,
      tpu.vector_store %arg15[%swap3A_229, %swap3A_230], %add3A_126 {strides = array<i32>} : memref<32x256xf32, #tpu.memory_space<vmem>>, vector<16xf32>,
      %swap3A_232 = arith.index_cast %add3A_74 : i32 to index
      %swap3A_233 = arith.constant 96 : index
      %swap3A_234 = tpu.vector_load %arg14[%swap3A_232, %swap3A_233] {strides = array<i32>} : memref<32x256xf32, #tpu.memory_space<vmem>>, vector<16xf32>,
      tpu.vector_store %arg14[%swap3A_232, %swap3A_233], %add3A_131 {strides = array<i32>} : memref<32x256xf32, #tpu.memory_space<vmem>>, vector<16xf32>,
      %swap3A_235 = arith.index_cast %add3A_74 : i32 to index
      %swap3A_236 = arith.constant 96 : index
      %swap3A_237 = tpu.vector_load %arg15[%swap3A_235, %swap3A_236] {strides = array<i32>} : memref<32x256xf32, #tpu.memory_space<vmem>>, vector<16xf32>,
      tpu.vector_store %arg15[%swap3A_235, %swap3A_236], %add3A_133 {strides = array<i32>} : memref<32x256xf32, #tpu.memory_space<vmem>>, vector<16xf32>,
      %swap3A_238 = arith.index_cast %add3A_74 : i32 to index
      %swap3A_239 = arith.constant 112 : index
      %swap3A_240 = tpu.vector_load %arg14[%swap3A_238, %swap3A_239] {strides = array<i32>} : memref<32x256xf32, #tpu.memory_space<vmem>>, vector<16xf32>,
      tpu.vector_store %arg14[%swap3A_238, %swap3A_239], %add3A_138 {strides = array<i32>} : memref<32x256xf32, #tpu.memory_space<vmem>>, vector<16xf32>,
      %swap3A_241 = arith.index_cast %add3A_74 : i32 to index
      %swap3A_242 = arith.constant 112 : index
      %swap3A_243 = tpu.vector_load %arg15[%swap3A_241, %swap3A_242] {strides = array<i32>} : memref<32x256xf32, #tpu.memory_space<vmem>>, vector<16xf32>,
      tpu.vector_store %arg15[%swap3A_241, %swap3A_242], %add3A_140 {strides = array<i32>} : memref<32x256xf32, #tpu.memory_space<vmem>>, vector<16xf32>,
      %swap3A_244 = arith.index_cast %add3A_74 : i32 to index
      %swap3A_245 = arith.constant 128 : index
      %swap3A_246 = tpu.vector_load %arg14[%swap3A_244, %swap3A_245] {strides = array<i32>} : memref<32x256xf32, #tpu.memory_space<vmem>>, vector<16xf32>,
      tpu.vector_store %arg14[%swap3A_244, %swap3A_245], %add3A_145 {strides = array<i32>} : memref<32x256xf32, #tpu.memory_space<vmem>>, vector<16xf32>,
      %swap3A_247 = arith.index_cast %add3A_74 : i32 to index
      %swap3A_248 = arith.constant 128 : index
      %swap3A_249 = tpu.vector_load %arg15[%swap3A_247, %swap3A_248] {strides = array<i32>} : memref<32x256xf32, #tpu.memory_space<vmem>>, vector<16xf32>,
      tpu.vector_store %arg15[%swap3A_247, %swap3A_248], %add3A_147 {strides = array<i32>} : memref<32x256xf32, #tpu.memory_space<vmem>>, vector<16xf32>,
      %swap3A_250 = arith.index_cast %add3A_74 : i32 to index
      %swap3A_251 = arith.constant 144 : index
      %swap3A_252 = tpu.vector_load %arg14[%swap3A_250, %swap3A_251] {strides = array<i32>} : memref<32x256xf32, #tpu.memory_space<vmem>>, vector<16xf32>,
      tpu.vector_store %arg14[%swap3A_250, %swap3A_251], %add3A_152 {strides = array<i32>} : memref<32x256xf32, #tpu.memory_space<vmem>>, vector<16xf32>,
      %swap3A_253 = arith.index_cast %add3A_74 : i32 to index
      %swap3A_254 = arith.constant 144 : index
      %swap3A_255 = tpu.vector_load %arg15[%swap3A_253, %swap3A_254] {strides = array<i32>} : memref<32x256xf32, #tpu.memory_space<vmem>>, vector<16xf32>,
      tpu.vector_store %arg15[%swap3A_253, %swap3A_254], %add3A_154 {strides = array<i32>} : memref<32x256xf32, #tpu.memory_space<vmem>>, vector<16xf32>,
      %swap3A_256 = arith.index_cast %add3A_74 : i32 to index
      %swap3A_257 = arith.constant 160 : index
      %swap3A_258 = tpu.vector_load %arg14[%swap3A_256, %swap3A_257] {strides = array<i32>} : memref<32x256xf32, #tpu.memory_space<vmem>>, vector<16xf32>,
      tpu.vector_store %arg14[%swap3A_256, %swap3A_257], %add3A_159 {strides = array<i32>} : memref<32x256xf32, #tpu.memory_space<vmem>>, vector<16xf32>,
      %swap3A_259 = arith.index_cast %add3A_74 : i32 to index
      %swap3A_260 = arith.constant 160 : index
      %swap3A_261 = tpu.vector_load %arg15[%swap3A_259, %swap3A_260] {strides = array<i32>} : memref<32x256xf32, #tpu.memory_space<vmem>>, vector<16xf32>,
      tpu.vector_store %arg15[%swap3A_259, %swap3A_260], %add3A_161 {strides = array<i32>} : memref<32x256xf32, #tpu.memory_space<vmem>>, vector<16xf32>,
      %swap3A_262 = arith.index_cast %add3A_74 : i32 to index
      %swap3A_263 = arith.constant 176 : index
      %swap3A_264 = tpu.vector_load %arg14[%swap3A_262, %swap3A_263] {strides = array<i32>} : memref<32x256xf32, #tpu.memory_space<vmem>>, vector<16xf32>,
      tpu.vector_store %arg14[%swap3A_262, %swap3A_263], %add3A_166 {strides = array<i32>} : memref<32x256xf32, #tpu.memory_space<vmem>>, vector<16xf32>,
      %swap3A_265 = arith.index_cast %add3A_74 : i32 to index
      %swap3A_266 = arith.constant 176 : index
      %swap3A_267 = tpu.vector_load %arg15[%swap3A_265, %swap3A_266] {strides = array<i32>} : memref<32x256xf32, #tpu.memory_space<vmem>>, vector<16xf32>,
      tpu.vector_store %arg15[%swap3A_265, %swap3A_266], %add3A_168 {strides = array<i32>} : memref<32x256xf32, #tpu.memory_space<vmem>>, vector<16xf32>,
      %swap3A_268 = arith.index_cast %add3A_74 : i32 to index
      %swap3A_269 = arith.constant 192 : index
      %swap3A_270 = tpu.vector_load %arg14[%swap3A_268, %swap3A_269] {strides = array<i32>} : memref<32x256xf32, #tpu.memory_space<vmem>>, vector<16xf32>,
      tpu.vector_store %arg14[%swap3A_268, %swap3A_269], %add3A_173 {strides = array<i32>} : memref<32x256xf32, #tpu.memory_space<vmem>>, vector<16xf32>,
      %swap3A_271 = arith.index_cast %add3A_74 : i32 to index
      %swap3A_272 = arith.constant 192 : index
      %swap3A_273 = tpu.vector_load %arg15[%swap3A_271, %swap3A_272] {strides = array<i32>} : memref<32x256xf32, #tpu.memory_space<vmem>>, vector<16xf32>,
      tpu.vector_store %arg15[%swap3A_271, %swap3A_272], %add3A_175 {strides = array<i32>} : memref<32x256xf32, #tpu.memory_space<vmem>>, vector<16xf32>,
      %swap3A_274 = arith.index_cast %add3A_74 : i32 to index
      %swap3A_275 = arith.constant 208 : index
      %swap3A_276 = tpu.vector_load %arg14[%swap3A_274, %swap3A_275] {strides = array<i32>} : memref<32x256xf32, #tpu.memory_space<vmem>>, vector<16xf32>,
      tpu.vector_store %arg14[%swap3A_274, %swap3A_275], %add3A_180 {strides = array<i32>} : memref<32x256xf32, #tpu.memory_space<vmem>>, vector<16xf32>,
      %swap3A_277 = arith.index_cast %add3A_74 : i32 to index
      %swap3A_278 = arith.constant 208 : index
      %swap3A_279 = tpu.vector_load %arg15[%swap3A_277, %swap3A_278] {strides = array<i32>} : memref<32x256xf32, #tpu.memory_space<vmem>>, vector<16xf32>,
      tpu.vector_store %arg15[%swap3A_277, %swap3A_278], %add3A_182 {strides = array<i32>} : memref<32x256xf32, #tpu.memory_space<vmem>>, vector<16xf32>,
      %swap3A_280 = arith.index_cast %add3A_74 : i32 to index
      %swap3A_281 = arith.constant 224 : index
      %swap3A_282 = tpu.vector_load %arg14[%swap3A_280, %swap3A_281] {strides = array<i32>} : memref<32x256xf32, #tpu.memory_space<vmem>>, vector<16xf32>,
      tpu.vector_store %arg14[%swap3A_280, %swap3A_281], %add3A_187 {strides = array<i32>} : memref<32x256xf32, #tpu.memory_space<vmem>>, vector<16xf32>,
      %swap3A_283 = arith.index_cast %add3A_74 : i32 to index
      %swap3A_284 = arith.constant 224 : index
      %swap3A_285 = tpu.vector_load %arg15[%swap3A_283, %swap3A_284] {strides = array<i32>} : memref<32x256xf32, #tpu.memory_space<vmem>>, vector<16xf32>,
      tpu.vector_store %arg15[%swap3A_283, %swap3A_284], %add3A_189 {strides = array<i32>} : memref<32x256xf32, #tpu.memory_space<vmem>>, vector<16xf32>,
      %swap3A_286 = arith.index_cast %add3A_74 : i32 to index
      %swap3A_287 = arith.constant 240 : index
      %swap3A_288 = tpu.vector_load %arg14[%swap3A_286, %swap3A_287] {strides = array<i32>} : memref<32x256xf32, #tpu.memory_space<vmem>>, vector<16xf32>,
      tpu.vector_store %arg14[%swap3A_286, %swap3A_287], %add3A_194 {strides = array<i32>} : memref<32x256xf32, #tpu.memory_space<vmem>>, vector<16xf32>,
      %swap3A_289 = arith.index_cast %add3A_74 : i32 to index
      %swap3A_290 = arith.constant 240 : index
      %swap3A_291 = tpu.vector_load %arg15[%swap3A_289, %swap3A_290] {strides = array<i32>} : memref<32x256xf32, #tpu.memory_space<vmem>>, vector<16xf32>,
      tpu.vector_store %arg15[%swap3A_289, %swap3A_290], %add3A_196 {strides = array<i32>} : memref<32x256xf32, #tpu.memory_space<vmem>>, vector<16xf32>,
      %swap3A_292 = arith.index_cast %add3A_74 : i32 to index
      %swap3A_293 = arith.constant 0 : index
      %swap3A_294 = tpu.vector_load %arg16[%swap3A_292, %swap3A_293] {strides = array<i32>} : memref<32x16xf32, #tpu.memory_space<vmem>>, vector<16xf32>,
      tpu.vector_store %arg16[%swap3A_292, %swap3A_293], %add3A_87 {strides = array<i32>} : memref<32x16xf32, #tpu.memory_space<vmem>>, vector<16xf32>,
      %scan3A_295 = arith.constant 0 : i32
      scf.yield %scan3A_295 : i32
    }
    %scan3A_25 = arith.constant 8 : i32
    %add3A_26 = arith.constant 16 : i32
    %add3A_27 = arith.addi %mul3A_2, %add3A_26 : i32
    %dma_start3A_28 = arith.constant 0 : i32
    %dma_start3A_29 = tpu.memref_slice %arg2[%add3A_27, %dma_start3A_28] : memref<1024x2600xi32, #tpu.memory_space<hbm>> -> memref<8x2600xi32, #tpu.memory_space<hbm>>
    %dma_start3A_30 = arith.constant 0 : i32
    %dma_start3A_31 = tpu.memref_slice %arg2[%add3A_27, %dma_start3A_30] : memref<1024x2600xi32, #tpu.memory_space<hbm>> -> memref<8x2600xi32, #tpu.memory_space<hbm>>
    tpu.enqueue_dma source(%dma_start3A_31 : memref<8x2600xi32, #tpu.memory_space<hbm>>) target(%arg12 : memref<8x2600xi32, #tpu.memory_space<vmem>>) target_semaphore(%arg18 : memref<!tpu.dma_semaphore, #tpu.memory_space<semaphore_mem>>)
    %dma_wait3A_32 = arith.constant 0 : i32
    %dma_wait3A_33 = tpu.memref_slice %arg2[%add3A_12, %dma_wait3A_32] : memref<1024x2600xi32, #tpu.memory_space<hbm>> -> memref<8x2600xi32, #tpu.memory_space<hbm>>
    %dma_wait3A_34 = arith.constant 0 : i32
    %dma_wait3A_35 = tpu.memref_slice %arg2[%add3A_12, %dma_wait3A_34] : memref<1024x2600xi32, #tpu.memory_space<hbm>> -> memref<8x2600xi32, #tpu.memory_space<hbm>>
    tpu.wait_dma2 semaphore(%arg19 : memref<!tpu.dma_semaphore, #tpu.memory_space<semaphore_mem>>) src(%dma_wait3A_35 : memref<8x2600xi32, #tpu.memory_space<hbm>>) dst(%arg13 : memref<8x2600xi32, #tpu.memory_space<vmem>>)
    %scan3A_36 = arith.constant 0 : i32
    %scan3A_37 = arith.constant 0 : i32
    %scan3A_38 = arith.constant 8 : i32
    %scan3A_39 = arith.addi %scan3A_37, %scan3A_38 : i32
    %scan3A_40 = arith.constant 1 : i32
    %scan3A_41 = scf.for %scan3A_71 = %scan3A_37 to %scan3A_39 step %scan3A_40 iter_args(%scan3A_72 = %scan3A_36) -> (i32)  : i32 {
      %add3A_73 = arith.constant 8 : i32
      %add3A_74 = arith.addi %add3A_73, %scan3A_71 : i32
      %scan3A_75 = arith.constant 0 : i32
      %scan3A_76 = arith.constant 81 : i32
      %scan3A_77 = arith.addi %scan3A_75, %scan3A_76 : i32
      %scan3A_78 = arith.constant 1 : i32
      %scan3A_79:33 = scf.for %scan3A_296 = %scan3A_75 to %scan3A_77 step %scan3A_78 iter_args(%scan3A_297 = %broadcast_in_dim3A_10, %scan3A_298 = %broadcast_in_dim3A_10, %scan3A_299 = %broadcast_in_dim3A_10, %scan3A_300 = %broadcast_in_dim3A_10, %scan3A_301 = %broadcast_in_dim3A_10, %scan3A_302 = %broadcast_in_dim3A_10, %scan3A_303 = %broadcast_in_dim3A_10, %scan3A_304 = %broadcast_in_dim3A_10, %scan3A_305 = %broadcast_in_dim3A_10, %scan3A_306 = %broadcast_in_dim3A_10, %scan3A_307 = %broadcast_in_dim3A_10, %scan3A_308 = %broadcast_in_dim3A_10, %scan3A_309 = %broadcast_in_dim3A_10, %scan3A_310 = %broadcast_in_dim3A_10, %scan3A_311 = %broadcast_in_dim3A_10, %scan3A_312 = %broadcast_in_dim3A_10, %scan3A_313 = %broadcast_in_dim3A_10, %scan3A_314 = %broadcast_in_dim3A_10, %scan3A_315 = %broadcast_in_dim3A_10, %scan3A_316 = %broadcast_in_dim3A_10, %scan3A_317 = %broadcast_in_dim3A_10, %scan3A_318 = %broadcast_in_dim3A_10, %scan3A_319 = %broadcast_in_dim3A_10, %scan3A_320 = %broadcast_in_dim3A_10, %scan3A_321 = %broadcast_in_dim3A_10, %scan3A_322 = %broadcast_in_dim3A_10, %scan3A_323 = %broadcast_in_dim3A_10, %scan3A_324 = %broadcast_in_dim3A_10, %scan3A_325 = %broadcast_in_dim3A_10, %scan3A_326 = %broadcast_in_dim3A_10, %scan3A_327 = %broadcast_in_dim3A_10, %scan3A_328 = %broadcast_in_dim3A_10, %scan3A_329 = %broadcast_in_dim3A_10) -> (vector<16xf32>, vector<16xf32>, vector<16xf32>, vector<16xf32>, vector<16xf32>, vector<16xf32>, vector<16xf32>, vector<16xf32>, vector<16xf32>, vector<16xf32>, vector<16xf32>, vector<16xf32>, vector<16xf32>, vector<16xf32>, vector<16xf32>, vector<16xf32>, vector<16xf32>, vector<16xf32>, vector<16xf32>, vector<16xf32>, vector<16xf32>, vector<16xf32>, vector<16xf32>, vector<16xf32>, vector<16xf32>, vector<16xf32>, vector<16xf32>, vector<16xf32>, vector<16xf32>, vector<16xf32>, vector<16xf32>, vector<16xf32>, vector<16xf32>)  : i32 {
        %mul3A_330 = arith.constant 2 : i32
        %mul3A_331 = arith.muli %scan3A_296, %mul3A_330 : i32
        %add3A_332 = arith.constant 0 : i32
        %add3A_333 = arith.addi %mul3A_331, %add3A_332 : i32
        %mul3A_334 = arith.constant 16 : i32
        %mul3A_335 = arith.muli %add3A_333, %mul3A_334 : i32
        %multiple_of3A = tpu.assume_multiple %mul3A_335, 8 : i32
        %get3A_336 = arith.index_cast %scan3A_71 : i32 to index
        %get3A_337 = arith.index_cast %multiple_of3A : i32 to index
        %get3A_338 = tpu.vector_load %arg13[%get3A_336, %get3A_337] {strides = array<i32>} : memref<8x2600xi32, #tpu.memory_space<vmem>>, vector<16xi32>,
        %get3A_339 = arith.index_cast %multiple_of3A : i32 to index
        %get3A_340 = tpu.vector_load %arg10[%get3A_339] {strides = array<i32>} : memref<2600xf32, #tpu.memory_space<vmem>>, vector<16xf32>,
        %gather3A_341 = tpu.vector_load_idx %arg11[%get3A_338] : memref<2608xf32, #tpu.memory_space<vmem>>[vector<16xi32>], vector<16xf32>,
        %mul3A_342 = arith.mulf %gather3A_341, %get3A_340 : vector<16xf32>
        %add3A_343 = arith.addf %scan3A_329, %mul3A_342 : vector<16xf32>
        %gather3A_344 = tpu.vector_load_idx %arg9[%get3A_338] : memref<41616xf32, #tpu.memory_space<vmem>>[vector<16xi32>], vector<16xf32>,
        %add3A_345 = arith.addf %scan3A_297, %gather3A_344 : vector<16xf32>
        %mul3A_346 = arith.mulf %gather3A_344, %gather3A_344 : vector<16xf32>
        %add3A_347 = arith.addf %scan3A_313, %mul3A_346 : vector<16xf32>
        %add3A_348 = arith.constant 2601 : i32
        %add3A_349 = vector.broadcast %add3A_348 : i32 to vector<16xi32>
        %add3A_350 = arith.addi %get3A_338, %add3A_349 : vector<16xi32>
        %gather3A_351 = tpu.vector_load_idx %arg9[%add3A_350] : memref<41616xf32, #tpu.memory_space<vmem>>[vector<16xi32>], vector<16xf32>,
        %add3A_352 = arith.addf %scan3A_298, %gather3A_351 : vector<16xf32>
        %mul3A_353 = arith.mulf %gather3A_351, %gather3A_351 : vector<16xf32>
        %add3A_354 = arith.addf %scan3A_314, %mul3A_353 : vector<16xf32>
        %add3A_355 = arith.constant 2601 : i32
        %add3A_356 = vector.broadcast %add3A_355 : i32 to vector<16xi32>
        %add3A_357 = arith.addi %add3A_350, %add3A_356 : vector<16xi32>
        %gather3A_358 = tpu.vector_load_idx %arg9[%add3A_357] : memref<41616xf32, #tpu.memory_space<vmem>>[vector<16xi32>], vector<16xf32>,
        %add3A_359 = arith.addf %scan3A_299, %gather3A_358 : vector<16xf32>
        %mul3A_360 = arith.mulf %gather3A_358, %gather3A_358 : vector<16xf32>
        %add3A_361 = arith.addf %scan3A_315, %mul3A_360 : vector<16xf32>
        %add3A_362 = arith.constant 2601 : i32
        %add3A_363 = vector.broadcast %add3A_362 : i32 to vector<16xi32>
        %add3A_364 = arith.addi %add3A_357, %add3A_363 : vector<16xi32>
        %gather3A_365 = tpu.vector_load_idx %arg9[%add3A_364] : memref<41616xf32, #tpu.memory_space<vmem>>[vector<16xi32>], vector<16xf32>,
        %add3A_366 = arith.addf %scan3A_300, %gather3A_365 : vector<16xf32>
        %mul3A_367 = arith.mulf %gather3A_365, %gather3A_365 : vector<16xf32>
        %add3A_368 = arith.addf %scan3A_316, %mul3A_367 : vector<16xf32>
        %add3A_369 = arith.constant 2601 : i32
        %add3A_370 = vector.broadcast %add3A_369 : i32 to vector<16xi32>
        %add3A_371 = arith.addi %add3A_364, %add3A_370 : vector<16xi32>
        %gather3A_372 = tpu.vector_load_idx %arg9[%add3A_371] : memref<41616xf32, #tpu.memory_space<vmem>>[vector<16xi32>], vector<16xf32>,
        %add3A_373 = arith.addf %scan3A_301, %gather3A_372 : vector<16xf32>
        %mul3A_374 = arith.mulf %gather3A_372, %gather3A_372 : vector<16xf32>
        %add3A_375 = arith.addf %scan3A_317, %mul3A_374 : vector<16xf32>
        %add3A_376 = arith.constant 2601 : i32
        %add3A_377 = vector.broadcast %add3A_376 : i32 to vector<16xi32>
        %add3A_378 = arith.addi %add3A_371, %add3A_377 : vector<16xi32>
        %gather3A_379 = tpu.vector_load_idx %arg9[%add3A_378] : memref<41616xf32, #tpu.memory_space<vmem>>[vector<16xi32>], vector<16xf32>,
        %add3A_380 = arith.addf %scan3A_302, %gather3A_379 : vector<16xf32>
        %mul3A_381 = arith.mulf %gather3A_379, %gather3A_379 : vector<16xf32>
        %add3A_382 = arith.addf %scan3A_318, %mul3A_381 : vector<16xf32>
        %add3A_383 = arith.constant 2601 : i32
        %add3A_384 = vector.broadcast %add3A_383 : i32 to vector<16xi32>
        %add3A_385 = arith.addi %add3A_378, %add3A_384 : vector<16xi32>
        %gather3A_386 = tpu.vector_load_idx %arg9[%add3A_385] : memref<41616xf32, #tpu.memory_space<vmem>>[vector<16xi32>], vector<16xf32>,
        %add3A_387 = arith.addf %scan3A_303, %gather3A_386 : vector<16xf32>
        %mul3A_388 = arith.mulf %gather3A_386, %gather3A_386 : vector<16xf32>
        %add3A_389 = arith.addf %scan3A_319, %mul3A_388 : vector<16xf32>
        %add3A_390 = arith.constant 2601 : i32
        %add3A_391 = vector.broadcast %add3A_390 : i32 to vector<16xi32>
        %add3A_392 = arith.addi %add3A_385, %add3A_391 : vector<16xi32>
        %gather3A_393 = tpu.vector_load_idx %arg9[%add3A_392] : memref<41616xf32, #tpu.memory_space<vmem>>[vector<16xi32>], vector<16xf32>,
        %add3A_394 = arith.addf %scan3A_304, %gather3A_393 : vector<16xf32>
        %mul3A_395 = arith.mulf %gather3A_393, %gather3A_393 : vector<16xf32>
        %add3A_396 = arith.addf %scan3A_320, %mul3A_395 : vector<16xf32>
        %add3A_397 = arith.constant 2601 : i32
        %add3A_398 = vector.broadcast %add3A_397 : i32 to vector<16xi32>
        %add3A_399 = arith.addi %add3A_392, %add3A_398 : vector<16xi32>
        %gather3A_400 = tpu.vector_load_idx %arg9[%add3A_399] : memref<41616xf32, #tpu.memory_space<vmem>>[vector<16xi32>], vector<16xf32>,
        %add3A_401 = arith.addf %scan3A_305, %gather3A_400 : vector<16xf32>
        %mul3A_402 = arith.mulf %gather3A_400, %gather3A_400 : vector<16xf32>
        %add3A_403 = arith.addf %scan3A_321, %mul3A_402 : vector<16xf32>
        %add3A_404 = arith.constant 2601 : i32
        %add3A_405 = vector.broadcast %add3A_404 : i32 to vector<16xi32>
        %add3A_406 = arith.addi %add3A_399, %add3A_405 : vector<16xi32>
        %gather3A_407 = tpu.vector_load_idx %arg9[%add3A_406] : memref<41616xf32, #tpu.memory_space<vmem>>[vector<16xi32>], vector<16xf32>,
        %add3A_408 = arith.addf %scan3A_306, %gather3A_407 : vector<16xf32>
        %mul3A_409 = arith.mulf %gather3A_407, %gather3A_407 : vector<16xf32>
        %add3A_410 = arith.addf %scan3A_322, %mul3A_409 : vector<16xf32>
        %add3A_411 = arith.constant 2601 : i32
        %add3A_412 = vector.broadcast %add3A_411 : i32 to vector<16xi32>
        %add3A_413 = arith.addi %add3A_406, %add3A_412 : vector<16xi32>
        %gather3A_414 = tpu.vector_load_idx %arg9[%add3A_413] : memref<41616xf32, #tpu.memory_space<vmem>>[vector<16xi32>], vector<16xf32>,
        %add3A_415 = arith.addf %scan3A_307, %gather3A_414 : vector<16xf32>
        %mul3A_416 = arith.mulf %gather3A_414, %gather3A_414 : vector<16xf32>
        %add3A_417 = arith.addf %scan3A_323, %mul3A_416 : vector<16xf32>
        %add3A_418 = arith.constant 2601 : i32
        %add3A_419 = vector.broadcast %add3A_418 : i32 to vector<16xi32>
        %add3A_420 = arith.addi %add3A_413, %add3A_419 : vector<16xi32>
        %gather3A_421 = tpu.vector_load_idx %arg9[%add3A_420] : memref<41616xf32, #tpu.memory_space<vmem>>[vector<16xi32>], vector<16xf32>,
        %add3A_422 = arith.addf %scan3A_308, %gather3A_421 : vector<16xf32>
        %mul3A_423 = arith.mulf %gather3A_421, %gather3A_421 : vector<16xf32>
        %add3A_424 = arith.addf %scan3A_324, %mul3A_423 : vector<16xf32>
        %add3A_425 = arith.constant 2601 : i32
        %add3A_426 = vector.broadcast %add3A_425 : i32 to vector<16xi32>
        %add3A_427 = arith.addi %add3A_420, %add3A_426 : vector<16xi32>
        %gather3A_428 = tpu.vector_load_idx %arg9[%add3A_427] : memref<41616xf32, #tpu.memory_space<vmem>>[vector<16xi32>], vector<16xf32>,
        %add3A_429 = arith.addf %scan3A_309, %gather3A_428 : vector<16xf32>
        %mul3A_430 = arith.mulf %gather3A_428, %gather3A_428 : vector<16xf32>
        %add3A_431 = arith.addf %scan3A_325, %mul3A_430 : vector<16xf32>
        %add3A_432 = arith.constant 2601 : i32
        %add3A_433 = vector.broadcast %add3A_432 : i32 to vector<16xi32>
        %add3A_434 = arith.addi %add3A_427, %add3A_433 : vector<16xi32>
        %gather3A_435 = tpu.vector_load_idx %arg9[%add3A_434] : memref<41616xf32, #tpu.memory_space<vmem>>[vector<16xi32>], vector<16xf32>,
        %add3A_436 = arith.addf %scan3A_310, %gather3A_435 : vector<16xf32>
        %mul3A_437 = arith.mulf %gather3A_435, %gather3A_435 : vector<16xf32>
        %add3A_438 = arith.addf %scan3A_326, %mul3A_437 : vector<16xf32>
        %add3A_439 = arith.constant 2601 : i32
        %add3A_440 = vector.broadcast %add3A_439 : i32 to vector<16xi32>
        %add3A_441 = arith.addi %add3A_434, %add3A_440 : vector<16xi32>
        %gather3A_442 = tpu.vector_load_idx %arg9[%add3A_441] : memref<41616xf32, #tpu.memory_space<vmem>>[vector<16xi32>], vector<16xf32>,
        %add3A_443 = arith.addf %scan3A_311, %gather3A_442 : vector<16xf32>
        %mul3A_444 = arith.mulf %gather3A_442, %gather3A_442 : vector<16xf32>
        %add3A_445 = arith.addf %scan3A_327, %mul3A_444 : vector<16xf32>
        %add3A_446 = arith.constant 2601 : i32
        %add3A_447 = vector.broadcast %add3A_446 : i32 to vector<16xi32>
        %add3A_448 = arith.addi %add3A_441, %add3A_447 : vector<16xi32>
        %gather3A_449 = tpu.vector_load_idx %arg9[%add3A_448] : memref<41616xf32, #tpu.memory_space<vmem>>[vector<16xi32>], vector<16xf32>,
        %add3A_450 = arith.addf %scan3A_312, %gather3A_449 : vector<16xf32>
        %mul3A_451 = arith.mulf %gather3A_449, %gather3A_449 : vector<16xf32>
        %add3A_452 = arith.addf %scan3A_328, %mul3A_451 : vector<16xf32>
        %mul3A_453 = arith.constant 2 : i32
        %mul3A_454 = arith.muli %scan3A_296, %mul3A_453 : i32
        %add3A_455 = arith.constant 1 : i32
        %add3A_456 = arith.addi %mul3A_454, %add3A_455 : i32
        %mul3A_457 = arith.constant 16 : i32
        %mul3A_458 = arith.muli %add3A_456, %mul3A_457 : i32
        %multiple_of3A_459 = tpu.assume_multiple %mul3A_458, 8 : i32
        %get3A_460 = arith.index_cast %scan3A_71 : i32 to index
        %get3A_461 = arith.index_cast %multiple_of3A_459 : i32 to index
        %get3A_462 = tpu.vector_load %arg13[%get3A_460, %get3A_461] {strides = array<i32>} : memref<8x2600xi32, #tpu.memory_space<vmem>>, vector<16xi32>,
        %get3A_463 = arith.index_cast %multiple_of3A_459 : i32 to index
        %get3A_464 = tpu.vector_load %arg10[%get3A_463] {strides = array<i32>} : memref<2600xf32, #tpu.memory_space<vmem>>, vector<16xf32>,
        %gather3A_465 = tpu.vector_load_idx %arg11[%get3A_462] : memref<2608xf32, #tpu.memory_space<vmem>>[vector<16xi32>], vector<16xf32>,
        %mul3A_466 = arith.mulf %gather3A_465, %get3A_464 : vector<16xf32>
        %add3A_467 = arith.addf %add3A_343, %mul3A_466 : vector<16xf32>
        %gather3A_468 = tpu.vector_load_idx %arg9[%get3A_462] : memref<41616xf32, #tpu.memory_space<vmem>>[vector<16xi32>], vector<16xf32>,
        %add3A_469 = arith.addf %add3A_345, %gather3A_468 : vector<16xf32>
        %mul3A_470 = arith.mulf %gather3A_468, %gather3A_468 : vector<16xf32>
        %add3A_471 = arith.addf %add3A_347, %mul3A_470 : vector<16xf32>
        %add3A_472 = arith.constant 2601 : i32
        %add3A_473 = vector.broadcast %add3A_472 : i32 to vector<16xi32>
        %add3A_474 = arith.addi %get3A_462, %add3A_473 : vector<16xi32>
        %gather3A_475 = tpu.vector_load_idx %arg9[%add3A_474] : memref<41616xf32, #tpu.memory_space<vmem>>[vector<16xi32>], vector<16xf32>,
        %add3A_476 = arith.addf %add3A_352, %gather3A_475 : vector<16xf32>
        %mul3A_477 = arith.mulf %gather3A_475, %gather3A_475 : vector<16xf32>
        %add3A_478 = arith.addf %add3A_354, %mul3A_477 : vector<16xf32>
        %add3A_479 = arith.constant 2601 : i32
        %add3A_480 = vector.broadcast %add3A_479 : i32 to vector<16xi32>
        %add3A_481 = arith.addi %add3A_474, %add3A_480 : vector<16xi32>
        %gather3A_482 = tpu.vector_load_idx %arg9[%add3A_481] : memref<41616xf32, #tpu.memory_space<vmem>>[vector<16xi32>], vector<16xf32>,
        %add3A_483 = arith.addf %add3A_359, %gather3A_482 : vector<16xf32>
        %mul3A_484 = arith.mulf %gather3A_482, %gather3A_482 : vector<16xf32>
        %add3A_485 = arith.addf %add3A_361, %mul3A_484 : vector<16xf32>
        %add3A_486 = arith.constant 2601 : i32
        %add3A_487 = vector.broadcast %add3A_486 : i32 to vector<16xi32>
        %add3A_488 = arith.addi %add3A_481, %add3A_487 : vector<16xi32>
        %gather3A_489 = tpu.vector_load_idx %arg9[%add3A_488] : memref<41616xf32, #tpu.memory_space<vmem>>[vector<16xi32>], vector<16xf32>,
        %add3A_490 = arith.addf %add3A_366, %gather3A_489 : vector<16xf32>
        %mul3A_491 = arith.mulf %gather3A_489, %gather3A_489 : vector<16xf32>
        %add3A_492 = arith.addf %add3A_368, %mul3A_491 : vector<16xf32>
        %add3A_493 = arith.constant 2601 : i32
        %add3A_494 = vector.broadcast %add3A_493 : i32 to vector<16xi32>
        %add3A_495 = arith.addi %add3A_488, %add3A_494 : vector<16xi32>
        %gather3A_496 = tpu.vector_load_idx %arg9[%add3A_495] : memref<41616xf32, #tpu.memory_space<vmem>>[vector<16xi32>], vector<16xf32>,
        %add3A_497 = arith.addf %add3A_373, %gather3A_496 : vector<16xf32>
        %mul3A_498 = arith.mulf %gather3A_496, %gather3A_496 : vector<16xf32>
        %add3A_499 = arith.addf %add3A_375, %mul3A_498 : vector<16xf32>
        %add3A_500 = arith.constant 2601 : i32
        %add3A_501 = vector.broadcast %add3A_500 : i32 to vector<16xi32>
        %add3A_502 = arith.addi %add3A_495, %add3A_501 : vector<16xi32>
        %gather3A_503 = tpu.vector_load_idx %arg9[%add3A_502] : memref<41616xf32, #tpu.memory_space<vmem>>[vector<16xi32>], vector<16xf32>,
        %add3A_504 = arith.addf %add3A_380, %gather3A_503 : vector<16xf32>
        %mul3A_505 = arith.mulf %gather3A_503, %gather3A_503 : vector<16xf32>
        %add3A_506 = arith.addf %add3A_382, %mul3A_505 : vector<16xf32>
        %add3A_507 = arith.constant 2601 : i32
        %add3A_508 = vector.broadcast %add3A_507 : i32 to vector<16xi32>
        %add3A_509 = arith.addi %add3A_502, %add3A_508 : vector<16xi32>
        %gather3A_510 = tpu.vector_load_idx %arg9[%add3A_509] : memref<41616xf32, #tpu.memory_space<vmem>>[vector<16xi32>], vector<16xf32>,
        %add3A_511 = arith.addf %add3A_387, %gather3A_510 : vector<16xf32>
        %mul3A_512 = arith.mulf %gather3A_510, %gather3A_510 : vector<16xf32>
        %add3A_513 = arith.addf %add3A_389, %mul3A_512 : vector<16xf32>
        %add3A_514 = arith.constant 2601 : i32
        %add3A_515 = vector.broadcast %add3A_514 : i32 to vector<16xi32>
        %add3A_516 = arith.addi %add3A_509, %add3A_515 : vector<16xi32>
        %gather3A_517 = tpu.vector_load_idx %arg9[%add3A_516] : memref<41616xf32, #tpu.memory_space<vmem>>[vector<16xi32>], vector<16xf32>,
        %add3A_518 = arith.addf %add3A_394, %gather3A_517 : vector<16xf32>
        %mul3A_519 = arith.mulf %gather3A_517, %gather3A_517 : vector<16xf32>
        %add3A_520 = arith.addf %add3A_396, %mul3A_519 : vector<16xf32>
        %add3A_521 = arith.constant 2601 : i32
        %add3A_522 = vector.broadcast %add3A_521 : i32 to vector<16xi32>
        %add3A_523 = arith.addi %add3A_516, %add3A_522 : vector<16xi32>
        %gather3A_524 = tpu.vector_load_idx %arg9[%add3A_523] : memref<41616xf32, #tpu.memory_space<vmem>>[vector<16xi32>], vector<16xf32>,
        %add3A_525 = arith.addf %add3A_401, %gather3A_524 : vector<16xf32>
        %mul3A_526 = arith.mulf %gather3A_524, %gather3A_524 : vector<16xf32>
        %add3A_527 = arith.addf %add3A_403, %mul3A_526 : vector<16xf32>
        %add3A_528 = arith.constant 2601 : i32
        %add3A_529 = vector.broadcast %add3A_528 : i32 to vector<16xi32>
        %add3A_530 = arith.addi %add3A_523, %add3A_529 : vector<16xi32>
        %gather3A_531 = tpu.vector_load_idx %arg9[%add3A_530] : memref<41616xf32, #tpu.memory_space<vmem>>[vector<16xi32>], vector<16xf32>,
        %add3A_532 = arith.addf %add3A_408, %gather3A_531 : vector<16xf32>
        %mul3A_533 = arith.mulf %gather3A_531, %gather3A_531 : vector<16xf32>
        %add3A_534 = arith.addf %add3A_410, %mul3A_533 : vector<16xf32>
        %add3A_535 = arith.constant 2601 : i32
        %add3A_536 = vector.broadcast %add3A_535 : i32 to vector<16xi32>
        %add3A_537 = arith.addi %add3A_530, %add3A_536 : vector<16xi32>
        %gather3A_538 = tpu.vector_load_idx %arg9[%add3A_537] : memref<41616xf32, #tpu.memory_space<vmem>>[vector<16xi32>], vector<16xf32>,
        %add3A_539 = arith.addf %add3A_415, %gather3A_538 : vector<16xf32>
        %mul3A_540 = arith.mulf %gather3A_538, %gather3A_538 : vector<16xf32>
        %add3A_541 = arith.addf %add3A_417, %mul3A_540 : vector<16xf32>
        %add3A_542 = arith.constant 2601 : i32
        %add3A_543 = vector.broadcast %add3A_542 : i32 to vector<16xi32>
        %add3A_544 = arith.addi %add3A_537, %add3A_543 : vector<16xi32>
        %gather3A_545 = tpu.vector_load_idx %arg9[%add3A_544] : memref<41616xf32, #tpu.memory_space<vmem>>[vector<16xi32>], vector<16xf32>,
        %add3A_546 = arith.addf %add3A_422, %gather3A_545 : vector<16xf32>
        %mul3A_547 = arith.mulf %gather3A_545, %gather3A_545 : vector<16xf32>
        %add3A_548 = arith.addf %add3A_424, %mul3A_547 : vector<16xf32>
        %add3A_549 = arith.constant 2601 : i32
        %add3A_550 = vector.broadcast %add3A_549 : i32 to vector<16xi32>
        %add3A_551 = arith.addi %add3A_544, %add3A_550 : vector<16xi32>
        %gather3A_552 = tpu.vector_load_idx %arg9[%add3A_551] : memref<41616xf32, #tpu.memory_space<vmem>>[vector<16xi32>], vector<16xf32>,
        %add3A_553 = arith.addf %add3A_429, %gather3A_552 : vector<16xf32>
        %mul3A_554 = arith.mulf %gather3A_552, %gather3A_552 : vector<16xf32>
        %add3A_555 = arith.addf %add3A_431, %mul3A_554 : vector<16xf32>
        %add3A_556 = arith.constant 2601 : i32
        %add3A_557 = vector.broadcast %add3A_556 : i32 to vector<16xi32>
        %add3A_558 = arith.addi %add3A_551, %add3A_557 : vector<16xi32>
        %gather3A_559 = tpu.vector_load_idx %arg9[%add3A_558] : memref<41616xf32, #tpu.memory_space<vmem>>[vector<16xi32>], vector<16xf32>,
        %add3A_560 = arith.addf %add3A_436, %gather3A_559 : vector<16xf32>
        %mul3A_561 = arith.mulf %gather3A_559, %gather3A_559 : vector<16xf32>
        %add3A_562 = arith.addf %add3A_438, %mul3A_561 : vector<16xf32>
        %add3A_563 = arith.constant 2601 : i32
        %add3A_564 = vector.broadcast %add3A_563 : i32 to vector<16xi32>
        %add3A_565 = arith.addi %add3A_558, %add3A_564 : vector<16xi32>
        %gather3A_566 = tpu.vector_load_idx %arg9[%add3A_565] : memref<41616xf32, #tpu.memory_space<vmem>>[vector<16xi32>], vector<16xf32>,
        %add3A_567 = arith.addf %add3A_443, %gather3A_566 : vector<16xf32>
        %mul3A_568 = arith.mulf %gather3A_566, %gather3A_566 : vector<16xf32>
        %add3A_569 = arith.addf %add3A_445, %mul3A_568 : vector<16xf32>
        %add3A_570 = arith.constant 2601 : i32
        %add3A_571 = vector.broadcast %add3A_570 : i32 to vector<16xi32>
        %add3A_572 = arith.addi %add3A_565, %add3A_571 : vector<16xi32>
        %gather3A_573 = tpu.vector_load_idx %arg9[%add3A_572] : memref<41616xf32, #tpu.memory_space<vmem>>[vector<16xi32>], vector<16xf32>,
        %add3A_574 = arith.addf %add3A_450, %gather3A_573 : vector<16xf32>
        %mul3A_575 = arith.mulf %gather3A_573, %gather3A_573 : vector<16xf32>
        %add3A_576 = arith.addf %add3A_452, %mul3A_575 : vector<16xf32>
        scf.yield %add3A_469, %add3A_476, %add3A_483, %add3A_490, %add3A_497, %add3A_504, %add3A_511, %add3A_518, %add3A_525, %add3A_532, %add3A_539, %add3A_546, %add3A_553, %add3A_560, %add3A_567, %add3A_574, %add3A_471, %add3A_478, %add3A_485, %add3A_492, %add3A_499, %add3A_506, %add3A_513, %add3A_520, %add3A_527, %add3A_534, %add3A_541, %add3A_548, %add3A_555, %add3A_562, %add3A_569, %add3A_576, %add3A_467 : vector<16xf32>, vector<16xf32>, vector<16xf32>, vector<16xf32>, vector<16xf32>, vector<16xf32>, vector<16xf32>, vector<16xf32>, vector<16xf32>, vector<16xf32>, vector<16xf32>, vector<16xf32>, vector<16xf32>, vector<16xf32>, vector<16xf32>, vector<16xf32>, vector<16xf32>, vector<16xf32>, vector<16xf32>, vector<16xf32>, vector<16xf32>, vector<16xf32>, vector<16xf32>, vector<16xf32>, vector<16xf32>, vector<16xf32>, vector<16xf32>, vector<16xf32>, vector<16xf32>, vector<16xf32>, vector<16xf32>, vector<16xf32>, vector<16xf32>
      }
      %scan3A_80 = arith.constant 81 : i32
      %get3A = arith.index_cast %scan3A_71 : i32 to index
      %get3A_81 = arith.constant 2584 : index
      %get3A_82 = tpu.vector_load %arg13[%get3A, %get3A_81] {strides = array<i32>} : memref<8x2600xi32, #tpu.memory_space<vmem>>, vector<16xi32>,
      %select_n3A = arith.select %ge3A_7, %get3A_82, %broadcast_in_dim3A_8 : vector<16xi1>, vector<16xi32>
      %get3A_83 = arith.constant 2584 : index
      %get3A_84 = tpu.vector_load %arg10[%get3A_83] {strides = array<i32>} : memref<2600xf32, #tpu.memory_space<vmem>>, vector<16xf32>,
      %select_n3A_85 = arith.select %ge3A_7, %get3A_84, %broadcast_in_dim3A_10 : vector<16xi1>, vector<16xf32>
      %gather3A = tpu.vector_load_idx %arg11[%select_n3A] : memref<2608xf32, #tpu.memory_space<vmem>>[vector<16xi32>], vector<16xf32>,
      %mul3A_86 = arith.mulf %gather3A, %select_n3A_85 : vector<16xf32>
      %add3A_87 = arith.addf %scan3A_79#32, %mul3A_86 : vector<16xf32>
      %gather3A_88 = tpu.vector_load_idx %arg9[%select_n3A] : memref<41616xf32, #tpu.memory_space<vmem>>[vector<16xi32>], vector<16xf32>,
      %add3A_89 = arith.addf %scan3A_79#0, %gather3A_88 : vector<16xf32>
      %mul3A_90 = arith.mulf %gather3A_88, %gather3A_88 : vector<16xf32>
      %add3A_91 = arith.addf %scan3A_79#16, %mul3A_90 : vector<16xf32>
      %add3A_92 = arith.constant 2601 : i32
      %add3A_93 = vector.broadcast %add3A_92 : i32 to vector<16xi32>
      %add3A_94 = arith.addi %select_n3A, %add3A_93 : vector<16xi32>
      %gather3A_95 = tpu.vector_load_idx %arg9[%add3A_94] : memref<41616xf32, #tpu.memory_space<vmem>>[vector<16xi32>], vector<16xf32>,
      %add3A_96 = arith.addf %scan3A_79#1, %gather3A_95 : vector<16xf32>
      %mul3A_97 = arith.mulf %gather3A_95, %gather3A_95 : vector<16xf32>
      %add3A_98 = arith.addf %scan3A_79#17, %mul3A_97 : vector<16xf32>
      %add3A_99 = arith.constant 2601 : i32
      %add3A_100 = vector.broadcast %add3A_99 : i32 to vector<16xi32>
      %add3A_101 = arith.addi %add3A_94, %add3A_100 : vector<16xi32>
      %gather3A_102 = tpu.vector_load_idx %arg9[%add3A_101] : memref<41616xf32, #tpu.memory_space<vmem>>[vector<16xi32>], vector<16xf32>,
      %add3A_103 = arith.addf %scan3A_79#2, %gather3A_102 : vector<16xf32>
      %mul3A_104 = arith.mulf %gather3A_102, %gather3A_102 : vector<16xf32>
      %add3A_105 = arith.addf %scan3A_79#18, %mul3A_104 : vector<16xf32>
      %add3A_106 = arith.constant 2601 : i32
      %add3A_107 = vector.broadcast %add3A_106 : i32 to vector<16xi32>
      %add3A_108 = arith.addi %add3A_101, %add3A_107 : vector<16xi32>
      %gather3A_109 = tpu.vector_load_idx %arg9[%add3A_108] : memref<41616xf32, #tpu.memory_space<vmem>>[vector<16xi32>], vector<16xf32>,
      %add3A_110 = arith.addf %scan3A_79#3, %gather3A_109 : vector<16xf32>
      %mul3A_111 = arith.mulf %gather3A_109, %gather3A_109 : vector<16xf32>
      %add3A_112 = arith.addf %scan3A_79#19, %mul3A_111 : vector<16xf32>
      %add3A_113 = arith.constant 2601 : i32
      %add3A_114 = vector.broadcast %add3A_113 : i32 to vector<16xi32>
      %add3A_115 = arith.addi %add3A_108, %add3A_114 : vector<16xi32>
      %gather3A_116 = tpu.vector_load_idx %arg9[%add3A_115] : memref<41616xf32, #tpu.memory_space<vmem>>[vector<16xi32>], vector<16xf32>,
      %add3A_117 = arith.addf %scan3A_79#4, %gather3A_116 : vector<16xf32>
      %mul3A_118 = arith.mulf %gather3A_116, %gather3A_116 : vector<16xf32>
      %add3A_119 = arith.addf %scan3A_79#20, %mul3A_118 : vector<16xf32>
      %add3A_120 = arith.constant 2601 : i32
      %add3A_121 = vector.broadcast %add3A_120 : i32 to vector<16xi32>
      %add3A_122 = arith.addi %add3A_115, %add3A_121 : vector<16xi32>
      %gather3A_123 = tpu.vector_load_idx %arg9[%add3A_122] : memref<41616xf32, #tpu.memory_space<vmem>>[vector<16xi32>], vector<16xf32>,
      %add3A_124 = arith.addf %scan3A_79#5, %gather3A_123 : vector<16xf32>
      %mul3A_125 = arith.mulf %gather3A_123, %gather3A_123 : vector<16xf32>
      %add3A_126 = arith.addf %scan3A_79#21, %mul3A_125 : vector<16xf32>
      %add3A_127 = arith.constant 2601 : i32
      %add3A_128 = vector.broadcast %add3A_127 : i32 to vector<16xi32>
      %add3A_129 = arith.addi %add3A_122, %add3A_128 : vector<16xi32>
      %gather3A_130 = tpu.vector_load_idx %arg9[%add3A_129] : memref<41616xf32, #tpu.memory_space<vmem>>[vector<16xi32>], vector<16xf32>,
      %add3A_131 = arith.addf %scan3A_79#6, %gather3A_130 : vector<16xf32>
      %mul3A_132 = arith.mulf %gather3A_130, %gather3A_130 : vector<16xf32>
      %add3A_133 = arith.addf %scan3A_79#22, %mul3A_132 : vector<16xf32>
      %add3A_134 = arith.constant 2601 : i32
      %add3A_135 = vector.broadcast %add3A_134 : i32 to vector<16xi32>
      %add3A_136 = arith.addi %add3A_129, %add3A_135 : vector<16xi32>
      %gather3A_137 = tpu.vector_load_idx %arg9[%add3A_136] : memref<41616xf32, #tpu.memory_space<vmem>>[vector<16xi32>], vector<16xf32>,
      %add3A_138 = arith.addf %scan3A_79#7, %gather3A_137 : vector<16xf32>
      %mul3A_139 = arith.mulf %gather3A_137, %gather3A_137 : vector<16xf32>
      %add3A_140 = arith.addf %scan3A_79#23, %mul3A_139 : vector<16xf32>
      %add3A_141 = arith.constant 2601 : i32
      %add3A_142 = vector.broadcast %add3A_141 : i32 to vector<16xi32>
      %add3A_143 = arith.addi %add3A_136, %add3A_142 : vector<16xi32>
      %gather3A_144 = tpu.vector_load_idx %arg9[%add3A_143] : memref<41616xf32, #tpu.memory_space<vmem>>[vector<16xi32>], vector<16xf32>,
      %add3A_145 = arith.addf %scan3A_79#8, %gather3A_144 : vector<16xf32>
      %mul3A_146 = arith.mulf %gather3A_144, %gather3A_144 : vector<16xf32>
      %add3A_147 = arith.addf %scan3A_79#24, %mul3A_146 : vector<16xf32>
      %add3A_148 = arith.constant 2601 : i32
      %add3A_149 = vector.broadcast %add3A_148 : i32 to vector<16xi32>
      %add3A_150 = arith.addi %add3A_143, %add3A_149 : vector<16xi32>
      %gather3A_151 = tpu.vector_load_idx %arg9[%add3A_150] : memref<41616xf32, #tpu.memory_space<vmem>>[vector<16xi32>], vector<16xf32>,
      %add3A_152 = arith.addf %scan3A_79#9, %gather3A_151 : vector<16xf32>
      %mul3A_153 = arith.mulf %gather3A_151, %gather3A_151 : vector<16xf32>
      %add3A_154 = arith.addf %scan3A_79#25, %mul3A_153 : vector<16xf32>
      %add3A_155 = arith.constant 2601 : i32
      %add3A_156 = vector.broadcast %add3A_155 : i32 to vector<16xi32>
      %add3A_157 = arith.addi %add3A_150, %add3A_156 : vector<16xi32>
      %gather3A_158 = tpu.vector_load_idx %arg9[%add3A_157] : memref<41616xf32, #tpu.memory_space<vmem>>[vector<16xi32>], vector<16xf32>,
      %add3A_159 = arith.addf %scan3A_79#10, %gather3A_158 : vector<16xf32>
      %mul3A_160 = arith.mulf %gather3A_158, %gather3A_158 : vector<16xf32>
      %add3A_161 = arith.addf %scan3A_79#26, %mul3A_160 : vector<16xf32>
      %add3A_162 = arith.constant 2601 : i32
      %add3A_163 = vector.broadcast %add3A_162 : i32 to vector<16xi32>
      %add3A_164 = arith.addi %add3A_157, %add3A_163 : vector<16xi32>
      %gather3A_165 = tpu.vector_load_idx %arg9[%add3A_164] : memref<41616xf32, #tpu.memory_space<vmem>>[vector<16xi32>], vector<16xf32>,
      %add3A_166 = arith.addf %scan3A_79#11, %gather3A_165 : vector<16xf32>
      %mul3A_167 = arith.mulf %gather3A_165, %gather3A_165 : vector<16xf32>
      %add3A_168 = arith.addf %scan3A_79#27, %mul3A_167 : vector<16xf32>
      %add3A_169 = arith.constant 2601 : i32
      %add3A_170 = vector.broadcast %add3A_169 : i32 to vector<16xi32>
      %add3A_171 = arith.addi %add3A_164, %add3A_170 : vector<16xi32>
      %gather3A_172 = tpu.vector_load_idx %arg9[%add3A_171] : memref<41616xf32, #tpu.memory_space<vmem>>[vector<16xi32>], vector<16xf32>,
      %add3A_173 = arith.addf %scan3A_79#12, %gather3A_172 : vector<16xf32>
      %mul3A_174 = arith.mulf %gather3A_172, %gather3A_172 : vector<16xf32>
      %add3A_175 = arith.addf %scan3A_79#28, %mul3A_174 : vector<16xf32>
      %add3A_176 = arith.constant 2601 : i32
      %add3A_177 = vector.broadcast %add3A_176 : i32 to vector<16xi32>
      %add3A_178 = arith.addi %add3A_171, %add3A_177 : vector<16xi32>
      %gather3A_179 = tpu.vector_load_idx %arg9[%add3A_178] : memref<41616xf32, #tpu.memory_space<vmem>>[vector<16xi32>], vector<16xf32>,
      %add3A_180 = arith.addf %scan3A_79#13, %gather3A_179 : vector<16xf32>
      %mul3A_181 = arith.mulf %gather3A_179, %gather3A_179 : vector<16xf32>
      %add3A_182 = arith.addf %scan3A_79#29, %mul3A_181 : vector<16xf32>
      %add3A_183 = arith.constant 2601 : i32
      %add3A_184 = vector.broadcast %add3A_183 : i32 to vector<16xi32>
      %add3A_185 = arith.addi %add3A_178, %add3A_184 : vector<16xi32>
      %gather3A_186 = tpu.vector_load_idx %arg9[%add3A_185] : memref<41616xf32, #tpu.memory_space<vmem>>[vector<16xi32>], vector<16xf32>,
      %add3A_187 = arith.addf %scan3A_79#14, %gather3A_186 : vector<16xf32>
      %mul3A_188 = arith.mulf %gather3A_186, %gather3A_186 : vector<16xf32>
      %add3A_189 = arith.addf %scan3A_79#30, %mul3A_188 : vector<16xf32>
      %add3A_190 = arith.constant 2601 : i32
      %add3A_191 = vector.broadcast %add3A_190 : i32 to vector<16xi32>
      %add3A_192 = arith.addi %add3A_185, %add3A_191 : vector<16xi32>
      %gather3A_193 = tpu.vector_load_idx %arg9[%add3A_192] : memref<41616xf32, #tpu.memory_space<vmem>>[vector<16xi32>], vector<16xf32>,
      %add3A_194 = arith.addf %scan3A_79#15, %gather3A_193 : vector<16xf32>
      %mul3A_195 = arith.mulf %gather3A_193, %gather3A_193 : vector<16xf32>
      %add3A_196 = arith.addf %scan3A_79#31, %mul3A_195 : vector<16xf32>
      %swap3A = arith.index_cast %add3A_74 : i32 to index
      %swap3A_197 = arith.constant 0 : index
      %swap3A_198 = tpu.vector_load %arg14[%swap3A, %swap3A_197] {strides = array<i32>} : memref<32x256xf32, #tpu.memory_space<vmem>>, vector<16xf32>,
      tpu.vector_store %arg14[%swap3A, %swap3A_197], %add3A_89 {strides = array<i32>} : memref<32x256xf32, #tpu.memory_space<vmem>>, vector<16xf32>,
      %swap3A_199 = arith.index_cast %add3A_74 : i32 to index
      %swap3A_200 = arith.constant 0 : index
      %swap3A_201 = tpu.vector_load %arg15[%swap3A_199, %swap3A_200] {strides = array<i32>} : memref<32x256xf32, #tpu.memory_space<vmem>>, vector<16xf32>,
      tpu.vector_store %arg15[%swap3A_199, %swap3A_200], %add3A_91 {strides = array<i32>} : memref<32x256xf32, #tpu.memory_space<vmem>>, vector<16xf32>,
      %swap3A_202 = arith.index_cast %add3A_74 : i32 to index
      %swap3A_203 = arith.constant 16 : index
      %swap3A_204 = tpu.vector_load %arg14[%swap3A_202, %swap3A_203] {strides = array<i32>} : memref<32x256xf32, #tpu.memory_space<vmem>>, vector<16xf32>,
      tpu.vector_store %arg14[%swap3A_202, %swap3A_203], %add3A_96 {strides = array<i32>} : memref<32x256xf32, #tpu.memory_space<vmem>>, vector<16xf32>,
      %swap3A_205 = arith.index_cast %add3A_74 : i32 to index
      %swap3A_206 = arith.constant 16 : index
      %swap3A_207 = tpu.vector_load %arg15[%swap3A_205, %swap3A_206] {strides = array<i32>} : memref<32x256xf32, #tpu.memory_space<vmem>>, vector<16xf32>,
      tpu.vector_store %arg15[%swap3A_205, %swap3A_206], %add3A_98 {strides = array<i32>} : memref<32x256xf32, #tpu.memory_space<vmem>>, vector<16xf32>,
      %swap3A_208 = arith.index_cast %add3A_74 : i32 to index
      %swap3A_209 = arith.constant 32 : index
      %swap3A_210 = tpu.vector_load %arg14[%swap3A_208, %swap3A_209] {strides = array<i32>} : memref<32x256xf32, #tpu.memory_space<vmem>>, vector<16xf32>,
      tpu.vector_store %arg14[%swap3A_208, %swap3A_209], %add3A_103 {strides = array<i32>} : memref<32x256xf32, #tpu.memory_space<vmem>>, vector<16xf32>,
      %swap3A_211 = arith.index_cast %add3A_74 : i32 to index
      %swap3A_212 = arith.constant 32 : index
      %swap3A_213 = tpu.vector_load %arg15[%swap3A_211, %swap3A_212] {strides = array<i32>} : memref<32x256xf32, #tpu.memory_space<vmem>>, vector<16xf32>,
      tpu.vector_store %arg15[%swap3A_211, %swap3A_212], %add3A_105 {strides = array<i32>} : memref<32x256xf32, #tpu.memory_space<vmem>>, vector<16xf32>,
      %swap3A_214 = arith.index_cast %add3A_74 : i32 to index
      %swap3A_215 = arith.constant 48 : index
      %swap3A_216 = tpu.vector_load %arg14[%swap3A_214, %swap3A_215] {strides = array<i32>} : memref<32x256xf32, #tpu.memory_space<vmem>>, vector<16xf32>,
      tpu.vector_store %arg14[%swap3A_214, %swap3A_215], %add3A_110 {strides = array<i32>} : memref<32x256xf32, #tpu.memory_space<vmem>>, vector<16xf32>,
      %swap3A_217 = arith.index_cast %add3A_74 : i32 to index
      %swap3A_218 = arith.constant 48 : index
      %swap3A_219 = tpu.vector_load %arg15[%swap3A_217, %swap3A_218] {strides = array<i32>} : memref<32x256xf32, #tpu.memory_space<vmem>>, vector<16xf32>,
      tpu.vector_store %arg15[%swap3A_217, %swap3A_218], %add3A_112 {strides = array<i32>} : memref<32x256xf32, #tpu.memory_space<vmem>>, vector<16xf32>,
      %swap3A_220 = arith.index_cast %add3A_74 : i32 to index
      %swap3A_221 = arith.constant 64 : index
      %swap3A_222 = tpu.vector_load %arg14[%swap3A_220, %swap3A_221] {strides = array<i32>} : memref<32x256xf32, #tpu.memory_space<vmem>>, vector<16xf32>,
      tpu.vector_store %arg14[%swap3A_220, %swap3A_221], %add3A_117 {strides = array<i32>} : memref<32x256xf32, #tpu.memory_space<vmem>>, vector<16xf32>,
      %swap3A_223 = arith.index_cast %add3A_74 : i32 to index
      %swap3A_224 = arith.constant 64 : index
      %swap3A_225 = tpu.vector_load %arg15[%swap3A_223, %swap3A_224] {strides = array<i32>} : memref<32x256xf32, #tpu.memory_space<vmem>>, vector<16xf32>,
      tpu.vector_store %arg15[%swap3A_223, %swap3A_224], %add3A_119 {strides = array<i32>} : memref<32x256xf32, #tpu.memory_space<vmem>>, vector<16xf32>,
      %swap3A_226 = arith.index_cast %add3A_74 : i32 to index
      %swap3A_227 = arith.constant 80 : index
      %swap3A_228 = tpu.vector_load %arg14[%swap3A_226, %swap3A_227] {strides = array<i32>} : memref<32x256xf32, #tpu.memory_space<vmem>>, vector<16xf32>,
      tpu.vector_store %arg14[%swap3A_226, %swap3A_227], %add3A_124 {strides = array<i32>} : memref<32x256xf32, #tpu.memory_space<vmem>>, vector<16xf32>,
      %swap3A_229 = arith.index_cast %add3A_74 : i32 to index
      %swap3A_230 = arith.constant 80 : index
      %swap3A_231 = tpu.vector_load %arg15[%swap3A_229, %swap3A_230] {strides = array<i32>} : memref<32x256xf32, #tpu.memory_space<vmem>>, vector<16xf32>,
      tpu.vector_store %arg15[%swap3A_229, %swap3A_230], %add3A_126 {strides = array<i32>} : memref<32x256xf32, #tpu.memory_space<vmem>>, vector<16xf32>,
      %swap3A_232 = arith.index_cast %add3A_74 : i32 to index
      %swap3A_233 = arith.constant 96 : index
      %swap3A_234 = tpu.vector_load %arg14[%swap3A_232, %swap3A_233] {strides = array<i32>} : memref<32x256xf32, #tpu.memory_space<vmem>>, vector<16xf32>,
      tpu.vector_store %arg14[%swap3A_232, %swap3A_233], %add3A_131 {strides = array<i32>} : memref<32x256xf32, #tpu.memory_space<vmem>>, vector<16xf32>,
      %swap3A_235 = arith.index_cast %add3A_74 : i32 to index
      %swap3A_236 = arith.constant 96 : index
      %swap3A_237 = tpu.vector_load %arg15[%swap3A_235, %swap3A_236] {strides = array<i32>} : memref<32x256xf32, #tpu.memory_space<vmem>>, vector<16xf32>,
      tpu.vector_store %arg15[%swap3A_235, %swap3A_236], %add3A_133 {strides = array<i32>} : memref<32x256xf32, #tpu.memory_space<vmem>>, vector<16xf32>,
      %swap3A_238 = arith.index_cast %add3A_74 : i32 to index
      %swap3A_239 = arith.constant 112 : index
      %swap3A_240 = tpu.vector_load %arg14[%swap3A_238, %swap3A_239] {strides = array<i32>} : memref<32x256xf32, #tpu.memory_space<vmem>>, vector<16xf32>,
      tpu.vector_store %arg14[%swap3A_238, %swap3A_239], %add3A_138 {strides = array<i32>} : memref<32x256xf32, #tpu.memory_space<vmem>>, vector<16xf32>,
      %swap3A_241 = arith.index_cast %add3A_74 : i32 to index
      %swap3A_242 = arith.constant 112 : index
      %swap3A_243 = tpu.vector_load %arg15[%swap3A_241, %swap3A_242] {strides = array<i32>} : memref<32x256xf32, #tpu.memory_space<vmem>>, vector<16xf32>,
      tpu.vector_store %arg15[%swap3A_241, %swap3A_242], %add3A_140 {strides = array<i32>} : memref<32x256xf32, #tpu.memory_space<vmem>>, vector<16xf32>,
      %swap3A_244 = arith.index_cast %add3A_74 : i32 to index
      %swap3A_245 = arith.constant 128 : index
      %swap3A_246 = tpu.vector_load %arg14[%swap3A_244, %swap3A_245] {strides = array<i32>} : memref<32x256xf32, #tpu.memory_space<vmem>>, vector<16xf32>,
      tpu.vector_store %arg14[%swap3A_244, %swap3A_245], %add3A_145 {strides = array<i32>} : memref<32x256xf32, #tpu.memory_space<vmem>>, vector<16xf32>,
      %swap3A_247 = arith.index_cast %add3A_74 : i32 to index
      %swap3A_248 = arith.constant 128 : index
      %swap3A_249 = tpu.vector_load %arg15[%swap3A_247, %swap3A_248] {strides = array<i32>} : memref<32x256xf32, #tpu.memory_space<vmem>>, vector<16xf32>,
      tpu.vector_store %arg15[%swap3A_247, %swap3A_248], %add3A_147 {strides = array<i32>} : memref<32x256xf32, #tpu.memory_space<vmem>>, vector<16xf32>,
      %swap3A_250 = arith.index_cast %add3A_74 : i32 to index
      %swap3A_251 = arith.constant 144 : index
      %swap3A_252 = tpu.vector_load %arg14[%swap3A_250, %swap3A_251] {strides = array<i32>} : memref<32x256xf32, #tpu.memory_space<vmem>>, vector<16xf32>,
      tpu.vector_store %arg14[%swap3A_250, %swap3A_251], %add3A_152 {strides = array<i32>} : memref<32x256xf32, #tpu.memory_space<vmem>>, vector<16xf32>,
      %swap3A_253 = arith.index_cast %add3A_74 : i32 to index
      %swap3A_254 = arith.constant 144 : index
      %swap3A_255 = tpu.vector_load %arg15[%swap3A_253, %swap3A_254] {strides = array<i32>} : memref<32x256xf32, #tpu.memory_space<vmem>>, vector<16xf32>,
      tpu.vector_store %arg15[%swap3A_253, %swap3A_254], %add3A_154 {strides = array<i32>} : memref<32x256xf32, #tpu.memory_space<vmem>>, vector<16xf32>,
      %swap3A_256 = arith.index_cast %add3A_74 : i32 to index
      %swap3A_257 = arith.constant 160 : index
      %swap3A_258 = tpu.vector_load %arg14[%swap3A_256, %swap3A_257] {strides = array<i32>} : memref<32x256xf32, #tpu.memory_space<vmem>>, vector<16xf32>,
      tpu.vector_store %arg14[%swap3A_256, %swap3A_257], %add3A_159 {strides = array<i32>} : memref<32x256xf32, #tpu.memory_space<vmem>>, vector<16xf32>,
      %swap3A_259 = arith.index_cast %add3A_74 : i32 to index
      %swap3A_260 = arith.constant 160 : index
      %swap3A_261 = tpu.vector_load %arg15[%swap3A_259, %swap3A_260] {strides = array<i32>} : memref<32x256xf32, #tpu.memory_space<vmem>>, vector<16xf32>,
      tpu.vector_store %arg15[%swap3A_259, %swap3A_260], %add3A_161 {strides = array<i32>} : memref<32x256xf32, #tpu.memory_space<vmem>>, vector<16xf32>,
      %swap3A_262 = arith.index_cast %add3A_74 : i32 to index
      %swap3A_263 = arith.constant 176 : index
      %swap3A_264 = tpu.vector_load %arg14[%swap3A_262, %swap3A_263] {strides = array<i32>} : memref<32x256xf32, #tpu.memory_space<vmem>>, vector<16xf32>,
      tpu.vector_store %arg14[%swap3A_262, %swap3A_263], %add3A_166 {strides = array<i32>} : memref<32x256xf32, #tpu.memory_space<vmem>>, vector<16xf32>,
      %swap3A_265 = arith.index_cast %add3A_74 : i32 to index
      %swap3A_266 = arith.constant 176 : index
      %swap3A_267 = tpu.vector_load %arg15[%swap3A_265, %swap3A_266] {strides = array<i32>} : memref<32x256xf32, #tpu.memory_space<vmem>>, vector<16xf32>,
      tpu.vector_store %arg15[%swap3A_265, %swap3A_266], %add3A_168 {strides = array<i32>} : memref<32x256xf32, #tpu.memory_space<vmem>>, vector<16xf32>,
      %swap3A_268 = arith.index_cast %add3A_74 : i32 to index
      %swap3A_269 = arith.constant 192 : index
      %swap3A_270 = tpu.vector_load %arg14[%swap3A_268, %swap3A_269] {strides = array<i32>} : memref<32x256xf32, #tpu.memory_space<vmem>>, vector<16xf32>,
      tpu.vector_store %arg14[%swap3A_268, %swap3A_269], %add3A_173 {strides = array<i32>} : memref<32x256xf32, #tpu.memory_space<vmem>>, vector<16xf32>,
      %swap3A_271 = arith.index_cast %add3A_74 : i32 to index
      %swap3A_272 = arith.constant 192 : index
      %swap3A_273 = tpu.vector_load %arg15[%swap3A_271, %swap3A_272] {strides = array<i32>} : memref<32x256xf32, #tpu.memory_space<vmem>>, vector<16xf32>,
      tpu.vector_store %arg15[%swap3A_271, %swap3A_272], %add3A_175 {strides = array<i32>} : memref<32x256xf32, #tpu.memory_space<vmem>>, vector<16xf32>,
      %swap3A_274 = arith.index_cast %add3A_74 : i32 to index
      %swap3A_275 = arith.constant 208 : index
      %swap3A_276 = tpu.vector_load %arg14[%swap3A_274, %swap3A_275] {strides = array<i32>} : memref<32x256xf32, #tpu.memory_space<vmem>>, vector<16xf32>,
      tpu.vector_store %arg14[%swap3A_274, %swap3A_275], %add3A_180 {strides = array<i32>} : memref<32x256xf32, #tpu.memory_space<vmem>>, vector<16xf32>,
      %swap3A_277 = arith.index_cast %add3A_74 : i32 to index
      %swap3A_278 = arith.constant 208 : index
      %swap3A_279 = tpu.vector_load %arg15[%swap3A_277, %swap3A_278] {strides = array<i32>} : memref<32x256xf32, #tpu.memory_space<vmem>>, vector<16xf32>,
      tpu.vector_store %arg15[%swap3A_277, %swap3A_278], %add3A_182 {strides = array<i32>} : memref<32x256xf32, #tpu.memory_space<vmem>>, vector<16xf32>,
      %swap3A_280 = arith.index_cast %add3A_74 : i32 to index
      %swap3A_281 = arith.constant 224 : index
      %swap3A_282 = tpu.vector_load %arg14[%swap3A_280, %swap3A_281] {strides = array<i32>} : memref<32x256xf32, #tpu.memory_space<vmem>>, vector<16xf32>,
      tpu.vector_store %arg14[%swap3A_280, %swap3A_281], %add3A_187 {strides = array<i32>} : memref<32x256xf32, #tpu.memory_space<vmem>>, vector<16xf32>,
      %swap3A_283 = arith.index_cast %add3A_74 : i32 to index
      %swap3A_284 = arith.constant 224 : index
      %swap3A_285 = tpu.vector_load %arg15[%swap3A_283, %swap3A_284] {strides = array<i32>} : memref<32x256xf32, #tpu.memory_space<vmem>>, vector<16xf32>,
      tpu.vector_store %arg15[%swap3A_283, %swap3A_284], %add3A_189 {strides = array<i32>} : memref<32x256xf32, #tpu.memory_space<vmem>>, vector<16xf32>,
      %swap3A_286 = arith.index_cast %add3A_74 : i32 to index
      %swap3A_287 = arith.constant 240 : index
      %swap3A_288 = tpu.vector_load %arg14[%swap3A_286, %swap3A_287] {strides = array<i32>} : memref<32x256xf32, #tpu.memory_space<vmem>>, vector<16xf32>,
      tpu.vector_store %arg14[%swap3A_286, %swap3A_287], %add3A_194 {strides = array<i32>} : memref<32x256xf32, #tpu.memory_space<vmem>>, vector<16xf32>,
      %swap3A_289 = arith.index_cast %add3A_74 : i32 to index
      %swap3A_290 = arith.constant 240 : index
      %swap3A_291 = tpu.vector_load %arg15[%swap3A_289, %swap3A_290] {strides = array<i32>} : memref<32x256xf32, #tpu.memory_space<vmem>>, vector<16xf32>,
      tpu.vector_store %arg15[%swap3A_289, %swap3A_290], %add3A_196 {strides = array<i32>} : memref<32x256xf32, #tpu.memory_space<vmem>>, vector<16xf32>,
      %swap3A_292 = arith.index_cast %add3A_74 : i32 to index
      %swap3A_293 = arith.constant 0 : index
      %swap3A_294 = tpu.vector_load %arg16[%swap3A_292, %swap3A_293] {strides = array<i32>} : memref<32x16xf32, #tpu.memory_space<vmem>>, vector<16xf32>,
      tpu.vector_store %arg16[%swap3A_292, %swap3A_293], %add3A_87 {strides = array<i32>} : memref<32x16xf32, #tpu.memory_space<vmem>>, vector<16xf32>,
      %scan3A_295 = arith.constant 0 : i32
      scf.yield %scan3A_295 : i32
    }
    %scan3A_42 = arith.constant 8 : i32
    %add3A_43 = arith.constant 24 : i32
    %add3A_44 = arith.addi %mul3A_2, %add3A_43 : i32
    %dma_start3A_45 = arith.constant 0 : i32
    %dma_start3A_46 = tpu.memref_slice %arg2[%add3A_44, %dma_start3A_45] : memref<1024x2600xi32, #tpu.memory_space<hbm>> -> memref<8x2600xi32, #tpu.memory_space<hbm>>
    %dma_start3A_47 = arith.constant 0 : i32
    %dma_start3A_48 = tpu.memref_slice %arg2[%add3A_44, %dma_start3A_47] : memref<1024x2600xi32, #tpu.memory_space<hbm>> -> memref<8x2600xi32, #tpu.memory_space<hbm>>
    tpu.enqueue_dma source(%dma_start3A_48 : memref<8x2600xi32, #tpu.memory_space<hbm>>) target(%arg13 : memref<8x2600xi32, #tpu.memory_space<vmem>>) target_semaphore(%arg19 : memref<!tpu.dma_semaphore, #tpu.memory_space<semaphore_mem>>)
    %dma_wait3A_49 = arith.constant 0 : i32
    %dma_wait3A_50 = tpu.memref_slice %arg2[%add3A_27, %dma_wait3A_49] : memref<1024x2600xi32, #tpu.memory_space<hbm>> -> memref<8x2600xi32, #tpu.memory_space<hbm>>
    %dma_wait3A_51 = arith.constant 0 : i32
    %dma_wait3A_52 = tpu.memref_slice %arg2[%add3A_27, %dma_wait3A_51] : memref<1024x2600xi32, #tpu.memory_space<hbm>> -> memref<8x2600xi32, #tpu.memory_space<hbm>>
    tpu.wait_dma2 semaphore(%arg18 : memref<!tpu.dma_semaphore, #tpu.memory_space<semaphore_mem>>) src(%dma_wait3A_52 : memref<8x2600xi32, #tpu.memory_space<hbm>>) dst(%arg12 : memref<8x2600xi32, #tpu.memory_space<vmem>>)
    %scan3A_53 = arith.constant 0 : i32
    %scan3A_54 = arith.constant 0 : i32
    %scan3A_55 = arith.constant 8 : i32
    %scan3A_56 = arith.addi %scan3A_54, %scan3A_55 : i32
    %scan3A_57 = arith.constant 1 : i32
    %scan3A_58 = scf.for %scan3A_71 = %scan3A_54 to %scan3A_56 step %scan3A_57 iter_args(%scan3A_72 = %scan3A_53) -> (i32)  : i32 {
      %add3A_73 = arith.constant 16 : i32
      %add3A_74 = arith.addi %add3A_73, %scan3A_71 : i32
      %scan3A_75 = arith.constant 0 : i32
      %scan3A_76 = arith.constant 81 : i32
      %scan3A_77 = arith.addi %scan3A_75, %scan3A_76 : i32
      %scan3A_78 = arith.constant 1 : i32
      %scan3A_79:33 = scf.for %scan3A_296 = %scan3A_75 to %scan3A_77 step %scan3A_78 iter_args(%scan3A_297 = %broadcast_in_dim3A_10, %scan3A_298 = %broadcast_in_dim3A_10, %scan3A_299 = %broadcast_in_dim3A_10, %scan3A_300 = %broadcast_in_dim3A_10, %scan3A_301 = %broadcast_in_dim3A_10, %scan3A_302 = %broadcast_in_dim3A_10, %scan3A_303 = %broadcast_in_dim3A_10, %scan3A_304 = %broadcast_in_dim3A_10, %scan3A_305 = %broadcast_in_dim3A_10, %scan3A_306 = %broadcast_in_dim3A_10, %scan3A_307 = %broadcast_in_dim3A_10, %scan3A_308 = %broadcast_in_dim3A_10, %scan3A_309 = %broadcast_in_dim3A_10, %scan3A_310 = %broadcast_in_dim3A_10, %scan3A_311 = %broadcast_in_dim3A_10, %scan3A_312 = %broadcast_in_dim3A_10, %scan3A_313 = %broadcast_in_dim3A_10, %scan3A_314 = %broadcast_in_dim3A_10, %scan3A_315 = %broadcast_in_dim3A_10, %scan3A_316 = %broadcast_in_dim3A_10, %scan3A_317 = %broadcast_in_dim3A_10, %scan3A_318 = %broadcast_in_dim3A_10, %scan3A_319 = %broadcast_in_dim3A_10, %scan3A_320 = %broadcast_in_dim3A_10, %scan3A_321 = %broadcast_in_dim3A_10, %scan3A_322 = %broadcast_in_dim3A_10, %scan3A_323 = %broadcast_in_dim3A_10, %scan3A_324 = %broadcast_in_dim3A_10, %scan3A_325 = %broadcast_in_dim3A_10, %scan3A_326 = %broadcast_in_dim3A_10, %scan3A_327 = %broadcast_in_dim3A_10, %scan3A_328 = %broadcast_in_dim3A_10, %scan3A_329 = %broadcast_in_dim3A_10) -> (vector<16xf32>, vector<16xf32>, vector<16xf32>, vector<16xf32>, vector<16xf32>, vector<16xf32>, vector<16xf32>, vector<16xf32>, vector<16xf32>, vector<16xf32>, vector<16xf32>, vector<16xf32>, vector<16xf32>, vector<16xf32>, vector<16xf32>, vector<16xf32>, vector<16xf32>, vector<16xf32>, vector<16xf32>, vector<16xf32>, vector<16xf32>, vector<16xf32>, vector<16xf32>, vector<16xf32>, vector<16xf32>, vector<16xf32>, vector<16xf32>, vector<16xf32>, vector<16xf32>, vector<16xf32>, vector<16xf32>, vector<16xf32>, vector<16xf32>)  : i32 {
        %mul3A_330 = arith.constant 2 : i32
        %mul3A_331 = arith.muli %scan3A_296, %mul3A_330 : i32
        %add3A_332 = arith.constant 0 : i32
        %add3A_333 = arith.addi %mul3A_331, %add3A_332 : i32
        %mul3A_334 = arith.constant 16 : i32
        %mul3A_335 = arith.muli %add3A_333, %mul3A_334 : i32
        %multiple_of3A = tpu.assume_multiple %mul3A_335, 8 : i32
        %get3A_336 = arith.index_cast %scan3A_71 : i32 to index
        %get3A_337 = arith.index_cast %multiple_of3A : i32 to index
        %get3A_338 = tpu.vector_load %arg12[%get3A_336, %get3A_337] {strides = array<i32>} : memref<8x2600xi32, #tpu.memory_space<vmem>>, vector<16xi32>,
        %get3A_339 = arith.index_cast %multiple_of3A : i32 to index
        %get3A_340 = tpu.vector_load %arg10[%get3A_339] {strides = array<i32>} : memref<2600xf32, #tpu.memory_space<vmem>>, vector<16xf32>,
        %gather3A_341 = tpu.vector_load_idx %arg11[%get3A_338] : memref<2608xf32, #tpu.memory_space<vmem>>[vector<16xi32>], vector<16xf32>,
        %mul3A_342 = arith.mulf %gather3A_341, %get3A_340 : vector<16xf32>
        %add3A_343 = arith.addf %scan3A_329, %mul3A_342 : vector<16xf32>
        %gather3A_344 = tpu.vector_load_idx %arg9[%get3A_338] : memref<41616xf32, #tpu.memory_space<vmem>>[vector<16xi32>], vector<16xf32>,
        %add3A_345 = arith.addf %scan3A_297, %gather3A_344 : vector<16xf32>
        %mul3A_346 = arith.mulf %gather3A_344, %gather3A_344 : vector<16xf32>
        %add3A_347 = arith.addf %scan3A_313, %mul3A_346 : vector<16xf32>
        %add3A_348 = arith.constant 2601 : i32
        %add3A_349 = vector.broadcast %add3A_348 : i32 to vector<16xi32>
        %add3A_350 = arith.addi %get3A_338, %add3A_349 : vector<16xi32>
        %gather3A_351 = tpu.vector_load_idx %arg9[%add3A_350] : memref<41616xf32, #tpu.memory_space<vmem>>[vector<16xi32>], vector<16xf32>,
        %add3A_352 = arith.addf %scan3A_298, %gather3A_351 : vector<16xf32>
        %mul3A_353 = arith.mulf %gather3A_351, %gather3A_351 : vector<16xf32>
        %add3A_354 = arith.addf %scan3A_314, %mul3A_353 : vector<16xf32>
        %add3A_355 = arith.constant 2601 : i32
        %add3A_356 = vector.broadcast %add3A_355 : i32 to vector<16xi32>
        %add3A_357 = arith.addi %add3A_350, %add3A_356 : vector<16xi32>
        %gather3A_358 = tpu.vector_load_idx %arg9[%add3A_357] : memref<41616xf32, #tpu.memory_space<vmem>>[vector<16xi32>], vector<16xf32>,
        %add3A_359 = arith.addf %scan3A_299, %gather3A_358 : vector<16xf32>
        %mul3A_360 = arith.mulf %gather3A_358, %gather3A_358 : vector<16xf32>
        %add3A_361 = arith.addf %scan3A_315, %mul3A_360 : vector<16xf32>
        %add3A_362 = arith.constant 2601 : i32
        %add3A_363 = vector.broadcast %add3A_362 : i32 to vector<16xi32>
        %add3A_364 = arith.addi %add3A_357, %add3A_363 : vector<16xi32>
        %gather3A_365 = tpu.vector_load_idx %arg9[%add3A_364] : memref<41616xf32, #tpu.memory_space<vmem>>[vector<16xi32>], vector<16xf32>,
        %add3A_366 = arith.addf %scan3A_300, %gather3A_365 : vector<16xf32>
        %mul3A_367 = arith.mulf %gather3A_365, %gather3A_365 : vector<16xf32>
        %add3A_368 = arith.addf %scan3A_316, %mul3A_367 : vector<16xf32>
        %add3A_369 = arith.constant 2601 : i32
        %add3A_370 = vector.broadcast %add3A_369 : i32 to vector<16xi32>
        %add3A_371 = arith.addi %add3A_364, %add3A_370 : vector<16xi32>
        %gather3A_372 = tpu.vector_load_idx %arg9[%add3A_371] : memref<41616xf32, #tpu.memory_space<vmem>>[vector<16xi32>], vector<16xf32>,
        %add3A_373 = arith.addf %scan3A_301, %gather3A_372 : vector<16xf32>
        %mul3A_374 = arith.mulf %gather3A_372, %gather3A_372 : vector<16xf32>
        %add3A_375 = arith.addf %scan3A_317, %mul3A_374 : vector<16xf32>
        %add3A_376 = arith.constant 2601 : i32
        %add3A_377 = vector.broadcast %add3A_376 : i32 to vector<16xi32>
        %add3A_378 = arith.addi %add3A_371, %add3A_377 : vector<16xi32>
        %gather3A_379 = tpu.vector_load_idx %arg9[%add3A_378] : memref<41616xf32, #tpu.memory_space<vmem>>[vector<16xi32>], vector<16xf32>,
        %add3A_380 = arith.addf %scan3A_302, %gather3A_379 : vector<16xf32>
        %mul3A_381 = arith.mulf %gather3A_379, %gather3A_379 : vector<16xf32>
        %add3A_382 = arith.addf %scan3A_318, %mul3A_381 : vector<16xf32>
        %add3A_383 = arith.constant 2601 : i32
        %add3A_384 = vector.broadcast %add3A_383 : i32 to vector<16xi32>
        %add3A_385 = arith.addi %add3A_378, %add3A_384 : vector<16xi32>
        %gather3A_386 = tpu.vector_load_idx %arg9[%add3A_385] : memref<41616xf32, #tpu.memory_space<vmem>>[vector<16xi32>], vector<16xf32>,
        %add3A_387 = arith.addf %scan3A_303, %gather3A_386 : vector<16xf32>
        %mul3A_388 = arith.mulf %gather3A_386, %gather3A_386 : vector<16xf32>
        %add3A_389 = arith.addf %scan3A_319, %mul3A_388 : vector<16xf32>
        %add3A_390 = arith.constant 2601 : i32
        %add3A_391 = vector.broadcast %add3A_390 : i32 to vector<16xi32>
        %add3A_392 = arith.addi %add3A_385, %add3A_391 : vector<16xi32>
        %gather3A_393 = tpu.vector_load_idx %arg9[%add3A_392] : memref<41616xf32, #tpu.memory_space<vmem>>[vector<16xi32>], vector<16xf32>,
        %add3A_394 = arith.addf %scan3A_304, %gather3A_393 : vector<16xf32>
        %mul3A_395 = arith.mulf %gather3A_393, %gather3A_393 : vector<16xf32>
        %add3A_396 = arith.addf %scan3A_320, %mul3A_395 : vector<16xf32>
        %add3A_397 = arith.constant 2601 : i32
        %add3A_398 = vector.broadcast %add3A_397 : i32 to vector<16xi32>
        %add3A_399 = arith.addi %add3A_392, %add3A_398 : vector<16xi32>
        %gather3A_400 = tpu.vector_load_idx %arg9[%add3A_399] : memref<41616xf32, #tpu.memory_space<vmem>>[vector<16xi32>], vector<16xf32>,
        %add3A_401 = arith.addf %scan3A_305, %gather3A_400 : vector<16xf32>
        %mul3A_402 = arith.mulf %gather3A_400, %gather3A_400 : vector<16xf32>
        %add3A_403 = arith.addf %scan3A_321, %mul3A_402 : vector<16xf32>
        %add3A_404 = arith.constant 2601 : i32
        %add3A_405 = vector.broadcast %add3A_404 : i32 to vector<16xi32>
        %add3A_406 = arith.addi %add3A_399, %add3A_405 : vector<16xi32>
        %gather3A_407 = tpu.vector_load_idx %arg9[%add3A_406] : memref<41616xf32, #tpu.memory_space<vmem>>[vector<16xi32>], vector<16xf32>,
        %add3A_408 = arith.addf %scan3A_306, %gather3A_407 : vector<16xf32>
        %mul3A_409 = arith.mulf %gather3A_407, %gather3A_407 : vector<16xf32>
        %add3A_410 = arith.addf %scan3A_322, %mul3A_409 : vector<16xf32>
        %add3A_411 = arith.constant 2601 : i32
        %add3A_412 = vector.broadcast %add3A_411 : i32 to vector<16xi32>
        %add3A_413 = arith.addi %add3A_406, %add3A_412 : vector<16xi32>
        %gather3A_414 = tpu.vector_load_idx %arg9[%add3A_413] : memref<41616xf32, #tpu.memory_space<vmem>>[vector<16xi32>], vector<16xf32>,
        %add3A_415 = arith.addf %scan3A_307, %gather3A_414 : vector<16xf32>
        %mul3A_416 = arith.mulf %gather3A_414, %gather3A_414 : vector<16xf32>
        %add3A_417 = arith.addf %scan3A_323, %mul3A_416 : vector<16xf32>
        %add3A_418 = arith.constant 2601 : i32
        %add3A_419 = vector.broadcast %add3A_418 : i32 to vector<16xi32>
        %add3A_420 = arith.addi %add3A_413, %add3A_419 : vector<16xi32>
        %gather3A_421 = tpu.vector_load_idx %arg9[%add3A_420] : memref<41616xf32, #tpu.memory_space<vmem>>[vector<16xi32>], vector<16xf32>,
        %add3A_422 = arith.addf %scan3A_308, %gather3A_421 : vector<16xf32>
        %mul3A_423 = arith.mulf %gather3A_421, %gather3A_421 : vector<16xf32>
        %add3A_424 = arith.addf %scan3A_324, %mul3A_423 : vector<16xf32>
        %add3A_425 = arith.constant 2601 : i32
        %add3A_426 = vector.broadcast %add3A_425 : i32 to vector<16xi32>
        %add3A_427 = arith.addi %add3A_420, %add3A_426 : vector<16xi32>
        %gather3A_428 = tpu.vector_load_idx %arg9[%add3A_427] : memref<41616xf32, #tpu.memory_space<vmem>>[vector<16xi32>], vector<16xf32>,
        %add3A_429 = arith.addf %scan3A_309, %gather3A_428 : vector<16xf32>
        %mul3A_430 = arith.mulf %gather3A_428, %gather3A_428 : vector<16xf32>
        %add3A_431 = arith.addf %scan3A_325, %mul3A_430 : vector<16xf32>
        %add3A_432 = arith.constant 2601 : i32
        %add3A_433 = vector.broadcast %add3A_432 : i32 to vector<16xi32>
        %add3A_434 = arith.addi %add3A_427, %add3A_433 : vector<16xi32>
        %gather3A_435 = tpu.vector_load_idx %arg9[%add3A_434] : memref<41616xf32, #tpu.memory_space<vmem>>[vector<16xi32>], vector<16xf32>,
        %add3A_436 = arith.addf %scan3A_310, %gather3A_435 : vector<16xf32>
        %mul3A_437 = arith.mulf %gather3A_435, %gather3A_435 : vector<16xf32>
        %add3A_438 = arith.addf %scan3A_326, %mul3A_437 : vector<16xf32>
        %add3A_439 = arith.constant 2601 : i32
        %add3A_440 = vector.broadcast %add3A_439 : i32 to vector<16xi32>
        %add3A_441 = arith.addi %add3A_434, %add3A_440 : vector<16xi32>
        %gather3A_442 = tpu.vector_load_idx %arg9[%add3A_441] : memref<41616xf32, #tpu.memory_space<vmem>>[vector<16xi32>], vector<16xf32>,
        %add3A_443 = arith.addf %scan3A_311, %gather3A_442 : vector<16xf32>
        %mul3A_444 = arith.mulf %gather3A_442, %gather3A_442 : vector<16xf32>
        %add3A_445 = arith.addf %scan3A_327, %mul3A_444 : vector<16xf32>
        %add3A_446 = arith.constant 2601 : i32
        %add3A_447 = vector.broadcast %add3A_446 : i32 to vector<16xi32>
        %add3A_448 = arith.addi %add3A_441, %add3A_447 : vector<16xi32>
        %gather3A_449 = tpu.vector_load_idx %arg9[%add3A_448] : memref<41616xf32, #tpu.memory_space<vmem>>[vector<16xi32>], vector<16xf32>,
        %add3A_450 = arith.addf %scan3A_312, %gather3A_449 : vector<16xf32>
        %mul3A_451 = arith.mulf %gather3A_449, %gather3A_449 : vector<16xf32>
        %add3A_452 = arith.addf %scan3A_328, %mul3A_451 : vector<16xf32>
        %mul3A_453 = arith.constant 2 : i32
        %mul3A_454 = arith.muli %scan3A_296, %mul3A_453 : i32
        %add3A_455 = arith.constant 1 : i32
        %add3A_456 = arith.addi %mul3A_454, %add3A_455 : i32
        %mul3A_457 = arith.constant 16 : i32
        %mul3A_458 = arith.muli %add3A_456, %mul3A_457 : i32
        %multiple_of3A_459 = tpu.assume_multiple %mul3A_458, 8 : i32
        %get3A_460 = arith.index_cast %scan3A_71 : i32 to index
        %get3A_461 = arith.index_cast %multiple_of3A_459 : i32 to index
        %get3A_462 = tpu.vector_load %arg12[%get3A_460, %get3A_461] {strides = array<i32>} : memref<8x2600xi32, #tpu.memory_space<vmem>>, vector<16xi32>,
        %get3A_463 = arith.index_cast %multiple_of3A_459 : i32 to index
        %get3A_464 = tpu.vector_load %arg10[%get3A_463] {strides = array<i32>} : memref<2600xf32, #tpu.memory_space<vmem>>, vector<16xf32>,
        %gather3A_465 = tpu.vector_load_idx %arg11[%get3A_462] : memref<2608xf32, #tpu.memory_space<vmem>>[vector<16xi32>], vector<16xf32>,
        %mul3A_466 = arith.mulf %gather3A_465, %get3A_464 : vector<16xf32>
        %add3A_467 = arith.addf %add3A_343, %mul3A_466 : vector<16xf32>
        %gather3A_468 = tpu.vector_load_idx %arg9[%get3A_462] : memref<41616xf32, #tpu.memory_space<vmem>>[vector<16xi32>], vector<16xf32>,
        %add3A_469 = arith.addf %add3A_345, %gather3A_468 : vector<16xf32>
        %mul3A_470 = arith.mulf %gather3A_468, %gather3A_468 : vector<16xf32>
        %add3A_471 = arith.addf %add3A_347, %mul3A_470 : vector<16xf32>
        %add3A_472 = arith.constant 2601 : i32
        %add3A_473 = vector.broadcast %add3A_472 : i32 to vector<16xi32>
        %add3A_474 = arith.addi %get3A_462, %add3A_473 : vector<16xi32>
        %gather3A_475 = tpu.vector_load_idx %arg9[%add3A_474] : memref<41616xf32, #tpu.memory_space<vmem>>[vector<16xi32>], vector<16xf32>,
        %add3A_476 = arith.addf %add3A_352, %gather3A_475 : vector<16xf32>
        %mul3A_477 = arith.mulf %gather3A_475, %gather3A_475 : vector<16xf32>
        %add3A_478 = arith.addf %add3A_354, %mul3A_477 : vector<16xf32>
        %add3A_479 = arith.constant 2601 : i32
        %add3A_480 = vector.broadcast %add3A_479 : i32 to vector<16xi32>
        %add3A_481 = arith.addi %add3A_474, %add3A_480 : vector<16xi32>
        %gather3A_482 = tpu.vector_load_idx %arg9[%add3A_481] : memref<41616xf32, #tpu.memory_space<vmem>>[vector<16xi32>], vector<16xf32>,
        %add3A_483 = arith.addf %add3A_359, %gather3A_482 : vector<16xf32>
        %mul3A_484 = arith.mulf %gather3A_482, %gather3A_482 : vector<16xf32>
        %add3A_485 = arith.addf %add3A_361, %mul3A_484 : vector<16xf32>
        %add3A_486 = arith.constant 2601 : i32
        %add3A_487 = vector.broadcast %add3A_486 : i32 to vector<16xi32>
        %add3A_488 = arith.addi %add3A_481, %add3A_487 : vector<16xi32>
        %gather3A_489 = tpu.vector_load_idx %arg9[%add3A_488] : memref<41616xf32, #tpu.memory_space<vmem>>[vector<16xi32>], vector<16xf32>,
        %add3A_490 = arith.addf %add3A_366, %gather3A_489 : vector<16xf32>
        %mul3A_491 = arith.mulf %gather3A_489, %gather3A_489 : vector<16xf32>
        %add3A_492 = arith.addf %add3A_368, %mul3A_491 : vector<16xf32>
        %add3A_493 = arith.constant 2601 : i32
        %add3A_494 = vector.broadcast %add3A_493 : i32 to vector<16xi32>
        %add3A_495 = arith.addi %add3A_488, %add3A_494 : vector<16xi32>
        %gather3A_496 = tpu.vector_load_idx %arg9[%add3A_495] : memref<41616xf32, #tpu.memory_space<vmem>>[vector<16xi32>], vector<16xf32>,
        %add3A_497 = arith.addf %add3A_373, %gather3A_496 : vector<16xf32>
        %mul3A_498 = arith.mulf %gather3A_496, %gather3A_496 : vector<16xf32>
        %add3A_499 = arith.addf %add3A_375, %mul3A_498 : vector<16xf32>
        %add3A_500 = arith.constant 2601 : i32
        %add3A_501 = vector.broadcast %add3A_500 : i32 to vector<16xi32>
        %add3A_502 = arith.addi %add3A_495, %add3A_501 : vector<16xi32>
        %gather3A_503 = tpu.vector_load_idx %arg9[%add3A_502] : memref<41616xf32, #tpu.memory_space<vmem>>[vector<16xi32>], vector<16xf32>,
        %add3A_504 = arith.addf %add3A_380, %gather3A_503 : vector<16xf32>
        %mul3A_505 = arith.mulf %gather3A_503, %gather3A_503 : vector<16xf32>
        %add3A_506 = arith.addf %add3A_382, %mul3A_505 : vector<16xf32>
        %add3A_507 = arith.constant 2601 : i32
        %add3A_508 = vector.broadcast %add3A_507 : i32 to vector<16xi32>
        %add3A_509 = arith.addi %add3A_502, %add3A_508 : vector<16xi32>
        %gather3A_510 = tpu.vector_load_idx %arg9[%add3A_509] : memref<41616xf32, #tpu.memory_space<vmem>>[vector<16xi32>], vector<16xf32>,
        %add3A_511 = arith.addf %add3A_387, %gather3A_510 : vector<16xf32>
        %mul3A_512 = arith.mulf %gather3A_510, %gather3A_510 : vector<16xf32>
        %add3A_513 = arith.addf %add3A_389, %mul3A_512 : vector<16xf32>
        %add3A_514 = arith.constant 2601 : i32
        %add3A_515 = vector.broadcast %add3A_514 : i32 to vector<16xi32>
        %add3A_516 = arith.addi %add3A_509, %add3A_515 : vector<16xi32>
        %gather3A_517 = tpu.vector_load_idx %arg9[%add3A_516] : memref<41616xf32, #tpu.memory_space<vmem>>[vector<16xi32>], vector<16xf32>,
        %add3A_518 = arith.addf %add3A_394, %gather3A_517 : vector<16xf32>
        %mul3A_519 = arith.mulf %gather3A_517, %gather3A_517 : vector<16xf32>
        %add3A_520 = arith.addf %add3A_396, %mul3A_519 : vector<16xf32>
        %add3A_521 = arith.constant 2601 : i32
        %add3A_522 = vector.broadcast %add3A_521 : i32 to vector<16xi32>
        %add3A_523 = arith.addi %add3A_516, %add3A_522 : vector<16xi32>
        %gather3A_524 = tpu.vector_load_idx %arg9[%add3A_523] : memref<41616xf32, #tpu.memory_space<vmem>>[vector<16xi32>], vector<16xf32>,
        %add3A_525 = arith.addf %add3A_401, %gather3A_524 : vector<16xf32>
        %mul3A_526 = arith.mulf %gather3A_524, %gather3A_524 : vector<16xf32>
        %add3A_527 = arith.addf %add3A_403, %mul3A_526 : vector<16xf32>
        %add3A_528 = arith.constant 2601 : i32
        %add3A_529 = vector.broadcast %add3A_528 : i32 to vector<16xi32>
        %add3A_530 = arith.addi %add3A_523, %add3A_529 : vector<16xi32>
        %gather3A_531 = tpu.vector_load_idx %arg9[%add3A_530] : memref<41616xf32, #tpu.memory_space<vmem>>[vector<16xi32>], vector<16xf32>,
        %add3A_532 = arith.addf %add3A_408, %gather3A_531 : vector<16xf32>
        %mul3A_533 = arith.mulf %gather3A_531, %gather3A_531 : vector<16xf32>
        %add3A_534 = arith.addf %add3A_410, %mul3A_533 : vector<16xf32>
        %add3A_535 = arith.constant 2601 : i32
        %add3A_536 = vector.broadcast %add3A_535 : i32 to vector<16xi32>
        %add3A_537 = arith.addi %add3A_530, %add3A_536 : vector<16xi32>
        %gather3A_538 = tpu.vector_load_idx %arg9[%add3A_537] : memref<41616xf32, #tpu.memory_space<vmem>>[vector<16xi32>], vector<16xf32>,
        %add3A_539 = arith.addf %add3A_415, %gather3A_538 : vector<16xf32>
        %mul3A_540 = arith.mulf %gather3A_538, %gather3A_538 : vector<16xf32>
        %add3A_541 = arith.addf %add3A_417, %mul3A_540 : vector<16xf32>
        %add3A_542 = arith.constant 2601 : i32
        %add3A_543 = vector.broadcast %add3A_542 : i32 to vector<16xi32>
        %add3A_544 = arith.addi %add3A_537, %add3A_543 : vector<16xi32>
        %gather3A_545 = tpu.vector_load_idx %arg9[%add3A_544] : memref<41616xf32, #tpu.memory_space<vmem>>[vector<16xi32>], vector<16xf32>,
        %add3A_546 = arith.addf %add3A_422, %gather3A_545 : vector<16xf32>
        %mul3A_547 = arith.mulf %gather3A_545, %gather3A_545 : vector<16xf32>
        %add3A_548 = arith.addf %add3A_424, %mul3A_547 : vector<16xf32>
        %add3A_549 = arith.constant 2601 : i32
        %add3A_550 = vector.broadcast %add3A_549 : i32 to vector<16xi32>
        %add3A_551 = arith.addi %add3A_544, %add3A_550 : vector<16xi32>
        %gather3A_552 = tpu.vector_load_idx %arg9[%add3A_551] : memref<41616xf32, #tpu.memory_space<vmem>>[vector<16xi32>], vector<16xf32>,
        %add3A_553 = arith.addf %add3A_429, %gather3A_552 : vector<16xf32>
        %mul3A_554 = arith.mulf %gather3A_552, %gather3A_552 : vector<16xf32>
        %add3A_555 = arith.addf %add3A_431, %mul3A_554 : vector<16xf32>
        %add3A_556 = arith.constant 2601 : i32
        %add3A_557 = vector.broadcast %add3A_556 : i32 to vector<16xi32>
        %add3A_558 = arith.addi %add3A_551, %add3A_557 : vector<16xi32>
        %gather3A_559 = tpu.vector_load_idx %arg9[%add3A_558] : memref<41616xf32, #tpu.memory_space<vmem>>[vector<16xi32>], vector<16xf32>,
        %add3A_560 = arith.addf %add3A_436, %gather3A_559 : vector<16xf32>
        %mul3A_561 = arith.mulf %gather3A_559, %gather3A_559 : vector<16xf32>
        %add3A_562 = arith.addf %add3A_438, %mul3A_561 : vector<16xf32>
        %add3A_563 = arith.constant 2601 : i32
        %add3A_564 = vector.broadcast %add3A_563 : i32 to vector<16xi32>
        %add3A_565 = arith.addi %add3A_558, %add3A_564 : vector<16xi32>
        %gather3A_566 = tpu.vector_load_idx %arg9[%add3A_565] : memref<41616xf32, #tpu.memory_space<vmem>>[vector<16xi32>], vector<16xf32>,
        %add3A_567 = arith.addf %add3A_443, %gather3A_566 : vector<16xf32>
        %mul3A_568 = arith.mulf %gather3A_566, %gather3A_566 : vector<16xf32>
        %add3A_569 = arith.addf %add3A_445, %mul3A_568 : vector<16xf32>
        %add3A_570 = arith.constant 2601 : i32
        %add3A_571 = vector.broadcast %add3A_570 : i32 to vector<16xi32>
        %add3A_572 = arith.addi %add3A_565, %add3A_571 : vector<16xi32>
        %gather3A_573 = tpu.vector_load_idx %arg9[%add3A_572] : memref<41616xf32, #tpu.memory_space<vmem>>[vector<16xi32>], vector<16xf32>,
        %add3A_574 = arith.addf %add3A_450, %gather3A_573 : vector<16xf32>
        %mul3A_575 = arith.mulf %gather3A_573, %gather3A_573 : vector<16xf32>
        %add3A_576 = arith.addf %add3A_452, %mul3A_575 : vector<16xf32>
        scf.yield %add3A_469, %add3A_476, %add3A_483, %add3A_490, %add3A_497, %add3A_504, %add3A_511, %add3A_518, %add3A_525, %add3A_532, %add3A_539, %add3A_546, %add3A_553, %add3A_560, %add3A_567, %add3A_574, %add3A_471, %add3A_478, %add3A_485, %add3A_492, %add3A_499, %add3A_506, %add3A_513, %add3A_520, %add3A_527, %add3A_534, %add3A_541, %add3A_548, %add3A_555, %add3A_562, %add3A_569, %add3A_576, %add3A_467 : vector<16xf32>, vector<16xf32>, vector<16xf32>, vector<16xf32>, vector<16xf32>, vector<16xf32>, vector<16xf32>, vector<16xf32>, vector<16xf32>, vector<16xf32>, vector<16xf32>, vector<16xf32>, vector<16xf32>, vector<16xf32>, vector<16xf32>, vector<16xf32>, vector<16xf32>, vector<16xf32>, vector<16xf32>, vector<16xf32>, vector<16xf32>, vector<16xf32>, vector<16xf32>, vector<16xf32>, vector<16xf32>, vector<16xf32>, vector<16xf32>, vector<16xf32>, vector<16xf32>, vector<16xf32>, vector<16xf32>, vector<16xf32>, vector<16xf32>
      }
      %scan3A_80 = arith.constant 81 : i32
      %get3A = arith.index_cast %scan3A_71 : i32 to index
      %get3A_81 = arith.constant 2584 : index
      %get3A_82 = tpu.vector_load %arg12[%get3A, %get3A_81] {strides = array<i32>} : memref<8x2600xi32, #tpu.memory_space<vmem>>, vector<16xi32>,
      %select_n3A = arith.select %ge3A_7, %get3A_82, %broadcast_in_dim3A_8 : vector<16xi1>, vector<16xi32>
      %get3A_83 = arith.constant 2584 : index
      %get3A_84 = tpu.vector_load %arg10[%get3A_83] {strides = array<i32>} : memref<2600xf32, #tpu.memory_space<vmem>>, vector<16xf32>,
      %select_n3A_85 = arith.select %ge3A_7, %get3A_84, %broadcast_in_dim3A_10 : vector<16xi1>, vector<16xf32>
      %gather3A = tpu.vector_load_idx %arg11[%select_n3A] : memref<2608xf32, #tpu.memory_space<vmem>>[vector<16xi32>], vector<16xf32>,
      %mul3A_86 = arith.mulf %gather3A, %select_n3A_85 : vector<16xf32>
      %add3A_87 = arith.addf %scan3A_79#32, %mul3A_86 : vector<16xf32>
      %gather3A_88 = tpu.vector_load_idx %arg9[%select_n3A] : memref<41616xf32, #tpu.memory_space<vmem>>[vector<16xi32>], vector<16xf32>,
      %add3A_89 = arith.addf %scan3A_79#0, %gather3A_88 : vector<16xf32>
      %mul3A_90 = arith.mulf %gather3A_88, %gather3A_88 : vector<16xf32>
      %add3A_91 = arith.addf %scan3A_79#16, %mul3A_90 : vector<16xf32>
      %add3A_92 = arith.constant 2601 : i32
      %add3A_93 = vector.broadcast %add3A_92 : i32 to vector<16xi32>
      %add3A_94 = arith.addi %select_n3A, %add3A_93 : vector<16xi32>
      %gather3A_95 = tpu.vector_load_idx %arg9[%add3A_94] : memref<41616xf32, #tpu.memory_space<vmem>>[vector<16xi32>], vector<16xf32>,
      %add3A_96 = arith.addf %scan3A_79#1, %gather3A_95 : vector<16xf32>
      %mul3A_97 = arith.mulf %gather3A_95, %gather3A_95 : vector<16xf32>
      %add3A_98 = arith.addf %scan3A_79#17, %mul3A_97 : vector<16xf32>
      %add3A_99 = arith.constant 2601 : i32
      %add3A_100 = vector.broadcast %add3A_99 : i32 to vector<16xi32>
      %add3A_101 = arith.addi %add3A_94, %add3A_100 : vector<16xi32>
      %gather3A_102 = tpu.vector_load_idx %arg9[%add3A_101] : memref<41616xf32, #tpu.memory_space<vmem>>[vector<16xi32>], vector<16xf32>,
      %add3A_103 = arith.addf %scan3A_79#2, %gather3A_102 : vector<16xf32>
      %mul3A_104 = arith.mulf %gather3A_102, %gather3A_102 : vector<16xf32>
      %add3A_105 = arith.addf %scan3A_79#18, %mul3A_104 : vector<16xf32>
      %add3A_106 = arith.constant 2601 : i32
      %add3A_107 = vector.broadcast %add3A_106 : i32 to vector<16xi32>
      %add3A_108 = arith.addi %add3A_101, %add3A_107 : vector<16xi32>
      %gather3A_109 = tpu.vector_load_idx %arg9[%add3A_108] : memref<41616xf32, #tpu.memory_space<vmem>>[vector<16xi32>], vector<16xf32>,
      %add3A_110 = arith.addf %scan3A_79#3, %gather3A_109 : vector<16xf32>
      %mul3A_111 = arith.mulf %gather3A_109, %gather3A_109 : vector<16xf32>
      %add3A_112 = arith.addf %scan3A_79#19, %mul3A_111 : vector<16xf32>
      %add3A_113 = arith.constant 2601 : i32
      %add3A_114 = vector.broadcast %add3A_113 : i32 to vector<16xi32>
      %add3A_115 = arith.addi %add3A_108, %add3A_114 : vector<16xi32>
      %gather3A_116 = tpu.vector_load_idx %arg9[%add3A_115] : memref<41616xf32, #tpu.memory_space<vmem>>[vector<16xi32>], vector<16xf32>,
      %add3A_117 = arith.addf %scan3A_79#4, %gather3A_116 : vector<16xf32>
      %mul3A_118 = arith.mulf %gather3A_116, %gather3A_116 : vector<16xf32>
      %add3A_119 = arith.addf %scan3A_79#20, %mul3A_118 : vector<16xf32>
      %add3A_120 = arith.constant 2601 : i32
      %add3A_121 = vector.broadcast %add3A_120 : i32 to vector<16xi32>
      %add3A_122 = arith.addi %add3A_115, %add3A_121 : vector<16xi32>
      %gather3A_123 = tpu.vector_load_idx %arg9[%add3A_122] : memref<41616xf32, #tpu.memory_space<vmem>>[vector<16xi32>], vector<16xf32>,
      %add3A_124 = arith.addf %scan3A_79#5, %gather3A_123 : vector<16xf32>
      %mul3A_125 = arith.mulf %gather3A_123, %gather3A_123 : vector<16xf32>
      %add3A_126 = arith.addf %scan3A_79#21, %mul3A_125 : vector<16xf32>
      %add3A_127 = arith.constant 2601 : i32
      %add3A_128 = vector.broadcast %add3A_127 : i32 to vector<16xi32>
      %add3A_129 = arith.addi %add3A_122, %add3A_128 : vector<16xi32>
      %gather3A_130 = tpu.vector_load_idx %arg9[%add3A_129] : memref<41616xf32, #tpu.memory_space<vmem>>[vector<16xi32>], vector<16xf32>,
      %add3A_131 = arith.addf %scan3A_79#6, %gather3A_130 : vector<16xf32>
      %mul3A_132 = arith.mulf %gather3A_130, %gather3A_130 : vector<16xf32>
      %add3A_133 = arith.addf %scan3A_79#22, %mul3A_132 : vector<16xf32>
      %add3A_134 = arith.constant 2601 : i32
      %add3A_135 = vector.broadcast %add3A_134 : i32 to vector<16xi32>
      %add3A_136 = arith.addi %add3A_129, %add3A_135 : vector<16xi32>
      %gather3A_137 = tpu.vector_load_idx %arg9[%add3A_136] : memref<41616xf32, #tpu.memory_space<vmem>>[vector<16xi32>], vector<16xf32>,
      %add3A_138 = arith.addf %scan3A_79#7, %gather3A_137 : vector<16xf32>
      %mul3A_139 = arith.mulf %gather3A_137, %gather3A_137 : vector<16xf32>
      %add3A_140 = arith.addf %scan3A_79#23, %mul3A_139 : vector<16xf32>
      %add3A_141 = arith.constant 2601 : i32
      %add3A_142 = vector.broadcast %add3A_141 : i32 to vector<16xi32>
      %add3A_143 = arith.addi %add3A_136, %add3A_142 : vector<16xi32>
      %gather3A_144 = tpu.vector_load_idx %arg9[%add3A_143] : memref<41616xf32, #tpu.memory_space<vmem>>[vector<16xi32>], vector<16xf32>,
      %add3A_145 = arith.addf %scan3A_79#8, %gather3A_144 : vector<16xf32>
      %mul3A_146 = arith.mulf %gather3A_144, %gather3A_144 : vector<16xf32>
      %add3A_147 = arith.addf %scan3A_79#24, %mul3A_146 : vector<16xf32>
      %add3A_148 = arith.constant 2601 : i32
      %add3A_149 = vector.broadcast %add3A_148 : i32 to vector<16xi32>
      %add3A_150 = arith.addi %add3A_143, %add3A_149 : vector<16xi32>
      %gather3A_151 = tpu.vector_load_idx %arg9[%add3A_150] : memref<41616xf32, #tpu.memory_space<vmem>>[vector<16xi32>], vector<16xf32>,
      %add3A_152 = arith.addf %scan3A_79#9, %gather3A_151 : vector<16xf32>
      %mul3A_153 = arith.mulf %gather3A_151, %gather3A_151 : vector<16xf32>
      %add3A_154 = arith.addf %scan3A_79#25, %mul3A_153 : vector<16xf32>
      %add3A_155 = arith.constant 2601 : i32
      %add3A_156 = vector.broadcast %add3A_155 : i32 to vector<16xi32>
      %add3A_157 = arith.addi %add3A_150, %add3A_156 : vector<16xi32>
      %gather3A_158 = tpu.vector_load_idx %arg9[%add3A_157] : memref<41616xf32, #tpu.memory_space<vmem>>[vector<16xi32>], vector<16xf32>,
      %add3A_159 = arith.addf %scan3A_79#10, %gather3A_158 : vector<16xf32>
      %mul3A_160 = arith.mulf %gather3A_158, %gather3A_158 : vector<16xf32>
      %add3A_161 = arith.addf %scan3A_79#26, %mul3A_160 : vector<16xf32>
      %add3A_162 = arith.constant 2601 : i32
      %add3A_163 = vector.broadcast %add3A_162 : i32 to vector<16xi32>
      %add3A_164 = arith.addi %add3A_157, %add3A_163 : vector<16xi32>
      %gather3A_165 = tpu.vector_load_idx %arg9[%add3A_164] : memref<41616xf32, #tpu.memory_space<vmem>>[vector<16xi32>], vector<16xf32>,
      %add3A_166 = arith.addf %scan3A_79#11, %gather3A_165 : vector<16xf32>
      %mul3A_167 = arith.mulf %gather3A_165, %gather3A_165 : vector<16xf32>
      %add3A_168 = arith.addf %scan3A_79#27, %mul3A_167 : vector<16xf32>
      %add3A_169 = arith.constant 2601 : i32
      %add3A_170 = vector.broadcast %add3A_169 : i32 to vector<16xi32>
      %add3A_171 = arith.addi %add3A_164, %add3A_170 : vector<16xi32>
      %gather3A_172 = tpu.vector_load_idx %arg9[%add3A_171] : memref<41616xf32, #tpu.memory_space<vmem>>[vector<16xi32>], vector<16xf32>,
      %add3A_173 = arith.addf %scan3A_79#12, %gather3A_172 : vector<16xf32>
      %mul3A_174 = arith.mulf %gather3A_172, %gather3A_172 : vector<16xf32>
      %add3A_175 = arith.addf %scan3A_79#28, %mul3A_174 : vector<16xf32>
      %add3A_176 = arith.constant 2601 : i32
      %add3A_177 = vector.broadcast %add3A_176 : i32 to vector<16xi32>
      %add3A_178 = arith.addi %add3A_171, %add3A_177 : vector<16xi32>
      %gather3A_179 = tpu.vector_load_idx %arg9[%add3A_178] : memref<41616xf32, #tpu.memory_space<vmem>>[vector<16xi32>], vector<16xf32>,
      %add3A_180 = arith.addf %scan3A_79#13, %gather3A_179 : vector<16xf32>
      %mul3A_181 = arith.mulf %gather3A_179, %gather3A_179 : vector<16xf32>
      %add3A_182 = arith.addf %scan3A_79#29, %mul3A_181 : vector<16xf32>
      %add3A_183 = arith.constant 2601 : i32
      %add3A_184 = vector.broadcast %add3A_183 : i32 to vector<16xi32>
      %add3A_185 = arith.addi %add3A_178, %add3A_184 : vector<16xi32>
      %gather3A_186 = tpu.vector_load_idx %arg9[%add3A_185] : memref<41616xf32, #tpu.memory_space<vmem>>[vector<16xi32>], vector<16xf32>,
      %add3A_187 = arith.addf %scan3A_79#14, %gather3A_186 : vector<16xf32>
      %mul3A_188 = arith.mulf %gather3A_186, %gather3A_186 : vector<16xf32>
      %add3A_189 = arith.addf %scan3A_79#30, %mul3A_188 : vector<16xf32>
      %add3A_190 = arith.constant 2601 : i32
      %add3A_191 = vector.broadcast %add3A_190 : i32 to vector<16xi32>
      %add3A_192 = arith.addi %add3A_185, %add3A_191 : vector<16xi32>
      %gather3A_193 = tpu.vector_load_idx %arg9[%add3A_192] : memref<41616xf32, #tpu.memory_space<vmem>>[vector<16xi32>], vector<16xf32>,
      %add3A_194 = arith.addf %scan3A_79#15, %gather3A_193 : vector<16xf32>
      %mul3A_195 = arith.mulf %gather3A_193, %gather3A_193 : vector<16xf32>
      %add3A_196 = arith.addf %scan3A_79#31, %mul3A_195 : vector<16xf32>
      %swap3A = arith.index_cast %add3A_74 : i32 to index
      %swap3A_197 = arith.constant 0 : index
      %swap3A_198 = tpu.vector_load %arg14[%swap3A, %swap3A_197] {strides = array<i32>} : memref<32x256xf32, #tpu.memory_space<vmem>>, vector<16xf32>,
      tpu.vector_store %arg14[%swap3A, %swap3A_197], %add3A_89 {strides = array<i32>} : memref<32x256xf32, #tpu.memory_space<vmem>>, vector<16xf32>,
      %swap3A_199 = arith.index_cast %add3A_74 : i32 to index
      %swap3A_200 = arith.constant 0 : index
      %swap3A_201 = tpu.vector_load %arg15[%swap3A_199, %swap3A_200] {strides = array<i32>} : memref<32x256xf32, #tpu.memory_space<vmem>>, vector<16xf32>,
      tpu.vector_store %arg15[%swap3A_199, %swap3A_200], %add3A_91 {strides = array<i32>} : memref<32x256xf32, #tpu.memory_space<vmem>>, vector<16xf32>,
      %swap3A_202 = arith.index_cast %add3A_74 : i32 to index
      %swap3A_203 = arith.constant 16 : index
      %swap3A_204 = tpu.vector_load %arg14[%swap3A_202, %swap3A_203] {strides = array<i32>} : memref<32x256xf32, #tpu.memory_space<vmem>>, vector<16xf32>,
      tpu.vector_store %arg14[%swap3A_202, %swap3A_203], %add3A_96 {strides = array<i32>} : memref<32x256xf32, #tpu.memory_space<vmem>>, vector<16xf32>,
      %swap3A_205 = arith.index_cast %add3A_74 : i32 to index
      %swap3A_206 = arith.constant 16 : index
      %swap3A_207 = tpu.vector_load %arg15[%swap3A_205, %swap3A_206] {strides = array<i32>} : memref<32x256xf32, #tpu.memory_space<vmem>>, vector<16xf32>,
      tpu.vector_store %arg15[%swap3A_205, %swap3A_206], %add3A_98 {strides = array<i32>} : memref<32x256xf32, #tpu.memory_space<vmem>>, vector<16xf32>,
      %swap3A_208 = arith.index_cast %add3A_74 : i32 to index
      %swap3A_209 = arith.constant 32 : index
      %swap3A_210 = tpu.vector_load %arg14[%swap3A_208, %swap3A_209] {strides = array<i32>} : memref<32x256xf32, #tpu.memory_space<vmem>>, vector<16xf32>,
      tpu.vector_store %arg14[%swap3A_208, %swap3A_209], %add3A_103 {strides = array<i32>} : memref<32x256xf32, #tpu.memory_space<vmem>>, vector<16xf32>,
      %swap3A_211 = arith.index_cast %add3A_74 : i32 to index
      %swap3A_212 = arith.constant 32 : index
      %swap3A_213 = tpu.vector_load %arg15[%swap3A_211, %swap3A_212] {strides = array<i32>} : memref<32x256xf32, #tpu.memory_space<vmem>>, vector<16xf32>,
      tpu.vector_store %arg15[%swap3A_211, %swap3A_212], %add3A_105 {strides = array<i32>} : memref<32x256xf32, #tpu.memory_space<vmem>>, vector<16xf32>,
      %swap3A_214 = arith.index_cast %add3A_74 : i32 to index
      %swap3A_215 = arith.constant 48 : index
      %swap3A_216 = tpu.vector_load %arg14[%swap3A_214, %swap3A_215] {strides = array<i32>} : memref<32x256xf32, #tpu.memory_space<vmem>>, vector<16xf32>,
      tpu.vector_store %arg14[%swap3A_214, %swap3A_215], %add3A_110 {strides = array<i32>} : memref<32x256xf32, #tpu.memory_space<vmem>>, vector<16xf32>,
      %swap3A_217 = arith.index_cast %add3A_74 : i32 to index
      %swap3A_218 = arith.constant 48 : index
      %swap3A_219 = tpu.vector_load %arg15[%swap3A_217, %swap3A_218] {strides = array<i32>} : memref<32x256xf32, #tpu.memory_space<vmem>>, vector<16xf32>,
      tpu.vector_store %arg15[%swap3A_217, %swap3A_218], %add3A_112 {strides = array<i32>} : memref<32x256xf32, #tpu.memory_space<vmem>>, vector<16xf32>,
      %swap3A_220 = arith.index_cast %add3A_74 : i32 to index
      %swap3A_221 = arith.constant 64 : index
      %swap3A_222 = tpu.vector_load %arg14[%swap3A_220, %swap3A_221] {strides = array<i32>} : memref<32x256xf32, #tpu.memory_space<vmem>>, vector<16xf32>,
      tpu.vector_store %arg14[%swap3A_220, %swap3A_221], %add3A_117 {strides = array<i32>} : memref<32x256xf32, #tpu.memory_space<vmem>>, vector<16xf32>,
      %swap3A_223 = arith.index_cast %add3A_74 : i32 to index
      %swap3A_224 = arith.constant 64 : index
      %swap3A_225 = tpu.vector_load %arg15[%swap3A_223, %swap3A_224] {strides = array<i32>} : memref<32x256xf32, #tpu.memory_space<vmem>>, vector<16xf32>,
      tpu.vector_store %arg15[%swap3A_223, %swap3A_224], %add3A_119 {strides = array<i32>} : memref<32x256xf32, #tpu.memory_space<vmem>>, vector<16xf32>,
      %swap3A_226 = arith.index_cast %add3A_74 : i32 to index
      %swap3A_227 = arith.constant 80 : index
      %swap3A_228 = tpu.vector_load %arg14[%swap3A_226, %swap3A_227] {strides = array<i32>} : memref<32x256xf32, #tpu.memory_space<vmem>>, vector<16xf32>,
      tpu.vector_store %arg14[%swap3A_226, %swap3A_227], %add3A_124 {strides = array<i32>} : memref<32x256xf32, #tpu.memory_space<vmem>>, vector<16xf32>,
      %swap3A_229 = arith.index_cast %add3A_74 : i32 to index
      %swap3A_230 = arith.constant 80 : index
      %swap3A_231 = tpu.vector_load %arg15[%swap3A_229, %swap3A_230] {strides = array<i32>} : memref<32x256xf32, #tpu.memory_space<vmem>>, vector<16xf32>,
      tpu.vector_store %arg15[%swap3A_229, %swap3A_230], %add3A_126 {strides = array<i32>} : memref<32x256xf32, #tpu.memory_space<vmem>>, vector<16xf32>,
      %swap3A_232 = arith.index_cast %add3A_74 : i32 to index
      %swap3A_233 = arith.constant 96 : index
      %swap3A_234 = tpu.vector_load %arg14[%swap3A_232, %swap3A_233] {strides = array<i32>} : memref<32x256xf32, #tpu.memory_space<vmem>>, vector<16xf32>,
      tpu.vector_store %arg14[%swap3A_232, %swap3A_233], %add3A_131 {strides = array<i32>} : memref<32x256xf32, #tpu.memory_space<vmem>>, vector<16xf32>,
      %swap3A_235 = arith.index_cast %add3A_74 : i32 to index
      %swap3A_236 = arith.constant 96 : index
      %swap3A_237 = tpu.vector_load %arg15[%swap3A_235, %swap3A_236] {strides = array<i32>} : memref<32x256xf32, #tpu.memory_space<vmem>>, vector<16xf32>,
      tpu.vector_store %arg15[%swap3A_235, %swap3A_236], %add3A_133 {strides = array<i32>} : memref<32x256xf32, #tpu.memory_space<vmem>>, vector<16xf32>,
      %swap3A_238 = arith.index_cast %add3A_74 : i32 to index
      %swap3A_239 = arith.constant 112 : index
      %swap3A_240 = tpu.vector_load %arg14[%swap3A_238, %swap3A_239] {strides = array<i32>} : memref<32x256xf32, #tpu.memory_space<vmem>>, vector<16xf32>,
      tpu.vector_store %arg14[%swap3A_238, %swap3A_239], %add3A_138 {strides = array<i32>} : memref<32x256xf32, #tpu.memory_space<vmem>>, vector<16xf32>,
      %swap3A_241 = arith.index_cast %add3A_74 : i32 to index
      %swap3A_242 = arith.constant 112 : index
      %swap3A_243 = tpu.vector_load %arg15[%swap3A_241, %swap3A_242] {strides = array<i32>} : memref<32x256xf32, #tpu.memory_space<vmem>>, vector<16xf32>,
      tpu.vector_store %arg15[%swap3A_241, %swap3A_242], %add3A_140 {strides = array<i32>} : memref<32x256xf32, #tpu.memory_space<vmem>>, vector<16xf32>,
      %swap3A_244 = arith.index_cast %add3A_74 : i32 to index
      %swap3A_245 = arith.constant 128 : index
      %swap3A_246 = tpu.vector_load %arg14[%swap3A_244, %swap3A_245] {strides = array<i32>} : memref<32x256xf32, #tpu.memory_space<vmem>>, vector<16xf32>,
      tpu.vector_store %arg14[%swap3A_244, %swap3A_245], %add3A_145 {strides = array<i32>} : memref<32x256xf32, #tpu.memory_space<vmem>>, vector<16xf32>,
      %swap3A_247 = arith.index_cast %add3A_74 : i32 to index
      %swap3A_248 = arith.constant 128 : index
      %swap3A_249 = tpu.vector_load %arg15[%swap3A_247, %swap3A_248] {strides = array<i32>} : memref<32x256xf32, #tpu.memory_space<vmem>>, vector<16xf32>,
      tpu.vector_store %arg15[%swap3A_247, %swap3A_248], %add3A_147 {strides = array<i32>} : memref<32x256xf32, #tpu.memory_space<vmem>>, vector<16xf32>,
      %swap3A_250 = arith.index_cast %add3A_74 : i32 to index
      %swap3A_251 = arith.constant 144 : index
      %swap3A_252 = tpu.vector_load %arg14[%swap3A_250, %swap3A_251] {strides = array<i32>} : memref<32x256xf32, #tpu.memory_space<vmem>>, vector<16xf32>,
      tpu.vector_store %arg14[%swap3A_250, %swap3A_251], %add3A_152 {strides = array<i32>} : memref<32x256xf32, #tpu.memory_space<vmem>>, vector<16xf32>,
      %swap3A_253 = arith.index_cast %add3A_74 : i32 to index
      %swap3A_254 = arith.constant 144 : index
      %swap3A_255 = tpu.vector_load %arg15[%swap3A_253, %swap3A_254] {strides = array<i32>} : memref<32x256xf32, #tpu.memory_space<vmem>>, vector<16xf32>,
      tpu.vector_store %arg15[%swap3A_253, %swap3A_254], %add3A_154 {strides = array<i32>} : memref<32x256xf32, #tpu.memory_space<vmem>>, vector<16xf32>,
      %swap3A_256 = arith.index_cast %add3A_74 : i32 to index
      %swap3A_257 = arith.constant 160 : index
      %swap3A_258 = tpu.vector_load %arg14[%swap3A_256, %swap3A_257] {strides = array<i32>} : memref<32x256xf32, #tpu.memory_space<vmem>>, vector<16xf32>,
      tpu.vector_store %arg14[%swap3A_256, %swap3A_257], %add3A_159 {strides = array<i32>} : memref<32x256xf32, #tpu.memory_space<vmem>>, vector<16xf32>,
      %swap3A_259 = arith.index_cast %add3A_74 : i32 to index
      %swap3A_260 = arith.constant 160 : index
      %swap3A_261 = tpu.vector_load %arg15[%swap3A_259, %swap3A_260] {strides = array<i32>} : memref<32x256xf32, #tpu.memory_space<vmem>>, vector<16xf32>,
      tpu.vector_store %arg15[%swap3A_259, %swap3A_260], %add3A_161 {strides = array<i32>} : memref<32x256xf32, #tpu.memory_space<vmem>>, vector<16xf32>,
      %swap3A_262 = arith.index_cast %add3A_74 : i32 to index
      %swap3A_263 = arith.constant 176 : index
      %swap3A_264 = tpu.vector_load %arg14[%swap3A_262, %swap3A_263] {strides = array<i32>} : memref<32x256xf32, #tpu.memory_space<vmem>>, vector<16xf32>,
      tpu.vector_store %arg14[%swap3A_262, %swap3A_263], %add3A_166 {strides = array<i32>} : memref<32x256xf32, #tpu.memory_space<vmem>>, vector<16xf32>,
      %swap3A_265 = arith.index_cast %add3A_74 : i32 to index
      %swap3A_266 = arith.constant 176 : index
      %swap3A_267 = tpu.vector_load %arg15[%swap3A_265, %swap3A_266] {strides = array<i32>} : memref<32x256xf32, #tpu.memory_space<vmem>>, vector<16xf32>,
      tpu.vector_store %arg15[%swap3A_265, %swap3A_266], %add3A_168 {strides = array<i32>} : memref<32x256xf32, #tpu.memory_space<vmem>>, vector<16xf32>,
      %swap3A_268 = arith.index_cast %add3A_74 : i32 to index
      %swap3A_269 = arith.constant 192 : index
      %swap3A_270 = tpu.vector_load %arg14[%swap3A_268, %swap3A_269] {strides = array<i32>} : memref<32x256xf32, #tpu.memory_space<vmem>>, vector<16xf32>,
      tpu.vector_store %arg14[%swap3A_268, %swap3A_269], %add3A_173 {strides = array<i32>} : memref<32x256xf32, #tpu.memory_space<vmem>>, vector<16xf32>,
      %swap3A_271 = arith.index_cast %add3A_74 : i32 to index
      %swap3A_272 = arith.constant 192 : index
      %swap3A_273 = tpu.vector_load %arg15[%swap3A_271, %swap3A_272] {strides = array<i32>} : memref<32x256xf32, #tpu.memory_space<vmem>>, vector<16xf32>,
      tpu.vector_store %arg15[%swap3A_271, %swap3A_272], %add3A_175 {strides = array<i32>} : memref<32x256xf32, #tpu.memory_space<vmem>>, vector<16xf32>,
      %swap3A_274 = arith.index_cast %add3A_74 : i32 to index
      %swap3A_275 = arith.constant 208 : index
      %swap3A_276 = tpu.vector_load %arg14[%swap3A_274, %swap3A_275] {strides = array<i32>} : memref<32x256xf32, #tpu.memory_space<vmem>>, vector<16xf32>,
      tpu.vector_store %arg14[%swap3A_274, %swap3A_275], %add3A_180 {strides = array<i32>} : memref<32x256xf32, #tpu.memory_space<vmem>>, vector<16xf32>,
      %swap3A_277 = arith.index_cast %add3A_74 : i32 to index
      %swap3A_278 = arith.constant 208 : index
      %swap3A_279 = tpu.vector_load %arg15[%swap3A_277, %swap3A_278] {strides = array<i32>} : memref<32x256xf32, #tpu.memory_space<vmem>>, vector<16xf32>,
      tpu.vector_store %arg15[%swap3A_277, %swap3A_278], %add3A_182 {strides = array<i32>} : memref<32x256xf32, #tpu.memory_space<vmem>>, vector<16xf32>,
      %swap3A_280 = arith.index_cast %add3A_74 : i32 to index
      %swap3A_281 = arith.constant 224 : index
      %swap3A_282 = tpu.vector_load %arg14[%swap3A_280, %swap3A_281] {strides = array<i32>} : memref<32x256xf32, #tpu.memory_space<vmem>>, vector<16xf32>,
      tpu.vector_store %arg14[%swap3A_280, %swap3A_281], %add3A_187 {strides = array<i32>} : memref<32x256xf32, #tpu.memory_space<vmem>>, vector<16xf32>,
      %swap3A_283 = arith.index_cast %add3A_74 : i32 to index
      %swap3A_284 = arith.constant 224 : index
      %swap3A_285 = tpu.vector_load %arg15[%swap3A_283, %swap3A_284] {strides = array<i32>} : memref<32x256xf32, #tpu.memory_space<vmem>>, vector<16xf32>,
      tpu.vector_store %arg15[%swap3A_283, %swap3A_284], %add3A_189 {strides = array<i32>} : memref<32x256xf32, #tpu.memory_space<vmem>>, vector<16xf32>,
      %swap3A_286 = arith.index_cast %add3A_74 : i32 to index
      %swap3A_287 = arith.constant 240 : index
      %swap3A_288 = tpu.vector_load %arg14[%swap3A_286, %swap3A_287] {strides = array<i32>} : memref<32x256xf32, #tpu.memory_space<vmem>>, vector<16xf32>,
      tpu.vector_store %arg14[%swap3A_286, %swap3A_287], %add3A_194 {strides = array<i32>} : memref<32x256xf32, #tpu.memory_space<vmem>>, vector<16xf32>,
      %swap3A_289 = arith.index_cast %add3A_74 : i32 to index
      %swap3A_290 = arith.constant 240 : index
      %swap3A_291 = tpu.vector_load %arg15[%swap3A_289, %swap3A_290] {strides = array<i32>} : memref<32x256xf32, #tpu.memory_space<vmem>>, vector<16xf32>,
      tpu.vector_store %arg15[%swap3A_289, %swap3A_290], %add3A_196 {strides = array<i32>} : memref<32x256xf32, #tpu.memory_space<vmem>>, vector<16xf32>,
      %swap3A_292 = arith.index_cast %add3A_74 : i32 to index
      %swap3A_293 = arith.constant 0 : index
      %swap3A_294 = tpu.vector_load %arg16[%swap3A_292, %swap3A_293] {strides = array<i32>} : memref<32x16xf32, #tpu.memory_space<vmem>>, vector<16xf32>,
      tpu.vector_store %arg16[%swap3A_292, %swap3A_293], %add3A_87 {strides = array<i32>} : memref<32x16xf32, #tpu.memory_space<vmem>>, vector<16xf32>,
      %scan3A_295 = arith.constant 0 : i32
      scf.yield %scan3A_295 : i32
    }
    %scan3A_59 = arith.constant 8 : i32
    %dma_wait3A_60 = arith.constant 0 : i32
    %dma_wait3A_61 = tpu.memref_slice %arg2[%add3A_44, %dma_wait3A_60] : memref<1024x2600xi32, #tpu.memory_space<hbm>> -> memref<8x2600xi32, #tpu.memory_space<hbm>>
    %dma_wait3A_62 = arith.constant 0 : i32
    %dma_wait3A_63 = tpu.memref_slice %arg2[%add3A_44, %dma_wait3A_62] : memref<1024x2600xi32, #tpu.memory_space<hbm>> -> memref<8x2600xi32, #tpu.memory_space<hbm>>
    tpu.wait_dma2 semaphore(%arg19 : memref<!tpu.dma_semaphore, #tpu.memory_space<semaphore_mem>>) src(%dma_wait3A_63 : memref<8x2600xi32, #tpu.memory_space<hbm>>) dst(%arg13 : memref<8x2600xi32, #tpu.memory_space<vmem>>)
    %scan3A_64 = arith.constant 0 : i32
    %scan3A_65 = arith.constant 0 : i32
    %scan3A_66 = arith.constant 8 : i32
    %scan3A_67 = arith.addi %scan3A_65, %scan3A_66 : i32
    %scan3A_68 = arith.constant 1 : i32
    %scan3A_69 = scf.for %scan3A_71 = %scan3A_65 to %scan3A_67 step %scan3A_68 iter_args(%scan3A_72 = %scan3A_64) -> (i32)  : i32 {
      %add3A_73 = arith.constant 24 : i32
      %add3A_74 = arith.addi %add3A_73, %scan3A_71 : i32
      %scan3A_75 = arith.constant 0 : i32
      %scan3A_76 = arith.constant 81 : i32
      %scan3A_77 = arith.addi %scan3A_75, %scan3A_76 : i32
      %scan3A_78 = arith.constant 1 : i32
      %scan3A_79:33 = scf.for %scan3A_296 = %scan3A_75 to %scan3A_77 step %scan3A_78 iter_args(%scan3A_297 = %broadcast_in_dim3A_10, %scan3A_298 = %broadcast_in_dim3A_10, %scan3A_299 = %broadcast_in_dim3A_10, %scan3A_300 = %broadcast_in_dim3A_10, %scan3A_301 = %broadcast_in_dim3A_10, %scan3A_302 = %broadcast_in_dim3A_10, %scan3A_303 = %broadcast_in_dim3A_10, %scan3A_304 = %broadcast_in_dim3A_10, %scan3A_305 = %broadcast_in_dim3A_10, %scan3A_306 = %broadcast_in_dim3A_10, %scan3A_307 = %broadcast_in_dim3A_10, %scan3A_308 = %broadcast_in_dim3A_10, %scan3A_309 = %broadcast_in_dim3A_10, %scan3A_310 = %broadcast_in_dim3A_10, %scan3A_311 = %broadcast_in_dim3A_10, %scan3A_312 = %broadcast_in_dim3A_10, %scan3A_313 = %broadcast_in_dim3A_10, %scan3A_314 = %broadcast_in_dim3A_10, %scan3A_315 = %broadcast_in_dim3A_10, %scan3A_316 = %broadcast_in_dim3A_10, %scan3A_317 = %broadcast_in_dim3A_10, %scan3A_318 = %broadcast_in_dim3A_10, %scan3A_319 = %broadcast_in_dim3A_10, %scan3A_320 = %broadcast_in_dim3A_10, %scan3A_321 = %broadcast_in_dim3A_10, %scan3A_322 = %broadcast_in_dim3A_10, %scan3A_323 = %broadcast_in_dim3A_10, %scan3A_324 = %broadcast_in_dim3A_10, %scan3A_325 = %broadcast_in_dim3A_10, %scan3A_326 = %broadcast_in_dim3A_10, %scan3A_327 = %broadcast_in_dim3A_10, %scan3A_328 = %broadcast_in_dim3A_10, %scan3A_329 = %broadcast_in_dim3A_10) -> (vector<16xf32>, vector<16xf32>, vector<16xf32>, vector<16xf32>, vector<16xf32>, vector<16xf32>, vector<16xf32>, vector<16xf32>, vector<16xf32>, vector<16xf32>, vector<16xf32>, vector<16xf32>, vector<16xf32>, vector<16xf32>, vector<16xf32>, vector<16xf32>, vector<16xf32>, vector<16xf32>, vector<16xf32>, vector<16xf32>, vector<16xf32>, vector<16xf32>, vector<16xf32>, vector<16xf32>, vector<16xf32>, vector<16xf32>, vector<16xf32>, vector<16xf32>, vector<16xf32>, vector<16xf32>, vector<16xf32>, vector<16xf32>, vector<16xf32>)  : i32 {
        %mul3A_330 = arith.constant 2 : i32
        %mul3A_331 = arith.muli %scan3A_296, %mul3A_330 : i32
        %add3A_332 = arith.constant 0 : i32
        %add3A_333 = arith.addi %mul3A_331, %add3A_332 : i32
        %mul3A_334 = arith.constant 16 : i32
        %mul3A_335 = arith.muli %add3A_333, %mul3A_334 : i32
        %multiple_of3A = tpu.assume_multiple %mul3A_335, 8 : i32
        %get3A_336 = arith.index_cast %scan3A_71 : i32 to index
        %get3A_337 = arith.index_cast %multiple_of3A : i32 to index
        %get3A_338 = tpu.vector_load %arg13[%get3A_336, %get3A_337] {strides = array<i32>} : memref<8x2600xi32, #tpu.memory_space<vmem>>, vector<16xi32>,
        %get3A_339 = arith.index_cast %multiple_of3A : i32 to index
        %get3A_340 = tpu.vector_load %arg10[%get3A_339] {strides = array<i32>} : memref<2600xf32, #tpu.memory_space<vmem>>, vector<16xf32>,
        %gather3A_341 = tpu.vector_load_idx %arg11[%get3A_338] : memref<2608xf32, #tpu.memory_space<vmem>>[vector<16xi32>], vector<16xf32>,
        %mul3A_342 = arith.mulf %gather3A_341, %get3A_340 : vector<16xf32>
        %add3A_343 = arith.addf %scan3A_329, %mul3A_342 : vector<16xf32>
        %gather3A_344 = tpu.vector_load_idx %arg9[%get3A_338] : memref<41616xf32, #tpu.memory_space<vmem>>[vector<16xi32>], vector<16xf32>,
        %add3A_345 = arith.addf %scan3A_297, %gather3A_344 : vector<16xf32>
        %mul3A_346 = arith.mulf %gather3A_344, %gather3A_344 : vector<16xf32>
        %add3A_347 = arith.addf %scan3A_313, %mul3A_346 : vector<16xf32>
        %add3A_348 = arith.constant 2601 : i32
        %add3A_349 = vector.broadcast %add3A_348 : i32 to vector<16xi32>
        %add3A_350 = arith.addi %get3A_338, %add3A_349 : vector<16xi32>
        %gather3A_351 = tpu.vector_load_idx %arg9[%add3A_350] : memref<41616xf32, #tpu.memory_space<vmem>>[vector<16xi32>], vector<16xf32>,
        %add3A_352 = arith.addf %scan3A_298, %gather3A_351 : vector<16xf32>
        %mul3A_353 = arith.mulf %gather3A_351, %gather3A_351 : vector<16xf32>
        %add3A_354 = arith.addf %scan3A_314, %mul3A_353 : vector<16xf32>
        %add3A_355 = arith.constant 2601 : i32
        %add3A_356 = vector.broadcast %add3A_355 : i32 to vector<16xi32>
        %add3A_357 = arith.addi %add3A_350, %add3A_356 : vector<16xi32>
        %gather3A_358 = tpu.vector_load_idx %arg9[%add3A_357] : memref<41616xf32, #tpu.memory_space<vmem>>[vector<16xi32>], vector<16xf32>,
        %add3A_359 = arith.addf %scan3A_299, %gather3A_358 : vector<16xf32>
        %mul3A_360 = arith.mulf %gather3A_358, %gather3A_358 : vector<16xf32>
        %add3A_361 = arith.addf %scan3A_315, %mul3A_360 : vector<16xf32>
        %add3A_362 = arith.constant 2601 : i32
        %add3A_363 = vector.broadcast %add3A_362 : i32 to vector<16xi32>
        %add3A_364 = arith.addi %add3A_357, %add3A_363 : vector<16xi32>
        %gather3A_365 = tpu.vector_load_idx %arg9[%add3A_364] : memref<41616xf32, #tpu.memory_space<vmem>>[vector<16xi32>], vector<16xf32>,
        %add3A_366 = arith.addf %scan3A_300, %gather3A_365 : vector<16xf32>
        %mul3A_367 = arith.mulf %gather3A_365, %gather3A_365 : vector<16xf32>
        %add3A_368 = arith.addf %scan3A_316, %mul3A_367 : vector<16xf32>
        %add3A_369 = arith.constant 2601 : i32
        %add3A_370 = vector.broadcast %add3A_369 : i32 to vector<16xi32>
        %add3A_371 = arith.addi %add3A_364, %add3A_370 : vector<16xi32>
        %gather3A_372 = tpu.vector_load_idx %arg9[%add3A_371] : memref<41616xf32, #tpu.memory_space<vmem>>[vector<16xi32>], vector<16xf32>,
        %add3A_373 = arith.addf %scan3A_301, %gather3A_372 : vector<16xf32>
        %mul3A_374 = arith.mulf %gather3A_372, %gather3A_372 : vector<16xf32>
        %add3A_375 = arith.addf %scan3A_317, %mul3A_374 : vector<16xf32>
        %add3A_376 = arith.constant 2601 : i32
        %add3A_377 = vector.broadcast %add3A_376 : i32 to vector<16xi32>
        %add3A_378 = arith.addi %add3A_371, %add3A_377 : vector<16xi32>
        %gather3A_379 = tpu.vector_load_idx %arg9[%add3A_378] : memref<41616xf32, #tpu.memory_space<vmem>>[vector<16xi32>], vector<16xf32>,
        %add3A_380 = arith.addf %scan3A_302, %gather3A_379 : vector<16xf32>
        %mul3A_381 = arith.mulf %gather3A_379, %gather3A_379 : vector<16xf32>
        %add3A_382 = arith.addf %scan3A_318, %mul3A_381 : vector<16xf32>
        %add3A_383 = arith.constant 2601 : i32
        %add3A_384 = vector.broadcast %add3A_383 : i32 to vector<16xi32>
        %add3A_385 = arith.addi %add3A_378, %add3A_384 : vector<16xi32>
        %gather3A_386 = tpu.vector_load_idx %arg9[%add3A_385] : memref<41616xf32, #tpu.memory_space<vmem>>[vector<16xi32>], vector<16xf32>,
        %add3A_387 = arith.addf %scan3A_303, %gather3A_386 : vector<16xf32>
        %mul3A_388 = arith.mulf %gather3A_386, %gather3A_386 : vector<16xf32>
        %add3A_389 = arith.addf %scan3A_319, %mul3A_388 : vector<16xf32>
        %add3A_390 = arith.constant 2601 : i32
        %add3A_391 = vector.broadcast %add3A_390 : i32 to vector<16xi32>
        %add3A_392 = arith.addi %add3A_385, %add3A_391 : vector<16xi32>
        %gather3A_393 = tpu.vector_load_idx %arg9[%add3A_392] : memref<41616xf32, #tpu.memory_space<vmem>>[vector<16xi32>], vector<16xf32>,
        %add3A_394 = arith.addf %scan3A_304, %gather3A_393 : vector<16xf32>
        %mul3A_395 = arith.mulf %gather3A_393, %gather3A_393 : vector<16xf32>
        %add3A_396 = arith.addf %scan3A_320, %mul3A_395 : vector<16xf32>
        %add3A_397 = arith.constant 2601 : i32
        %add3A_398 = vector.broadcast %add3A_397 : i32 to vector<16xi32>
        %add3A_399 = arith.addi %add3A_392, %add3A_398 : vector<16xi32>
        %gather3A_400 = tpu.vector_load_idx %arg9[%add3A_399] : memref<41616xf32, #tpu.memory_space<vmem>>[vector<16xi32>], vector<16xf32>,
        %add3A_401 = arith.addf %scan3A_305, %gather3A_400 : vector<16xf32>
        %mul3A_402 = arith.mulf %gather3A_400, %gather3A_400 : vector<16xf32>
        %add3A_403 = arith.addf %scan3A_321, %mul3A_402 : vector<16xf32>
        %add3A_404 = arith.constant 2601 : i32
        %add3A_405 = vector.broadcast %add3A_404 : i32 to vector<16xi32>
        %add3A_406 = arith.addi %add3A_399, %add3A_405 : vector<16xi32>
        %gather3A_407 = tpu.vector_load_idx %arg9[%add3A_406] : memref<41616xf32, #tpu.memory_space<vmem>>[vector<16xi32>], vector<16xf32>,
        %add3A_408 = arith.addf %scan3A_306, %gather3A_407 : vector<16xf32>
        %mul3A_409 = arith.mulf %gather3A_407, %gather3A_407 : vector<16xf32>
        %add3A_410 = arith.addf %scan3A_322, %mul3A_409 : vector<16xf32>
        %add3A_411 = arith.constant 2601 : i32
        %add3A_412 = vector.broadcast %add3A_411 : i32 to vector<16xi32>
        %add3A_413 = arith.addi %add3A_406, %add3A_412 : vector<16xi32>
        %gather3A_414 = tpu.vector_load_idx %arg9[%add3A_413] : memref<41616xf32, #tpu.memory_space<vmem>>[vector<16xi32>], vector<16xf32>,
        %add3A_415 = arith.addf %scan3A_307, %gather3A_414 : vector<16xf32>
        %mul3A_416 = arith.mulf %gather3A_414, %gather3A_414 : vector<16xf32>
        %add3A_417 = arith.addf %scan3A_323, %mul3A_416 : vector<16xf32>
        %add3A_418 = arith.constant 2601 : i32
        %add3A_419 = vector.broadcast %add3A_418 : i32 to vector<16xi32>
        %add3A_420 = arith.addi %add3A_413, %add3A_419 : vector<16xi32>
        %gather3A_421 = tpu.vector_load_idx %arg9[%add3A_420] : memref<41616xf32, #tpu.memory_space<vmem>>[vector<16xi32>], vector<16xf32>,
        %add3A_422 = arith.addf %scan3A_308, %gather3A_421 : vector<16xf32>
        %mul3A_423 = arith.mulf %gather3A_421, %gather3A_421 : vector<16xf32>
        %add3A_424 = arith.addf %scan3A_324, %mul3A_423 : vector<16xf32>
        %add3A_425 = arith.constant 2601 : i32
        %add3A_426 = vector.broadcast %add3A_425 : i32 to vector<16xi32>
        %add3A_427 = arith.addi %add3A_420, %add3A_426 : vector<16xi32>
        %gather3A_428 = tpu.vector_load_idx %arg9[%add3A_427] : memref<41616xf32, #tpu.memory_space<vmem>>[vector<16xi32>], vector<16xf32>,
        %add3A_429 = arith.addf %scan3A_309, %gather3A_428 : vector<16xf32>
        %mul3A_430 = arith.mulf %gather3A_428, %gather3A_428 : vector<16xf32>
        %add3A_431 = arith.addf %scan3A_325, %mul3A_430 : vector<16xf32>
        %add3A_432 = arith.constant 2601 : i32
        %add3A_433 = vector.broadcast %add3A_432 : i32 to vector<16xi32>
        %add3A_434 = arith.addi %add3A_427, %add3A_433 : vector<16xi32>
        %gather3A_435 = tpu.vector_load_idx %arg9[%add3A_434] : memref<41616xf32, #tpu.memory_space<vmem>>[vector<16xi32>], vector<16xf32>,
        %add3A_436 = arith.addf %scan3A_310, %gather3A_435 : vector<16xf32>
        %mul3A_437 = arith.mulf %gather3A_435, %gather3A_435 : vector<16xf32>
        %add3A_438 = arith.addf %scan3A_326, %mul3A_437 : vector<16xf32>
        %add3A_439 = arith.constant 2601 : i32
        %add3A_440 = vector.broadcast %add3A_439 : i32 to vector<16xi32>
        %add3A_441 = arith.addi %add3A_434, %add3A_440 : vector<16xi32>
        %gather3A_442 = tpu.vector_load_idx %arg9[%add3A_441] : memref<41616xf32, #tpu.memory_space<vmem>>[vector<16xi32>], vector<16xf32>,
        %add3A_443 = arith.addf %scan3A_311, %gather3A_442 : vector<16xf32>
        %mul3A_444 = arith.mulf %gather3A_442, %gather3A_442 : vector<16xf32>
        %add3A_445 = arith.addf %scan3A_327, %mul3A_444 : vector<16xf32>
        %add3A_446 = arith.constant 2601 : i32
        %add3A_447 = vector.broadcast %add3A_446 : i32 to vector<16xi32>
        %add3A_448 = arith.addi %add3A_441, %add3A_447 : vector<16xi32>
        %gather3A_449 = tpu.vector_load_idx %arg9[%add3A_448] : memref<41616xf32, #tpu.memory_space<vmem>>[vector<16xi32>], vector<16xf32>,
        %add3A_450 = arith.addf %scan3A_312, %gather3A_449 : vector<16xf32>
        %mul3A_451 = arith.mulf %gather3A_449, %gather3A_449 : vector<16xf32>
        %add3A_452 = arith.addf %scan3A_328, %mul3A_451 : vector<16xf32>
        %mul3A_453 = arith.constant 2 : i32
        %mul3A_454 = arith.muli %scan3A_296, %mul3A_453 : i32
        %add3A_455 = arith.constant 1 : i32
        %add3A_456 = arith.addi %mul3A_454, %add3A_455 : i32
        %mul3A_457 = arith.constant 16 : i32
        %mul3A_458 = arith.muli %add3A_456, %mul3A_457 : i32
        %multiple_of3A_459 = tpu.assume_multiple %mul3A_458, 8 : i32
        %get3A_460 = arith.index_cast %scan3A_71 : i32 to index
        %get3A_461 = arith.index_cast %multiple_of3A_459 : i32 to index
        %get3A_462 = tpu.vector_load %arg13[%get3A_460, %get3A_461] {strides = array<i32>} : memref<8x2600xi32, #tpu.memory_space<vmem>>, vector<16xi32>,
        %get3A_463 = arith.index_cast %multiple_of3A_459 : i32 to index
        %get3A_464 = tpu.vector_load %arg10[%get3A_463] {strides = array<i32>} : memref<2600xf32, #tpu.memory_space<vmem>>, vector<16xf32>,
        %gather3A_465 = tpu.vector_load_idx %arg11[%get3A_462] : memref<2608xf32, #tpu.memory_space<vmem>>[vector<16xi32>], vector<16xf32>,
        %mul3A_466 = arith.mulf %gather3A_465, %get3A_464 : vector<16xf32>
        %add3A_467 = arith.addf %add3A_343, %mul3A_466 : vector<16xf32>
        %gather3A_468 = tpu.vector_load_idx %arg9[%get3A_462] : memref<41616xf32, #tpu.memory_space<vmem>>[vector<16xi32>], vector<16xf32>,
        %add3A_469 = arith.addf %add3A_345, %gather3A_468 : vector<16xf32>
        %mul3A_470 = arith.mulf %gather3A_468, %gather3A_468 : vector<16xf32>
        %add3A_471 = arith.addf %add3A_347, %mul3A_470 : vector<16xf32>
        %add3A_472 = arith.constant 2601 : i32
        %add3A_473 = vector.broadcast %add3A_472 : i32 to vector<16xi32>
        %add3A_474 = arith.addi %get3A_462, %add3A_473 : vector<16xi32>
        %gather3A_475 = tpu.vector_load_idx %arg9[%add3A_474] : memref<41616xf32, #tpu.memory_space<vmem>>[vector<16xi32>], vector<16xf32>,
        %add3A_476 = arith.addf %add3A_352, %gather3A_475 : vector<16xf32>
        %mul3A_477 = arith.mulf %gather3A_475, %gather3A_475 : vector<16xf32>
        %add3A_478 = arith.addf %add3A_354, %mul3A_477 : vector<16xf32>
        %add3A_479 = arith.constant 2601 : i32
        %add3A_480 = vector.broadcast %add3A_479 : i32 to vector<16xi32>
        %add3A_481 = arith.addi %add3A_474, %add3A_480 : vector<16xi32>
        %gather3A_482 = tpu.vector_load_idx %arg9[%add3A_481] : memref<41616xf32, #tpu.memory_space<vmem>>[vector<16xi32>], vector<16xf32>,
        %add3A_483 = arith.addf %add3A_359, %gather3A_482 : vector<16xf32>
        %mul3A_484 = arith.mulf %gather3A_482, %gather3A_482 : vector<16xf32>
        %add3A_485 = arith.addf %add3A_361, %mul3A_484 : vector<16xf32>
        %add3A_486 = arith.constant 2601 : i32
        %add3A_487 = vector.broadcast %add3A_486 : i32 to vector<16xi32>
        %add3A_488 = arith.addi %add3A_481, %add3A_487 : vector<16xi32>
        %gather3A_489 = tpu.vector_load_idx %arg9[%add3A_488] : memref<41616xf32, #tpu.memory_space<vmem>>[vector<16xi32>], vector<16xf32>,
        %add3A_490 = arith.addf %add3A_366, %gather3A_489 : vector<16xf32>
        %mul3A_491 = arith.mulf %gather3A_489, %gather3A_489 : vector<16xf32>
        %add3A_492 = arith.addf %add3A_368, %mul3A_491 : vector<16xf32>
        %add3A_493 = arith.constant 2601 : i32
        %add3A_494 = vector.broadcast %add3A_493 : i32 to vector<16xi32>
        %add3A_495 = arith.addi %add3A_488, %add3A_494 : vector<16xi32>
        %gather3A_496 = tpu.vector_load_idx %arg9[%add3A_495] : memref<41616xf32, #tpu.memory_space<vmem>>[vector<16xi32>], vector<16xf32>,
        %add3A_497 = arith.addf %add3A_373, %gather3A_496 : vector<16xf32>
        %mul3A_498 = arith.mulf %gather3A_496, %gather3A_496 : vector<16xf32>
        %add3A_499 = arith.addf %add3A_375, %mul3A_498 : vector<16xf32>
        %add3A_500 = arith.constant 2601 : i32
        %add3A_501 = vector.broadcast %add3A_500 : i32 to vector<16xi32>
        %add3A_502 = arith.addi %add3A_495, %add3A_501 : vector<16xi32>
        %gather3A_503 = tpu.vector_load_idx %arg9[%add3A_502] : memref<41616xf32, #tpu.memory_space<vmem>>[vector<16xi32>], vector<16xf32>,
        %add3A_504 = arith.addf %add3A_380, %gather3A_503 : vector<16xf32>
        %mul3A_505 = arith.mulf %gather3A_503, %gather3A_503 : vector<16xf32>
        %add3A_506 = arith.addf %add3A_382, %mul3A_505 : vector<16xf32>
        %add3A_507 = arith.constant 2601 : i32
        %add3A_508 = vector.broadcast %add3A_507 : i32 to vector<16xi32>
        %add3A_509 = arith.addi %add3A_502, %add3A_508 : vector<16xi32>
        %gather3A_510 = tpu.vector_load_idx %arg9[%add3A_509] : memref<41616xf32, #tpu.memory_space<vmem>>[vector<16xi32>], vector<16xf32>,
        %add3A_511 = arith.addf %add3A_387, %gather3A_510 : vector<16xf32>
        %mul3A_512 = arith.mulf %gather3A_510, %gather3A_510 : vector<16xf32>
        %add3A_513 = arith.addf %add3A_389, %mul3A_512 : vector<16xf32>
        %add3A_514 = arith.constant 2601 : i32
        %add3A_515 = vector.broadcast %add3A_514 : i32 to vector<16xi32>
        %add3A_516 = arith.addi %add3A_509, %add3A_515 : vector<16xi32>
        %gather3A_517 = tpu.vector_load_idx %arg9[%add3A_516] : memref<41616xf32, #tpu.memory_space<vmem>>[vector<16xi32>], vector<16xf32>,
        %add3A_518 = arith.addf %add3A_394, %gather3A_517 : vector<16xf32>
        %mul3A_519 = arith.mulf %gather3A_517, %gather3A_517 : vector<16xf32>
        %add3A_520 = arith.addf %add3A_396, %mul3A_519 : vector<16xf32>
        %add3A_521 = arith.constant 2601 : i32
        %add3A_522 = vector.broadcast %add3A_521 : i32 to vector<16xi32>
        %add3A_523 = arith.addi %add3A_516, %add3A_522 : vector<16xi32>
        %gather3A_524 = tpu.vector_load_idx %arg9[%add3A_523] : memref<41616xf32, #tpu.memory_space<vmem>>[vector<16xi32>], vector<16xf32>,
        %add3A_525 = arith.addf %add3A_401, %gather3A_524 : vector<16xf32>
        %mul3A_526 = arith.mulf %gather3A_524, %gather3A_524 : vector<16xf32>
        %add3A_527 = arith.addf %add3A_403, %mul3A_526 : vector<16xf32>
        %add3A_528 = arith.constant 2601 : i32
        %add3A_529 = vector.broadcast %add3A_528 : i32 to vector<16xi32>
        %add3A_530 = arith.addi %add3A_523, %add3A_529 : vector<16xi32>
        %gather3A_531 = tpu.vector_load_idx %arg9[%add3A_530] : memref<41616xf32, #tpu.memory_space<vmem>>[vector<16xi32>], vector<16xf32>,
        %add3A_532 = arith.addf %add3A_408, %gather3A_531 : vector<16xf32>
        %mul3A_533 = arith.mulf %gather3A_531, %gather3A_531 : vector<16xf32>
        %add3A_534 = arith.addf %add3A_410, %mul3A_533 : vector<16xf32>
        %add3A_535 = arith.constant 2601 : i32
        %add3A_536 = vector.broadcast %add3A_535 : i32 to vector<16xi32>
        %add3A_537 = arith.addi %add3A_530, %add3A_536 : vector<16xi32>
        %gather3A_538 = tpu.vector_load_idx %arg9[%add3A_537] : memref<41616xf32, #tpu.memory_space<vmem>>[vector<16xi32>], vector<16xf32>,
        %add3A_539 = arith.addf %add3A_415, %gather3A_538 : vector<16xf32>
        %mul3A_540 = arith.mulf %gather3A_538, %gather3A_538 : vector<16xf32>
        %add3A_541 = arith.addf %add3A_417, %mul3A_540 : vector<16xf32>
        %add3A_542 = arith.constant 2601 : i32
        %add3A_543 = vector.broadcast %add3A_542 : i32 to vector<16xi32>
        %add3A_544 = arith.addi %add3A_537, %add3A_543 : vector<16xi32>
        %gather3A_545 = tpu.vector_load_idx %arg9[%add3A_544] : memref<41616xf32, #tpu.memory_space<vmem>>[vector<16xi32>], vector<16xf32>,
        %add3A_546 = arith.addf %add3A_422, %gather3A_545 : vector<16xf32>
        %mul3A_547 = arith.mulf %gather3A_545, %gather3A_545 : vector<16xf32>
        %add3A_548 = arith.addf %add3A_424, %mul3A_547 : vector<16xf32>
        %add3A_549 = arith.constant 2601 : i32
        %add3A_550 = vector.broadcast %add3A_549 : i32 to vector<16xi32>
        %add3A_551 = arith.addi %add3A_544, %add3A_550 : vector<16xi32>
        %gather3A_552 = tpu.vector_load_idx %arg9[%add3A_551] : memref<41616xf32, #tpu.memory_space<vmem>>[vector<16xi32>], vector<16xf32>,
        %add3A_553 = arith.addf %add3A_429, %gather3A_552 : vector<16xf32>
        %mul3A_554 = arith.mulf %gather3A_552, %gather3A_552 : vector<16xf32>
        %add3A_555 = arith.addf %add3A_431, %mul3A_554 : vector<16xf32>
        %add3A_556 = arith.constant 2601 : i32
        %add3A_557 = vector.broadcast %add3A_556 : i32 to vector<16xi32>
        %add3A_558 = arith.addi %add3A_551, %add3A_557 : vector<16xi32>
        %gather3A_559 = tpu.vector_load_idx %arg9[%add3A_558] : memref<41616xf32, #tpu.memory_space<vmem>>[vector<16xi32>], vector<16xf32>,
        %add3A_560 = arith.addf %add3A_436, %gather3A_559 : vector<16xf32>
        %mul3A_561 = arith.mulf %gather3A_559, %gather3A_559 : vector<16xf32>
        %add3A_562 = arith.addf %add3A_438, %mul3A_561 : vector<16xf32>
        %add3A_563 = arith.constant 2601 : i32
        %add3A_564 = vector.broadcast %add3A_563 : i32 to vector<16xi32>
        %add3A_565 = arith.addi %add3A_558, %add3A_564 : vector<16xi32>
        %gather3A_566 = tpu.vector_load_idx %arg9[%add3A_565] : memref<41616xf32, #tpu.memory_space<vmem>>[vector<16xi32>], vector<16xf32>,
        %add3A_567 = arith.addf %add3A_443, %gather3A_566 : vector<16xf32>
        %mul3A_568 = arith.mulf %gather3A_566, %gather3A_566 : vector<16xf32>
        %add3A_569 = arith.addf %add3A_445, %mul3A_568 : vector<16xf32>
        %add3A_570 = arith.constant 2601 : i32
        %add3A_571 = vector.broadcast %add3A_570 : i32 to vector<16xi32>
        %add3A_572 = arith.addi %add3A_565, %add3A_571 : vector<16xi32>
        %gather3A_573 = tpu.vector_load_idx %arg9[%add3A_572] : memref<41616xf32, #tpu.memory_space<vmem>>[vector<16xi32>], vector<16xf32>,
        %add3A_574 = arith.addf %add3A_450, %gather3A_573 : vector<16xf32>
        %mul3A_575 = arith.mulf %gather3A_573, %gather3A_573 : vector<16xf32>
        %add3A_576 = arith.addf %add3A_452, %mul3A_575 : vector<16xf32>
        scf.yield %add3A_469, %add3A_476, %add3A_483, %add3A_490, %add3A_497, %add3A_504, %add3A_511, %add3A_518, %add3A_525, %add3A_532, %add3A_539, %add3A_546, %add3A_553, %add3A_560, %add3A_567, %add3A_574, %add3A_471, %add3A_478, %add3A_485, %add3A_492, %add3A_499, %add3A_506, %add3A_513, %add3A_520, %add3A_527, %add3A_534, %add3A_541, %add3A_548, %add3A_555, %add3A_562, %add3A_569, %add3A_576, %add3A_467 : vector<16xf32>, vector<16xf32>, vector<16xf32>, vector<16xf32>, vector<16xf32>, vector<16xf32>, vector<16xf32>, vector<16xf32>, vector<16xf32>, vector<16xf32>, vector<16xf32>, vector<16xf32>, vector<16xf32>, vector<16xf32>, vector<16xf32>, vector<16xf32>, vector<16xf32>, vector<16xf32>, vector<16xf32>, vector<16xf32>, vector<16xf32>, vector<16xf32>, vector<16xf32>, vector<16xf32>, vector<16xf32>, vector<16xf32>, vector<16xf32>, vector<16xf32>, vector<16xf32>, vector<16xf32>, vector<16xf32>, vector<16xf32>, vector<16xf32>
      }
      %scan3A_80 = arith.constant 81 : i32
      %get3A = arith.index_cast %scan3A_71 : i32 to index
      %get3A_81 = arith.constant 2584 : index
      %get3A_82 = tpu.vector_load %arg13[%get3A, %get3A_81] {strides = array<i32>} : memref<8x2600xi32, #tpu.memory_space<vmem>>, vector<16xi32>,
      %select_n3A = arith.select %ge3A_7, %get3A_82, %broadcast_in_dim3A_8 : vector<16xi1>, vector<16xi32>
      %get3A_83 = arith.constant 2584 : index
      %get3A_84 = tpu.vector_load %arg10[%get3A_83] {strides = array<i32>} : memref<2600xf32, #tpu.memory_space<vmem>>, vector<16xf32>,
      %select_n3A_85 = arith.select %ge3A_7, %get3A_84, %broadcast_in_dim3A_10 : vector<16xi1>, vector<16xf32>
      %gather3A = tpu.vector_load_idx %arg11[%select_n3A] : memref<2608xf32, #tpu.memory_space<vmem>>[vector<16xi32>], vector<16xf32>,
      %mul3A_86 = arith.mulf %gather3A, %select_n3A_85 : vector<16xf32>
      %add3A_87 = arith.addf %scan3A_79#32, %mul3A_86 : vector<16xf32>
      %gather3A_88 = tpu.vector_load_idx %arg9[%select_n3A] : memref<41616xf32, #tpu.memory_space<vmem>>[vector<16xi32>], vector<16xf32>,
      %add3A_89 = arith.addf %scan3A_79#0, %gather3A_88 : vector<16xf32>
      %mul3A_90 = arith.mulf %gather3A_88, %gather3A_88 : vector<16xf32>
      %add3A_91 = arith.addf %scan3A_79#16, %mul3A_90 : vector<16xf32>
      %add3A_92 = arith.constant 2601 : i32
      %add3A_93 = vector.broadcast %add3A_92 : i32 to vector<16xi32>
      %add3A_94 = arith.addi %select_n3A, %add3A_93 : vector<16xi32>
      %gather3A_95 = tpu.vector_load_idx %arg9[%add3A_94] : memref<41616xf32, #tpu.memory_space<vmem>>[vector<16xi32>], vector<16xf32>,
      %add3A_96 = arith.addf %scan3A_79#1, %gather3A_95 : vector<16xf32>
      %mul3A_97 = arith.mulf %gather3A_95, %gather3A_95 : vector<16xf32>
      %add3A_98 = arith.addf %scan3A_79#17, %mul3A_97 : vector<16xf32>
      %add3A_99 = arith.constant 2601 : i32
      %add3A_100 = vector.broadcast %add3A_99 : i32 to vector<16xi32>
      %add3A_101 = arith.addi %add3A_94, %add3A_100 : vector<16xi32>
      %gather3A_102 = tpu.vector_load_idx %arg9[%add3A_101] : memref<41616xf32, #tpu.memory_space<vmem>>[vector<16xi32>], vector<16xf32>,
      %add3A_103 = arith.addf %scan3A_79#2, %gather3A_102 : vector<16xf32>
      %mul3A_104 = arith.mulf %gather3A_102, %gather3A_102 : vector<16xf32>
      %add3A_105 = arith.addf %scan3A_79#18, %mul3A_104 : vector<16xf32>
      %add3A_106 = arith.constant 2601 : i32
      %add3A_107 = vector.broadcast %add3A_106 : i32 to vector<16xi32>
      %add3A_108 = arith.addi %add3A_101, %add3A_107 : vector<16xi32>
      %gather3A_109 = tpu.vector_load_idx %arg9[%add3A_108] : memref<41616xf32, #tpu.memory_space<vmem>>[vector<16xi32>], vector<16xf32>,
      %add3A_110 = arith.addf %scan3A_79#3, %gather3A_109 : vector<16xf32>
      %mul3A_111 = arith.mulf %gather3A_109, %gather3A_109 : vector<16xf32>
      %add3A_112 = arith.addf %scan3A_79#19, %mul3A_111 : vector<16xf32>
      %add3A_113 = arith.constant 2601 : i32
      %add3A_114 = vector.broadcast %add3A_113 : i32 to vector<16xi32>
      %add3A_115 = arith.addi %add3A_108, %add3A_114 : vector<16xi32>
      %gather3A_116 = tpu.vector_load_idx %arg9[%add3A_115] : memref<41616xf32, #tpu.memory_space<vmem>>[vector<16xi32>], vector<16xf32>,
      %add3A_117 = arith.addf %scan3A_79#4, %gather3A_116 : vector<16xf32>
      %mul3A_118 = arith.mulf %gather3A_116, %gather3A_116 : vector<16xf32>
      %add3A_119 = arith.addf %scan3A_79#20, %mul3A_118 : vector<16xf32>
      %add3A_120 = arith.constant 2601 : i32
      %add3A_121 = vector.broadcast %add3A_120 : i32 to vector<16xi32>
      %add3A_122 = arith.addi %add3A_115, %add3A_121 : vector<16xi32>
      %gather3A_123 = tpu.vector_load_idx %arg9[%add3A_122] : memref<41616xf32, #tpu.memory_space<vmem>>[vector<16xi32>], vector<16xf32>,
      %add3A_124 = arith.addf %scan3A_79#5, %gather3A_123 : vector<16xf32>
      %mul3A_125 = arith.mulf %gather3A_123, %gather3A_123 : vector<16xf32>
      %add3A_126 = arith.addf %scan3A_79#21, %mul3A_125 : vector<16xf32>
      %add3A_127 = arith.constant 2601 : i32
      %add3A_128 = vector.broadcast %add3A_127 : i32 to vector<16xi32>
      %add3A_129 = arith.addi %add3A_122, %add3A_128 : vector<16xi32>
      %gather3A_130 = tpu.vector_load_idx %arg9[%add3A_129] : memref<41616xf32, #tpu.memory_space<vmem>>[vector<16xi32>], vector<16xf32>,
      %add3A_131 = arith.addf %scan3A_79#6, %gather3A_130 : vector<16xf32>
      %mul3A_132 = arith.mulf %gather3A_130, %gather3A_130 : vector<16xf32>
      %add3A_133 = arith.addf %scan3A_79#22, %mul3A_132 : vector<16xf32>
      %add3A_134 = arith.constant 2601 : i32
      %add3A_135 = vector.broadcast %add3A_134 : i32 to vector<16xi32>
      %add3A_136 = arith.addi %add3A_129, %add3A_135 : vector<16xi32>
      %gather3A_137 = tpu.vector_load_idx %arg9[%add3A_136] : memref<41616xf32, #tpu.memory_space<vmem>>[vector<16xi32>], vector<16xf32>,
      %add3A_138 = arith.addf %scan3A_79#7, %gather3A_137 : vector<16xf32>
      %mul3A_139 = arith.mulf %gather3A_137, %gather3A_137 : vector<16xf32>
      %add3A_140 = arith.addf %scan3A_79#23, %mul3A_139 : vector<16xf32>
      %add3A_141 = arith.constant 2601 : i32
      %add3A_142 = vector.broadcast %add3A_141 : i32 to vector<16xi32>
      %add3A_143 = arith.addi %add3A_136, %add3A_142 : vector<16xi32>
      %gather3A_144 = tpu.vector_load_idx %arg9[%add3A_143] : memref<41616xf32, #tpu.memory_space<vmem>>[vector<16xi32>], vector<16xf32>,
      %add3A_145 = arith.addf %scan3A_79#8, %gather3A_144 : vector<16xf32>
      %mul3A_146 = arith.mulf %gather3A_144, %gather3A_144 : vector<16xf32>
      %add3A_147 = arith.addf %scan3A_79#24, %mul3A_146 : vector<16xf32>
      %add3A_148 = arith.constant 2601 : i32
      %add3A_149 = vector.broadcast %add3A_148 : i32 to vector<16xi32>
      %add3A_150 = arith.addi %add3A_143, %add3A_149 : vector<16xi32>
      %gather3A_151 = tpu.vector_load_idx %arg9[%add3A_150] : memref<41616xf32, #tpu.memory_space<vmem>>[vector<16xi32>], vector<16xf32>,
      %add3A_152 = arith.addf %scan3A_79#9, %gather3A_151 : vector<16xf32>
      %mul3A_153 = arith.mulf %gather3A_151, %gather3A_151 : vector<16xf32>
      %add3A_154 = arith.addf %scan3A_79#25, %mul3A_153 : vector<16xf32>
      %add3A_155 = arith.constant 2601 : i32
      %add3A_156 = vector.broadcast %add3A_155 : i32 to vector<16xi32>
      %add3A_157 = arith.addi %add3A_150, %add3A_156 : vector<16xi32>
      %gather3A_158 = tpu.vector_load_idx %arg9[%add3A_157] : memref<41616xf32, #tpu.memory_space<vmem>>[vector<16xi32>], vector<16xf32>,
      %add3A_159 = arith.addf %scan3A_79#10, %gather3A_158 : vector<16xf32>
      %mul3A_160 = arith.mulf %gather3A_158, %gather3A_158 : vector<16xf32>
      %add3A_161 = arith.addf %scan3A_79#26, %mul3A_160 : vector<16xf32>
      %add3A_162 = arith.constant 2601 : i32
      %add3A_163 = vector.broadcast %add3A_162 : i32 to vector<16xi32>
      %add3A_164 = arith.addi %add3A_157, %add3A_163 : vector<16xi32>
      %gather3A_165 = tpu.vector_load_idx %arg9[%add3A_164] : memref<41616xf32, #tpu.memory_space<vmem>>[vector<16xi32>], vector<16xf32>,
      %add3A_166 = arith.addf %scan3A_79#11, %gather3A_165 : vector<16xf32>
      %mul3A_167 = arith.mulf %gather3A_165, %gather3A_165 : vector<16xf32>
      %add3A_168 = arith.addf %scan3A_79#27, %mul3A_167 : vector<16xf32>
      %add3A_169 = arith.constant 2601 : i32
      %add3A_170 = vector.broadcast %add3A_169 : i32 to vector<16xi32>
      %add3A_171 = arith.addi %add3A_164, %add3A_170 : vector<16xi32>
      %gather3A_172 = tpu.vector_load_idx %arg9[%add3A_171] : memref<41616xf32, #tpu.memory_space<vmem>>[vector<16xi32>], vector<16xf32>,
      %add3A_173 = arith.addf %scan3A_79#12, %gather3A_172 : vector<16xf32>
      %mul3A_174 = arith.mulf %gather3A_172, %gather3A_172 : vector<16xf32>
      %add3A_175 = arith.addf %scan3A_79#28, %mul3A_174 : vector<16xf32>
      %add3A_176 = arith.constant 2601 : i32
      %add3A_177 = vector.broadcast %add3A_176 : i32 to vector<16xi32>
      %add3A_178 = arith.addi %add3A_171, %add3A_177 : vector<16xi32>
      %gather3A_179 = tpu.vector_load_idx %arg9[%add3A_178] : memref<41616xf32, #tpu.memory_space<vmem>>[vector<16xi32>], vector<16xf32>,
      %add3A_180 = arith.addf %scan3A_79#13, %gather3A_179 : vector<16xf32>
      %mul3A_181 = arith.mulf %gather3A_179, %gather3A_179 : vector<16xf32>
      %add3A_182 = arith.addf %scan3A_79#29, %mul3A_181 : vector<16xf32>
      %add3A_183 = arith.constant 2601 : i32
      %add3A_184 = vector.broadcast %add3A_183 : i32 to vector<16xi32>
      %add3A_185 = arith.addi %add3A_178, %add3A_184 : vector<16xi32>
      %gather3A_186 = tpu.vector_load_idx %arg9[%add3A_185] : memref<41616xf32, #tpu.memory_space<vmem>>[vector<16xi32>], vector<16xf32>,
      %add3A_187 = arith.addf %scan3A_79#14, %gather3A_186 : vector<16xf32>
      %mul3A_188 = arith.mulf %gather3A_186, %gather3A_186 : vector<16xf32>
      %add3A_189 = arith.addf %scan3A_79#30, %mul3A_188 : vector<16xf32>
      %add3A_190 = arith.constant 2601 : i32
      %add3A_191 = vector.broadcast %add3A_190 : i32 to vector<16xi32>
      %add3A_192 = arith.addi %add3A_185, %add3A_191 : vector<16xi32>
      %gather3A_193 = tpu.vector_load_idx %arg9[%add3A_192] : memref<41616xf32, #tpu.memory_space<vmem>>[vector<16xi32>], vector<16xf32>,
      %add3A_194 = arith.addf %scan3A_79#15, %gather3A_193 : vector<16xf32>
      %mul3A_195 = arith.mulf %gather3A_193, %gather3A_193 : vector<16xf32>
      %add3A_196 = arith.addf %scan3A_79#31, %mul3A_195 : vector<16xf32>
      %swap3A = arith.index_cast %add3A_74 : i32 to index
      %swap3A_197 = arith.constant 0 : index
      %swap3A_198 = tpu.vector_load %arg14[%swap3A, %swap3A_197] {strides = array<i32>} : memref<32x256xf32, #tpu.memory_space<vmem>>, vector<16xf32>,
      tpu.vector_store %arg14[%swap3A, %swap3A_197], %add3A_89 {strides = array<i32>} : memref<32x256xf32, #tpu.memory_space<vmem>>, vector<16xf32>,
      %swap3A_199 = arith.index_cast %add3A_74 : i32 to index
      %swap3A_200 = arith.constant 0 : index
      %swap3A_201 = tpu.vector_load %arg15[%swap3A_199, %swap3A_200] {strides = array<i32>} : memref<32x256xf32, #tpu.memory_space<vmem>>, vector<16xf32>,
      tpu.vector_store %arg15[%swap3A_199, %swap3A_200], %add3A_91 {strides = array<i32>} : memref<32x256xf32, #tpu.memory_space<vmem>>, vector<16xf32>,
      %swap3A_202 = arith.index_cast %add3A_74 : i32 to index
      %swap3A_203 = arith.constant 16 : index
      %swap3A_204 = tpu.vector_load %arg14[%swap3A_202, %swap3A_203] {strides = array<i32>} : memref<32x256xf32, #tpu.memory_space<vmem>>, vector<16xf32>,
      tpu.vector_store %arg14[%swap3A_202, %swap3A_203], %add3A_96 {strides = array<i32>} : memref<32x256xf32, #tpu.memory_space<vmem>>, vector<16xf32>,
      %swap3A_205 = arith.index_cast %add3A_74 : i32 to index
      %swap3A_206 = arith.constant 16 : index
      %swap3A_207 = tpu.vector_load %arg15[%swap3A_205, %swap3A_206] {strides = array<i32>} : memref<32x256xf32, #tpu.memory_space<vmem>>, vector<16xf32>,
      tpu.vector_store %arg15[%swap3A_205, %swap3A_206], %add3A_98 {strides = array<i32>} : memref<32x256xf32, #tpu.memory_space<vmem>>, vector<16xf32>,
      %swap3A_208 = arith.index_cast %add3A_74 : i32 to index
      %swap3A_209 = arith.constant 32 : index
      %swap3A_210 = tpu.vector_load %arg14[%swap3A_208, %swap3A_209] {strides = array<i32>} : memref<32x256xf32, #tpu.memory_space<vmem>>, vector<16xf32>,
      tpu.vector_store %arg14[%swap3A_208, %swap3A_209], %add3A_103 {strides = array<i32>} : memref<32x256xf32, #tpu.memory_space<vmem>>, vector<16xf32>,
      %swap3A_211 = arith.index_cast %add3A_74 : i32 to index
      %swap3A_212 = arith.constant 32 : index
      %swap3A_213 = tpu.vector_load %arg15[%swap3A_211, %swap3A_212] {strides = array<i32>} : memref<32x256xf32, #tpu.memory_space<vmem>>, vector<16xf32>,
      tpu.vector_store %arg15[%swap3A_211, %swap3A_212], %add3A_105 {strides = array<i32>} : memref<32x256xf32, #tpu.memory_space<vmem>>, vector<16xf32>,
      %swap3A_214 = arith.index_cast %add3A_74 : i32 to index
      %swap3A_215 = arith.constant 48 : index
      %swap3A_216 = tpu.vector_load %arg14[%swap3A_214, %swap3A_215] {strides = array<i32>} : memref<32x256xf32, #tpu.memory_space<vmem>>, vector<16xf32>,
      tpu.vector_store %arg14[%swap3A_214, %swap3A_215], %add3A_110 {strides = array<i32>} : memref<32x256xf32, #tpu.memory_space<vmem>>, vector<16xf32>,
      %swap3A_217 = arith.index_cast %add3A_74 : i32 to index
      %swap3A_218 = arith.constant 48 : index
      %swap3A_219 = tpu.vector_load %arg15[%swap3A_217, %swap3A_218] {strides = array<i32>} : memref<32x256xf32, #tpu.memory_space<vmem>>, vector<16xf32>,
      tpu.vector_store %arg15[%swap3A_217, %swap3A_218], %add3A_112 {strides = array<i32>} : memref<32x256xf32, #tpu.memory_space<vmem>>, vector<16xf32>,
      %swap3A_220 = arith.index_cast %add3A_74 : i32 to index
      %swap3A_221 = arith.constant 64 : index
      %swap3A_222 = tpu.vector_load %arg14[%swap3A_220, %swap3A_221] {strides = array<i32>} : memref<32x256xf32, #tpu.memory_space<vmem>>, vector<16xf32>,
      tpu.vector_store %arg14[%swap3A_220, %swap3A_221], %add3A_117 {strides = array<i32>} : memref<32x256xf32, #tpu.memory_space<vmem>>, vector<16xf32>,
      %swap3A_223 = arith.index_cast %add3A_74 : i32 to index
      %swap3A_224 = arith.constant 64 : index
      %swap3A_225 = tpu.vector_load %arg15[%swap3A_223, %swap3A_224] {strides = array<i32>} : memref<32x256xf32, #tpu.memory_space<vmem>>, vector<16xf32>,
      tpu.vector_store %arg15[%swap3A_223, %swap3A_224], %add3A_119 {strides = array<i32>} : memref<32x256xf32, #tpu.memory_space<vmem>>, vector<16xf32>,
      %swap3A_226 = arith.index_cast %add3A_74 : i32 to index
      %swap3A_227 = arith.constant 80 : index
      %swap3A_228 = tpu.vector_load %arg14[%swap3A_226, %swap3A_227] {strides = array<i32>} : memref<32x256xf32, #tpu.memory_space<vmem>>, vector<16xf32>,
      tpu.vector_store %arg14[%swap3A_226, %swap3A_227], %add3A_124 {strides = array<i32>} : memref<32x256xf32, #tpu.memory_space<vmem>>, vector<16xf32>,
      %swap3A_229 = arith.index_cast %add3A_74 : i32 to index
      %swap3A_230 = arith.constant 80 : index
      %swap3A_231 = tpu.vector_load %arg15[%swap3A_229, %swap3A_230] {strides = array<i32>} : memref<32x256xf32, #tpu.memory_space<vmem>>, vector<16xf32>,
      tpu.vector_store %arg15[%swap3A_229, %swap3A_230], %add3A_126 {strides = array<i32>} : memref<32x256xf32, #tpu.memory_space<vmem>>, vector<16xf32>,
      %swap3A_232 = arith.index_cast %add3A_74 : i32 to index
      %swap3A_233 = arith.constant 96 : index
      %swap3A_234 = tpu.vector_load %arg14[%swap3A_232, %swap3A_233] {strides = array<i32>} : memref<32x256xf32, #tpu.memory_space<vmem>>, vector<16xf32>,
      tpu.vector_store %arg14[%swap3A_232, %swap3A_233], %add3A_131 {strides = array<i32>} : memref<32x256xf32, #tpu.memory_space<vmem>>, vector<16xf32>,
      %swap3A_235 = arith.index_cast %add3A_74 : i32 to index
      %swap3A_236 = arith.constant 96 : index
      %swap3A_237 = tpu.vector_load %arg15[%swap3A_235, %swap3A_236] {strides = array<i32>} : memref<32x256xf32, #tpu.memory_space<vmem>>, vector<16xf32>,
      tpu.vector_store %arg15[%swap3A_235, %swap3A_236], %add3A_133 {strides = array<i32>} : memref<32x256xf32, #tpu.memory_space<vmem>>, vector<16xf32>,
      %swap3A_238 = arith.index_cast %add3A_74 : i32 to index
      %swap3A_239 = arith.constant 112 : index
      %swap3A_240 = tpu.vector_load %arg14[%swap3A_238, %swap3A_239] {strides = array<i32>} : memref<32x256xf32, #tpu.memory_space<vmem>>, vector<16xf32>,
      tpu.vector_store %arg14[%swap3A_238, %swap3A_239], %add3A_138 {strides = array<i32>} : memref<32x256xf32, #tpu.memory_space<vmem>>, vector<16xf32>,
      %swap3A_241 = arith.index_cast %add3A_74 : i32 to index
      %swap3A_242 = arith.constant 112 : index
      %swap3A_243 = tpu.vector_load %arg15[%swap3A_241, %swap3A_242] {strides = array<i32>} : memref<32x256xf32, #tpu.memory_space<vmem>>, vector<16xf32>,
      tpu.vector_store %arg15[%swap3A_241, %swap3A_242], %add3A_140 {strides = array<i32>} : memref<32x256xf32, #tpu.memory_space<vmem>>, vector<16xf32>,
      %swap3A_244 = arith.index_cast %add3A_74 : i32 to index
      %swap3A_245 = arith.constant 128 : index
      %swap3A_246 = tpu.vector_load %arg14[%swap3A_244, %swap3A_245] {strides = array<i32>} : memref<32x256xf32, #tpu.memory_space<vmem>>, vector<16xf32>,
      tpu.vector_store %arg14[%swap3A_244, %swap3A_245], %add3A_145 {strides = array<i32>} : memref<32x256xf32, #tpu.memory_space<vmem>>, vector<16xf32>,
      %swap3A_247 = arith.index_cast %add3A_74 : i32 to index
      %swap3A_248 = arith.constant 128 : index
      %swap3A_249 = tpu.vector_load %arg15[%swap3A_247, %swap3A_248] {strides = array<i32>} : memref<32x256xf32, #tpu.memory_space<vmem>>, vector<16xf32>,
      tpu.vector_store %arg15[%swap3A_247, %swap3A_248], %add3A_147 {strides = array<i32>} : memref<32x256xf32, #tpu.memory_space<vmem>>, vector<16xf32>,
      %swap3A_250 = arith.index_cast %add3A_74 : i32 to index
      %swap3A_251 = arith.constant 144 : index
      %swap3A_252 = tpu.vector_load %arg14[%swap3A_250, %swap3A_251] {strides = array<i32>} : memref<32x256xf32, #tpu.memory_space<vmem>>, vector<16xf32>,
      tpu.vector_store %arg14[%swap3A_250, %swap3A_251], %add3A_152 {strides = array<i32>} : memref<32x256xf32, #tpu.memory_space<vmem>>, vector<16xf32>,
      %swap3A_253 = arith.index_cast %add3A_74 : i32 to index
      %swap3A_254 = arith.constant 144 : index
      %swap3A_255 = tpu.vector_load %arg15[%swap3A_253, %swap3A_254] {strides = array<i32>} : memref<32x256xf32, #tpu.memory_space<vmem>>, vector<16xf32>,
      tpu.vector_store %arg15[%swap3A_253, %swap3A_254], %add3A_154 {strides = array<i32>} : memref<32x256xf32, #tpu.memory_space<vmem>>, vector<16xf32>,
      %swap3A_256 = arith.index_cast %add3A_74 : i32 to index
      %swap3A_257 = arith.constant 160 : index
      %swap3A_258 = tpu.vector_load %arg14[%swap3A_256, %swap3A_257] {strides = array<i32>} : memref<32x256xf32, #tpu.memory_space<vmem>>, vector<16xf32>,
      tpu.vector_store %arg14[%swap3A_256, %swap3A_257], %add3A_159 {strides = array<i32>} : memref<32x256xf32, #tpu.memory_space<vmem>>, vector<16xf32>,
      %swap3A_259 = arith.index_cast %add3A_74 : i32 to index
      %swap3A_260 = arith.constant 160 : index
      %swap3A_261 = tpu.vector_load %arg15[%swap3A_259, %swap3A_260] {strides = array<i32>} : memref<32x256xf32, #tpu.memory_space<vmem>>, vector<16xf32>,
      tpu.vector_store %arg15[%swap3A_259, %swap3A_260], %add3A_161 {strides = array<i32>} : memref<32x256xf32, #tpu.memory_space<vmem>>, vector<16xf32>,
      %swap3A_262 = arith.index_cast %add3A_74 : i32 to index
      %swap3A_263 = arith.constant 176 : index
      %swap3A_264 = tpu.vector_load %arg14[%swap3A_262, %swap3A_263] {strides = array<i32>} : memref<32x256xf32, #tpu.memory_space<vmem>>, vector<16xf32>,
      tpu.vector_store %arg14[%swap3A_262, %swap3A_263], %add3A_166 {strides = array<i32>} : memref<32x256xf32, #tpu.memory_space<vmem>>, vector<16xf32>,
      %swap3A_265 = arith.index_cast %add3A_74 : i32 to index
      %swap3A_266 = arith.constant 176 : index
      %swap3A_267 = tpu.vector_load %arg15[%swap3A_265, %swap3A_266] {strides = array<i32>} : memref<32x256xf32, #tpu.memory_space<vmem>>, vector<16xf32>,
      tpu.vector_store %arg15[%swap3A_265, %swap3A_266], %add3A_168 {strides = array<i32>} : memref<32x256xf32, #tpu.memory_space<vmem>>, vector<16xf32>,
      %swap3A_268 = arith.index_cast %add3A_74 : i32 to index
      %swap3A_269 = arith.constant 192 : index
      %swap3A_270 = tpu.vector_load %arg14[%swap3A_268, %swap3A_269] {strides = array<i32>} : memref<32x256xf32, #tpu.memory_space<vmem>>, vector<16xf32>,
      tpu.vector_store %arg14[%swap3A_268, %swap3A_269], %add3A_173 {strides = array<i32>} : memref<32x256xf32, #tpu.memory_space<vmem>>, vector<16xf32>,
      %swap3A_271 = arith.index_cast %add3A_74 : i32 to index
      %swap3A_272 = arith.constant 192 : index
      %swap3A_273 = tpu.vector_load %arg15[%swap3A_271, %swap3A_272] {strides = array<i32>} : memref<32x256xf32, #tpu.memory_space<vmem>>, vector<16xf32>,
      tpu.vector_store %arg15[%swap3A_271, %swap3A_272], %add3A_175 {strides = array<i32>} : memref<32x256xf32, #tpu.memory_space<vmem>>, vector<16xf32>,
      %swap3A_274 = arith.index_cast %add3A_74 : i32 to index
      %swap3A_275 = arith.constant 208 : index
      %swap3A_276 = tpu.vector_load %arg14[%swap3A_274, %swap3A_275] {strides = array<i32>} : memref<32x256xf32, #tpu.memory_space<vmem>>, vector<16xf32>,
      tpu.vector_store %arg14[%swap3A_274, %swap3A_275], %add3A_180 {strides = array<i32>} : memref<32x256xf32, #tpu.memory_space<vmem>>, vector<16xf32>,
      %swap3A_277 = arith.index_cast %add3A_74 : i32 to index
      %swap3A_278 = arith.constant 208 : index
      %swap3A_279 = tpu.vector_load %arg15[%swap3A_277, %swap3A_278] {strides = array<i32>} : memref<32x256xf32, #tpu.memory_space<vmem>>, vector<16xf32>,
      tpu.vector_store %arg15[%swap3A_277, %swap3A_278], %add3A_182 {strides = array<i32>} : memref<32x256xf32, #tpu.memory_space<vmem>>, vector<16xf32>,
      %swap3A_280 = arith.index_cast %add3A_74 : i32 to index
      %swap3A_281 = arith.constant 224 : index
      %swap3A_282 = tpu.vector_load %arg14[%swap3A_280, %swap3A_281] {strides = array<i32>} : memref<32x256xf32, #tpu.memory_space<vmem>>, vector<16xf32>,
      tpu.vector_store %arg14[%swap3A_280, %swap3A_281], %add3A_187 {strides = array<i32>} : memref<32x256xf32, #tpu.memory_space<vmem>>, vector<16xf32>,
      %swap3A_283 = arith.index_cast %add3A_74 : i32 to index
      %swap3A_284 = arith.constant 224 : index
      %swap3A_285 = tpu.vector_load %arg15[%swap3A_283, %swap3A_284] {strides = array<i32>} : memref<32x256xf32, #tpu.memory_space<vmem>>, vector<16xf32>,
      tpu.vector_store %arg15[%swap3A_283, %swap3A_284], %add3A_189 {strides = array<i32>} : memref<32x256xf32, #tpu.memory_space<vmem>>, vector<16xf32>,
      %swap3A_286 = arith.index_cast %add3A_74 : i32 to index
      %swap3A_287 = arith.constant 240 : index
      %swap3A_288 = tpu.vector_load %arg14[%swap3A_286, %swap3A_287] {strides = array<i32>} : memref<32x256xf32, #tpu.memory_space<vmem>>, vector<16xf32>,
      tpu.vector_store %arg14[%swap3A_286, %swap3A_287], %add3A_194 {strides = array<i32>} : memref<32x256xf32, #tpu.memory_space<vmem>>, vector<16xf32>,
      %swap3A_289 = arith.index_cast %add3A_74 : i32 to index
      %swap3A_290 = arith.constant 240 : index
      %swap3A_291 = tpu.vector_load %arg15[%swap3A_289, %swap3A_290] {strides = array<i32>} : memref<32x256xf32, #tpu.memory_space<vmem>>, vector<16xf32>,
      tpu.vector_store %arg15[%swap3A_289, %swap3A_290], %add3A_196 {strides = array<i32>} : memref<32x256xf32, #tpu.memory_space<vmem>>, vector<16xf32>,
      %swap3A_292 = arith.index_cast %add3A_74 : i32 to index
      %swap3A_293 = arith.constant 0 : index
      %swap3A_294 = tpu.vector_load %arg16[%swap3A_292, %swap3A_293] {strides = array<i32>} : memref<32x16xf32, #tpu.memory_space<vmem>>, vector<16xf32>,
      tpu.vector_store %arg16[%swap3A_292, %swap3A_293], %add3A_87 {strides = array<i32>} : memref<32x16xf32, #tpu.memory_space<vmem>>, vector<16xf32>,
      %scan3A_295 = arith.constant 0 : i32
      scf.yield %scan3A_295 : i32
    }
    %scan3A_70 = arith.constant 8 : i32
    "tpu.region"() ({
      %run_scoped3A = tpu.sem_alloc : memref<!tpu.dma_semaphore, #tpu.memory_space<semaphore_mem>>
      %dma_start3A_71 = arith.constant 0 : i32
      %dma_start3A_72 = tpu.memref_slice %arg6[%mul3A_2, %dma_start3A_71] : memref<1024x256xf32, #tpu.memory_space<hbm>> -> memref<32x256xf32, #tpu.memory_space<hbm>>
      %dma_start3A_73 = arith.constant 0 : i32
      %dma_start3A_74 = tpu.memref_slice %arg6[%mul3A_2, %dma_start3A_73] : memref<1024x256xf32, #tpu.memory_space<hbm>> -> memref<32x256xf32, #tpu.memory_space<hbm>>
      tpu.enqueue_dma source(%arg14 : memref<32x256xf32, #tpu.memory_space<vmem>>) target(%dma_start3A_74 : memref<32x256xf32, #tpu.memory_space<hbm>>) target_semaphore(%run_scoped3A : memref<!tpu.dma_semaphore, #tpu.memory_space<semaphore_mem>>)
      %dma_wait3A_75 = arith.constant 0 : i32
      %dma_wait3A_76 = tpu.memref_slice %arg6[%mul3A_2, %dma_wait3A_75] : memref<1024x256xf32, #tpu.memory_space<hbm>> -> memref<32x256xf32, #tpu.memory_space<hbm>>
      %dma_wait3A_77 = arith.constant 0 : i32
      %dma_wait3A_78 = tpu.memref_slice %arg6[%mul3A_2, %dma_wait3A_77] : memref<1024x256xf32, #tpu.memory_space<hbm>> -> memref<32x256xf32, #tpu.memory_space<hbm>>
      tpu.wait_dma2 semaphore(%run_scoped3A : memref<!tpu.dma_semaphore, #tpu.memory_space<semaphore_mem>>) src(%arg14 : memref<32x256xf32, #tpu.memory_space<vmem>>) dst(%dma_wait3A_78 : memref<32x256xf32, #tpu.memory_space<hbm>>)
      tpu.yield
    }) : () -> ()
    "tpu.region"() ({
      %run_scoped3A = tpu.sem_alloc : memref<!tpu.dma_semaphore, #tpu.memory_space<semaphore_mem>>
      %dma_start3A_71 = arith.constant 0 : i32
      %dma_start3A_72 = tpu.memref_slice %arg7[%mul3A_2, %dma_start3A_71] : memref<1024x256xf32, #tpu.memory_space<hbm>> -> memref<32x256xf32, #tpu.memory_space<hbm>>
      %dma_start3A_73 = arith.constant 0 : i32
      %dma_start3A_74 = tpu.memref_slice %arg7[%mul3A_2, %dma_start3A_73] : memref<1024x256xf32, #tpu.memory_space<hbm>> -> memref<32x256xf32, #tpu.memory_space<hbm>>
      tpu.enqueue_dma source(%arg15 : memref<32x256xf32, #tpu.memory_space<vmem>>) target(%dma_start3A_74 : memref<32x256xf32, #tpu.memory_space<hbm>>) target_semaphore(%run_scoped3A : memref<!tpu.dma_semaphore, #tpu.memory_space<semaphore_mem>>)
      %dma_wait3A_75 = arith.constant 0 : i32
      %dma_wait3A_76 = tpu.memref_slice %arg7[%mul3A_2, %dma_wait3A_75] : memref<1024x256xf32, #tpu.memory_space<hbm>> -> memref<32x256xf32, #tpu.memory_space<hbm>>
      %dma_wait3A_77 = arith.constant 0 : i32
      %dma_wait3A_78 = tpu.memref_slice %arg7[%mul3A_2, %dma_wait3A_77] : memref<1024x256xf32, #tpu.memory_space<hbm>> -> memref<32x256xf32, #tpu.memory_space<hbm>>
      tpu.wait_dma2 semaphore(%run_scoped3A : memref<!tpu.dma_semaphore, #tpu.memory_space<semaphore_mem>>) src(%arg15 : memref<32x256xf32, #tpu.memory_space<vmem>>) dst(%dma_wait3A_78 : memref<32x256xf32, #tpu.memory_space<hbm>>)
      tpu.yield
    }) : () -> ()
    "tpu.region"() ({
      %run_scoped3A = tpu.sem_alloc : memref<!tpu.dma_semaphore, #tpu.memory_space<semaphore_mem>>
      %dma_start3A_71 = arith.constant 0 : i32
      %dma_start3A_72 = tpu.memref_slice %arg8[%mul3A_2, %dma_start3A_71] : memref<1024x16xf32, #tpu.memory_space<hbm>> -> memref<32x16xf32, #tpu.memory_space<hbm>>
      %dma_start3A_73 = arith.constant 0 : i32
      %dma_start3A_74 = tpu.memref_slice %arg8[%mul3A_2, %dma_start3A_73] : memref<1024x16xf32, #tpu.memory_space<hbm>> -> memref<32x16xf32, #tpu.memory_space<hbm>>
      tpu.enqueue_dma source(%arg16 : memref<32x16xf32, #tpu.memory_space<vmem>>) target(%dma_start3A_74 : memref<32x16xf32, #tpu.memory_space<hbm>>) target_semaphore(%run_scoped3A : memref<!tpu.dma_semaphore, #tpu.memory_space<semaphore_mem>>)
      %dma_wait3A_75 = arith.constant 0 : i32
      %dma_wait3A_76 = tpu.memref_slice %arg8[%mul3A_2, %dma_wait3A_75] : memref<1024x16xf32, #tpu.memory_space<hbm>> -> memref<32x16xf32, #tpu.memory_space<hbm>>
      %dma_wait3A_77 = arith.constant 0 : i32
      %dma_wait3A_78 = tpu.memref_slice %arg8[%mul3A_2, %dma_wait3A_77] : memref<1024x16xf32, #tpu.memory_space<hbm>> -> memref<32x16xf32, #tpu.memory_space<hbm>>
      tpu.wait_dma2 semaphore(%run_scoped3A : memref<!tpu.dma_semaphore, #tpu.memory_space<semaphore_mem>>) src(%arg16 : memref<32x16xf32, #tpu.memory_space<vmem>>) dst(%dma_wait3A_78 : memref<32x16xf32, #tpu.memory_space<hbm>>)
      tpu.yield
    }) : () -> ()
    return
  }
}

module attributes {stable_mosaic.version = 14 : i64} {
  func.func @_tc_stage2_body(%arg0: memref<1024x256xf32, #tpu.memory_space<vmem>>, %arg1: memref<1024x256xf32, #tpu.memory_space<vmem>>, %arg2: memref<1024x16xf32, #tpu.memory_space<vmem>>, %arg3: memref<1x1xf32, #tpu.memory_space<vmem>>, %arg4: memref<1024x1xf32, #tpu.memory_space<vmem>>) attributes {dimension_semantics = [], scalar_prefetch = 0 : i64, scratch_operands = 0 : i64, tpu.core_type = #tpu.core_type<tc>} {
    %iota3A = tpu.iota {dimensions = array<i32: 0>} : vector<256x16xi32>
    %jit3A = arith.constant 16 : i32
    %div3A = vector.broadcast %jit3A : i32 to vector<256x16xi32>
    %div3A_0 = arith.divsi %iota3A, %div3A : vector<256x16xi32>
    %sign3A = arith.constant 0 : i32
    %sign3A_1 = vector.broadcast %sign3A : i32 to vector<256x16xi32>
    %sign3A_2 = arith.cmpi sgt, %iota3A, %sign3A_1 : vector<256x16xi32>
    %sign3A_3 = arith.extui %sign3A_2 : vector<256x16xi1> to vector<256x16xi32>
    %sign3A_4 = arith.constant 0 : i32
    %sign3A_5 = vector.broadcast %sign3A_4 : i32 to vector<256x16xi32>
    %sign3A_6 = arith.cmpi slt, %iota3A, %sign3A_5 : vector<256x16xi32>
    %sign3A_7 = arith.extui %sign3A_6 : vector<256x16xi1> to vector<256x16xi32>
    %sign3A_8 = arith.subi %sign3A_3, %sign3A_7 : vector<256x16xi32>
    %sign3A_9 = arith.constant 0 : i32
    %sign3A_10 = arith.cmpi sgt, %jit3A, %sign3A_9 : i32
    %sign3A_11 = arith.extui %sign3A_10 : i1 to i32
    %sign3A_12 = arith.constant 0 : i32
    %sign3A_13 = arith.cmpi slt, %jit3A, %sign3A_12 : i32
    %sign3A_14 = arith.extui %sign3A_13 : i1 to i32
    %sign3A_15 = arith.subi %sign3A_11, %sign3A_14 : i32
    %ne3A = vector.broadcast %sign3A_15 : i32 to vector<256x16xi32>
    %ne3A_16 = arith.cmpi ne, %sign3A_8, %ne3A : vector<256x16xi32>
    %rem3A = vector.broadcast %jit3A : i32 to vector<256x16xi32>
    %rem3A_17 = arith.remsi %iota3A, %rem3A : vector<256x16xi32>
    %ne3A_18 = arith.constant 0 : i32
    %ne3A_19 = vector.broadcast %ne3A_18 : i32 to vector<256x16xi32>
    %ne3A_20 = arith.cmpi ne, %rem3A_17, %ne3A_19 : vector<256x16xi32>
    %and3A = arith.andi %ne3A_16, %ne3A_20 : vector<256x16xi1>
    %sub3A = arith.constant 1 : i32
    %sub3A_21 = vector.broadcast %sub3A : i32 to vector<256x16xi32>
    %sub3A_22 = arith.subi %div3A_0, %sub3A_21 : vector<256x16xi32>
    %select_n3A = arith.select %and3A, %sub3A_22, %div3A_0 : vector<256x16xi1>, vector<256x16xi32>
    %iota3A_23 = tpu.iota {dimensions = array<i32: 1>} : vector<256x16xi32>
    %eq3A = arith.cmpi eq, %select_n3A, %iota3A_23 : vector<256x16xi32>
    %convert_element_type3A = arith.extui %eq3A : vector<256x16xi1> to vector<256x16xi32>
    %convert_element_type3A_24 = arith.sitofp %convert_element_type3A : vector<256x16xi32> to vector<256x16xf32>
    %get3A = arith.constant 0 : index
    %get3A_25 = arith.constant 0 : index
    %get3A_26 = vector.load %arg0[%get3A, %get3A_25] : memref<1024x256xf32, #tpu.memory_space<vmem>>, vector<1024x256xf32>
    %dot_general3A = arith.constant dense<0.000000e+00> : vector<1024x16xf32>
    %dot_general3A_27 = tpu.matmul %get3A_26, %convert_element_type3A_24, %dot_general3A {dimension_numbers = #tpu.dot_dimension_numbers<[1], [0], [0], [1], [0, 0, 1, 1], [], []>, precision = #tpu.contract_precision<fp32>, transpose_lhs_hint = false} : vector<1024x256xf32>, vector<256x16xf32>, vector<1024x16xf32> -> vector<1024x16xf32>
    %get3A_28 = arith.constant 0 : index
    %get3A_29 = arith.constant 0 : index
    %get3A_30 = vector.load %arg1[%get3A_28, %get3A_29] : memref<1024x256xf32, #tpu.memory_space<vmem>>, vector<1024x256xf32>
    %dot_general3A_31 = arith.constant dense<0.000000e+00> : vector<1024x16xf32>
    %dot_general3A_32 = tpu.matmul %get3A_30, %convert_element_type3A_24, %dot_general3A_31 {dimension_numbers = #tpu.dot_dimension_numbers<[1], [0], [0], [1], [0, 0, 1, 1], [], []>, precision = #tpu.contract_precision<fp32>, transpose_lhs_hint = false} : vector<1024x256xf32>, vector<256x16xf32>, vector<1024x16xf32> -> vector<1024x16xf32>
    %mul3A = arith.mulf %dot_general3A_27, %dot_general3A_27 : vector<1024x16xf32>
    %reduce_max3A = vector.shape_cast %mul3A : vector<1024x16xf32> to vector<1x1024x16xf32>
    %reduce_max3A_33 = arith.constant dense<0xFF800000> : vector<1xf32>
    %reduce_max3A_34 = vector.multi_reduction <maximumf>, %reduce_max3A, %reduce_max3A_33 [1, 2] : vector<1x1024x16xf32> to vector<1xf32>
    %reduce_max3A_35 = vector.shape_cast %reduce_max3A_34 : vector<1xf32> to vector<1x1x1xf32>
    %reduce_max3A_36 = vector.extract %reduce_max3A_35[0, 0, 0] : f32 from vector<1x1x1xf32>
    %reduce_max3A_37 = vector.shape_cast %dot_general3A_32 : vector<1024x16xf32> to vector<1x1024x16xf32>
    %reduce_max3A_38 = arith.constant dense<0xFF800000> : vector<1xf32>
    %reduce_max3A_39 = vector.multi_reduction <maximumf>, %reduce_max3A_37, %reduce_max3A_38 [1, 2] : vector<1x1024x16xf32> to vector<1xf32>
    %reduce_max3A_40 = vector.shape_cast %reduce_max3A_39 : vector<1xf32> to vector<1x1x1xf32>
    %reduce_max3A_41 = vector.extract %reduce_max3A_40[0, 0, 0] : f32 from vector<1x1x1xf32>
    %reduce_sum3A = arith.constant dense<0.000000e+00> : vector<1024xf32>
    %reduce_sum3A_42 = vector.multi_reduction <add>, %mul3A, %reduce_sum3A [1] : vector<1024x16xf32> to vector<1024xf32>
    %broadcast_in_dim3A = vector.shape_cast %reduce_sum3A_42 : vector<1024xf32> to vector<1024x1xf32>
    %div3A_43 = vector.broadcast %reduce_max3A_36 : f32 to vector<1024x1xf32>
    %div3A_44 = arith.divf %broadcast_in_dim3A, %div3A_43 : vector<1024x1xf32>
    %reduce_sum3A_45 = arith.constant dense<0.000000e+00> : vector<1024xf32>
    %reduce_sum3A_46 = vector.multi_reduction <add>, %dot_general3A_32, %reduce_sum3A_45 [1] : vector<1024x16xf32> to vector<1024xf32>
    %broadcast_in_dim3A_47 = vector.shape_cast %reduce_sum3A_46 : vector<1024xf32> to vector<1024x1xf32>
    %div3A_48 = vector.broadcast %reduce_max3A_41 : f32 to vector<1024x1xf32>
    %div3A_49 = arith.divf %broadcast_in_dim3A_47, %div3A_48 : vector<1024x1xf32>
    %sub3A_50 = arith.subf %div3A_44, %div3A_49 : vector<1024x1xf32>
    %mul3A_51 = arith.constant 5.000000e-01 : f32
    %mul3A_52 = vector.broadcast %mul3A_51 : f32 to vector<1024x1xf32>
    %mul3A_53 = arith.mulf %mul3A_52, %sub3A_50 : vector<1024x1xf32>
    %get3A_54 = arith.constant 0 : index
    %get3A_55 = arith.constant 0 : index
    %get3A_56 = vector.load %arg2[%get3A_54, %get3A_55] : memref<1024x16xf32, #tpu.memory_space<vmem>>, vector<1024x16xf32>
    %reduce_sum3A_57 = arith.constant dense<0.000000e+00> : vector<1024xf32>
    %reduce_sum3A_58 = vector.multi_reduction <add>, %get3A_56, %reduce_sum3A_57 [1] : vector<1024x16xf32> to vector<1024xf32>
    %broadcast_in_dim3A_59 = vector.shape_cast %reduce_sum3A_58 : vector<1024xf32> to vector<1024x1xf32>
    %get3A_60 = arith.constant 0 : index
    %get3A_61 = arith.constant 0 : index
    %get3A_62 = vector.load %arg3[%get3A_60, %get3A_61] : memref<1x1xf32, #tpu.memory_space<vmem>>, vector<1x1xf32>
    %get3A_63 = vector.extract %get3A_62[0, 0] : f32 from vector<1x1xf32>
    %add3A = vector.broadcast %get3A_63 : f32 to vector<1024x1xf32>
    %add3A_64 = arith.addf %broadcast_in_dim3A_59, %add3A : vector<1024x1xf32>
    %add3A_65 = arith.addf %add3A_64, %mul3A_53 : vector<1024x1xf32>
    %logistic3A = arith.negf %add3A_65 : vector<1024x1xf32>
    %logistic3A_66 = math.exp %logistic3A : vector<1024x1xf32>
    %logistic3A_67 = arith.constant 1.000000e+00 : f32
    %logistic3A_68 = vector.broadcast %logistic3A_67 : f32 to vector<1024x1xf32>
    %logistic3A_69 = arith.addf %logistic3A_68, %logistic3A_66 : vector<1024x1xf32>
    %logistic3A_70 = arith.divf %logistic3A_68, %logistic3A_69 : vector<1024x1xf32>
    %swap3A = arith.constant 0 : index
    %swap3A_71 = arith.constant 0 : index
    %swap3A_72 = vector.load %arg4[%swap3A, %swap3A_71] : memref<1024x1xf32, #tpu.memory_space<vmem>>, vector<1024x1xf32>
    tpu.vector_store %arg4[%swap3A, %swap3A_71], %logistic3A_70 {strides = array<i32>} : memref<1024x1xf32, #tpu.memory_space<vmem>>, vector<1024x1xf32>,
    return
  }
}

</mosaic_0001>

<sc_bundles>
// kernel: kernel.4.cloned.1.call-start
scs
__scs_entry_jumppad:
0x0: {  	(pc) =	sbr.rel $0x88, $3  }
0x1: {  	(tag) =	ssettag $0x0;
	lr =	simm.s32 $0x1  }
0x2: {  	[smem:$0x3F9D] =	sst lr;
	_ =	strace $0xD0000000  }
0x3: {  	_ = 	snop  }
0x4: {  	_ = 	snop  }
0x5: {  	_ = 	snop  }
0x6: {  	_ = 	snop  }
0x7: {  	_ = 	snop  }
__scs_overlays_trampoline_lowered:
0x8: {  	[smem:$0x3FAC] =	sst s0  }
0x9: {  	[smem:$0x3FAD] =	sst s1  }
0xa: {  	[smem:$0x3FAE] =	sst s2  }
0xb: {  	[smem:$0x3FAF] =	sst s3  }
0xc: {  	[smem:$0x3FB0] =	sst s4  }
0xd: {  	[smem:$0x3FB1] =	sst s5  }
0xe: {  	[smem:$0x3FB2] =	sst s6  }
0xf: {  	[smem:$0x3FB3] =	sst s7  }
0x10: {  	[smem:$0x3FB4] =	sst s8  }
0x11: {  	[smem:$0x3FB5] =	sst s9;
	s0 =	simm.s32 @!p0 $0x0  }
0x12: {  	s1 =	sld [smem:$0x3F9B];
	s0 =	simm.s32 @p0 $0x1  }
0x13: {  	[smem:$0x3FB6] =	sst s0;
	s0 =	simm.s32 @!p1 $0x0  }
0x14: {  	s2 =	sld [smem:$0x3F9A];
	s0 =	simm.s32 @p1 $0x1  }
0x15: {  	[smem:$0x3FB7] =	sst s0;
	s0 =	simm.s32 @!p2 $0x0  }
0x16: {  	s3 =	sld [smem:$0x3FDB];
	s0 =	simm.s32 @p2 $0x1  }
0x17: {  	s4 =	simm.s32 $0x1BF5;
	[smem:$0x3FB9] =	sst s0  }
0x18: {  	s0 =	sld [smem:$0x3F9C];
	_ =	swait.ge [sflag:s4], $0x0  }
0x19: {  	s7 =	sld [smem:$0x3F9D]  }
0x1a: {  	s8 =	sadd.s32 $0xFFFFE003, lr  }
0x1b: {  	s9 =	sadd.s32 $0xFFFFFEF7, lr;
	s5 =	simm.s32 $0xFFFFFFFF;
	p2 =	slt.u32 s8, $0xFFFFF086  }
0x1c: {  	p1 =	slt.u32 s9, $0xF7A;
	s5 =	simm.s32 @!p2 $0x0  }
0x1d: {  	s5 =	simm.s32 @p1 $0x1;
	p0 =	seq.s32 s7, s2  }
0x1e: {  	s7 =	smul.u32 @!p0 $0xF7A, s2;
	p2 =	seq.s32 @!p0 s5, $0x0  }
0x1f: {  	s9 =	smul.u32 $0xF7A, s1;
	s8 =	simm.s32 @!p0 $0x1BF5;
	p2 =	por !p2, p0  }
0x20: {  	[sflag:s8] =	ssyncset.s32 @!p0 $0xFFFFF086;
	s6 =	sadd.s32 @!p0 s3, s7;
	s7 =	simm.s32 @!p0 $0x108  }
0x21: {  	s3 =	sadd.s32 s3, s9;
	s6 =	sadd.s32 @!p0 $0x88, s6;
	s7 =	simm.s32 @p2 $0x1082  }
0x22: {  	[simem:s7], [sflag:s8] =	dma.local @!p0 [hbm:s6], $0xF7A  }
0x23: {  	s9 =	sor.u32 $0xD0000000, s2;
	s6 =	simm.s32 $0x108;
	_ =	swait.ge @!p0 [sflag:s8], $0x0  }
0x24: {  	s3 =	sadd.s32 $0x88, s3;
	s6 =	simm.s32 @!p1 $0x1082;
	[sflag:s4] =	ssyncset.s32 $0xFFFFF086  }
0x25: {  	[simem:s6], [sflag:s4] =	dma.local [hbm:s3], $0xF7A  }
0x26: {  	[smem:$0x3F9D] =	sst s1;
	(tag) =	ssettag s2;
	_ =	strace s9  }
0x27: {  	s1 =	sld [smem:$0x3FAD]  }
0x28: {  	s2 =	sld [smem:$0x3FAE]  }
0x29: {  	s4 =	sld [smem:$0x3FB0]  }
0x2a: {  	p0 =	seq.s32 s5, $0x0;
	s5 =	sld [smem:$0x3FB1]  }
0x2b: {  	s6 =	sld [smem:$0x3FB2]  }
0x2c: {  	s7 =	sld [smem:$0x3FB3]  }
0x2d: {  	s3 =	simm.s32 $0x108;
	s8 =	sld [smem:$0x3FB4]  }
0x2e: {  	s3 =	simm.s32 @!p0 $0x1082;
	s9 =	sld [smem:$0x3FB5]  }
0x2f: {  	lr =	sadd.s32 s0, s3;
	s0 =	sld [smem:$0x3FAC]  }
0x30: {  	s3 =	sld [smem:$0x3FAF]  }
0x31: {  	[smem:$0x3FB8] =	sst s10  }
0x32: {  	s10 =	sld [smem:$0x3FB6];
	_ =	sdelay $0x3  }
0x33: {  	p0 =	seq.s32 s10, $0x1;
	s10 =	sld [smem:$0x3FB8];
	_ =	sdelay $0x3  }
0x34: {  	[smem:$0x3FB8] =	sst s10  }
0x35: {  	s10 =	sld [smem:$0x3FB7];
	_ =	sdelay $0x3  }
0x36: {  	p1 =	seq.s32 s10, $0x1;
	s10 =	sld [smem:$0x3FB8];
	_ =	sdelay $0x3  }
0x37: {  	[smem:$0x3FB8] =	sst s10  }
0x38: {  	s10 =	sld [smem:$0x3FB9]  }
0x39: {  	_ = 	snop;
	(pc) =	sbr.ind lr, $3  }
0x3a: {  	_ = 	snop  }
0x3b: {  	_ = 	snop  }
0x3c: {  	p2 =	seq.s32 s10, $0x1;
	s10 =	sld [smem:$0x3FB8]  }
0x3d: {  	_ =	shalt  }
0x3e: {  	_ =	shalt  }
0x3f: {  	_ =	shalt  }
0x40: {  	_ =	shalt  }
0x41: {  	_ =	shalt  }
0x42: {  	_ =	shalt  }
0x43: {  	_ =	shalt  }
0x44: {  	_ =	shalt  }
0x45: {  	_ =	shalt  }
0x46: {  	_ =	shalt  }
0x47: {  	_ =	shalt  }
0x48: {  	_ =	shalt  }
0x49: {  	_ =	shalt  }
0x4a: {  	_ =	shalt  }
0x4b: {  	_ =	shalt  }
0x4c: {  	_ =	shalt  }
0x4d: {  	_ =	shalt  }
0x4e: {  	_ =	shalt  }
0x4f: {  	_ =	shalt  }
0x50: {  	_ =	shalt  }
0x51: {  	_ =	shalt  }
0x52: {  	_ =	shalt  }
0x53: {  	_ =	shalt  }
0x54: {  	_ =	shalt  }
0x55: {  	_ =	shalt  }
0x56: {  	_ =	shalt  }
0x57: {  	_ =	shalt  }
0x58: {  	_ =	shalt  }
0x59: {  	_ =	shalt  }
0x5a: {  	_ =	shalt  }
0x5b: {  	_ =	shalt  }
0x5c: {  	_ =	shalt  }
0x5d: {  	_ =	shalt  }
0x5e: {  	_ =	shalt  }
0x5f: {  	_ =	shalt  }
0x60: {  	_ =	shalt  }
0x61: {  	_ =	shalt  }
0x62: {  	_ =	shalt  }
0x63: {  	_ =	shalt  }
0x64: {  	_ =	shalt  }
0x65: {  	_ =	shalt  }
0x66: {  	_ =	shalt  }
0x67: {  	_ =	shalt  }
0x68: {  	_ =	shalt  }
0x69: {  	_ =	shalt  }
0x6a: {  	_ =	shalt  }
0x6b: {  	_ =	shalt  }
0x6c: {  	_ =	shalt  }
0x6d: {  	_ =	shalt  }
0x6e: {  	_ =	shalt  }
0x6f: {  	_ =	shalt  }
0x70: {  	_ =	shalt  }
0x71: {  	_ =	shalt  }
0x72: {  	_ =	shalt  }
0x73: {  	_ =	shalt  }
0x74: {  	_ =	shalt  }
0x75: {  	_ =	shalt  }
0x76: {  	_ =	shalt  }
0x77: {  	_ =	shalt  }
0x78: {  	_ =	shalt  }
0x79: {  	_ =	shalt  }
0x7a: {  	_ =	shalt  }
0x7b: {  	_ =	shalt  }
0x7c: {  	_ =	shalt  }
0x7d: {  	_ =	shalt  }
0x7e: {  	_ =	shalt  }
0x7f: {  	_ =	shalt  }
0x80: {  	_ =	shalt  }
0x81: {  	_ =	shalt  }
0x82: {  	_ =	shalt  }
0x83: {  	_ =	shalt  }
0x84: {  	_ =	shalt  }
0x85: {  	_ =	shalt  }
0x86: {  	_ =	shalt  }
0x87: {  	_ =	shalt  }
.Lfunc_end0:
.L_simem_size_0:
called_computation_lowered:
.L_overlay_start_0:
0x88: {  	s2 =	sld [smem:$0x3FD9]  }
0x89: {  	s3 =	sld [smem:$0x3FFE];
	_ =	sdelay $0x1  }
0x8a: {  	s1 =	srdreg.scid  }
0x8b: {  	s0 =	sand.u32 $0x1, s1  }
0x8c: {  	s16 =	sshll.u32 s0, $0xA;
	s2 =	sadd.s32 s3, s2  }
0x8d: {  	s2 =	sadd.s32 s2, s16  }
0x8e: {  	[smem:$0x3FC4] =	sst s2  }
0x8f: {  	_ = 	snop  }
0x90: {  	(tm) =	ssettm $0x1  }
0x91: {  	s17 =	sld [smem:$0x3FFB];
	_ =	sdelay $0x3  }
0x92: {  	_ =	strace s17  }
0x93: {  	s2 =	sld [smem:$0x3FFC];
	_ =	sdelay $0x3  }
0x94: {  	_ =	strace s2  }
0x95: {  	s2 =	sld [smem:$0x3FFD];
	_ =	sdelay $0x3  }
0x96: {  	_ =	strace s2  }
0x97: {  	_ =	strace $0x8FFFFFFF  }
0x98: {  	s18 =	sld [smem:$0x3FDB];
	_ =	sdelay $0x1  }
0x99: {  	s19 =	simm.s32 $_scs_section_size  }
0x9a: {  	s4 =	simm.s32 $_size__tile_overlayer_lowered;
	s5 =	simm.s32 $_tile_overlayer_lowered  }
0x9b: {  	s22 =	simm.s32 $0x1BFF;
	s21 =	sshll.u32 s5, $0x1;
	s2 =	sadd.s32 s19, s18  }
0x9c: {  	s6 =	simm.s32 $0x0;
	s20 =	sshll.u32 s4, $0x1;
	s4 =	sadd.s32 s21, s2  }
0x9d: {  	[timem:s6], [sflag:s22] =	dma.local [hbm:s4], s20  }
0x9e: {  	_ =	swait.ge [sflag:s22], s20  }
0x9f: {  	s3 =	ssub.s32 $0x0, s20;
	[sflag:s22] =	ssyncset.done $0x0  }
0xa0: {  	[sflag:s22] =	ssyncadd.s32 s3;
	_ =	sdelay $0x1  }
0xa1: {  	s23 =	simm.s32 $0x1B8B  }
0xa2: {  	_ =	swait.ge [sflag:s23], $0x1  }
0xa3: {  	[sflag:s23] =	ssyncset.done $0x0  }
0xa4: {  	s25 =	simm.s32 $0x1B8E;
	s24 =	sld [smem:$0x3FFE];
	[sflag:s23] =	ssyncadd.s32 $0xFFFFFFFF  }
0xa5: {  	s26 =	simm.s32 $execute0_lowered;
	[smem:$0x3FD2] =	sst s25  }
0xa6: {  	s4 =	sshll.u32 s26, $0x1;
	_ =	strace $0x80000046;
	[dreg:$0x1] =	wrdreg $0xFFFFFFFF  }
0xa7: {  	s28 =	simm.s32 $_size_execute0_lowered;
	s2 =	sadd.s32 s2, s4;
	[dreg:$0x0] =	wrdreg $0x0  }
0xa8: {  	s4 =	sshll.u32 s28, $0x1;
	[dreg:$0x2] =	wrdreg s2  }
0xa9: {  	[dreg:$0x3] =	wrdreg s4  }
0xaa: {  	[dreg:$0x4] =	wrdreg $0xC0  }
0xab: {  	_ =	task [dreg:s6], $0x5FFFF  }
0xac: {  	[dreg:$0x1] =	wrdreg $0xFFFFFFFF  }
0xad: {  	[dreg:$0x0] =	wrdreg $0x60  }
0xae: {  	[dreg:$0x2] =	wrdreg s24  }
0xaf: {  	[dreg:$0x3] =	wrdreg $0x9  }
0xb0: {  	_ =	task.clear_ibuf [dreg:s6], $0x4FFFF;
	_ =	strace $0x90000046  }
0xb1: {  	s29 =	simm.s32 $0x9;
	_ =	strace $0x80000048  }
0xb2: {  	_ =	swait.ge [sflag:s29], $0x1  }
0xb3: {  	[sflag:s29] =	ssyncadd.s32 $0xFFFFFFFF  }
0xb4: {  	_ =	strace $0x90000048  }
0xb5: {  	_ =	sfence  }
0xb6: {  	s30 =	sld [smem:$0x0];
	_ =	sdelay $0x2  }
0xb7: {  	s31 =	sshll.u32 s1, $0xD;
	s1 =	sshrl.u32 s1, $0x2  }
0xb8: {  	s3 =	sand.u32 $0x4000, s31;
	s1 =	sadd.s32 s1, s30  }
0xb9: {  	s0 =	sor.u32 s3, s0;
	s1 =	sshll.u32 s1, $0x11  }
0xba: {  	s0 =	sor.u32 s1, s0  }
0xbb: {  	s0 =	sadd.s32 $0x8F2B, s0  }
0xbc: {  	[sflag:s0] =	ssyncadd.remote.s32 $0x1  }
0xbd: {  	_ =	sfence.sel $0xFFFF  }
0xbe: {  	[dreg:$0x0] =	wrdreg $0xFFFFFFFF;
	(pc) =	sbr.abs _section_cstart, $3  }
0xbf: {  	[dreg:$0x1] =	wrdreg $0xFFFFFFFF  }
0xc0: {  	_ =	task.clear_ibuf [dreg:s6], $0x2FFFF;
	_ =	strace $0x9FFFFFFF  }
0xc1: {  	(tm) =	ssettm $0x7FFFFFFF  }
tec
execute0_lowered:
.L_overlay_start_1:
0x0: {  	(tag) =	ssettag $0x1  }
0x1: {  	s0 =	rddreg [dreg:$0x0];
	s3 =	srdreg.scid  }
0x2: {  	s2 =	simm.s32 $0x0;
	s1 =	stileid.u32;
	s15 =	simm.s32 $0xAD80  }
0x3: {  	s16 =	simm.s32 $0xB800;
	s17 =	simm.s32 $0x1;
	s18 =	simm.s32 $0x10C00  }
0x4: {  	s19 =	simm.s32 $0x2;
	s20 =	simm.s32 $0x3;
	s22 =	simm.s32 $0x4  }
0x5: {  	s23 =	simm.s32 $0x18000;
	s24 =	simm.s32 $0x1A000;
	s25 =	simm.s32 $0x0  }
0x6: {  	s6 =	sand.u32 $0x1, s3;
	[smem:$0x7FF] =	sst s2;
	s29 =	sshll.u32 s1, $0x6  }
0x7: {  	s8 =	sadd.s32 $0x800, s0;
	s3 =	sadd.s32 $0x54800, s0;
	s4 =	sshll.u32 s6, $0x5  }
0x8: {  	s5 =	sadd.s32 $0x56000, s0;
	_ =	strace $0x80000047;
	s7 =	sor.u32 s4, s29  }
0x9: {  	s6 =	ssub.s32 $0x2, s6;
	s4 =	sadd.s32 $0x55E00, s0;
	s9 =	sshrl.u32 s7, $0x3  }
0xa: {  	s31 =	sshrl.u32 s6, $0x1;
	s10 =	sshll.u32 s7, $0x5;
	s11 =	smul.u32 $0x5400, s9  }
0xb: {  	s7 =	sshll.u32 s7, $0x4;
	s13 =	ssub.s32 s6, s31;
	s9 =	smul.u32 $0xA80, s9  }
0xc: {  	s12 =	sadd.s32 s10, s0;
	s0 =	sadd.s32 s7, s0;
	s30 =	sshrl.u32 s11, $0x3  }
0xd: {  	s13 =	smax.u32 s13, $0x1;
	s6 =	sadd.s32 s8, s9;
	s10 =	sadd.s32 s8, s30  }
0xe: {  	s11 =	sadd.s32 $0x5E200, s12;
	s7 =	sadd.s32 $0xA80, s10;
	s8 =	sadd.s32 $0x1500, s10  }
0xf: {  	vm0 =	vmmov $0xff;
	s9 =	sadd.s32 $0x1F80, s10;
	s10 =	sadd.s32 $0x56200, s12;
	s12 =	sadd.s32 $0x66200, s0  }
.LBB2_1:
0x10: {  	[tilespmem:s2], [sflag:$0x1] =	stream.linear.gather [hbm4b:s3+s2], $0xA300, $0x38;
	[tilespmem:$0x1B000] =	vst v63  }
0x11: {  	s0 =	simm.s32 $0xA300  }
0x12: {  	[tilespmem:s0], [sflag:$0x1] =	stream.linear.gather [hbm4b:s4+s2], $0xA80, $0x38;
	[tilespmem:$0x1B000] =	vst v63  }
0x13: {  	_ = 	snop  }
0x14: {  	[tilespmem:s15], [sflag:$0x1] =	stream.linear.gather [hbm4b:s5+s2], $0xA80, $0x38;
	[tilespmem:$0x1B000] =	vst v63  }
0x15: {  	_ = 	snop  }
0x16: {  	[tilespmem:s16], [sflag:$0x2] =	stream.linear.gather [hbm4b:s6+s2], $0x5400, $0x38;
	[tilespmem:$0x1B000] =	vst v63  }
0x17: {  	_ =	swait.ge [sflag:s17], $0xA300  }
0x18: {  	[sflag:s17] =	ssyncset.done $0x0  }
0x19: {  	[sflag:s17] =	ssyncadd.s32 $0xFFFF5D00  }
0x1a: {  	_ =	swait.ge [sflag:s17], $0xA80  }
0x1b: {  	[sflag:s17] =	ssyncset.done $0x0  }
0x1c: {  	[sflag:s17] =	ssyncadd.s32 $0xFFFFF580  }
0x1d: {  	_ =	swait.ge [sflag:s17], $0xA80  }
0x1e: {  	[sflag:s17] =	ssyncset.done $0x0  }
0x1f: {  	[sflag:s17] =	ssyncadd.s32 $0xFFFFF580  }
0x20: {  	[tilespmem:s18], [sflag:$0x3] =	stream.linear.gather [hbm4b:s7+s2], $0x5400, $0x38;
	[tilespmem:$0x1B000] =	vst v63  }
0x21: {  	_ =	swait.ge [sflag:s19], $0x5400  }
0x22: {  	[sflag:s19] =	ssyncset.done $0x0  }
0x23: {  	s26 =	simm.s32 $0x0;
	[sflag:s19] =	ssyncadd.s32 $0xFFFFAC00  }
.LBB2_2:
0x24: {  	s0 =	sshll.u32 s26, $0x9  }
0x25: {  	s28 =	sshrl.u32 s0, $0x2  }
0x26: {  	s29 =	simm.s32 $0x0;
	s0 =	sadd.s32 $0xB800, s28  }
0x27: {  	s30 =	sand.u32 $0x1F000, s29;
	[dreg:$0x2] =	wrdreg s0  }
0x28: {  	s30 =	sshrl.u32 s30, $0x2;
	s0 =	rddreg [dreg:$0x2]  }
0x29: {  	s31 =	sand.u32 $0x60, s29;
	s0 =	sadd.s32 s30, s0  }
0x2a: {  	s30 =	sadd.s32 s31, s0  }
0x2b: {  	s31 =	sor.u32 $0x10, s31;
	v1 =	vld [tilespmem:s30+$0x0]  }
0x2c: {  	s0 =	sadd.s32 s31, s0  }
0x2d: {  	v0 =	vld [tilespmem:s0+$0x0]  }
0x2e: {  	v9 =	vimm.f32 $0.0e+00;
	v30 =	vimm.f32 $0.0e+00;
	v28 =	vimm.f32 $0.0e+00  }
0x2f: {  	v29 =	vimm.f32 $0.0e+00;
	v26 =	vimm.f32 $0.0e+00;
	v27 =	vimm.f32 $0.0e+00  }
0x30: {  	v24 =	vimm.f32 $0.0e+00;
	v25 =	vimm.f32 $0.0e+00;
	v23 =	vimm.f32 $0.0e+00;
	s21 =	sand.u32 $0xF80, s29;
	s30 =	simm.s32 $0xA300  }
0x31: {  	v21 =	vimm.f32 $0.0e+00;
	v22 =	vimm.f32 $0.0e+00;
	v61 =	vimm.f32 $0.0e+00;
	v4 =	vld [tilespmem:s30+$0x0];
	s0 =	sor.u32 s31, s21  }
0x32: {  	v62 =	vimm.f32 $0.0e+00;
	v63 =	vimm.f32 $0.0e+00;
	v10 =	vld [tilespmem:s0+$0xA300];
	v2 =	vadd.s32 $0xA29, v1  }
0x33: {  	v11 =	vadd.s32 $0x1452, v1;
	v13 =	vadd.s32 $0x1E7B, v1;
	v15 =	vadd.s32 $0x28A4, v1;
	v8 =	vld.idx.msk [tilespmem:v1+s15+$0x0], $0xffff  }
0x34: {  	v17 =	vadd.s32 $0x32CD, v1;
	v52 =	vadd.s32 $0x3CF6, v1;
	v3 =	vadd.s32 $0xA29, v0;
	v14 =	vld.idx.msk [tilespmem:v1+s2+$0x0], $0xffff  }
0x35: {  	v48 =	vadd.s32 $0x5148, v1;
	v49 =	vadd.s32 $0x5B71, v1;
	v6 =	vadd.s32 $0x1E7B, v0;
	v12 =	vld.idx.msk [tilespmem:v0+s15+$0x0], $0xffff  }
0x36: {  	v47 =	vadd.s32 $0x659A, v1;
	v46 =	vadd.s32 $0x6FC3, v1;
	v7 =	vadd.s32 $0x28A4, v0;
	v18 =	vld.idx.msk [tilespmem:v0+s2+$0x0], $0xffff  }
0x37: {  	v44 =	vadd.s32 $0x79EC, v1;
	v45 =	vadd.s32 $0x8415, v1;
	v16 =	vadd.s32 $0x32CD, v0;
	v2 =	vld.idx.msk [tilespmem:v2+s2+$0x0], $0xffff  }
0x38: {  	v41 =	vadd.s32 $0x8E3E, v1;
	v43 =	vadd.s32 $0x9867, v1;
	v5 =	vadd.s32 $0x1452, v0;
	v50 =	vld.idx.msk [tilespmem:v15+s2+$0x0], $0xffff  }
0x39: {  	v37 =	vadd.s32 $0x3CF6, v0;
	v42 =	vadd.s32 $0x471F, v0;
	v39 =	vadd.s32 $0x5148, v0;
	v3 =	vld.idx.msk [tilespmem:v3+s2+$0x0], $0xffff  }
0x3a: {  	v40 =	vadd.s32 $0x5B71, v0;
	v35 =	vadd.s32 $0x659A, v0;
	v36 =	vadd.s32 $0x6FC3, v0;
	v51 =	vld.idx.msk [tilespmem:v6+s2+$0x0], $0xffff  }
0x3b: {  	v34 =	vadd.s32 $0x79EC, v0;
	v33 =	vadd.s32 $0x8415, v0;
	v32 =	vadd.s32 $0x8E3E, v0;
	v56 =	vld.idx.msk [tilespmem:v7+s2+$0x0], $0xffff  }
0x3c: {  	v31 =	vadd.s32 $0x9867, v0;
	v57 =	vld.idx.msk [tilespmem:v16+s2+$0x0], $0xffff;
	v16 =	vimm.f32 $0.0e+00;
	v54 =	vmul.f32 v8, v4  }
0x3d: {  	v7 =	vimm.f32 $0.0e+00;
	v4 =	vadd.s32 $0x471F, v1;
	v8 =	vld.idx.msk [tilespmem:v11+s2+$0x0], $0xffff;
	v6 =	vadd.f32 v14, v9  }
0x3e: {  	v11 =	vld.idx.msk [tilespmem:v13+s2+$0x0], $0xffff;
	v10 =	vmul.f32 v12, v10;
	v12 =	vmul.f32 v14, v14;
	v0 =	vadd.f32 v54, v9  }
0x3f: {  	v13 =	vmul.f32 v2, v2;
	v2 =	vadd.f32 v2, v9;
	v15 =	vadd.f32 v18, v6  }
0x40: {  	v5 =	vld.idx.msk [tilespmem:v5+s2+$0x0], $0xffff;
	v58 =	vmul.f32 v50, v50;
	v54 =	vimm.f32 $0.0e+00;
	v19 =	vmul.f32 v3, v3  }
0x41: {  	v60 =	vmul.f32 v51, v51;
	v0 =	vadd.f32 v10, v0;
	v10 =	vadd.f32 v12, v9  }
0x42: {  	v12 =	vmul.f32 v18, v18;
	v13 =	vadd.f32 v13, v9;
	v18 =	vimm.f32 $0.0e+00  }
0x43: {  	[tilespmem:$0x1FFD0] =	vst v61;
	v20 =	vmul.f32 v8, v8;
	v6 =	vmul.f32 v11, v11;
	v55 =	vadd.f32 v8, v9  }
0x44: {  	[tilespmem:$0x1FFE0] =	vst v62;
	v59 =	vadd.f32 v11, v9;
	v8 =	vimm.f32 $0.0e+00;
	v14 =	vadd.f32 v12, v10  }
0x45: {  	v52 =	vld.idx.msk [tilespmem:v52+s2+$0x0], $0xffff;
	v12 =	vadd.f32 v3, v2;
	v10 =	vadd.f32 v19, v13;
	v3 =	vmul.f32 v5, v5  }
0x46: {  	[tilespmem:$0x1FFC0] =	vst v54;
	v54 =	vld.idx.msk [tilespmem:v37+s2+$0x0], $0xffff;
	v19 =	vimm.f32 $0.0e+00;
	v53 =	vadd.f32 v20, v9;
	v38 =	vadd.f32 v6, v9  }
0x47: {  	[tilespmem:$0x1FFF0] =	vst v63;
	v13 =	vadd.f32 v5, v55;
	v55 =	vld.idx.msk [tilespmem:v17+s2+$0x0], $0xffff;
	v20 =	vimm.f32 $0.0e+00;
	v17 =	vimm.f32 $0.0e+00  }
0x48: {  	s31 =	simm.s32 $0x20;
	[tilespmem:$0x1FFB0] =	vst v0;
	v6 =	vimm.f32 $0.0e+00;
	v5 =	vimm.f32 $0.0e+00;
	v11 =	vadd.f32 v3, v53;
	v53 =	vld.idx.msk [tilespmem:v4+s2+$0x0], $0xffff  }
.LBB2_3:
0x49: {  	v42 =	vld.idx.msk [tilespmem:v42+s2+$0x0], $0xffff  }
0x4a: {  	v48 =	vld.idx.msk [tilespmem:v48+s2+$0x0], $0xffff  }
0x4b: {  	v49 =	vld.idx.msk [tilespmem:v49+s2+$0x0], $0xffff  }
0x4c: {  	v39 =	vld.idx.msk [tilespmem:v39+s2+$0x0], $0xffff  }
0x4d: {  	v9 =	vadd.f32 v50, v9;
	v40 =	vld.idx.msk [tilespmem:v40+s2+$0x0], $0xffff  }
0x4e: {  	v61 =	vmul.f32 v55, v55;
	v28 =	vadd.f32 v55, v28;
	v47 =	vld.idx.msk [tilespmem:v47+s2+$0x0], $0xffff;
	v0 =	vadd.f32 v51, v59  }
0x4f: {  	v46 =	vld.idx.msk [tilespmem:v46+s2+$0x0], $0xffff;
	v38 =	vadd.f32 v60, v38;
	v30 =	vadd.f32 v58, v30;
	v60 =	vmul.f32 v56, v56  }
0x50: {  	v45 =	vld.idx.msk [tilespmem:v45+s2+$0x0], $0xffff;
	v29 =	vadd.f32 v61, v29;
	v61 =	vmul.f32 v57, v57;
	v62 =	vmul.f32 v52, v52  }
0x51: {  	v35 =	vld.idx.msk [tilespmem:v35+s2+$0x0], $0xffff;
	v9 =	vadd.f32 v56, v9;
	v63 =	vmul.f32 v53, v53;
	v28 =	vadd.f32 v57, v28  }
0x52: {  	[tilespmem:$0x1FFA0] =	vst v0;
	v26 =	vadd.f32 v52, v26;
	v0 =	vmul.f32 v54, v54;
	v24 =	vadd.f32 v53, v24  }
0x53: {  	v36 =	vld.idx.msk [tilespmem:v36+s2+$0x0], $0xffff;
	v1 =	vmul.f32 v42, v42;
	v23 =	vadd.f32 v48, v23;
	v22 =	vadd.f32 v49, v22  }
0x54: {  	v34 =	vld.idx.msk [tilespmem:v34+s2+$0x0], $0xffff;
	v2 =	vmul.f32 v48, v48;
	v19 =	vadd.f32 v47, v19;
	v17 =	vadd.f32 v46, v17  }
0x55: {  	v33 =	vld.idx.msk [tilespmem:v33+s2+$0x0], $0xffff;
	s29 =	sadd.s32 $0x400, s29;
	v55 =	vmul.f32 v49, v49;
	v6 =	vadd.f32 v45, v6;
	v30 =	vadd.f32 v60, v30  }
0x56: {  	v32 =	vld.idx.msk [tilespmem:v32+s2+$0x0], $0xffff;
	s1 =	sand.u32 $0x1F000, s29;
	v57 =	vmul.f32 v39, v39;
	v29 =	vadd.f32 v61, v29;
	v27 =	vadd.f32 v62, v27  }
0x57: {  	s0 =	rddreg [dreg:$0x2];
	v31 =	vld.idx.msk [tilespmem:v31+s2+$0x0], $0xffff;
	s1 =	sshrl.u32 s1, $0x2;
	v58 =	vmul.f32 v40, v40;
	v25 =	vadd.f32 v63, v25;
	v26 =	vadd.f32 v54, v26  }
0x58: {  	s14 =	sand.u32 $0x60, s31;
	s0 =	sadd.s32 s1, s0;
	v56 =	vld.idx.msk [tilespmem:v44+s2+$0x0], $0xffff;
	v59 =	vmul.f32 v47, v47;
	v24 =	vadd.f32 v42, v24;
	v21 =	vadd.f32 v2, v21  }
0x59: {  	s1 =	sadd.s32 s14, s0;
	v37 =	vmul.f32 v36, v36;
	v63 =	vld.idx.msk [tilespmem:v43+s2+$0x0], $0xffff;
	v20 =	vadd.f32 v55, v20;
	v23 =	vadd.f32 v39, v23  }
0x5a: {  	v49 =	vmul.f32 v45, v45;
	v43 =	vld [tilespmem:s1+$0x0];
	v22 =	vadd.f32 v40, v22;
	v18 =	vadd.f32 v59, v18  }
0x5b: {  	v50 =	vmul.f32 v34, v34;
	v19 =	vadd.f32 v35, v19;
	v21 =	vadd.f32 v57, v21;
	v57 =	vld [tilespmem:$0x1FFE0]  }
0x5c: {  	s14 =	sor.u32 $0x10, s14;
	v60 =	vmul.f32 v46, v46;
	v17 =	vadd.f32 v36, v17;
	v20 =	vadd.f32 v58, v20;
	v58 =	vld [tilespmem:$0x1FFF0]  }
0x5d: {  	s0 =	sadd.s32 s14, s0;
	v61 =	vld.idx.msk [tilespmem:v41+s2+$0x0], $0xffff;
	v62 =	vmul.f32 v35, v35;
	v5 =	vadd.f32 v49, v5;
	v6 =	vadd.f32 v33, v6  }
0x5e: {  	v51 =	vmul.f32 v33, v33;
	v44 =	vld [tilespmem:s0+$0x0];
	v27 =	vadd.f32 v0, v27;
	v25 =	vadd.f32 v1, v25  }
0x5f: {  	v54 =	vld [tilespmem:$0x1FFC0];
	v16 =	vadd.f32 v60, v16;
	v18 =	vadd.f32 v62, v18;
	v53 =	vmul.f32 v63, v63  }
0x60: {  	v55 =	vld [tilespmem:$0x1FFD0];
	v59 =	vmul.f32 v31, v31;
	v8 =	vadd.f32 v56, v8;
	v5 =	vadd.f32 v51, v5  }
0x61: {  	v48 =	vmul.f32 v56, v56;
	v2 =	vadd.f32 v63, v57;
	v1 =	vadd.f32 v53, v58  }
0x62: {  	s30 =	sadd.s32 $0x20, s30;
	v56 =	vmul.f32 v32, v32;
	v16 =	vadd.f32 v37, v16;
	v52 =	vmul.f32 v61, v61  }
0x63: {  	s21 =	sand.u32 $0xF80, s31;
	v62 =	vadd.f32 v31, v2;
	v63 =	vadd.f32 v59, v1;
	v1 =	vld [tilespmem:s30+$0x0];
	v31 =	vadd.s32 $0xA29, v43  }
0x64: {  	s0 =	sor.u32 s14, s21;
	v7 =	vadd.f32 v48, v7;
	v8 =	vadd.f32 v34, v8;
	v45 =	vadd.s32 $0xA29, v44;
	v2 =	vld.idx.msk [tilespmem:v43+s15+$0x0], $0xffff  }
0x65: {  	v4 =	vadd.f32 v61, v54;
	v51 =	vadd.s32 $0x1E7B, v44;
	v54 =	vld [tilespmem:s0+$0xA300];
	v3 =	vadd.f32 v52, v55  }
0x66: {  	v42 =	vadd.s32 $0x471F, v44;
	v39 =	vadd.s32 $0x5148, v44;
	v47 =	vadd.s32 $0x1452, v43;
	v55 =	vld.idx.msk [tilespmem:v44+s15+$0x0], $0xffff  }
0x67: {  	v40 =	vadd.s32 $0x5B71, v44;
	v35 =	vadd.s32 $0x659A, v44;
	v61 =	vadd.f32 v56, v3;
	v56 =	vld.idx.msk [tilespmem:v43+s2+$0x0], $0xffff  }
0x68: {  	v36 =	vadd.s32 $0x6FC3, v44;
	v34 =	vadd.s32 $0x79EC, v44;
	v33 =	vadd.s32 $0x8415, v44;
	v58 =	vld.idx.msk [tilespmem:v31+s2+$0x0], $0xffff  }
0x69: {  	v0 =	vadd.s32 $0x471F, v43;
	v48 =	vadd.s32 $0x5148, v43;
	v41 =	vmul.f32 v2, v1;
	v1 =	vld.idx.msk [tilespmem:v45+s2+$0x0], $0xffff  }
0x6a: {  	v49 =	vadd.s32 $0x5B71, v43;
	v60 =	vadd.f32 v32, v4;
	v57 =	vadd.s32 $0x1E7B, v43;
	v45 =	vld [tilespmem:$0x1FFB0]  }
0x6b: {  	v46 =	vadd.s32 $0x6FC3, v43;
	v7 =	vadd.f32 v50, v7;
	v50 =	vadd.s32 $0x1452, v44  }
0x6c: {  	v52 =	vadd.s32 $0x28A4, v44;
	v32 =	vadd.s32 $0x8E3E, v44;
	[tilespmem:$0x1FFC0] =	vst v60;
	v60 =	vadd.s32 $0x32CD, v43;
	v37 =	vld.idx.msk [tilespmem:v47+s2+$0x0], $0xffff  }
0x6d: {  	v53 =	vadd.s32 $0x32CD, v44;
	v59 =	vadd.s32 $0x28A4, v43;
	v47 =	vadd.s32 $0x659A, v43;
	v51 =	vld.idx.msk [tilespmem:v51+s2+$0x0], $0xffff;
	[tilespmem:$0x1FFD0] =	vst v61  }
0x6e: {  	v61 =	vadd.s32 $0x3CF6, v44;
	[tilespmem:$0x1FFF0] =	vst v63;
	v63 =	vld.idx.msk [tilespmem:v44+s2+$0x0], $0xffff;
	v54 =	vmul.f32 v55, v54;
	v55 =	vmul.f32 v56, v56  }
0x6f: {  	[tilespmem:$0x1FFE0] =	vst v62;
	v62 =	vadd.s32 $0x3CF6, v43;
	v3 =	vld.idx.msk [tilespmem:v57+s2+$0x0], $0xffff;
	v2 =	vadd.f32 v41, v45;
	v57 =	vmul.f32 v58, v58  }
0x70: {  	v4 =	vld.idx.msk [tilespmem:v50+s2+$0x0], $0xffff;
	v31 =	vadd.s32 $0x9867, v44;
	v14 =	vadd.f32 v55, v14;
	v12 =	vadd.f32 v58, v12  }
0x71: {  	v55 =	vld.idx.msk [tilespmem:v60+s2+$0x0], $0xffff;
	v60 =	vmul.f32 v37, v37;
	v2 =	vadd.f32 v54, v2;
	v10 =	vadd.f32 v57, v10  }
0x72: {  	v57 =	vmul.f32 v1, v1;
	v12 =	vadd.f32 v1, v12;
	v1 =	vadd.f32 v37, v13;
	v13 =	vld [tilespmem:$0x1FFA0]  }
0x73: {  	p0 =	sne.s32 s31, $0xA00;
	v44 =	vadd.s32 $0x79EC, v43;
	v50 =	vld.idx.msk [tilespmem:v59+s2+$0x0], $0xffff;
	v11 =	vadd.f32 v60, v11;
	v60 =	vmul.f32 v51, v51  }
.Ltmp0:
0x74: {  	v45 =	vadd.s32 $0x8415, v43;
	v54 =	vmul.f32 v63, v63;
	[tilespmem:$0x1FFB0] =	vst v2;
	v2 =	vadd.f32 v56, v15;
	v56 =	vld.idx.msk [tilespmem:v52+s2+$0x0], $0xffff;
	(pc) =	sbr.rel @p0 .LBB2_3-.Ltmp0, $4  }
0x75: {  	v41 =	vadd.s32 $0x8E3E, v43;
	v37 =	vmul.f32 v4, v4;
	v10 =	vadd.f32 v57, v10;
	v57 =	vld.idx.msk [tilespmem:v53+s2+$0x0], $0xffff  }
0x76: {  	v14 =	vadd.f32 v54, v14;
	v52 =	vld.idx.msk [tilespmem:v62+s2+$0x0], $0xffff;
	v15 =	vadd.f32 v63, v2;
	v63 =	vmul.f32 v3, v3  }
0x77: {  	v43 =	vadd.s32 $0x9867, v43;
	v53 =	vld.idx.msk [tilespmem:v0+s2+$0x0], $0xffff;
	v11 =	vadd.f32 v37, v11;
	v59 =	vadd.f32 v3, v13  }
0x78: {  	s31 =	sadd.s32 $0x20, s31;
	v58 =	vmul.f32 v50, v50;
	v54 =	vld.idx.msk [tilespmem:v61+s2+$0x0], $0xffff;
	v13 =	vadd.f32 v4, v1;
	v38 =	vadd.f32 v63, v38  }
0x79: {  	_ =	sdelay $0x3  }
0x7a: {  	v1 =	vld.idx.msk [tilespmem:v42+s2+$0x0], $0xffff  }
0x7b: {  	v2 =	vld.idx.msk [tilespmem:v48+s2+$0x0], $0xffff  }
0x7c: {  	v3 =	vld.idx.msk [tilespmem:v49+s2+$0x0], $0xffff  }
0x7d: {  	v4 =	vld.idx.msk [tilespmem:v39+s2+$0x0], $0xffff  }
0x7e: {  	v37 =	vld.idx.msk [tilespmem:v40+s2+$0x0], $0xffff  }
0x7f: {  	v39 =	vld.idx.msk [tilespmem:v47+s2+$0x0], $0xffff  }
0x80: {  	v40 =	vld.idx.msk [tilespmem:v46+s2+$0x0], $0xffff  }
0x81: {  	s0 =	sshll.u32 s26, $0x7;
	v46 =	vld.idx.msk [tilespmem:v35+s2+$0x0], $0xffff  }
0x82: {  	v62 =	vld [tilespmem:s0+$0x10818]  }
0x83: {  	v47 =	vld.idx.msk [tilespmem:v36+s2+$0x0], $0xffff  }
0x84: {  	v44 =	vld.idx.msk [tilespmem:v44+s2+$0x0], $0xffff  }
0x85: {  	v35 =	vld.idx.msk [tilespmem:v45+s2+$0x0], $0xffff;
	v9 =	vadd.f32 v50, v9  }
0x86: {  	v36 =	vld.idx.msk [tilespmem:v34+s2+$0x0], $0xffff;
	v38 =	vadd.f32 v60, v38;
	v60 =	vmul.f32 v55, v55;
	v30 =	vadd.f32 v58, v30  }
0x87: {  	v0 =	vld.idx.msk [tilespmem:v43+s2+$0x0], $0xffff;
	v58 =	vmul.f32 v56, v56;
	v56 =	vadd.f32 v56, v9;
	v42 =	vsel vm0, $0xA28, v62  }
0x88: {  	v33 =	vld.idx.msk [tilespmem:v33+s2+$0x0], $0xffff;
	v9 =	vmul.f32 v57, v57;
	v29 =	vadd.f32 v60, v29;
	v63 =	vadd.s32 $0xA29, v42  }
0x89: {  	v34 =	vld.idx.msk [tilespmem:v41+s2+$0x0], $0xffff;
	v41 =	vadd.s32 $0x1452, v42  }
0x8a: {  	v32 =	vld.idx.msk [tilespmem:v32+s2+$0x0], $0xffff;
	v29 =	vadd.f32 v9, v29;
	v9 =	vmul.f32 v53, v53;
	v43 =	vadd.s32 $0x1E7B, v42  }
0x8b: {  	v31 =	vld.idx.msk [tilespmem:v31+s2+$0x0], $0xffff;
	v48 =	vadd.s32 $0x28A4, v42  }
0x8c: {  	[tilespmem:$0x1FF90] =	vst v0;
	v0 =	vadd.s32 $0x32CD, v42;
	v25 =	vadd.f32 v9, v25;
	v9 =	vld.idx.msk [tilespmem:v42+s15+$0x0], $0xffff  }
0x8d: {  	v61 =	vadd.s32 $0x3CF6, v42;
	v45 =	vld.idx.msk [tilespmem:v63+s2+$0x0], $0xffff  }
0x8e: {  	v62 =	vadd.s32 $0x471F, v42;
	v41 =	vld.idx.msk [tilespmem:v41+s2+$0x0], $0xffff  }
0x8f: {  	v51 =	vadd.f32 v51, v59;
	v59 =	vadd.s32 $0x5B71, v42;
	v43 =	vld.idx.msk [tilespmem:v43+s2+$0x0], $0xffff  }
0x90: {  	v60 =	vadd.s32 $0x6FC3, v42;
	v48 =	vld.idx.msk [tilespmem:v48+s2+$0x0], $0xffff  }
0x91: {  	v28 =	vadd.f32 v55, v28;
	v49 =	vld.idx.msk [tilespmem:v0+s2+$0x0], $0xffff  }
0x92: {  	v26 =	vadd.f32 v52, v26;
	v50 =	vld.idx.msk [tilespmem:v61+s2+$0x0], $0xffff  }
0x93: {  	v28 =	vadd.f32 v57, v28;
	v24 =	vadd.f32 v53, v24;
	v63 =	vadd.s32 $0x5148, v42;
	v55 =	vld.idx.msk [tilespmem:v62+s2+$0x0], $0xffff  }
0x94: {  	v26 =	vadd.f32 v54, v26;
	v0 =	vadd.s32 $0x659A, v42;
	v57 =	vld.idx.msk [tilespmem:v59+s2+$0x0], $0xffff;
	v59 =	vmul.f32 v52, v52  }
0x95: {  	v61 =	vadd.s32 $0x79EC, v42;
	v53 =	vld.idx.msk [tilespmem:v60+s2+$0x0], $0xffff;
	v60 =	vmul.f32 v54, v54;
	v54 =	vmul.f32 v1, v1  }
0x96: {  	v30 =	vadd.f32 v58, v30;
	v62 =	vadd.s32 $0x8415, v42;
	v52 =	vld.idx.msk [tilespmem:v42+s2+$0x0], $0xffff  }
0x97: {  	v27 =	vadd.f32 v59, v27;
	v59 =	vadd.s32 $0x8E3E, v42;
	v25 =	vadd.f32 v54, v25;
	v54 =	vld [tilespmem:$0xAD18]  }
0x98: {  	v8 =	vadd.f32 v44, v8;
	v6 =	vadd.f32 v35, v6;
	v42 =	vadd.s32 $0x9867, v42;
	v58 =	vld.idx.msk [tilespmem:v63+s2+$0x0], $0xffff  }
0x99: {  	v1 =	vadd.f32 v1, v24;
	v27 =	vadd.f32 v60, v27;
	v60 =	vmul.f32 v2, v2;
	v0 =	vld.idx.msk [tilespmem:v0+s2+$0x0], $0xffff  }
0x9a: {  	v2 =	vadd.f32 v2, v23;
	v24 =	vld.idx.msk [tilespmem:v61+s2+$0x0], $0xffff;
	v63 =	vmul.f32 v3, v3;
	v3 =	vadd.f32 v3, v22  }
0x9b: {  	v23 =	vld.idx.msk [tilespmem:v62+s2+$0x0], $0xffff;
	v61 =	vmul.f32 v52, v52;
	v15 =	vadd.f32 v52, v15;
	v12 =	vadd.f32 v45, v12  }
0x9c: {  	v62 =	vmul.f32 v4, v4;
	v13 =	vadd.f32 v41, v13;
	v1 =	vadd.f32 v55, v1;
	v22 =	vld.idx.msk [tilespmem:v59+s2+$0x0], $0xffff  }
0x9d: {  	v20 =	vadd.f32 v63, v20;
	v63 =	vadd.f32 v61, v14;
	v14 =	vld.idx.msk [tilespmem:v42+s2+$0x0], $0xffff;
	[tilespmem:s0+$0x16000] =	vst v15  }
0x9e: {  	v52 =	vmul.f32 v49, v49;
	v21 =	vadd.f32 v60, v21;
	v2 =	vadd.f32 v4, v2;
	[tilespmem:s0+$0x16010] =	vst v12  }
0x9f: {  	v60 =	vmul.f32 v37, v37;
	v59 =	vmul.f32 v45, v45;
	v3 =	vadd.f32 v37, v3;
	[tilespmem:s0+$0x16020] =	vst v13  }
0xa0: {  	v61 =	vmul.f32 v41, v41;
	v37 =	vmul.f32 v43, v43;
	v41 =	vadd.f32 v43, v51;
	[tilespmem:s0+$0x16070] =	vst v1  }
0xa1: {  	v42 =	vadd.f32 v40, v17;
	v43 =	vmul.f32 v48, v48;
	v51 =	vadd.f32 v48, v56;
	[tilespmem:s0+$0x18000] =	vst v63  }
0xa2: {  	v45 =	vmul.f32 v46, v46;
	v21 =	vadd.f32 v62, v21;
	v10 =	vadd.f32 v59, v10;
	[tilespmem:s0+$0x16030] =	vst v41  }
0xa3: {  	v56 =	vmul.f32 v47, v47;
	v15 =	vadd.f32 v60, v20;
	v4 =	vadd.f32 v61, v11;
	[tilespmem:s0+$0x16040] =	vst v51  }
0xa4: {  	v62 =	vmul.f32 v39, v39;
	v63 =	vadd.f32 v39, v19;
	v11 =	vadd.f32 v37, v38;
	[tilespmem:s0+$0x18010] =	vst v10  }
0xa5: {  	v39 =	vmul.f32 v40, v40;
	v17 =	vadd.f32 v43, v30;
	v59 =	vadd.f32 v49, v28;
	[tilespmem:s0+$0x18020] =	vst v4  }
0xa6: {  	v13 =	vadd.f32 v47, v42;
	v60 =	vadd.f32 v52, v29;
	v28 =	vmul.f32 v35, v35;
	[tilespmem:s0+$0x18030] =	vst v11  }
0xa7: {  	v35 =	vmul.f32 v36, v36;
	v36 =	vadd.f32 v36, v8;
	v3 =	vadd.f32 v57, v3;
	[tilespmem:s0+$0x18040] =	vst v17  }
0xa8: {  	v61 =	vmul.f32 v50, v50;
	v40 =	vadd.f32 v33, v6;
	v18 =	vadd.f32 v62, v18;
	[tilespmem:s0+$0x16050] =	vst v59  }
0xa9: {  	v38 =	vmul.f32 v57, v57;
	v2 =	vadd.f32 v58, v2;
	v10 =	vadd.f32 v39, v16;
	[tilespmem:s0+$0x18050] =	vst v60  }
0xaa: {  	v48 =	vld [tilespmem:$0x1FFD0];
	v43 =	vmul.f32 v34, v34;
	v12 =	vadd.f32 v46, v63;
	v63 =	vadd.f32 v50, v26;
	[tilespmem:s0+$0x16410] =	vst v3  }
0xab: {  	v62 =	vmul.f32 v44, v44;
	v26 =	vadd.f32 v61, v27;
	v5 =	vadd.f32 v28, v5;
	[tilespmem:s0+$0x16400] =	vst v2  }
0xac: {  	v30 =	vmul.f32 v58, v58;
	v41 =	vadd.f32 v38, v15;
	v49 =	vadd.f32 v53, v13;
	[tilespmem:s0+$0x16060] =	vst v63  }
0xad: {  	v52 =	vmul.f32 v32, v32;
	v44 =	vld [tilespmem:$0x1FFC0];
	v1 =	vadd.f32 v24, v36;
	v4 =	vadd.f32 v45, v18;
	[tilespmem:s0+$0x18060] =	vst v26  }
0xae: {  	v27 =	vmul.f32 v55, v55;
	v46 =	vld [tilespmem:$0x1FF90];
	v7 =	vadd.f32 v62, v7;
	v37 =	vadd.f32 v30, v21;
	[tilespmem:s0+$0x18410] =	vst v41  }
0xaf: {  	v39 =	vmul.f32 v33, v33;
	v50 =	vld [tilespmem:$0x1FFE0];
	v8 =	vadd.f32 v43, v48;
	v2 =	vadd.f32 v23, v40;
	[tilespmem:s0+$0x16430] =	vst v49  }
0xb0: {  	v42 =	vmul.f32 v0, v0;
	v10 =	vadd.f32 v56, v10;
	v29 =	vadd.f32 v27, v25;
	[tilespmem:s0+$0x16440] =	vst v1  }
0xb1: {  	v45 =	vmul.f32 v53, v53;
	v53 =	vld [tilespmem:$0x1FFF0];
	v5 =	vadd.f32 v39, v5;
	v0 =	vadd.f32 v0, v12;
	[tilespmem:s0+$0x18400] =	vst v37  }
0xb2: {  	v55 =	vmul.f32 v23, v23;
	v7 =	vadd.f32 v35, v7;
	v4 =	vadd.f32 v42, v4;
	[tilespmem:s0+$0x16450] =	vst v2  }
0xb3: {  	v51 =	vmul.f32 v24, v24;
	[tilespmem:s0+$0x18070] =	vst v29;
	v3 =	vadd.f32 v34, v44;
	v10 =	vadd.f32 v45, v10  }
0xb4: {  	[tilespmem:s0+$0x16420] =	vst v0;
	v57 =	vadd.f32 v55, v5;
	v47 =	vmul.f32 v46, v46;
	v0 =	vadd.f32 v46, v50  }
0xb5: {  	v58 =	vmul.f32 v22, v22;
	[tilespmem:s0+$0x18420] =	vst v4;
	v7 =	vadd.f32 v51, v7;
	v4 =	vadd.f32 v52, v8  }
0xb6: {  	v56 =	vmul.f32 v31, v31;
	v63 =	vld [tilespmem:$0x1FFB0];
	v3 =	vadd.f32 v32, v3;
	[tilespmem:s0+$0x18430] =	vst v10;
	v6 =	vadd.f32 v47, v53  }
0xb7: {  	s26 =	sadd.s32 $0x1, s26;
	v59 =	vsel vm0, $0x0, v54;
	[tilespmem:s0+$0x18450] =	vst v57;
	v0 =	vadd.f32 v31, v0;
	v4 =	vadd.f32 v58, v4  }
0xb8: {  	p0 =	sne.s32 s26, $0x8;
	v60 =	vmul.f32 v14, v14;
	[tilespmem:s0+$0x18440] =	vst v7;
	v3 =	vadd.f32 v22, v3;
	v6 =	vadd.f32 v56, v6  }
.Ltmp1:
0xb9: {  	v61 =	vmul.f32 v59, v9;
	v0 =	vadd.f32 v14, v0;
	[tilespmem:s0+$0x18460] =	vst v4;
	(pc) =	sbr.rel @p0 .LBB2_2-.Ltmp1, $4  }
0xba: {  	[tilespmem:s0+$0x16460] =	vst v3;
	v62 =	vadd.f32 v60, v6  }
0xbb: {  	v1 =	vadd.f32 v61, v63;
	[tilespmem:s0+$0x16470] =	vst v0  }
0xbc: {  	[tilespmem:s0+$0x18470] =	vst v62  }
0xbd: {  	[tilespmem:s28+$0x1A000] =	vst v1  }
0xbe: {  	s26 =	simm.s32 $0x0  }
0xbf: {  	[tilespmem:s16], [sflag:$0x2] =	stream.linear.gather [hbm4b:s8+s26], $0x5400, $0x38;
	[tilespmem:$0x1B000] =	vst v63  }
0xc0: {  	_ =	swait.ge [sflag:s20], $0x5400  }
0xc1: {  	[sflag:s20] =	ssyncset.done $0x0  }
0xc2: {  	s28 =	simm.s32 $0x0;
	[sflag:s20] =	ssyncadd.s32 $0xFFFFAC00  }
.LBB2_6:
0xc3: {  	s0 =	sshll.u32 s28, $0x9  }
0xc4: {  	s29 =	sshrl.u32 s0, $0x2  }
0xc5: {  	s0 =	sadd.s32 $0x10C00, s29  }
0xc6: {  	s1 =	sand.u32 $0x1F000, s26;
	[dreg:$0x3] =	wrdreg s0  }
0xc7: {  	s1 =	sshrl.u32 s1, $0x2;
	s0 =	rddreg [dreg:$0x3]  }
0xc8: {  	s14 =	sand.u32 $0x60, s26;
	s0 =	sadd.s32 s1, s0  }
0xc9: {  	s1 =	sadd.s32 s14, s0  }
0xca: {  	s14 =	sor.u32 $0x10, s14;
	v1 =	vld [tilespmem:s1+$0x0]  }
0xcb: {  	s0 =	sadd.s32 s14, s0  }
0xcc: {  	v0 =	vld [tilespmem:s0+$0x0]  }
0xcd: {  	v9 =	vimm.f32 $0.0e+00;
	v30 =	vimm.f32 $0.0e+00;
	v28 =	vimm.f32 $0.0e+00  }
0xce: {  	v29 =	vimm.f32 $0.0e+00;
	v26 =	vimm.f32 $0.0e+00;
	v27 =	vimm.f32 $0.0e+00  }
0xcf: {  	s30 =	simm.s32 $0xA300;
	s21 =	sand.u32 $0xF80, s26;
	v24 =	vimm.f32 $0.0e+00;
	v25 =	vimm.f32 $0.0e+00;
	v23 =	vimm.f32 $0.0e+00  }
0xd0: {  	v21 =	vimm.f32 $0.0e+00;
	v22 =	vimm.f32 $0.0e+00;
	v61 =	vimm.f32 $0.0e+00;
	v4 =	vld [tilespmem:s30+$0x0];
	s0 =	sor.u32 s14, s21  }
0xd1: {  	v62 =	vimm.f32 $0.0e+00;
	v63 =	vimm.f32 $0.0e+00;
	v10 =	vld [tilespmem:s0+$0xA300];
	v2 =	vadd.s32 $0xA29, v1  }
0xd2: {  	v11 =	vadd.s32 $0x1452, v1;
	v13 =	vadd.s32 $0x1E7B, v1;
	v15 =	vadd.s32 $0x28A4, v1;
	v8 =	vld.idx.msk [tilespmem:v1+s15+$0x0], $0xffff  }
0xd3: {  	v17 =	vadd.s32 $0x32CD, v1;
	v52 =	vadd.s32 $0x3CF6, v1;
	v3 =	vadd.s32 $0xA29, v0;
	v14 =	vld.idx.msk [tilespmem:v1+s2+$0x0], $0xffff  }
0xd4: {  	v48 =	vadd.s32 $0x5148, v1;
	v49 =	vadd.s32 $0x5B71, v1;
	v6 =	vadd.s32 $0x1E7B, v0;
	v12 =	vld.idx.msk [tilespmem:v0+s15+$0x0], $0xffff  }
0xd5: {  	v47 =	vadd.s32 $0x659A, v1;
	v46 =	vadd.s32 $0x6FC3, v1;
	v7 =	vadd.s32 $0x28A4, v0;
	v18 =	vld.idx.msk [tilespmem:v0+s2+$0x0], $0xffff  }
0xd6: {  	v44 =	vadd.s32 $0x79EC, v1;
	v45 =	vadd.s32 $0x8415, v1;
	v16 =	vadd.s32 $0x32CD, v0;
	v2 =	vld.idx.msk [tilespmem:v2+s2+$0x0], $0xffff  }
0xd7: {  	v41 =	vadd.s32 $0x8E3E, v1;
	v43 =	vadd.s32 $0x9867, v1;
	v5 =	vadd.s32 $0x1452, v0;
	v50 =	vld.idx.msk [tilespmem:v15+s2+$0x0], $0xffff  }
0xd8: {  	v37 =	vadd.s32 $0x3CF6, v0;
	v42 =	vadd.s32 $0x471F, v0;
	v39 =	vadd.s32 $0x5148, v0;
	v3 =	vld.idx.msk [tilespmem:v3+s2+$0x0], $0xffff  }
0xd9: {  	v40 =	vadd.s32 $0x5B71, v0;
	v35 =	vadd.s32 $0x659A, v0;
	v36 =	vadd.s32 $0x6FC3, v0;
	v51 =	vld.idx.msk [tilespmem:v6+s2+$0x0], $0xffff  }
0xda: {  	v34 =	vadd.s32 $0x79EC, v0;
	v33 =	vadd.s32 $0x8415, v0;
	v32 =	vadd.s32 $0x8E3E, v0;
	v56 =	vld.idx.msk [tilespmem:v7+s2+$0x0], $0xffff  }
0xdb: {  	v31 =	vadd.s32 $0x9867, v0;
	v57 =	vld.idx.msk [tilespmem:v16+s2+$0x0], $0xffff;
	v16 =	vimm.f32 $0.0e+00;
	v54 =	vmul.f32 v8, v4  }
0xdc: {  	v7 =	vimm.f32 $0.0e+00;
	v4 =	vadd.s32 $0x471F, v1;
	v8 =	vld.idx.msk [tilespmem:v11+s2+$0x0], $0xffff;
	v6 =	vadd.f32 v14, v9  }
0xdd: {  	v11 =	vld.idx.msk [tilespmem:v13+s2+$0x0], $0xffff;
	v10 =	vmul.f32 v12, v10;
	v12 =	vmul.f32 v14, v14;
	v0 =	vadd.f32 v54, v9  }
0xde: {  	v13 =	vmul.f32 v2, v2;
	v2 =	vadd.f32 v2, v9;
	v15 =	vadd.f32 v18, v6  }
0xdf: {  	v5 =	vld.idx.msk [tilespmem:v5+s2+$0x0], $0xffff;
	v58 =	vmul.f32 v50, v50;
	v54 =	vimm.f32 $0.0e+00;
	v19 =	vmul.f32 v3, v3  }
0xe0: {  	v60 =	vmul.f32 v51, v51;
	v0 =	vadd.f32 v10, v0;
	v10 =	vadd.f32 v12, v9  }
0xe1: {  	v12 =	vmul.f32 v18, v18;
	v13 =	vadd.f32 v13, v9;
	v18 =	vimm.f32 $0.0e+00  }
0xe2: {  	[tilespmem:$0x1FF60] =	vst v61;
	v20 =	vmul.f32 v8, v8;
	v6 =	vmul.f32 v11, v11;
	v55 =	vadd.f32 v8, v9  }
0xe3: {  	[tilespmem:$0x1FF70] =	vst v62;
	v59 =	vadd.f32 v11, v9;
	v8 =	vimm.f32 $0.0e+00;
	v14 =	vadd.f32 v12, v10  }
0xe4: {  	v52 =	vld.idx.msk [tilespmem:v52+s2+$0x0], $0xffff;
	v12 =	vadd.f32 v3, v2;
	v10 =	vadd.f32 v19, v13;
	v3 =	vmul.f32 v5, v5  }
0xe5: {  	[tilespmem:$0x1FF50] =	vst v54;
	v54 =	vld.idx.msk [tilespmem:v37+s2+$0x0], $0xffff;
	v19 =	vimm.f32 $0.0e+00;
	v53 =	vadd.f32 v20, v9;
	v38 =	vadd.f32 v6, v9  }
0xe6: {  	[tilespmem:$0x1FF80] =	vst v63;
	v13 =	vadd.f32 v5, v55;
	v55 =	vld.idx.msk [tilespmem:v17+s2+$0x0], $0xffff;
	v20 =	vimm.f32 $0.0e+00;
	v17 =	vimm.f32 $0.0e+00  }
0xe7: {  	s31 =	simm.s32 $0x20;
	s0 =	simm.s32 $0x0;
	[tilespmem:$0x1FF40] =	vst v0;
	v6 =	vimm.f32 $0.0e+00;
	v5 =	vimm.f32 $0.0e+00;
	v11 =	vadd.f32 v3, v53;
	v53 =	vld.idx.msk [tilespmem:v4+s2+$0x0], $0xffff  }
.LBB2_7:
0xe8: {  	v42 =	vld.idx.msk [tilespmem:v42+s2+$0x0], $0xffff  }
0xe9: {  	v48 =	vld.idx.msk [tilespmem:v48+s2+$0x0], $0xffff  }
0xea: {  	v49 =	vld.idx.msk [tilespmem:v49+s2+$0x0], $0xffff  }
0xeb: {  	v39 =	vld.idx.msk [tilespmem:v39+s2+$0x0], $0xffff  }
0xec: {  	v9 =	vadd.f32 v50, v9;
	v40 =	vld.idx.msk [tilespmem:v40+s2+$0x0], $0xffff  }
0xed: {  	v61 =	vmul.f32 v55, v55;
	v28 =	vadd.f32 v55, v28;
	v47 =	vld.idx.msk [tilespmem:v47+s2+$0x0], $0xffff;
	v0 =	vadd.f32 v51, v59  }
0xee: {  	v46 =	vld.idx.msk [tilespmem:v46+s2+$0x0], $0xffff;
	v38 =	vadd.f32 v60, v38;
	v30 =	vadd.f32 v58, v30;
	v60 =	vmul.f32 v56, v56  }
0xef: {  	v45 =	vld.idx.msk [tilespmem:v45+s2+$0x0], $0xffff;
	v29 =	vadd.f32 v61, v29;
	v61 =	vmul.f32 v57, v57;
	v62 =	vmul.f32 v52, v52  }
0xf0: {  	v35 =	vld.idx.msk [tilespmem:v35+s2+$0x0], $0xffff;
	v9 =	vadd.f32 v56, v9;
	v63 =	vmul.f32 v53, v53;
	v28 =	vadd.f32 v57, v28  }
0xf1: {  	[tilespmem:$0x1FF30] =	vst v0;
	v26 =	vadd.f32 v52, v26;
	v0 =	vmul.f32 v54, v54;
	v24 =	vadd.f32 v53, v24  }
0xf2: {  	v36 =	vld.idx.msk [tilespmem:v36+s2+$0x0], $0xffff;
	v1 =	vmul.f32 v42, v42;
	v23 =	vadd.f32 v48, v23;
	v22 =	vadd.f32 v49, v22  }
0xf3: {  	v34 =	vld.idx.msk [tilespmem:v34+s2+$0x0], $0xffff;
	v2 =	vmul.f32 v48, v48;
	v19 =	vadd.f32 v47, v19;
	v17 =	vadd.f32 v46, v17  }
0xf4: {  	v33 =	vld.idx.msk [tilespmem:v33+s2+$0x0], $0xffff;
	s0 =	sadd.s32 $0x400, s0;
	v55 =	vmul.f32 v49, v49;
	v6 =	vadd.f32 v45, v6;
	v30 =	vadd.f32 v60, v30  }
0xf5: {  	v32 =	vld.idx.msk [tilespmem:v32+s2+$0x0], $0xffff;
	s14 =	sand.u32 $0x1F000, s0;
	v57 =	vmul.f32 v39, v39;
	v29 =	vadd.f32 v61, v29;
	v27 =	vadd.f32 v62, v27  }
0xf6: {  	s1 =	rddreg [dreg:$0x3];
	v31 =	vld.idx.msk [tilespmem:v31+s2+$0x0], $0xffff;
	s14 =	sshrl.u32 s14, $0x2;
	v58 =	vmul.f32 v40, v40;
	v25 =	vadd.f32 v63, v25;
	v26 =	vadd.f32 v54, v26  }
0xf7: {  	s21 =	sand.u32 $0x60, s31;
	s1 =	sadd.s32 s14, s1;
	v56 =	vld.idx.msk [tilespmem:v44+s2+$0x0], $0xffff;
	v59 =	vmul.f32 v47, v47;
	v24 =	vadd.f32 v42, v24;
	v21 =	vadd.f32 v2, v21  }
0xf8: {  	s14 =	sadd.s32 s21, s1;
	v37 =	vmul.f32 v36, v36;
	v63 =	vld.idx.msk [tilespmem:v43+s2+$0x0], $0xffff;
	v20 =	vadd.f32 v55, v20;
	v23 =	vadd.f32 v39, v23  }
0xf9: {  	v49 =	vmul.f32 v45, v45;
	v43 =	vld [tilespmem:s14+$0x0];
	v22 =	vadd.f32 v40, v22;
	v18 =	vadd.f32 v59, v18  }
0xfa: {  	v50 =	vmul.f32 v34, v34;
	v19 =	vadd.f32 v35, v19;
	v21 =	vadd.f32 v57, v21;
	v57 =	vld [tilespmem:$0x1FF70]  }
0xfb: {  	v60 =	vmul.f32 v46, v46;
	v17 =	vadd.f32 v36, v17;
	v20 =	vadd.f32 v58, v20;
	v58 =	vld [tilespmem:$0x1FF80]  }
0xfc: {  	v61 =	vld.idx.msk [tilespmem:v41+s2+$0x0], $0xffff;
	v62 =	vmul.f32 v35, v35;
	s14 =	sor.u32 $0x10, s21;
	v5 =	vadd.f32 v49, v5;
	v6 =	vadd.f32 v33, v6  }
0xfd: {  	v51 =	vmul.f32 v33, v33;
	s1 =	sadd.s32 s14, s1;
	v55 =	vld [tilespmem:$0x1FF60];
	v27 =	vadd.f32 v0, v27;
	v25 =	vadd.f32 v1, v25  }
0xfe: {  	v16 =	vadd.f32 v60, v16;
	v44 =	vld [tilespmem:s1+$0x0];
	v18 =	vadd.f32 v62, v18;
	v53 =	vmul.f32 v63, v63  }
0xff: {  	v54 =	vld [tilespmem:$0x1FF50];
	v59 =	vmul.f32 v31, v31;
	v8 =	vadd.f32 v56, v8;
	v5 =	vadd.f32 v51, v5  }
0x100: {  	v48 =	vmul.f32 v56, v56;
	v2 =	vadd.f32 v63, v57;
	v1 =	vadd.f32 v53, v58  }
0x101: {  	s30 =	sadd.s32 $0x20, s30;
	v56 =	vmul.f32 v32, v32;
	v16 =	vadd.f32 v37, v16;
	v52 =	vmul.f32 v61, v61  }
0x102: {  	s21 =	sand.u32 $0xF80, s31;
	v62 =	vadd.f32 v31, v2;
	v63 =	vadd.f32 v59, v1;
	v1 =	vld [tilespmem:s30+$0x0];
	v31 =	vadd.s32 $0xA29, v43  }
0x103: {  	s1 =	sor.u32 s14, s21;
	v7 =	vadd.f32 v48, v7;
	v3 =	vadd.f32 v52, v55;
	v45 =	vadd.s32 $0xA29, v44;
	v2 =	vld.idx.msk [tilespmem:v43+s15+$0x0], $0xffff  }
0x104: {  	v8 =	vadd.f32 v34, v8;
	v4 =	vadd.f32 v61, v54;
	v54 =	vld [tilespmem:s1+$0xA300];
	v47 =	vadd.s32 $0x1452, v43  }
0x105: {  	v0 =	vadd.s32 $0x471F, v43;
	v48 =	vadd.s32 $0x5148, v43;
	v61 =	vadd.f32 v56, v3;
	v56 =	vld.idx.msk [tilespmem:v43+s2+$0x0], $0xffff  }
0x106: {  	v49 =	vadd.s32 $0x5B71, v43;
	v46 =	vadd.s32 $0x6FC3, v43;
	v7 =	vadd.f32 v50, v7;
	v55 =	vld.idx.msk [tilespmem:v44+s15+$0x0], $0xffff  }
0x107: {  	v60 =	vadd.f32 v32, v4;
	v50 =	vadd.s32 $0x1452, v44;
	v51 =	vadd.s32 $0x1E7B, v44;
	v58 =	vld.idx.msk [tilespmem:v31+s2+$0x0], $0xffff  }
0x108: {  	v52 =	vadd.s32 $0x28A4, v44;
	v42 =	vadd.s32 $0x471F, v44;
	v41 =	vmul.f32 v2, v1;
	v1 =	vld.idx.msk [tilespmem:v45+s2+$0x0], $0xffff  }
0x109: {  	v39 =	vadd.s32 $0x5148, v44;
	v40 =	vadd.s32 $0x5B71, v44;
	v57 =	vadd.s32 $0x1E7B, v43;
	v45 =	vld [tilespmem:$0x1FF40]  }
0x10a: {  	v35 =	vadd.s32 $0x659A, v44;
	v36 =	vadd.s32 $0x6FC3, v44;
	v34 =	vadd.s32 $0x79EC, v44  }
0x10b: {  	v33 =	vadd.s32 $0x8415, v44;
	v32 =	vadd.s32 $0x8E3E, v44;
	[tilespmem:$0x1FF50] =	vst v60;
	v60 =	vadd.s32 $0x32CD, v43;
	v37 =	vld.idx.msk [tilespmem:v47+s2+$0x0], $0xffff  }
0x10c: {  	v53 =	vadd.s32 $0x32CD, v44;
	v59 =	vadd.s32 $0x28A4, v43;
	v47 =	vadd.s32 $0x659A, v43;
	[tilespmem:$0x1FF80] =	vst v63;
	v63 =	vld.idx.msk [tilespmem:v44+s2+$0x0], $0xffff  }
0x10d: {  	[tilespmem:$0x1FF60] =	vst v61;
	v61 =	vadd.s32 $0x3CF6, v44;
	v51 =	vld.idx.msk [tilespmem:v51+s2+$0x0], $0xffff;
	v54 =	vmul.f32 v55, v54;
	v55 =	vmul.f32 v56, v56  }
0x10e: {  	[tilespmem:$0x1FF70] =	vst v62;
	v62 =	vadd.s32 $0x3CF6, v43;
	v3 =	vld.idx.msk [tilespmem:v57+s2+$0x0], $0xffff;
	v2 =	vadd.f32 v41, v45;
	v57 =	vmul.f32 v58, v58  }
0x10f: {  	v4 =	vld.idx.msk [tilespmem:v50+s2+$0x0], $0xffff;
	v31 =	vadd.s32 $0x9867, v44;
	v14 =	vadd.f32 v55, v14;
	v12 =	vadd.f32 v58, v12  }
0x110: {  	v55 =	vld.idx.msk [tilespmem:v60+s2+$0x0], $0xffff;
	v60 =	vmul.f32 v37, v37;
	v2 =	vadd.f32 v54, v2;
	v10 =	vadd.f32 v57, v10  }
0x111: {  	v57 =	vmul.f32 v1, v1;
	v12 =	vadd.f32 v1, v12;
	v1 =	vadd.f32 v37, v13;
	v13 =	vld [tilespmem:$0x1FF30]  }
0x112: {  	p0 =	sne.s32 s31, $0xA00;
	v44 =	vadd.s32 $0x79EC, v43;
	v50 =	vld.idx.msk [tilespmem:v59+s2+$0x0], $0xffff;
	v11 =	vadd.f32 v60, v11;
	v60 =	vmul.f32 v51, v51  }
.Ltmp2:
0x113: {  	v45 =	vadd.s32 $0x8415, v43;
	v54 =	vmul.f32 v63, v63;
	[tilespmem:$0x1FF40] =	vst v2;
	v2 =	vadd.f32 v56, v15;
	v56 =	vld.idx.msk [tilespmem:v52+s2+$0x0], $0xffff;
	(pc) =	sbr.rel @p0 .LBB2_7-.Ltmp2, $4  }
0x114: {  	v41 =	vadd.s32 $0x8E3E, v43;
	v37 =	vmul.f32 v4, v4;
	v10 =	vadd.f32 v57, v10;
	v57 =	vld.idx.msk [tilespmem:v53+s2+$0x0], $0xffff  }
0x115: {  	v14 =	vadd.f32 v54, v14;
	v52 =	vld.idx.msk [tilespmem:v62+s2+$0x0], $0xffff;
	v15 =	vadd.f32 v63, v2;
	v63 =	vmul.f32 v3, v3  }
0x116: {  	v43 =	vadd.s32 $0x9867, v43;
	v53 =	vld.idx.msk [tilespmem:v0+s2+$0x0], $0xffff;
	v11 =	vadd.f32 v37, v11;
	v59 =	vadd.f32 v3, v13  }
0x117: {  	s31 =	sadd.s32 $0x20, s31;
	v58 =	vmul.f32 v50, v50;
	v54 =	vld.idx.msk [tilespmem:v61+s2+$0x0], $0xffff;
	v13 =	vadd.f32 v4, v1;
	v38 =	vadd.f32 v63, v38  }
0x118: {  	_ =	sdelay $0x3  }
0x119: {  	v1 =	vld.idx.msk [tilespmem:v42+s2+$0x0], $0xffff  }
0x11a: {  	v2 =	vld.idx.msk [tilespmem:v48+s2+$0x0], $0xffff  }
0x11b: {  	v3 =	vld.idx.msk [tilespmem:v49+s2+$0x0], $0xffff  }
0x11c: {  	v4 =	vld.idx.msk [tilespmem:v39+s2+$0x0], $0xffff  }
0x11d: {  	v37 =	vld.idx.msk [tilespmem:v40+s2+$0x0], $0xffff  }
0x11e: {  	v39 =	vld.idx.msk [tilespmem:v47+s2+$0x0], $0xffff  }
0x11f: {  	v40 =	vld.idx.msk [tilespmem:v46+s2+$0x0], $0xffff  }
0x120: {  	v62 =	vld [tilespmem:s29+$0x15C18]  }
0x121: {  	v46 =	vld.idx.msk [tilespmem:v35+s2+$0x0], $0xffff  }
0x122: {  	v47 =	vld.idx.msk [tilespmem:v36+s2+$0x0], $0xffff  }
0x123: {  	v44 =	vld.idx.msk [tilespmem:v44+s2+$0x0], $0xffff  }
0x124: {  	v35 =	vld.idx.msk [tilespmem:v45+s2+$0x0], $0xffff;
	v9 =	vadd.f32 v50, v9  }
0x125: {  	v36 =	vld.idx.msk [tilespmem:v34+s2+$0x0], $0xffff;
	v38 =	vadd.f32 v60, v38;
	v60 =	vmul.f32 v55, v55;
	v30 =	vadd.f32 v58, v30  }
0x126: {  	v0 =	vld.idx.msk [tilespmem:v43+s2+$0x0], $0xffff;
	v58 =	vmul.f32 v56, v56;
	v56 =	vadd.f32 v56, v9;
	v42 =	vsel vm0, $0xA28, v62  }
0x127: {  	v33 =	vld.idx.msk [tilespmem:v33+s2+$0x0], $0xffff;
	v9 =	vmul.f32 v57, v57;
	v29 =	vadd.f32 v60, v29;
	v63 =	vadd.s32 $0xA29, v42  }
0x128: {  	v34 =	vld.idx.msk [tilespmem:v41+s2+$0x0], $0xffff;
	v41 =	vadd.s32 $0x1452, v42  }
0x129: {  	v32 =	vld.idx.msk [tilespmem:v32+s2+$0x0], $0xffff;
	v29 =	vadd.f32 v9, v29;
	v9 =	vmul.f32 v53, v53;
	v43 =	vadd.s32 $0x1E7B, v42  }
0x12a: {  	v31 =	vld.idx.msk [tilespmem:v31+s2+$0x0], $0xffff;
	v48 =	vadd.s32 $0x28A4, v42  }
0x12b: {  	[tilespmem:$0x1FF20] =	vst v0;
	v0 =	vadd.s32 $0x32CD, v42;
	v25 =	vadd.f32 v9, v25;
	v9 =	vld.idx.msk [tilespmem:v42+s15+$0x0], $0xffff  }
0x12c: {  	v61 =	vadd.s32 $0x3CF6, v42;
	v45 =	vld.idx.msk [tilespmem:v63+s2+$0x0], $0xffff  }
0x12d: {  	v62 =	vadd.s32 $0x471F, v42;
	v41 =	vld.idx.msk [tilespmem:v41+s2+$0x0], $0xffff  }
0x12e: {  	v51 =	vadd.f32 v51, v59;
	v59 =	vadd.s32 $0x5B71, v42;
	v43 =	vld.idx.msk [tilespmem:v43+s2+$0x0], $0xffff  }
0x12f: {  	v60 =	vadd.s32 $0x6FC3, v42;
	v48 =	vld.idx.msk [tilespmem:v48+s2+$0x0], $0xffff  }
0x130: {  	v28 =	vadd.f32 v55, v28;
	v49 =	vld.idx.msk [tilespmem:v0+s2+$0x0], $0xffff  }
0x131: {  	v26 =	vadd.f32 v52, v26;
	v50 =	vld.idx.msk [tilespmem:v61+s2+$0x0], $0xffff  }
0x132: {  	v28 =	vadd.f32 v57, v28;
	v24 =	vadd.f32 v53, v24;
	v63 =	vadd.s32 $0x5148, v42;
	v55 =	vld.idx.msk [tilespmem:v62+s2+$0x0], $0xffff  }
0x133: {  	v26 =	vadd.f32 v54, v26;
	v0 =	vadd.s32 $0x659A, v42;
	v57 =	vld.idx.msk [tilespmem:v59+s2+$0x0], $0xffff;
	v59 =	vmul.f32 v52, v52  }
0x134: {  	v61 =	vadd.s32 $0x79EC, v42;
	v53 =	vld.idx.msk [tilespmem:v60+s2+$0x0], $0xffff;
	v60 =	vmul.f32 v54, v54;
	v54 =	vmul.f32 v1, v1  }
0x135: {  	v30 =	vadd.f32 v58, v30;
	v62 =	vadd.s32 $0x8415, v42;
	v52 =	vld.idx.msk [tilespmem:v42+s2+$0x0], $0xffff  }
0x136: {  	v27 =	vadd.f32 v59, v27;
	v59 =	vadd.s32 $0x8E3E, v42;
	v25 =	vadd.f32 v54, v25;
	v54 =	vld [tilespmem:$0xAD18]  }
0x137: {  	v8 =	vadd.f32 v44, v8;
	v6 =	vadd.f32 v35, v6;
	v42 =	vadd.s32 $0x9867, v42;
	v58 =	vld.idx.msk [tilespmem:v63+s2+$0x0], $0xffff  }
0x138: {  	v1 =	vadd.f32 v1, v24;
	v27 =	vadd.f32 v60, v27;
	v60 =	vmul.f32 v2, v2;
	v0 =	vld.idx.msk [tilespmem:v0+s2+$0x0], $0xffff  }
0x139: {  	v2 =	vadd.f32 v2, v23;
	v24 =	vld.idx.msk [tilespmem:v61+s2+$0x0], $0xffff;
	v63 =	vmul.f32 v3, v3;
	v3 =	vadd.f32 v3, v22  }
0x13a: {  	v23 =	vld.idx.msk [tilespmem:v62+s2+$0x0], $0xffff;
	v61 =	vmul.f32 v52, v52;
	v15 =	vadd.f32 v52, v15;
	v12 =	vadd.f32 v45, v12  }
0x13b: {  	s0 =	sshll.u32 s28, $0x7;
	v62 =	vmul.f32 v4, v4;
	v13 =	vadd.f32 v41, v13;
	v1 =	vadd.f32 v55, v1;
	v22 =	vld.idx.msk [tilespmem:v59+s2+$0x0], $0xffff  }
0x13c: {  	v20 =	vadd.f32 v63, v20;
	v63 =	vadd.f32 v61, v14;
	v14 =	vld.idx.msk [tilespmem:v42+s2+$0x0], $0xffff;
	[tilespmem:s0+$0x16800] =	vst v15  }
0x13d: {  	v52 =	vmul.f32 v49, v49;
	v21 =	vadd.f32 v60, v21;
	v2 =	vadd.f32 v4, v2;
	[tilespmem:s0+$0x16810] =	vst v12  }
0x13e: {  	v60 =	vmul.f32 v37, v37;
	v59 =	vmul.f32 v45, v45;
	v3 =	vadd.f32 v37, v3;
	[tilespmem:s0+$0x16820] =	vst v13  }
0x13f: {  	v61 =	vmul.f32 v41, v41;
	v37 =	vmul.f32 v43, v43;
	v41 =	vadd.f32 v43, v51;
	[tilespmem:s0+$0x16870] =	vst v1  }
0x140: {  	v42 =	vadd.f32 v40, v17;
	v43 =	vmul.f32 v48, v48;
	v51 =	vadd.f32 v48, v56;
	[tilespmem:s0+$0x18800] =	vst v63  }
0x141: {  	v45 =	vmul.f32 v46, v46;
	v21 =	vadd.f32 v62, v21;
	v10 =	vadd.f32 v59, v10;
	[tilespmem:s0+$0x16830] =	vst v41  }
0x142: {  	v56 =	vmul.f32 v47, v47;
	v15 =	vadd.f32 v60, v20;
	v4 =	vadd.f32 v61, v11;
	[tilespmem:s0+$0x16840] =	vst v51  }
0x143: {  	v62 =	vmul.f32 v39, v39;
	v63 =	vadd.f32 v39, v19;
	v11 =	vadd.f32 v37, v38;
	[tilespmem:s0+$0x18810] =	vst v10  }
0x144: {  	v39 =	vmul.f32 v40, v40;
	v17 =	vadd.f32 v43, v30;
	v59 =	vadd.f32 v49, v28;
	[tilespmem:s0+$0x18820] =	vst v4  }
0x145: {  	v13 =	vadd.f32 v47, v42;
	v60 =	vadd.f32 v52, v29;
	v28 =	vmul.f32 v35, v35;
	[tilespmem:s0+$0x18830] =	vst v11  }
0x146: {  	v35 =	vmul.f32 v36, v36;
	v36 =	vadd.f32 v36, v8;
	v3 =	vadd.f32 v57, v3;
	[tilespmem:s0+$0x18840] =	vst v17  }
0x147: {  	v61 =	vmul.f32 v50, v50;
	v40 =	vadd.f32 v33, v6;
	v18 =	vadd.f32 v62, v18;
	[tilespmem:s0+$0x16850] =	vst v59  }
0x148: {  	v38 =	vmul.f32 v57, v57;
	v2 =	vadd.f32 v58, v2;
	v10 =	vadd.f32 v39, v16;
	[tilespmem:s0+$0x18850] =	vst v60  }
0x149: {  	v48 =	vld [tilespmem:$0x1FF60];
	v43 =	vmul.f32 v34, v34;
	v12 =	vadd.f32 v46, v63;
	v63 =	vadd.f32 v50, v26;
	[tilespmem:s0+$0x16C10] =	vst v3  }
0x14a: {  	v62 =	vmul.f32 v44, v44;
	v26 =	vadd.f32 v61, v27;
	v5 =	vadd.f32 v28, v5;
	[tilespmem:s0+$0x16C00] =	vst v2  }
0x14b: {  	v30 =	vmul.f32 v58, v58;
	v41 =	vadd.f32 v38, v15;
	v49 =	vadd.f32 v53, v13;
	[tilespmem:s0+$0x16860] =	vst v63  }
0x14c: {  	v52 =	vmul.f32 v32, v32;
	v44 =	vld [tilespmem:$0x1FF50];
	v1 =	vadd.f32 v24, v36;
	v4 =	vadd.f32 v45, v18;
	[tilespmem:s0+$0x18860] =	vst v26  }
0x14d: {  	v27 =	vmul.f32 v55, v55;
	v46 =	vld [tilespmem:$0x1FF20];
	v7 =	vadd.f32 v62, v7;
	v37 =	vadd.f32 v30, v21;
	[tilespmem:s0+$0x18C10] =	vst v41  }
0x14e: {  	v39 =	vmul.f32 v33, v33;
	v50 =	vld [tilespmem:$0x1FF70];
	v8 =	vadd.f32 v43, v48;
	v2 =	vadd.f32 v23, v40;
	[tilespmem:s0+$0x16C30] =	vst v49  }
0x14f: {  	v42 =	vmul.f32 v0, v0;
	v10 =	vadd.f32 v56, v10;
	v29 =	vadd.f32 v27, v25;
	[tilespmem:s0+$0x16C40] =	vst v1  }
0x150: {  	v45 =	vmul.f32 v53, v53;
	v53 =	vld [tilespmem:$0x1FF80];
	v5 =	vadd.f32 v39, v5;
	v0 =	vadd.f32 v0, v12;
	[tilespmem:s0+$0x18C00] =	vst v37  }
0x151: {  	v55 =	vmul.f32 v23, v23;
	v7 =	vadd.f32 v35, v7;
	v4 =	vadd.f32 v42, v4;
	[tilespmem:s0+$0x16C50] =	vst v2  }
0x152: {  	v51 =	vmul.f32 v24, v24;
	[tilespmem:s0+$0x18870] =	vst v29;
	v3 =	vadd.f32 v34, v44;
	v10 =	vadd.f32 v45, v10  }
0x153: {  	[tilespmem:s0+$0x16C20] =	vst v0;
	v57 =	vadd.f32 v55, v5;
	v47 =	vmul.f32 v46, v46;
	v0 =	vadd.f32 v46, v50  }
0x154: {  	v58 =	vmul.f32 v22, v22;
	[tilespmem:s0+$0x18C20] =	vst v4;
	v7 =	vadd.f32 v51, v7;
	v4 =	vadd.f32 v52, v8  }
0x155: {  	v56 =	vmul.f32 v31, v31;
	v63 =	vld [tilespmem:$0x1FF40];
	v3 =	vadd.f32 v32, v3;
	[tilespmem:s0+$0x18C30] =	vst v10;
	v6 =	vadd.f32 v47, v53  }
0x156: {  	s28 =	sadd.s32 $0x1, s28;
	v59 =	vsel vm0, $0x0, v54;
	[tilespmem:s0+$0x18C50] =	vst v57;
	v0 =	vadd.f32 v31, v0;
	v4 =	vadd.f32 v58, v4  }
0x157: {  	p0 =	sne.s32 s28, $0x8;
	v60 =	vmul.f32 v14, v14;
	[tilespmem:s0+$0x18C40] =	vst v7;
	v3 =	vadd.f32 v22, v3;
	v6 =	vadd.f32 v56, v6  }
.Ltmp3:
0x158: {  	v61 =	vmul.f32 v59, v9;
	v0 =	vadd.f32 v14, v0;
	[tilespmem:s0+$0x18C60] =	vst v4;
	(pc) =	sbr.rel @p0 .LBB2_6-.Ltmp3, $4  }
0x159: {  	[tilespmem:s0+$0x16C60] =	vst v3;
	v62 =	vadd.f32 v60, v6  }
0x15a: {  	v1 =	vadd.f32 v61, v63;
	[tilespmem:s0+$0x16C70] =	vst v0  }
0x15b: {  	[tilespmem:s0+$0x18C70] =	vst v62  }
0x15c: {  	[tilespmem:s29+$0x1A400] =	vst v1  }
0x15d: {  	s26 =	simm.s32 $0x0  }
0x15e: {  	[tilespmem:s18], [sflag:$0x3] =	stream.linear.gather [hbm4b:s9+s26], $0x5400, $0x38;
	[tilespmem:$0x1B000] =	vst v63  }
0x15f: {  	_ =	swait.ge [sflag:s19], $0x5400  }
0x160: {  	[sflag:s19] =	ssyncset.done $0x0  }
0x161: {  	s28 =	simm.s32 $0x0;
	[sflag:s19] =	ssyncadd.s32 $0xFFFFAC00  }
.LBB2_10:
0x162: {  	s0 =	sshll.u32 s28, $0x9  }
0x163: {  	s29 =	sshrl.u32 s0, $0x2  }
0x164: {  	s0 =	sadd.s32 $0xB800, s29  }
0x165: {  	s1 =	sand.u32 $0x1F000, s26;
	[dreg:$0x4] =	wrdreg s0  }
0x166: {  	s1 =	sshrl.u32 s1, $0x2;
	s0 =	rddreg [dreg:$0x4]  }
0x167: {  	s14 =	sand.u32 $0x60, s26;
	s0 =	sadd.s32 s1, s0  }
0x168: {  	s1 =	sadd.s32 s14, s0  }
0x169: {  	s14 =	sor.u32 $0x10, s14;
	v1 =	vld [tilespmem:s1+$0x0]  }
0x16a: {  	s0 =	sadd.s32 s14, s0  }
0x16b: {  	v0 =	vld [tilespmem:s0+$0x0]  }
0x16c: {  	v9 =	vimm.f32 $0.0e+00;
	v30 =	vimm.f32 $0.0e+00;
	v28 =	vimm.f32 $0.0e+00  }
0x16d: {  	v29 =	vimm.f32 $0.0e+00;
	v26 =	vimm.f32 $0.0e+00;
	v27 =	vimm.f32 $0.0e+00  }
0x16e: {  	s30 =	simm.s32 $0xA300;
	s21 =	sand.u32 $0xF80, s26;
	v24 =	vimm.f32 $0.0e+00;
	v25 =	vimm.f32 $0.0e+00;
	v23 =	vimm.f32 $0.0e+00  }
0x16f: {  	v21 =	vimm.f32 $0.0e+00;
	v22 =	vimm.f32 $0.0e+00;
	v61 =	vimm.f32 $0.0e+00;
	v4 =	vld [tilespmem:s30+$0x0];
	s0 =	sor.u32 s14, s21  }
0x170: {  	v62 =	vimm.f32 $0.0e+00;
	v63 =	vimm.f32 $0.0e+00;
	v10 =	vld [tilespmem:s0+$0xA300];
	v2 =	vadd.s32 $0xA29, v1  }
0x171: {  	v11 =	vadd.s32 $0x1452, v1;
	v13 =	vadd.s32 $0x1E7B, v1;
	v15 =	vadd.s32 $0x28A4, v1;
	v8 =	vld.idx.msk [tilespmem:v1+s15+$0x0], $0xffff  }
0x172: {  	v17 =	vadd.s32 $0x32CD, v1;
	v52 =	vadd.s32 $0x3CF6, v1;
	v3 =	vadd.s32 $0xA29, v0;
	v14 =	vld.idx.msk [tilespmem:v1+s2+$0x0], $0xffff  }
0x173: {  	v48 =	vadd.s32 $0x5148, v1;
	v49 =	vadd.s32 $0x5B71, v1;
	v6 =	vadd.s32 $0x1E7B, v0;
	v12 =	vld.idx.msk [tilespmem:v0+s15+$0x0], $0xffff  }
0x174: {  	v47 =	vadd.s32 $0x659A, v1;
	v46 =	vadd.s32 $0x6FC3, v1;
	v7 =	vadd.s32 $0x28A4, v0;
	v18 =	vld.idx.msk [tilespmem:v0+s2+$0x0], $0xffff  }
0x175: {  	v44 =	vadd.s32 $0x79EC, v1;
	v45 =	vadd.s32 $0x8415, v1;
	v16 =	vadd.s32 $0x32CD, v0;
	v2 =	vld.idx.msk [tilespmem:v2+s2+$0x0], $0xffff  }
0x176: {  	v41 =	vadd.s32 $0x8E3E, v1;
	v43 =	vadd.s32 $0x9867, v1;
	v5 =	vadd.s32 $0x1452, v0;
	v50 =	vld.idx.msk [tilespmem:v15+s2+$0x0], $0xffff  }
0x177: {  	v37 =	vadd.s32 $0x3CF6, v0;
	v42 =	vadd.s32 $0x471F, v0;
	v39 =	vadd.s32 $0x5148, v0;
	v3 =	vld.idx.msk [tilespmem:v3+s2+$0x0], $0xffff  }
0x178: {  	v40 =	vadd.s32 $0x5B71, v0;
	v35 =	vadd.s32 $0x659A, v0;
	v36 =	vadd.s32 $0x6FC3, v0;
	v51 =	vld.idx.msk [tilespmem:v6+s2+$0x0], $0xffff  }
0x179: {  	v34 =	vadd.s32 $0x79EC, v0;
	v33 =	vadd.s32 $0x8415, v0;
	v32 =	vadd.s32 $0x8E3E, v0;
	v56 =	vld.idx.msk [tilespmem:v7+s2+$0x0], $0xffff  }
0x17a: {  	v31 =	vadd.s32 $0x9867, v0;
	v57 =	vld.idx.msk [tilespmem:v16+s2+$0x0], $0xffff;
	v16 =	vimm.f32 $0.0e+00;
	v54 =	vmul.f32 v8, v4  }
0x17b: {  	v7 =	vimm.f32 $0.0e+00;
	v4 =	vadd.s32 $0x471F, v1;
	v8 =	vld.idx.msk [tilespmem:v11+s2+$0x0], $0xffff;
	v6 =	vadd.f32 v14, v9  }
0x17c: {  	v11 =	vld.idx.msk [tilespmem:v13+s2+$0x0], $0xffff;
	v10 =	vmul.f32 v12, v10;
	v12 =	vmul.f32 v14, v14;
	v0 =	vadd.f32 v54, v9  }
0x17d: {  	v13 =	vmul.f32 v2, v2;
	v2 =	vadd.f32 v2, v9;
	v15 =	vadd.f32 v18, v6  }
0x17e: {  	v5 =	vld.idx.msk [tilespmem:v5+s2+$0x0], $0xffff;
	v58 =	vmul.f32 v50, v50;
	v54 =	vimm.f32 $0.0e+00;
	v19 =	vmul.f32 v3, v3  }
0x17f: {  	v60 =	vmul.f32 v51, v51;
	v0 =	vadd.f32 v10, v0;
	v10 =	vadd.f32 v12, v9  }
0x180: {  	v12 =	vmul.f32 v18, v18;
	v13 =	vadd.f32 v13, v9;
	v18 =	vimm.f32 $0.0e+00  }
0x181: {  	[tilespmem:$0x1FEF0] =	vst v61;
	v20 =	vmul.f32 v8, v8;
	v6 =	vmul.f32 v11, v11;
	v55 =	vadd.f32 v8, v9  }
0x182: {  	[tilespmem:$0x1FF00] =	vst v62;
	v59 =	vadd.f32 v11, v9;
	v8 =	vimm.f32 $0.0e+00;
	v14 =	vadd.f32 v12, v10  }
0x183: {  	v52 =	vld.idx.msk [tilespmem:v52+s2+$0x0], $0xffff;
	v12 =	vadd.f32 v3, v2;
	v10 =	vadd.f32 v19, v13;
	v3 =	vmul.f32 v5, v5  }
0x184: {  	[tilespmem:$0x1FEE0] =	vst v54;
	v54 =	vld.idx.msk [tilespmem:v37+s2+$0x0], $0xffff;
	v19 =	vimm.f32 $0.0e+00;
	v53 =	vadd.f32 v20, v9;
	v38 =	vadd.f32 v6, v9  }
0x185: {  	[tilespmem:$0x1FF10] =	vst v63;
	v13 =	vadd.f32 v5, v55;
	v55 =	vld.idx.msk [tilespmem:v17+s2+$0x0], $0xffff;
	v20 =	vimm.f32 $0.0e+00;
	v17 =	vimm.f32 $0.0e+00  }
0x186: {  	s31 =	simm.s32 $0x20;
	s0 =	simm.s32 $0x0;
	[tilespmem:$0x1FED0] =	vst v0;
	v6 =	vimm.f32 $0.0e+00;
	v5 =	vimm.f32 $0.0e+00;
	v11 =	vadd.f32 v3, v53;
	v53 =	vld.idx.msk [tilespmem:v4+s2+$0x0], $0xffff  }
.LBB2_11:
0x187: {  	v42 =	vld.idx.msk [tilespmem:v42+s2+$0x0], $0xffff  }
0x188: {  	v48 =	vld.idx.msk [tilespmem:v48+s2+$0x0], $0xffff  }
0x189: {  	v49 =	vld.idx.msk [tilespmem:v49+s2+$0x0], $0xffff  }
0x18a: {  	v39 =	vld.idx.msk [tilespmem:v39+s2+$0x0], $0xffff  }
0x18b: {  	v9 =	vadd.f32 v50, v9;
	v40 =	vld.idx.msk [tilespmem:v40+s2+$0x0], $0xffff  }
0x18c: {  	v61 =	vmul.f32 v55, v55;
	v28 =	vadd.f32 v55, v28;
	v47 =	vld.idx.msk [tilespmem:v47+s2+$0x0], $0xffff;
	v0 =	vadd.f32 v51, v59  }
0x18d: {  	v46 =	vld.idx.msk [tilespmem:v46+s2+$0x0], $0xffff;
	v38 =	vadd.f32 v60, v38;
	v30 =	vadd.f32 v58, v30;
	v60 =	vmul.f32 v56, v56  }
0x18e: {  	v45 =	vld.idx.msk [tilespmem:v45+s2+$0x0], $0xffff;
	v29 =	vadd.f32 v61, v29;
	v61 =	vmul.f32 v57, v57;
	v62 =	vmul.f32 v52, v52  }
0x18f: {  	v35 =	vld.idx.msk [tilespmem:v35+s2+$0x0], $0xffff;
	v9 =	vadd.f32 v56, v9;
	v63 =	vmul.f32 v53, v53;
	v28 =	vadd.f32 v57, v28  }
0x190: {  	[tilespmem:$0x1FEC0] =	vst v0;
	v26 =	vadd.f32 v52, v26;
	v0 =	vmul.f32 v54, v54;
	v24 =	vadd.f32 v53, v24  }
0x191: {  	v36 =	vld.idx.msk [tilespmem:v36+s2+$0x0], $0xffff;
	v1 =	vmul.f32 v42, v42;
	v23 =	vadd.f32 v48, v23;
	v22 =	vadd.f32 v49, v22  }
0x192: {  	v34 =	vld.idx.msk [tilespmem:v34+s2+$0x0], $0xffff;
	v2 =	vmul.f32 v48, v48;
	v19 =	vadd.f32 v47, v19;
	v17 =	vadd.f32 v46, v17  }
0x193: {  	v33 =	vld.idx.msk [tilespmem:v33+s2+$0x0], $0xffff;
	s0 =	sadd.s32 $0x400, s0;
	v55 =	vmul.f32 v49, v49;
	v6 =	vadd.f32 v45, v6;
	v30 =	vadd.f32 v60, v30  }
0x194: {  	v32 =	vld.idx.msk [tilespmem:v32+s2+$0x0], $0xffff;
	s14 =	sand.u32 $0x1F000, s0;
	v57 =	vmul.f32 v39, v39;
	v29 =	vadd.f32 v61, v29;
	v27 =	vadd.f32 v62, v27  }
0x195: {  	s1 =	rddreg [dreg:$0x4];
	v31 =	vld.idx.msk [tilespmem:v31+s2+$0x0], $0xffff;
	s14 =	sshrl.u32 s14, $0x2;
	v58 =	vmul.f32 v40, v40;
	v25 =	vadd.f32 v63, v25;
	v26 =	vadd.f32 v54, v26  }
0x196: {  	s21 =	sand.u32 $0x60, s31;
	s1 =	sadd.s32 s14, s1;
	v56 =	vld.idx.msk [tilespmem:v44+s2+$0x0], $0xffff;
	v59 =	vmul.f32 v47, v47;
	v24 =	vadd.f32 v42, v24;
	v21 =	vadd.f32 v2, v21  }
0x197: {  	s14 =	sadd.s32 s21, s1;
	v37 =	vmul.f32 v36, v36;
	v63 =	vld.idx.msk [tilespmem:v43+s2+$0x0], $0xffff;
	v20 =	vadd.f32 v55, v20;
	v23 =	vadd.f32 v39, v23  }
0x198: {  	v49 =	vmul.f32 v45, v45;
	v43 =	vld [tilespmem:s14+$0x0];
	v22 =	vadd.f32 v40, v22;
	v18 =	vadd.f32 v59, v18  }
0x199: {  	v50 =	vmul.f32 v34, v34;
	v19 =	vadd.f32 v35, v19;
	v21 =	vadd.f32 v57, v21;
	v57 =	vld [tilespmem:$0x1FF00]  }
0x19a: {  	v60 =	vmul.f32 v46, v46;
	v17 =	vadd.f32 v36, v17;
	v20 =	vadd.f32 v58, v20;
	v58 =	vld [tilespmem:$0x1FF10]  }
0x19b: {  	v61 =	vld.idx.msk [tilespmem:v41+s2+$0x0], $0xffff;
	v62 =	vmul.f32 v35, v35;
	s14 =	sor.u32 $0x10, s21;
	v5 =	vadd.f32 v49, v5;
	v6 =	vadd.f32 v33, v6  }
0x19c: {  	v51 =	vmul.f32 v33, v33;
	s1 =	sadd.s32 s14, s1;
	v55 =	vld [tilespmem:$0x1FEF0];
	v27 =	vadd.f32 v0, v27;
	v25 =	vadd.f32 v1, v25  }
0x19d: {  	v16 =	vadd.f32 v60, v16;
	v44 =	vld [tilespmem:s1+$0x0];
	v18 =	vadd.f32 v62, v18;
	v53 =	vmul.f32 v63, v63  }
0x19e: {  	v54 =	vld [tilespmem:$0x1FEE0];
	v59 =	vmul.f32 v31, v31;
	v8 =	vadd.f32 v56, v8;
	v5 =	vadd.f32 v51, v5  }
0x19f: {  	v48 =	vmul.f32 v56, v56;
	v2 =	vadd.f32 v63, v57;
	v1 =	vadd.f32 v53, v58  }
0x1a0: {  	s30 =	sadd.s32 $0x20, s30;
	v56 =	vmul.f32 v32, v32;
	v16 =	vadd.f32 v37, v16;
	v52 =	vmul.f32 v61, v61  }
0x1a1: {  	s21 =	sand.u32 $0xF80, s31;
	v62 =	vadd.f32 v31, v2;
	v63 =	vadd.f32 v59, v1;
	v1 =	vld [tilespmem:s30+$0x0];
	v31 =	vadd.s32 $0xA29, v43  }
0x1a2: {  	s1 =	sor.u32 s14, s21;
	v7 =	vadd.f32 v48, v7;
	v3 =	vadd.f32 v52, v55;
	v45 =	vadd.s32 $0xA29, v44;
	v2 =	vld.idx.msk [tilespmem:v43+s15+$0x0], $0xffff  }
0x1a3: {  	v8 =	vadd.f32 v34, v8;
	v4 =	vadd.f32 v61, v54;
	v54 =	vld [tilespmem:s1+$0xA300];
	v47 =	vadd.s32 $0x1452, v43  }
0x1a4: {  	v0 =	vadd.s32 $0x471F, v43;
	v48 =	vadd.s32 $0x5148, v43;
	v61 =	vadd.f32 v56, v3;
	v56 =	vld.idx.msk [tilespmem:v43+s2+$0x0], $0xffff  }
0x1a5: {  	v49 =	vadd.s32 $0x5B71, v43;
	v46 =	vadd.s32 $0x6FC3, v43;
	v7 =	vadd.f32 v50, v7;
	v55 =	vld.idx.msk [tilespmem:v44+s15+$0x0], $0xffff  }
0x1a6: {  	v60 =	vadd.f32 v32, v4;
	v50 =	vadd.s32 $0x1452, v44;
	v51 =	vadd.s32 $0x1E7B, v44;
	v58 =	vld.idx.msk [tilespmem:v31+s2+$0x0], $0xffff  }
0x1a7: {  	v52 =	vadd.s32 $0x28A4, v44;
	v42 =	vadd.s32 $0x471F, v44;
	v41 =	vmul.f32 v2, v1;
	v1 =	vld.idx.msk [tilespmem:v45+s2+$0x0], $0xffff  }
0x1a8: {  	v39 =	vadd.s32 $0x5148, v44;
	v40 =	vadd.s32 $0x5B71, v44;
	v57 =	vadd.s32 $0x1E7B, v43;
	v45 =	vld [tilespmem:$0x1FED0]  }
0x1a9: {  	v35 =	vadd.s32 $0x659A, v44;
	v36 =	vadd.s32 $0x6FC3, v44;
	v34 =	vadd.s32 $0x79EC, v44  }
0x1aa: {  	v33 =	vadd.s32 $0x8415, v44;
	v32 =	vadd.s32 $0x8E3E, v44;
	[tilespmem:$0x1FEE0] =	vst v60;
	v60 =	vadd.s32 $0x32CD, v43;
	v37 =	vld.idx.msk [tilespmem:v47+s2+$0x0], $0xffff  }
0x1ab: {  	v53 =	vadd.s32 $0x32CD, v44;
	v59 =	vadd.s32 $0x28A4, v43;
	v47 =	vadd.s32 $0x659A, v43;
	[tilespmem:$0x1FF10] =	vst v63;
	v63 =	vld.idx.msk [tilespmem:v44+s2+$0x0], $0xffff  }
0x1ac: {  	[tilespmem:$0x1FEF0] =	vst v61;
	v61 =	vadd.s32 $0x3CF6, v44;
	v51 =	vld.idx.msk [tilespmem:v51+s2+$0x0], $0xffff;
	v54 =	vmul.f32 v55, v54;
	v55 =	vmul.f32 v56, v56  }
0x1ad: {  	[tilespmem:$0x1FF00] =	vst v62;
	v62 =	vadd.s32 $0x3CF6, v43;
	v3 =	vld.idx.msk [tilespmem:v57+s2+$0x0], $0xffff;
	v2 =	vadd.f32 v41, v45;
	v57 =	vmul.f32 v58, v58  }
0x1ae: {  	v4 =	vld.idx.msk [tilespmem:v50+s2+$0x0], $0xffff;
	v31 =	vadd.s32 $0x9867, v44;
	v14 =	vadd.f32 v55, v14;
	v12 =	vadd.f32 v58, v12  }
0x1af: {  	v55 =	vld.idx.msk [tilespmem:v60+s2+$0x0], $0xffff;
	v60 =	vmul.f32 v37, v37;
	v2 =	vadd.f32 v54, v2;
	v10 =	vadd.f32 v57, v10  }
0x1b0: {  	v57 =	vmul.f32 v1, v1;
	v12 =	vadd.f32 v1, v12;
	v1 =	vadd.f32 v37, v13;
	v13 =	vld [tilespmem:$0x1FEC0]  }
0x1b1: {  	p0 =	sne.s32 s31, $0xA00;
	v44 =	vadd.s32 $0x79EC, v43;
	v50 =	vld.idx.msk [tilespmem:v59+s2+$0x0], $0xffff;
	v11 =	vadd.f32 v60, v11;
	v60 =	vmul.f32 v51, v51  }
.Ltmp4:
0x1b2: {  	v45 =	vadd.s32 $0x8415, v43;
	v54 =	vmul.f32 v63, v63;
	[tilespmem:$0x1FED0] =	vst v2;
	v2 =	vadd.f32 v56, v15;
	v56 =	vld.idx.msk [tilespmem:v52+s2+$0x0], $0xffff;
	(pc) =	sbr.rel @p0 .LBB2_11-.Ltmp4, $4  }
0x1b3: {  	v41 =	vadd.s32 $0x8E3E, v43;
	v37 =	vmul.f32 v4, v4;
	v10 =	vadd.f32 v57, v10;
	v57 =	vld.idx.msk [tilespmem:v53+s2+$0x0], $0xffff  }
0x1b4: {  	v14 =	vadd.f32 v54, v14;
	v52 =	vld.idx.msk [tilespmem:v62+s2+$0x0], $0xffff;
	v15 =	vadd.f32 v63, v2;
	v63 =	vmul.f32 v3, v3  }
0x1b5: {  	v43 =	vadd.s32 $0x9867, v43;
	v53 =	vld.idx.msk [tilespmem:v0+s2+$0x0], $0xffff;
	v11 =	vadd.f32 v37, v11;
	v59 =	vadd.f32 v3, v13  }
0x1b6: {  	s31 =	sadd.s32 $0x20, s31;
	v58 =	vmul.f32 v50, v50;
	v54 =	vld.idx.msk [tilespmem:v61+s2+$0x0], $0xffff;
	v13 =	vadd.f32 v4, v1;
	v38 =	vadd.f32 v63, v38  }
0x1b7: {  	_ =	sdelay $0x3  }
0x1b8: {  	v1 =	vld.idx.msk [tilespmem:v42+s2+$0x0], $0xffff  }
0x1b9: {  	v2 =	vld.idx.msk [tilespmem:v48+s2+$0x0], $0xffff  }
0x1ba: {  	v3 =	vld.idx.msk [tilespmem:v49+s2+$0x0], $0xffff  }
0x1bb: {  	v4 =	vld.idx.msk [tilespmem:v39+s2+$0x0], $0xffff  }
0x1bc: {  	v37 =	vld.idx.msk [tilespmem:v40+s2+$0x0], $0xffff  }
0x1bd: {  	v39 =	vld.idx.msk [tilespmem:v47+s2+$0x0], $0xffff  }
0x1be: {  	v40 =	vld.idx.msk [tilespmem:v46+s2+$0x0], $0xffff  }
0x1bf: {  	v62 =	vld [tilespmem:s29+$0x10818]  }
0x1c0: {  	v46 =	vld.idx.msk [tilespmem:v35+s2+$0x0], $0xffff  }
0x1c1: {  	v47 =	vld.idx.msk [tilespmem:v36+s2+$0x0], $0xffff  }
0x1c2: {  	v44 =	vld.idx.msk [tilespmem:v44+s2+$0x0], $0xffff  }
0x1c3: {  	v35 =	vld.idx.msk [tilespmem:v45+s2+$0x0], $0xffff;
	v9 =	vadd.f32 v50, v9  }
0x1c4: {  	v36 =	vld.idx.msk [tilespmem:v34+s2+$0x0], $0xffff;
	v38 =	vadd.f32 v60, v38;
	v60 =	vmul.f32 v55, v55;
	v30 =	vadd.f32 v58, v30  }
0x1c5: {  	v0 =	vld.idx.msk [tilespmem:v43+s2+$0x0], $0xffff;
	v58 =	vmul.f32 v56, v56;
	v56 =	vadd.f32 v56, v9;
	v42 =	vsel vm0, $0xA28, v62  }
0x1c6: {  	v33 =	vld.idx.msk [tilespmem:v33+s2+$0x0], $0xffff;
	v9 =	vmul.f32 v57, v57;
	v29 =	vadd.f32 v60, v29;
	v63 =	vadd.s32 $0xA29, v42  }
0x1c7: {  	v34 =	vld.idx.msk [tilespmem:v41+s2+$0x0], $0xffff;
	v41 =	vadd.s32 $0x1452, v42  }
0x1c8: {  	v32 =	vld.idx.msk [tilespmem:v32+s2+$0x0], $0xffff;
	v29 =	vadd.f32 v9, v29;
	v9 =	vmul.f32 v53, v53;
	v43 =	vadd.s32 $0x1E7B, v42  }
0x1c9: {  	v31 =	vld.idx.msk [tilespmem:v31+s2+$0x0], $0xffff;
	v48 =	vadd.s32 $0x28A4, v42  }
0x1ca: {  	[tilespmem:$0x1FEB0] =	vst v0;
	v0 =	vadd.s32 $0x32CD, v42;
	v25 =	vadd.f32 v9, v25;
	v9 =	vld.idx.msk [tilespmem:v42+s15+$0x0], $0xffff  }
0x1cb: {  	v61 =	vadd.s32 $0x3CF6, v42;
	v45 =	vld.idx.msk [tilespmem:v63+s2+$0x0], $0xffff  }
0x1cc: {  	v62 =	vadd.s32 $0x471F, v42;
	v41 =	vld.idx.msk [tilespmem:v41+s2+$0x0], $0xffff  }
0x1cd: {  	v51 =	vadd.f32 v51, v59;
	v59 =	vadd.s32 $0x5B71, v42;
	v43 =	vld.idx.msk [tilespmem:v43+s2+$0x0], $0xffff  }
0x1ce: {  	v60 =	vadd.s32 $0x6FC3, v42;
	v48 =	vld.idx.msk [tilespmem:v48+s2+$0x0], $0xffff  }
0x1cf: {  	v28 =	vadd.f32 v55, v28;
	v49 =	vld.idx.msk [tilespmem:v0+s2+$0x0], $0xffff  }
0x1d0: {  	v26 =	vadd.f32 v52, v26;
	v50 =	vld.idx.msk [tilespmem:v61+s2+$0x0], $0xffff  }
0x1d1: {  	v28 =	vadd.f32 v57, v28;
	v24 =	vadd.f32 v53, v24;
	v63 =	vadd.s32 $0x5148, v42;
	v55 =	vld.idx.msk [tilespmem:v62+s2+$0x0], $0xffff  }
0x1d2: {  	v26 =	vadd.f32 v54, v26;
	v0 =	vadd.s32 $0x659A, v42;
	v57 =	vld.idx.msk [tilespmem:v59+s2+$0x0], $0xffff;
	v59 =	vmul.f32 v52, v52  }
0x1d3: {  	v61 =	vadd.s32 $0x79EC, v42;
	v53 =	vld.idx.msk [tilespmem:v60+s2+$0x0], $0xffff;
	v60 =	vmul.f32 v54, v54;
	v54 =	vmul.f32 v1, v1  }
0x1d4: {  	v30 =	vadd.f32 v58, v30;
	v62 =	vadd.s32 $0x8415, v42;
	v52 =	vld.idx.msk [tilespmem:v42+s2+$0x0], $0xffff  }
0x1d5: {  	v27 =	vadd.f32 v59, v27;
	v59 =	vadd.s32 $0x8E3E, v42;
	v25 =	vadd.f32 v54, v25;
	v54 =	vld [tilespmem:$0xAD18]  }
0x1d6: {  	v8 =	vadd.f32 v44, v8;
	v6 =	vadd.f32 v35, v6;
	v42 =	vadd.s32 $0x9867, v42;
	v58 =	vld.idx.msk [tilespmem:v63+s2+$0x0], $0xffff  }
0x1d7: {  	v1 =	vadd.f32 v1, v24;
	v27 =	vadd.f32 v60, v27;
	v60 =	vmul.f32 v2, v2;
	v0 =	vld.idx.msk [tilespmem:v0+s2+$0x0], $0xffff  }
0x1d8: {  	v2 =	vadd.f32 v2, v23;
	v24 =	vld.idx.msk [tilespmem:v61+s2+$0x0], $0xffff;
	v63 =	vmul.f32 v3, v3;
	v3 =	vadd.f32 v3, v22  }
0x1d9: {  	v23 =	vld.idx.msk [tilespmem:v62+s2+$0x0], $0xffff;
	v61 =	vmul.f32 v52, v52;
	v15 =	vadd.f32 v52, v15;
	v12 =	vadd.f32 v45, v12  }
0x1da: {  	s0 =	sshll.u32 s28, $0x7;
	v62 =	vmul.f32 v4, v4;
	v13 =	vadd.f32 v41, v13;
	v1 =	vadd.f32 v55, v1;
	v22 =	vld.idx.msk [tilespmem:v59+s2+$0x0], $0xffff  }
0x1db: {  	v20 =	vadd.f32 v63, v20;
	v63 =	vadd.f32 v61, v14;
	v14 =	vld.idx.msk [tilespmem:v42+s2+$0x0], $0xffff;
	[tilespmem:s0+$0x17000] =	vst v15  }
0x1dc: {  	v52 =	vmul.f32 v49, v49;
	v21 =	vadd.f32 v60, v21;
	v2 =	vadd.f32 v4, v2;
	[tilespmem:s0+$0x17010] =	vst v12  }
0x1dd: {  	v60 =	vmul.f32 v37, v37;
	v59 =	vmul.f32 v45, v45;
	v3 =	vadd.f32 v37, v3;
	[tilespmem:s0+$0x17020] =	vst v13  }
0x1de: {  	v61 =	vmul.f32 v41, v41;
	v37 =	vmul.f32 v43, v43;
	v41 =	vadd.f32 v43, v51;
	[tilespmem:s0+$0x17070] =	vst v1  }
0x1df: {  	v42 =	vadd.f32 v40, v17;
	v43 =	vmul.f32 v48, v48;
	v51 =	vadd.f32 v48, v56;
	[tilespmem:s0+$0x19000] =	vst v63  }
0x1e0: {  	v45 =	vmul.f32 v46, v46;
	v21 =	vadd.f32 v62, v21;
	v10 =	vadd.f32 v59, v10;
	[tilespmem:s0+$0x17030] =	vst v41  }
0x1e1: {  	v56 =	vmul.f32 v47, v47;
	v15 =	vadd.f32 v60, v20;
	v4 =	vadd.f32 v61, v11;
	[tilespmem:s0+$0x17040] =	vst v51  }
0x1e2: {  	v62 =	vmul.f32 v39, v39;
	v63 =	vadd.f32 v39, v19;
	v11 =	vadd.f32 v37, v38;
	[tilespmem:s0+$0x19010] =	vst v10  }
0x1e3: {  	v39 =	vmul.f32 v40, v40;
	v17 =	vadd.f32 v43, v30;
	v59 =	vadd.f32 v49, v28;
	[tilespmem:s0+$0x19020] =	vst v4  }
0x1e4: {  	v13 =	vadd.f32 v47, v42;
	v60 =	vadd.f32 v52, v29;
	v28 =	vmul.f32 v35, v35;
	[tilespmem:s0+$0x19030] =	vst v11  }
0x1e5: {  	v35 =	vmul.f32 v36, v36;
	v36 =	vadd.f32 v36, v8;
	v3 =	vadd.f32 v57, v3;
	[tilespmem:s0+$0x19040] =	vst v17  }
0x1e6: {  	v61 =	vmul.f32 v50, v50;
	v40 =	vadd.f32 v33, v6;
	v18 =	vadd.f32 v62, v18;
	[tilespmem:s0+$0x17050] =	vst v59  }
0x1e7: {  	v38 =	vmul.f32 v57, v57;
	v2 =	vadd.f32 v58, v2;
	v10 =	vadd.f32 v39, v16;
	[tilespmem:s0+$0x19050] =	vst v60  }
0x1e8: {  	v48 =	vld [tilespmem:$0x1FEF0];
	v43 =	vmul.f32 v34, v34;
	v12 =	vadd.f32 v46, v63;
	v63 =	vadd.f32 v50, v26;
	[tilespmem:s0+$0x17410] =	vst v3  }
0x1e9: {  	v62 =	vmul.f32 v44, v44;
	v26 =	vadd.f32 v61, v27;
	v5 =	vadd.f32 v28, v5;
	[tilespmem:s0+$0x17400] =	vst v2  }
0x1ea: {  	v30 =	vmul.f32 v58, v58;
	v41 =	vadd.f32 v38, v15;
	v49 =	vadd.f32 v53, v13;
	[tilespmem:s0+$0x17060] =	vst v63  }
0x1eb: {  	v52 =	vmul.f32 v32, v32;
	v44 =	vld [tilespmem:$0x1FEE0];
	v1 =	vadd.f32 v24, v36;
	v4 =	vadd.f32 v45, v18;
	[tilespmem:s0+$0x19060] =	vst v26  }
0x1ec: {  	v27 =	vmul.f32 v55, v55;
	v46 =	vld [tilespmem:$0x1FEB0];
	v7 =	vadd.f32 v62, v7;
	v37 =	vadd.f32 v30, v21;
	[tilespmem:s0+$0x19410] =	vst v41  }
0x1ed: {  	v39 =	vmul.f32 v33, v33;
	v50 =	vld [tilespmem:$0x1FF00];
	v8 =	vadd.f32 v43, v48;
	v2 =	vadd.f32 v23, v40;
	[tilespmem:s0+$0x17430] =	vst v49  }
0x1ee: {  	v42 =	vmul.f32 v0, v0;
	v10 =	vadd.f32 v56, v10;
	v29 =	vadd.f32 v27, v25;
	[tilespmem:s0+$0x17440] =	vst v1  }
0x1ef: {  	v45 =	vmul.f32 v53, v53;
	v53 =	vld [tilespmem:$0x1FF10];
	v5 =	vadd.f32 v39, v5;
	v0 =	vadd.f32 v0, v12;
	[tilespmem:s0+$0x19400] =	vst v37  }
0x1f0: {  	v55 =	vmul.f32 v23, v23;
	v7 =	vadd.f32 v35, v7;
	v4 =	vadd.f32 v42, v4;
	[tilespmem:s0+$0x17450] =	vst v2  }
0x1f1: {  	v51 =	vmul.f32 v24, v24;
	[tilespmem:s0+$0x19070] =	vst v29;
	v3 =	vadd.f32 v34, v44;
	v10 =	vadd.f32 v45, v10  }
0x1f2: {  	[tilespmem:s0+$0x17420] =	vst v0;
	v57 =	vadd.f32 v55, v5;
	v47 =	vmul.f32 v46, v46;
	v0 =	vadd.f32 v46, v50  }
0x1f3: {  	v58 =	vmul.f32 v22, v22;
	[tilespmem:s0+$0x19420] =	vst v4;
	v7 =	vadd.f32 v51, v7;
	v4 =	vadd.f32 v52, v8  }
0x1f4: {  	v56 =	vmul.f32 v31, v31;
	v63 =	vld [tilespmem:$0x1FED0];
	v3 =	vadd.f32 v32, v3;
	[tilespmem:s0+$0x19430] =	vst v10;
	v6 =	vadd.f32 v47, v53  }
0x1f5: {  	s28 =	sadd.s32 $0x1, s28;
	v59 =	vsel vm0, $0x0, v54;
	[tilespmem:s0+$0x19450] =	vst v57;
	v0 =	vadd.f32 v31, v0;
	v4 =	vadd.f32 v58, v4  }
0x1f6: {  	p0 =	sne.s32 s28, $0x8;
	v60 =	vmul.f32 v14, v14;
	[tilespmem:s0+$0x19440] =	vst v7;
	v3 =	vadd.f32 v22, v3;
	v6 =	vadd.f32 v56, v6  }
.Ltmp5:
0x1f7: {  	v61 =	vmul.f32 v59, v9;
	v0 =	vadd.f32 v14, v0;
	[tilespmem:s0+$0x19460] =	vst v4;
	(pc) =	sbr.rel @p0 .LBB2_10-.Ltmp5, $4  }
0x1f8: {  	[tilespmem:s0+$0x17460] =	vst v3;
	v62 =	vadd.f32 v60, v6  }
0x1f9: {  	v1 =	vadd.f32 v61, v63;
	[tilespmem:s0+$0x17470] =	vst v0  }
0x1fa: {  	[tilespmem:s0+$0x19470] =	vst v62  }
0x1fb: {  	[tilespmem:s29+$0x1A800] =	vst v1  }
0x1fc: {  	_ =	swait.ge [sflag:s20], $0x5400  }
0x1fd: {  	[sflag:s20] =	ssyncset.done $0x0  }
0x1fe: {  	s26 =	simm.s32 $0x0;
	s28 =	simm.s32 $0x0;
	[sflag:s20] =	ssyncadd.s32 $0xFFFFAC00  }
.LBB2_14:
0x1ff: {  	s0 =	sshll.u32 s28, $0x9  }
0x200: {  	s29 =	sshrl.u32 s0, $0x2  }
0x201: {  	s0 =	sadd.s32 $0x10C00, s29  }
0x202: {  	s1 =	sand.u32 $0x1F000, s26;
	[dreg:$0x5] =	wrdreg s0  }
0x203: {  	s1 =	sshrl.u32 s1, $0x2;
	s0 =	rddreg [dreg:$0x5]  }
0x204: {  	s14 =	sand.u32 $0x60, s26;
	s0 =	sadd.s32 s1, s0  }
0x205: {  	s1 =	sadd.s32 s14, s0  }
0x206: {  	s14 =	sor.u32 $0x10, s14;
	v1 =	vld [tilespmem:s1+$0x0]  }
0x207: {  	s0 =	sadd.s32 s14, s0  }
0x208: {  	v0 =	vld [tilespmem:s0+$0x0]  }
0x209: {  	v9 =	vimm.f32 $0.0e+00;
	v30 =	vimm.f32 $0.0e+00;
	v28 =	vimm.f32 $0.0e+00  }
0x20a: {  	v29 =	vimm.f32 $0.0e+00;
	v26 =	vimm.f32 $0.0e+00;
	v27 =	vimm.f32 $0.0e+00  }
0x20b: {  	s30 =	simm.s32 $0xA300;
	s21 =	sand.u32 $0xF80, s26;
	v24 =	vimm.f32 $0.0e+00;
	v25 =	vimm.f32 $0.0e+00;
	v23 =	vimm.f32 $0.0e+00  }
0x20c: {  	v21 =	vimm.f32 $0.0e+00;
	v22 =	vimm.f32 $0.0e+00;
	v61 =	vimm.f32 $0.0e+00;
	v4 =	vld [tilespmem:s30+$0x0];
	s0 =	sor.u32 s14, s21  }
0x20d: {  	v62 =	vimm.f32 $0.0e+00;
	v63 =	vimm.f32 $0.0e+00;
	v10 =	vld [tilespmem:s0+$0xA300];
	v2 =	vadd.s32 $0xA29, v1  }
0x20e: {  	v11 =	vadd.s32 $0x1452, v1;
	v13 =	vadd.s32 $0x1E7B, v1;
	v15 =	vadd.s32 $0x28A4, v1;
	v8 =	vld.idx.msk [tilespmem:v1+s15+$0x0], $0xffff  }
0x20f: {  	v17 =	vadd.s32 $0x32CD, v1;
	v52 =	vadd.s32 $0x3CF6, v1;
	v3 =	vadd.s32 $0xA29, v0;
	v14 =	vld.idx.msk [tilespmem:v1+s2+$0x0], $0xffff  }
0x210: {  	v48 =	vadd.s32 $0x5148, v1;
	v49 =	vadd.s32 $0x5B71, v1;
	v6 =	vadd.s32 $0x1E7B, v0;
	v12 =	vld.idx.msk [tilespmem:v0+s15+$0x0], $0xffff  }
0x211: {  	v47 =	vadd.s32 $0x659A, v1;
	v46 =	vadd.s32 $0x6FC3, v1;
	v7 =	vadd.s32 $0x28A4, v0;
	v18 =	vld.idx.msk [tilespmem:v0+s2+$0x0], $0xffff  }
0x212: {  	v44 =	vadd.s32 $0x79EC, v1;
	v45 =	vadd.s32 $0x8415, v1;
	v16 =	vadd.s32 $0x32CD, v0;
	v2 =	vld.idx.msk [tilespmem:v2+s2+$0x0], $0xffff  }
0x213: {  	v41 =	vadd.s32 $0x8E3E, v1;
	v43 =	vadd.s32 $0x9867, v1;
	v5 =	vadd.s32 $0x1452, v0;
	v50 =	vld.idx.msk [tilespmem:v15+s2+$0x0], $0xffff  }
0x214: {  	v37 =	vadd.s32 $0x3CF6, v0;
	v42 =	vadd.s32 $0x471F, v0;
	v39 =	vadd.s32 $0x5148, v0;
	v3 =	vld.idx.msk [tilespmem:v3+s2+$0x0], $0xffff  }
0x215: {  	v40 =	vadd.s32 $0x5B71, v0;
	v35 =	vadd.s32 $0x659A, v0;
	v36 =	vadd.s32 $0x6FC3, v0;
	v51 =	vld.idx.msk [tilespmem:v6+s2+$0x0], $0xffff  }
0x216: {  	v34 =	vadd.s32 $0x79EC, v0;
	v33 =	vadd.s32 $0x8415, v0;
	v32 =	vadd.s32 $0x8E3E, v0;
	v56 =	vld.idx.msk [tilespmem:v7+s2+$0x0], $0xffff  }
0x217: {  	v31 =	vadd.s32 $0x9867, v0;
	v57 =	vld.idx.msk [tilespmem:v16+s2+$0x0], $0xffff;
	v16 =	vimm.f32 $0.0e+00;
	v54 =	vmul.f32 v8, v4  }
0x218: {  	v7 =	vimm.f32 $0.0e+00;
	v4 =	vadd.s32 $0x471F, v1;
	v8 =	vld.idx.msk [tilespmem:v11+s2+$0x0], $0xffff;
	v6 =	vadd.f32 v14, v9  }
0x219: {  	v11 =	vld.idx.msk [tilespmem:v13+s2+$0x0], $0xffff;
	v10 =	vmul.f32 v12, v10;
	v12 =	vmul.f32 v14, v14;
	v0 =	vadd.f32 v54, v9  }
0x21a: {  	v13 =	vmul.f32 v2, v2;
	v2 =	vadd.f32 v2, v9;
	v15 =	vadd.f32 v18, v6  }
0x21b: {  	v5 =	vld.idx.msk [tilespmem:v5+s2+$0x0], $0xffff;
	v58 =	vmul.f32 v50, v50;
	v54 =	vimm.f32 $0.0e+00;
	v19 =	vmul.f32 v3, v3  }
0x21c: {  	v60 =	vmul.f32 v51, v51;
	v0 =	vadd.f32 v10, v0;
	v10 =	vadd.f32 v12, v9  }
0x21d: {  	v12 =	vmul.f32 v18, v18;
	v13 =	vadd.f32 v13, v9;
	v18 =	vimm.f32 $0.0e+00  }
0x21e: {  	[tilespmem:$0x1FE80] =	vst v61;
	v20 =	vmul.f32 v8, v8;
	v6 =	vmul.f32 v11, v11;
	v55 =	vadd.f32 v8, v9  }
0x21f: {  	[tilespmem:$0x1FE90] =	vst v62;
	v59 =	vadd.f32 v11, v9;
	v8 =	vimm.f32 $0.0e+00;
	v14 =	vadd.f32 v12, v10  }
0x220: {  	v52 =	vld.idx.msk [tilespmem:v52+s2+$0x0], $0xffff;
	v12 =	vadd.f32 v3, v2;
	v10 =	vadd.f32 v19, v13;
	v3 =	vmul.f32 v5, v5  }
0x221: {  	[tilespmem:$0x1FE70] =	vst v54;
	v54 =	vld.idx.msk [tilespmem:v37+s2+$0x0], $0xffff;
	v19 =	vimm.f32 $0.0e+00;
	v53 =	vadd.f32 v20, v9;
	v38 =	vadd.f32 v6, v9  }
0x222: {  	[tilespmem:$0x1FEA0] =	vst v63;
	v13 =	vadd.f32 v5, v55;
	v55 =	vld.idx.msk [tilespmem:v17+s2+$0x0], $0xffff;
	v20 =	vimm.f32 $0.0e+00;
	v17 =	vimm.f32 $0.0e+00  }
0x223: {  	s31 =	simm.s32 $0x20;
	s0 =	simm.s32 $0x0;
	[tilespmem:$0x1FE60] =	vst v0;
	v6 =	vimm.f32 $0.0e+00;
	v5 =	vimm.f32 $0.0e+00;
	v11 =	vadd.f32 v3, v53;
	v53 =	vld.idx.msk [tilespmem:v4+s2+$0x0], $0xffff  }
.LBB2_15:
0x224: {  	v42 =	vld.idx.msk [tilespmem:v42+s2+$0x0], $0xffff  }
0x225: {  	v48 =	vld.idx.msk [tilespmem:v48+s2+$0x0], $0xffff  }
0x226: {  	v49 =	vld.idx.msk [tilespmem:v49+s2+$0x0], $0xffff  }
0x227: {  	v39 =	vld.idx.msk [tilespmem:v39+s2+$0x0], $0xffff  }
0x228: {  	v9 =	vadd.f32 v50, v9;
	v40 =	vld.idx.msk [tilespmem:v40+s2+$0x0], $0xffff  }
0x229: {  	v61 =	vmul.f32 v55, v55;
	v28 =	vadd.f32 v55, v28;
	v47 =	vld.idx.msk [tilespmem:v47+s2+$0x0], $0xffff;
	v0 =	vadd.f32 v51, v59  }
0x22a: {  	v46 =	vld.idx.msk [tilespmem:v46+s2+$0x0], $0xffff;
	v38 =	vadd.f32 v60, v38;
	v30 =	vadd.f32 v58, v30;
	v60 =	vmul.f32 v56, v56  }
0x22b: {  	v45 =	vld.idx.msk [tilespmem:v45+s2+$0x0], $0xffff;
	v29 =	vadd.f32 v61, v29;
	v61 =	vmul.f32 v57, v57;
	v62 =	vmul.f32 v52, v52  }
0x22c: {  	v35 =	vld.idx.msk [tilespmem:v35+s2+$0x0], $0xffff;
	v9 =	vadd.f32 v56, v9;
	v63 =	vmul.f32 v53, v53;
	v28 =	vadd.f32 v57, v28  }
0x22d: {  	[tilespmem:$0x1FE50] =	vst v0;
	v26 =	vadd.f32 v52, v26;
	v0 =	vmul.f32 v54, v54;
	v24 =	vadd.f32 v53, v24  }
0x22e: {  	v36 =	vld.idx.msk [tilespmem:v36+s2+$0x0], $0xffff;
	v1 =	vmul.f32 v42, v42;
	v23 =	vadd.f32 v48, v23;
	v22 =	vadd.f32 v49, v22  }
0x22f: {  	v34 =	vld.idx.msk [tilespmem:v34+s2+$0x0], $0xffff;
	v2 =	vmul.f32 v48, v48;
	v19 =	vadd.f32 v47, v19;
	v17 =	vadd.f32 v46, v17  }
0x230: {  	v33 =	vld.idx.msk [tilespmem:v33+s2+$0x0], $0xffff;
	s0 =	sadd.s32 $0x400, s0;
	v55 =	vmul.f32 v49, v49;
	v6 =	vadd.f32 v45, v6;
	v30 =	vadd.f32 v60, v30  }
0x231: {  	v32 =	vld.idx.msk [tilespmem:v32+s2+$0x0], $0xffff;
	s14 =	sand.u32 $0x1F000, s0;
	v57 =	vmul.f32 v39, v39;
	v29 =	vadd.f32 v61, v29;
	v27 =	vadd.f32 v62, v27  }
0x232: {  	s1 =	rddreg [dreg:$0x5];
	v31 =	vld.idx.msk [tilespmem:v31+s2+$0x0], $0xffff;
	s14 =	sshrl.u32 s14, $0x2;
	v58 =	vmul.f32 v40, v40;
	v25 =	vadd.f32 v63, v25;
	v26 =	vadd.f32 v54, v26  }
0x233: {  	s21 =	sand.u32 $0x60, s31;
	s1 =	sadd.s32 s14, s1;
	v56 =	vld.idx.msk [tilespmem:v44+s2+$0x0], $0xffff;
	v59 =	vmul.f32 v47, v47;
	v24 =	vadd.f32 v42, v24;
	v21 =	vadd.f32 v2, v21  }
0x234: {  	s14 =	sadd.s32 s21, s1;
	v37 =	vmul.f32 v36, v36;
	v63 =	vld.idx.msk [tilespmem:v43+s2+$0x0], $0xffff;
	v20 =	vadd.f32 v55, v20;
	v23 =	vadd.f32 v39, v23  }
0x235: {  	v49 =	vmul.f32 v45, v45;
	v43 =	vld [tilespmem:s14+$0x0];
	v22 =	vadd.f32 v40, v22;
	v18 =	vadd.f32 v59, v18  }
0x236: {  	v50 =	vmul.f32 v34, v34;
	v19 =	vadd.f32 v35, v19;
	v21 =	vadd.f32 v57, v21;
	v57 =	vld [tilespmem:$0x1FE90]  }
0x237: {  	v60 =	vmul.f32 v46, v46;
	v17 =	vadd.f32 v36, v17;
	v20 =	vadd.f32 v58, v20;
	v58 =	vld [tilespmem:$0x1FEA0]  }
0x238: {  	v61 =	vld.idx.msk [tilespmem:v41+s2+$0x0], $0xffff;
	v62 =	vmul.f32 v35, v35;
	s14 =	sor.u32 $0x10, s21;
	v5 =	vadd.f32 v49, v5;
	v6 =	vadd.f32 v33, v6  }
0x239: {  	v51 =	vmul.f32 v33, v33;
	s1 =	sadd.s32 s14, s1;
	v55 =	vld [tilespmem:$0x1FE80];
	v27 =	vadd.f32 v0, v27;
	v25 =	vadd.f32 v1, v25  }
0x23a: {  	v16 =	vadd.f32 v60, v16;
	v44 =	vld [tilespmem:s1+$0x0];
	v18 =	vadd.f32 v62, v18;
	v53 =	vmul.f32 v63, v63  }
0x23b: {  	v54 =	vld [tilespmem:$0x1FE70];
	v59 =	vmul.f32 v31, v31;
	v8 =	vadd.f32 v56, v8;
	v5 =	vadd.f32 v51, v5  }
0x23c: {  	v48 =	vmul.f32 v56, v56;
	v2 =	vadd.f32 v63, v57;
	v1 =	vadd.f32 v53, v58  }
0x23d: {  	s30 =	sadd.s32 $0x20, s30;
	v56 =	vmul.f32 v32, v32;
	v16 =	vadd.f32 v37, v16;
	v52 =	vmul.f32 v61, v61  }
0x23e: {  	s21 =	sand.u32 $0xF80, s31;
	v62 =	vadd.f32 v31, v2;
	v63 =	vadd.f32 v59, v1;
	v1 =	vld [tilespmem:s30+$0x0];
	v31 =	vadd.s32 $0xA29, v43  }
0x23f: {  	s1 =	sor.u32 s14, s21;
	v7 =	vadd.f32 v48, v7;
	v3 =	vadd.f32 v52, v55;
	v45 =	vadd.s32 $0xA29, v44;
	v2 =	vld.idx.msk [tilespmem:v43+s15+$0x0], $0xffff  }
0x240: {  	v8 =	vadd.f32 v34, v8;
	v4 =	vadd.f32 v61, v54;
	v54 =	vld [tilespmem:s1+$0xA300];
	v47 =	vadd.s32 $0x1452, v43  }
0x241: {  	v0 =	vadd.s32 $0x471F, v43;
	v48 =	vadd.s32 $0x5148, v43;
	v61 =	vadd.f32 v56, v3;
	v56 =	vld.idx.msk [tilespmem:v43+s2+$0x0], $0xffff  }
0x242: {  	v49 =	vadd.s32 $0x5B71, v43;
	v46 =	vadd.s32 $0x6FC3, v43;
	v7 =	vadd.f32 v50, v7;
	v55 =	vld.idx.msk [tilespmem:v44+s15+$0x0], $0xffff  }
0x243: {  	v60 =	vadd.f32 v32, v4;
	v50 =	vadd.s32 $0x1452, v44;
	v51 =	vadd.s32 $0x1E7B, v44;
	v58 =	vld.idx.msk [tilespmem:v31+s2+$0x0], $0xffff  }
0x244: {  	v52 =	vadd.s32 $0x28A4, v44;
	v42 =	vadd.s32 $0x471F, v44;
	v41 =	vmul.f32 v2, v1;
	v1 =	vld.idx.msk [tilespmem:v45+s2+$0x0], $0xffff  }
0x245: {  	v39 =	vadd.s32 $0x5148, v44;
	v40 =	vadd.s32 $0x5B71, v44;
	v57 =	vadd.s32 $0x1E7B, v43;
	v45 =	vld [tilespmem:$0x1FE60]  }
0x246: {  	v35 =	vadd.s32 $0x659A, v44;
	v36 =	vadd.s32 $0x6FC3, v44;
	v34 =	vadd.s32 $0x79EC, v44  }
0x247: {  	v33 =	vadd.s32 $0x8415, v44;
	v32 =	vadd.s32 $0x8E3E, v44;
	[tilespmem:$0x1FE70] =	vst v60;
	v60 =	vadd.s32 $0x32CD, v43;
	v37 =	vld.idx.msk [tilespmem:v47+s2+$0x0], $0xffff  }
0x248: {  	v53 =	vadd.s32 $0x32CD, v44;
	v59 =	vadd.s32 $0x28A4, v43;
	v47 =	vadd.s32 $0x659A, v43;
	[tilespmem:$0x1FEA0] =	vst v63;
	v63 =	vld.idx.msk [tilespmem:v44+s2+$0x0], $0xffff  }
0x249: {  	[tilespmem:$0x1FE80] =	vst v61;
	v61 =	vadd.s32 $0x3CF6, v44;
	v51 =	vld.idx.msk [tilespmem:v51+s2+$0x0], $0xffff;
	v54 =	vmul.f32 v55, v54;
	v55 =	vmul.f32 v56, v56  }
0x24a: {  	[tilespmem:$0x1FE90] =	vst v62;
	v62 =	vadd.s32 $0x3CF6, v43;
	v3 =	vld.idx.msk [tilespmem:v57+s2+$0x0], $0xffff;
	v2 =	vadd.f32 v41, v45;
	v57 =	vmul.f32 v58, v58  }
0x24b: {  	v4 =	vld.idx.msk [tilespmem:v50+s2+$0x0], $0xffff;
	v31 =	vadd.s32 $0x9867, v44;
	v14 =	vadd.f32 v55, v14;
	v12 =	vadd.f32 v58, v12  }
0x24c: {  	v55 =	vld.idx.msk [tilespmem:v60+s2+$0x0], $0xffff;
	v60 =	vmul.f32 v37, v37;
	v2 =	vadd.f32 v54, v2;
	v10 =	vadd.f32 v57, v10  }
0x24d: {  	v57 =	vmul.f32 v1, v1;
	v12 =	vadd.f32 v1, v12;
	v1 =	vadd.f32 v37, v13;
	v13 =	vld [tilespmem:$0x1FE50]  }
0x24e: {  	p0 =	sne.s32 s31, $0xA00;
	v44 =	vadd.s32 $0x79EC, v43;
	v50 =	vld.idx.msk [tilespmem:v59+s2+$0x0], $0xffff;
	v11 =	vadd.f32 v60, v11;
	v60 =	vmul.f32 v51, v51  }
.Ltmp6:
0x24f: {  	v45 =	vadd.s32 $0x8415, v43;
	v54 =	vmul.f32 v63, v63;
	[tilespmem:$0x1FE60] =	vst v2;
	v2 =	vadd.f32 v56, v15;
	v56 =	vld.idx.msk [tilespmem:v52+s2+$0x0], $0xffff;
	(pc) =	sbr.rel @p0 .LBB2_15-.Ltmp6, $4  }
0x250: {  	v41 =	vadd.s32 $0x8E3E, v43;
	v37 =	vmul.f32 v4, v4;
	v10 =	vadd.f32 v57, v10;
	v57 =	vld.idx.msk [tilespmem:v53+s2+$0x0], $0xffff  }
0x251: {  	v14 =	vadd.f32 v54, v14;
	v52 =	vld.idx.msk [tilespmem:v62+s2+$0x0], $0xffff;
	v15 =	vadd.f32 v63, v2;
	v63 =	vmul.f32 v3, v3  }
0x252: {  	v43 =	vadd.s32 $0x9867, v43;
	v53 =	vld.idx.msk [tilespmem:v0+s2+$0x0], $0xffff;
	v11 =	vadd.f32 v37, v11;
	v59 =	vadd.f32 v3, v13  }
0x253: {  	s31 =	sadd.s32 $0x20, s31;
	v58 =	vmul.f32 v50, v50;
	v54 =	vld.idx.msk [tilespmem:v61+s2+$0x0], $0xffff;
	v13 =	vadd.f32 v4, v1;
	v38 =	vadd.f32 v63, v38  }
0x254: {  	_ =	sdelay $0x3  }
0x255: {  	v1 =	vld.idx.msk [tilespmem:v42+s2+$0x0], $0xffff  }
0x256: {  	v2 =	vld.idx.msk [tilespmem:v48+s2+$0x0], $0xffff  }
0x257: {  	v3 =	vld.idx.msk [tilespmem:v49+s2+$0x0], $0xffff  }
0x258: {  	v4 =	vld.idx.msk [tilespmem:v39+s2+$0x0], $0xffff  }
0x259: {  	v37 =	vld.idx.msk [tilespmem:v40+s2+$0x0], $0xffff  }
0x25a: {  	v39 =	vld.idx.msk [tilespmem:v47+s2+$0x0], $0xffff  }
0x25b: {  	v40 =	vld.idx.msk [tilespmem:v46+s2+$0x0], $0xffff  }
0x25c: {  	v62 =	vld [tilespmem:s29+$0x15C18]  }
0x25d: {  	v46 =	vld.idx.msk [tilespmem:v35+s2+$0x0], $0xffff  }
0x25e: {  	v47 =	vld.idx.msk [tilespmem:v36+s2+$0x0], $0xffff  }
0x25f: {  	v44 =	vld.idx.msk [tilespmem:v44+s2+$0x0], $0xffff  }
0x260: {  	v35 =	vld.idx.msk [tilespmem:v45+s2+$0x0], $0xffff;
	v9 =	vadd.f32 v50, v9  }
0x261: {  	v36 =	vld.idx.msk [tilespmem:v34+s2+$0x0], $0xffff;
	v38 =	vadd.f32 v60, v38;
	v60 =	vmul.f32 v55, v55;
	v30 =	vadd.f32 v58, v30  }
0x262: {  	v0 =	vld.idx.msk [tilespmem:v43+s2+$0x0], $0xffff;
	v58 =	vmul.f32 v56, v56;
	v56 =	vadd.f32 v56, v9;
	v42 =	vsel vm0, $0xA28, v62  }
0x263: {  	v33 =	vld.idx.msk [tilespmem:v33+s2+$0x0], $0xffff;
	v9 =	vmul.f32 v57, v57;
	v29 =	vadd.f32 v60, v29;
	v63 =	vadd.s32 $0xA29, v42  }
0x264: {  	v34 =	vld.idx.msk [tilespmem:v41+s2+$0x0], $0xffff;
	v41 =	vadd.s32 $0x1452, v42  }
0x265: {  	v32 =	vld.idx.msk [tilespmem:v32+s2+$0x0], $0xffff;
	v29 =	vadd.f32 v9, v29;
	v9 =	vmul.f32 v53, v53;
	v43 =	vadd.s32 $0x1E7B, v42  }
0x266: {  	v31 =	vld.idx.msk [tilespmem:v31+s2+$0x0], $0xffff;
	v48 =	vadd.s32 $0x28A4, v42  }
0x267: {  	[tilespmem:$0x1FE40] =	vst v0;
	v0 =	vadd.s32 $0x32CD, v42;
	v25 =	vadd.f32 v9, v25;
	v9 =	vld.idx.msk [tilespmem:v42+s15+$0x0], $0xffff  }
0x268: {  	v61 =	vadd.s32 $0x3CF6, v42;
	v45 =	vld.idx.msk [tilespmem:v63+s2+$0x0], $0xffff  }
0x269: {  	v62 =	vadd.s32 $0x471F, v42;
	v41 =	vld.idx.msk [tilespmem:v41+s2+$0x0], $0xffff  }
0x26a: {  	v51 =	vadd.f32 v51, v59;
	v59 =	vadd.s32 $0x5B71, v42;
	v43 =	vld.idx.msk [tilespmem:v43+s2+$0x0], $0xffff  }
0x26b: {  	v60 =	vadd.s32 $0x6FC3, v42;
	v48 =	vld.idx.msk [tilespmem:v48+s2+$0x0], $0xffff  }
0x26c: {  	v28 =	vadd.f32 v55, v28;
	v49 =	vld.idx.msk [tilespmem:v0+s2+$0x0], $0xffff  }
0x26d: {  	v26 =	vadd.f32 v52, v26;
	v50 =	vld.idx.msk [tilespmem:v61+s2+$0x0], $0xffff  }
0x26e: {  	v28 =	vadd.f32 v57, v28;
	v24 =	vadd.f32 v53, v24;
	v63 =	vadd.s32 $0x5148, v42;
	v55 =	vld.idx.msk [tilespmem:v62+s2+$0x0], $0xffff  }
0x26f: {  	v26 =	vadd.f32 v54, v26;
	v0 =	vadd.s32 $0x659A, v42;
	v57 =	vld.idx.msk [tilespmem:v59+s2+$0x0], $0xffff;
	v59 =	vmul.f32 v52, v52  }
0x270: {  	v61 =	vadd.s32 $0x79EC, v42;
	v53 =	vld.idx.msk [tilespmem:v60+s2+$0x0], $0xffff;
	v60 =	vmul.f32 v54, v54;
	v54 =	vmul.f32 v1, v1  }
0x271: {  	v30 =	vadd.f32 v58, v30;
	v62 =	vadd.s32 $0x8415, v42;
	v52 =	vld.idx.msk [tilespmem:v42+s2+$0x0], $0xffff  }
0x272: {  	v27 =	vadd.f32 v59, v27;
	v59 =	vadd.s32 $0x8E3E, v42;
	v25 =	vadd.f32 v54, v25;
	v54 =	vld [tilespmem:$0xAD18]  }
0x273: {  	v8 =	vadd.f32 v44, v8;
	v6 =	vadd.f32 v35, v6;
	v42 =	vadd.s32 $0x9867, v42;
	v58 =	vld.idx.msk [tilespmem:v63+s2+$0x0], $0xffff  }
0x274: {  	v1 =	vadd.f32 v1, v24;
	v27 =	vadd.f32 v60, v27;
	v60 =	vmul.f32 v2, v2;
	v0 =	vld.idx.msk [tilespmem:v0+s2+$0x0], $0xffff  }
0x275: {  	v2 =	vadd.f32 v2, v23;
	v24 =	vld.idx.msk [tilespmem:v61+s2+$0x0], $0xffff;
	v63 =	vmul.f32 v3, v3;
	v3 =	vadd.f32 v3, v22  }
0x276: {  	v23 =	vld.idx.msk [tilespmem:v62+s2+$0x0], $0xffff;
	v61 =	vmul.f32 v52, v52;
	v15 =	vadd.f32 v52, v15;
	v12 =	vadd.f32 v45, v12  }
0x277: {  	s0 =	sshll.u32 s28, $0x7;
	v62 =	vmul.f32 v4, v4;
	v13 =	vadd.f32 v41, v13;
	v1 =	vadd.f32 v55, v1;
	v22 =	vld.idx.msk [tilespmem:v59+s2+$0x0], $0xffff  }
0x278: {  	v20 =	vadd.f32 v63, v20;
	v63 =	vadd.f32 v61, v14;
	v14 =	vld.idx.msk [tilespmem:v42+s2+$0x0], $0xffff;
	[tilespmem:s0+$0x17800] =	vst v15  }
0x279: {  	v52 =	vmul.f32 v49, v49;
	v21 =	vadd.f32 v60, v21;
	v2 =	vadd.f32 v4, v2;
	[tilespmem:s0+$0x17810] =	vst v12  }
0x27a: {  	v60 =	vmul.f32 v37, v37;
	v59 =	vmul.f32 v45, v45;
	v3 =	vadd.f32 v37, v3;
	[tilespmem:s0+$0x17820] =	vst v13  }
0x27b: {  	v61 =	vmul.f32 v41, v41;
	v37 =	vmul.f32 v43, v43;
	v41 =	vadd.f32 v43, v51;
	[tilespmem:s0+$0x17870] =	vst v1  }
0x27c: {  	v42 =	vadd.f32 v40, v17;
	v43 =	vmul.f32 v48, v48;
	v51 =	vadd.f32 v48, v56;
	[tilespmem:s0+$0x19800] =	vst v63  }
0x27d: {  	v45 =	vmul.f32 v46, v46;
	v21 =	vadd.f32 v62, v21;
	v10 =	vadd.f32 v59, v10;
	[tilespmem:s0+$0x17830] =	vst v41  }
0x27e: {  	v56 =	vmul.f32 v47, v47;
	v15 =	vadd.f32 v60, v20;
	v4 =	vadd.f32 v61, v11;
	[tilespmem:s0+$0x17840] =	vst v51  }
0x27f: {  	v62 =	vmul.f32 v39, v39;
	v63 =	vadd.f32 v39, v19;
	v11 =	vadd.f32 v37, v38;
	[tilespmem:s0+$0x19810] =	vst v10  }
0x280: {  	v39 =	vmul.f32 v40, v40;
	v17 =	vadd.f32 v43, v30;
	v59 =	vadd.f32 v49, v28;
	[tilespmem:s0+$0x19820] =	vst v4  }
0x281: {  	v13 =	vadd.f32 v47, v42;
	v60 =	vadd.f32 v52, v29;
	v28 =	vmul.f32 v35, v35;
	[tilespmem:s0+$0x19830] =	vst v11  }
0x282: {  	v35 =	vmul.f32 v36, v36;
	v36 =	vadd.f32 v36, v8;
	v3 =	vadd.f32 v57, v3;
	[tilespmem:s0+$0x19840] =	vst v17  }
0x283: {  	v61 =	vmul.f32 v50, v50;
	v40 =	vadd.f32 v33, v6;
	v18 =	vadd.f32 v62, v18;
	[tilespmem:s0+$0x17850] =	vst v59  }
0x284: {  	v38 =	vmul.f32 v57, v57;
	v2 =	vadd.f32 v58, v2;
	v10 =	vadd.f32 v39, v16;
	[tilespmem:s0+$0x19850] =	vst v60  }
0x285: {  	v48 =	vld [tilespmem:$0x1FE80];
	v43 =	vmul.f32 v34, v34;
	v12 =	vadd.f32 v46, v63;
	v63 =	vadd.f32 v50, v26;
	[tilespmem:s0+$0x17C10] =	vst v3  }
0x286: {  	v62 =	vmul.f32 v44, v44;
	v26 =	vadd.f32 v61, v27;
	v5 =	vadd.f32 v28, v5;
	[tilespmem:s0+$0x17C00] =	vst v2  }
0x287: {  	v30 =	vmul.f32 v58, v58;
	v41 =	vadd.f32 v38, v15;
	v49 =	vadd.f32 v53, v13;
	[tilespmem:s0+$0x17860] =	vst v63  }
0x288: {  	v52 =	vmul.f32 v32, v32;
	v44 =	vld [tilespmem:$0x1FE70];
	v1 =	vadd.f32 v24, v36;
	v4 =	vadd.f32 v45, v18;
	[tilespmem:s0+$0x19860] =	vst v26  }
0x289: {  	v27 =	vmul.f32 v55, v55;
	v46 =	vld [tilespmem:$0x1FE40];
	v7 =	vadd.f32 v62, v7;
	v37 =	vadd.f32 v30, v21;
	[tilespmem:s0+$0x19C10] =	vst v41  }
0x28a: {  	v39 =	vmul.f32 v33, v33;
	v50 =	vld [tilespmem:$0x1FE90];
	v8 =	vadd.f32 v43, v48;
	v2 =	vadd.f32 v23, v40;
	[tilespmem:s0+$0x17C30] =	vst v49  }
0x28b: {  	v42 =	vmul.f32 v0, v0;
	v10 =	vadd.f32 v56, v10;
	v29 =	vadd.f32 v27, v25;
	[tilespmem:s0+$0x17C40] =	vst v1  }
0x28c: {  	v45 =	vmul.f32 v53, v53;
	v53 =	vld [tilespmem:$0x1FEA0];
	v5 =	vadd.f32 v39, v5;
	v0 =	vadd.f32 v0, v12;
	[tilespmem:s0+$0x19C00] =	vst v37  }
0x28d: {  	v55 =	vmul.f32 v23, v23;
	v7 =	vadd.f32 v35, v7;
	v4 =	vadd.f32 v42, v4;
	[tilespmem:s0+$0x17C50] =	vst v2  }
0x28e: {  	v51 =	vmul.f32 v24, v24;
	[tilespmem:s0+$0x19870] =	vst v29;
	v3 =	vadd.f32 v34, v44;
	v10 =	vadd.f32 v45, v10  }
0x28f: {  	[tilespmem:s0+$0x17C20] =	vst v0;
	v57 =	vadd.f32 v55, v5;
	v47 =	vmul.f32 v46, v46;
	v0 =	vadd.f32 v46, v50  }
0x290: {  	v58 =	vmul.f32 v22, v22;
	[tilespmem:s0+$0x19C20] =	vst v4;
	v7 =	vadd.f32 v51, v7;
	v4 =	vadd.f32 v52, v8  }
0x291: {  	v56 =	vmul.f32 v31, v31;
	v63 =	vld [tilespmem:$0x1FE60];
	v3 =	vadd.f32 v32, v3;
	[tilespmem:s0+$0x19C30] =	vst v10;
	v6 =	vadd.f32 v47, v53  }
0x292: {  	s28 =	sadd.s32 $0x1, s28;
	v59 =	vsel vm0, $0x0, v54;
	[tilespmem:s0+$0x19C50] =	vst v57;
	v0 =	vadd.f32 v31, v0;
	v4 =	vadd.f32 v58, v4  }
0x293: {  	p0 =	sne.s32 s28, $0x8;
	v60 =	vmul.f32 v14, v14;
	[tilespmem:s0+$0x19C40] =	vst v7;
	v3 =	vadd.f32 v22, v3;
	v6 =	vadd.f32 v56, v6  }
.Ltmp7:
0x294: {  	v61 =	vmul.f32 v59, v9;
	v0 =	vadd.f32 v14, v0;
	[tilespmem:s0+$0x19C60] =	vst v4;
	(pc) =	sbr.rel @p0 .LBB2_14-.Ltmp7, $4  }
0x295: {  	[tilespmem:s0+$0x17C60] =	vst v3;
	v62 =	vadd.f32 v60, v6  }
0x296: {  	v1 =	vadd.f32 v61, v63;
	[tilespmem:s0+$0x17C70] =	vst v0  }
0x297: {  	[tilespmem:s0+$0x19C70] =	vst v62  }
0x298: {  	[tilespmem:s29+$0x1AC00] =	vst v1  }
0x299: {  	s0 =	simm.s32 $0x16000  }
0x29a: {  	[hbm4b:s10+s2] =	stream.linear.scatter [tilespmem:s0], [sflag:$0x4], $0x2000, $0x38;
	[tilespmem:$0x1B000] =	vst v63  }
0x29b: {  	_ =	swait.ge [sflag:s22], $0x2000  }
0x29c: {  	[sflag:s22] =	ssyncset.done $0x0  }
0x29d: {  	[sflag:s22] =	ssyncadd.s32 $0xFFFFE000  }
0x29e: {  	[hbm4b:s11+s2] =	stream.linear.scatter [tilespmem:s23], [sflag:$0x4], $0x2000, $0x38;
	[tilespmem:$0x1B000] =	vst v63  }
0x29f: {  	s25 =	sadd.s32 $0x1, s25;
	_ =	swait.ge [sflag:s22], $0x2000  }
0x2a0: {  	p0 =	sne.s32 s25, s13;
	[sflag:s22] =	ssyncset.done $0x0  }
.Ltmp8:
0x2a1: {  	[sflag:s22] =	ssyncadd.s32 $0xFFFFE000;
	(pc) =	sbr.rel @p0 .LBB2_1-.Ltmp8, $4  }
0x2a2: {  	[hbm4b:s12+s2] =	stream.linear.scatter [tilespmem:s24], [sflag:$0x4], $0x1000, $0x38;
	[tilespmem:$0x1B000] =	vst v63  }
0x2a3: {  	_ =	swait.ge [sflag:s22], $0x1000  }
0x2a4: {  	[sflag:s22] =	ssyncset.done $0x0  }
0x2a5: {  	[sflag:s22] =	ssyncadd.s32 $0xFFFFF000  }
0x2a6: {  	_ =	sfence.sel $0x180000  }
0x2a7: {  	[bflag:$0x0] =	sbarrier.arrive $0xFFFF  }
0x2a8: {  	_ =	strace $0x90000047  }
0x2a9: {  	s0 =	stileid.u32;
	[bflag:$0x2] =	sbarrier.arrive $0xFFFF  }
0x2aa: {  	p0 =	sne.s32 s0, $0x0;
	s0 =	rddreg [dreg:$0x1]  }
0x2ab: {  	s0 =	sadd.s32 @!p0 $0x100000, s0  }
0x2ac: {  	[sflag:s0] =	ssyncadd.tile.s32 @!p0 $0x1;
	_ =	shalt  }
.Lfunc_end2:
_tile_overlayer_lowered:
.L_overlay_start_2:
0x2ad: {  	(tag) =	ssettag $0x2  }
0x2ae: {  	s0 =	rddreg [dreg:$0x0];
	s2 =	stileid.u32  }
0x2af: {  	s1 =	rddreg [dreg:$0x1];
	p0 =	sne.s32 s2, $0x0  }
0x2b0: {  	s3 =	rddreg [dreg:$0x2];
	[bflag:$0x3] =	sbarrier.arrive $0xFFFF;
	s2 =	simm.s32 @!p0 $0x1C04  }
0x2b1: {  	[timem:s3], [sflag:s2] =	dma.local @!p0 [hbm:s0], s1  }
0x2b2: {  	s0 =	simm.s32 @!p0 $0x4  }
0x2b3: {  	_ =	swait.ge @!p0 [sflag:s0], s1  }
0x2b4: {  	s1 =	ssub.s32 @!p0 $0x0, s1;
	[sflag:s0] =	ssyncset.done @!p0 $0x0  }
0x2b5: {  	[sflag:s0] =	ssyncadd.s32 @!p0 s1  }
0x2b6: {  	[bflag:$0x3] =	sbarrier.arrive $0xFFFF  }
0x2b7: {  	_ =	shalt  }

</sc_bundles>
